<compile_context>
chip_gen: v7x
topology: tpu7x:2x2x1
jax: 0.10.2.dev20260603
libtpu: 0.0.44.dev20260713+nightly
codegen_flags: <defaults>
</compile_context>

<pallas_src>
import functools

import jax
import jax.numpy as jnp
from jax import lax
from jax.experimental import pallas as pl
from jax.experimental.pallas import tpu as pltpu
from jax.experimental.pallas import tpu_sc as plsc

_N_OSC = 32768
_N_ROWS = 128
_K = max(1, int(0.1 * _N_OSC))
_ROWS_PER_BLOCK = 32

_NC = 2
_NS = 16
_NW = _NC * _NS
_ROWS_PER_W = _N_ROWS // _NW
_NVEC = _N_OSC // 16


_COS_COEF = (
    1.0,
    -0.5,
    0.0416666641831398,
    -0.0013888885732740164,
    2.4801542167551816e-05,
    -2.7556615123103256e-07,
    2.0866106620331948e-09,
    -1.1360329343901299e-11,
    4.1522341120980855e-14,
)


def _act_body(phase_ref, amp_ref, act_ref):
    phase = phase_ref[...]
    amp = amp_ref[...]
    x = phase - jnp.float32(3.14159265358979)
    u = x * x
    c = jnp.float32(_COS_COEF[-1])
    for coef in _COS_COEF[-2::-1]:
        c = c * u + jnp.float32(coef)
    act_ref[...] = amp * (0.5 * (1.0 - c))


def _act_tc(phase, amplitude):
    grid = (_N_ROWS // _ROWS_PER_BLOCK,)
    spec = pl.BlockSpec((_ROWS_PER_BLOCK, _N_OSC), lambda i: (i, 0))
    return pl.pallas_call(
        _act_body,
        grid=grid,
        in_specs=[spec, spec],
        out_specs=spec,
        out_shape=jax.ShapeDtypeStruct((_N_ROWS, _N_OSC), jnp.float32),
    )(phase, amplitude)


def _scan_hist(hist_v, k_rem):

    def chunk_total(c):
        return jnp.sum(hist_v[pl.ds(c * 16, 16)])

    def cond(st):
        _, acc, t = st
        return acc + t < k_rem

    def body(st):
        c, acc, t = st
        return c - 1, acc + t, chunk_total(c - 1)

    c, acc, _ = lax.while_loop(
        cond, body, (jnp.int32(63), jnp.int32(0), chunk_total(63))
    )
    h = hist_v[pl.ds(c * 16, 16)]
    s = lax.rev(plsc.cumsum(lax.rev(h, (0,))), (0,))
    need = k_rem - acc
    m = s >= need
    cnt = plsc.all_reduce_population_count(m)
    j = cnt[0] - 1
    onehot = lax.iota(jnp.int32, 16) == j
    s_j = jnp.sum(jnp.where(onehot, s, 0))
    h_j = jnp.sum(jnp.where(onehot, h, 0))
    return c * 16 + j, need - (s_j - h_j), h_j


def _sc_body(
    act_hbm, out_hbm, buf_a, buf_b, hist_v, cbuf_v, sin_a, sin_b, sout_a, sout_b
):
    wid = lax.axis_index("s") * _NC + lax.axis_index("c")
    zeros16 = jnp.zeros((16,), jnp.int32)
    ones16 = jnp.ones((16,), jnp.int32)
    iota16 = lax.iota(jnp.int32, 16)
    bufs = (buf_a, buf_b)
    sins = (sin_a, sin_b)
    souts = (sout_a, sout_b)
    rows = [wid * _ROWS_PER_W + rl for rl in range(_ROWS_PER_W)]

    def zero_hist():
        @plsc.parallel_loop(0, 64, unroll=4)
        def _(i):
            hist_v[pl.ds(i * 16, 16)] = zeros16

    def hist_pass(act_v, shift):

        @plsc.parallel_loop(0, _NVEC, unroll=16)
        def _(i):
            v = act_v[pl.ds(i * 16, 16)]
            bits = plsc.bitcast(v, jnp.int32)
            b = (bits >> shift) & 1023
            plsc.addupdate_scatter(hist_v, [b], ones16)

    pltpu.async_copy(act_hbm.at[rows[0]], bufs[0], sins[0])

    for rl in range(_ROWS_PER_W):
        act_v = bufs[rl % 2]
        sem_in = sins[rl % 2]
        sem_out = souts[rl % 2]

        pltpu.make_async_copy(act_hbm.at[rows[rl]], act_v, sem_in).wait()

        if rl + 1 < _ROWS_PER_W:
            nxt = bufs[(rl + 1) % 2]
            if rl >= 1:
                pltpu.make_async_copy(
                    bufs[(rl + 1) % 2], out_hbm.at[rows[rl - 1]], souts[(rl + 1) % 2]
                ).wait()
            pltpu.async_copy(act_hbm.at[rows[rl + 1]], nxt, sins[(rl + 1) % 2])

        zero_hist()
        hist_pass(act_v, 20)
        b1, k2, c1 = _scan_hist(hist_v, jnp.int32(_K))

        @plsc.parallel_loop(0, _NVEC, unroll=16, carry=jnp.int32(0))
        def compact1(i, o):
            v = act_v[pl.ds(i * 16, 16)]
            bits = plsc.bitcast(v, jnp.int32)
            m = (bits >> 20) == b1
            plsc.store_compressed(cbuf_v.at[pl.ds(o, 16)], bits, mask=m)
            return o + plsc.all_reduce_population_count(m)[0]

        n1 = (c1 + 15) >> 4

        zero_hist()

        @plsc.parallel_loop(0, n1, unroll=1)
        def _(i):
            bits = cbuf_v[pl.ds(i * 16, 16)]
            lanemask = (i * 16 + iota16) < c1
            b = (bits >> 10) & 1023
            plsc.addupdate_scatter(hist_v, [b], ones16, mask=lanemask)

        b2, k3, c2 = _scan_hist(hist_v, k2)

        def compact2(i, o):
            bits = cbuf_v[pl.ds(i * 16, 16)]
            lanemask = (i * 16 + iota16) < c1
            m = (((bits >> 10) & 1023) == b2) & lanemask
            plsc.store_compressed(cbuf_v.at[pl.ds(o, 16)], bits, mask=m)
            return o + plsc.all_reduce_population_count(m)[0]

        lax.fori_loop(0, n1, compact2, jnp.int32(0))
        n2 = (c2 + 15) >> 4

        zero_hist()

        @plsc.parallel_loop(0, n2, unroll=1)
        def _(i):
            bits = cbuf_v[pl.ds(i * 16, 16)]
            lanemask = (i * 16 + iota16) < c2
            plsc.addupdate_scatter(hist_v, [bits & 1023], ones16, mask=lanemask)

        b3, _, _ = _scan_hist(hist_v, k3)

        tbits = (b1 << 20) | (b2 << 10) | b3
        thresh = plsc.bitcast(jnp.full((16,), tbits, jnp.int32), jnp.float32)
        zf = jnp.zeros((16,), jnp.float32)

        @plsc.parallel_loop(0, _NVEC, unroll=16)
        def _(i):
            sl = pl.ds(i * 16, 16)
            v = act_v[sl]
            act_v[sl] = jnp.where(v >= thresh, v, zf)

        pltpu.async_copy(act_v, out_hbm.at[rows[rl]], sem_out)

    pltpu.make_async_copy(bufs[0], out_hbm.at[rows[2]], souts[0]).wait()
    pltpu.make_async_copy(bufs[1], out_hbm.at[rows[3]], souts[1]).wait()


def _sc_select_mask(act):
    mesh = plsc.VectorSubcoreMesh(core_axis_name="c", subcore_axis_name="s")
    f = functools.partial(
        pl.kernel,
        out_type=jax.ShapeDtypeStruct((_N_ROWS, _N_OSC), jnp.float32),
        mesh=mesh,
        scratch_types=[
            pltpu.VMEM((_N_OSC,), jnp.float32),
            pltpu.VMEM((_N_OSC,), jnp.float32),
            pltpu.VMEM((1024,), jnp.int32),
            pltpu.VMEM((_N_OSC + 16,), jnp.int32),
            pltpu.SemaphoreType.DMA,
            pltpu.SemaphoreType.DMA,
            pltpu.SemaphoreType.DMA,
            pltpu.SemaphoreType.DMA,
        ],
        compiler_params=pltpu.CompilerParams(needs_layout_passes=False),
    )(_sc_body)
    return f(act)


def kernel(phase, amplitude, temperature):
    del temperature
    act = _act_tc(phase, amplitude)
    return _sc_select_mask(act)

# --- scband reference (transcript-rebuilt; emitter-appended) ---
"""Pipeline reference for scband-phase-to-rate-converter-16286515986759 (READ-ONLY COPY).

The authoritative reference and input builder live on the scoring server;
editing this copy changes nothing except your own understanding.
"""

import jax, jax.numpy as jnp
import numpy as np
import math

N_OSC = 32768
SPARSITY = 0.1


def setup_inputs(seed: int = 0) -> dict:
    key = jax.random.key(seed)
    k1, k2 = jax.random.split(key)
    phase = jax.random.uniform(k1, (128, N_OSC), dtype=jnp.float32) * (2.0 * math.pi)
    amplitude = jax.random.uniform(k2, (128, N_OSC), dtype=jnp.float32)
    temperature = jnp.asarray(1.0, dtype=jnp.float32)
    return {"phase": phase, "amplitude": amplitude, "temperature": temperature}


def reference(phase, amplitude, temperature):
    # phase_to_rate, mode='hard' (top-k winner-take-all):
    # 1) non-negative rate from phase-amplitude code
    # 2) keep top-k (k = sparsity * N) activations per row, zero the rest
    temp = jnp.maximum(temperature, 1e-6)  # clamped as in module; unused in hard mode
    activation = amplitude * 0.5 * (1.0 + jnp.cos(phase))
    n = activation.shape[-1]
    k = max(1, int(SPARSITY * n))
    topk_vals, _ = jax.lax.top_k(activation, k)
    thresh = topk_vals[..., -1:]
    mask = (activation >= thresh).astype(activation.dtype)
    rates = activation * mask
    return rates

if __name__ == "__main__":
    import jax
    _d = setup_inputs()
    print(jax.jit(kernel)(*tuple(_d.values())))

</pallas_src>

<mosaic_0001>
#map = affine_map<(d0, d1) -> (0, 0)>
module attributes {stable_mosaic.version = 14 : i64} {
  func.func @_sc_body(%arg0: i32, %arg1: i32, %arg2: memref<128x32768xf32, #tpu.memory_space<hbm>>, %arg3: memref<128x32768xf32, #tpu.memory_space<hbm>>, %arg4: memref<32768xf32, #tpu.memory_space<vmem>>, %arg5: memref<32768xf32, #tpu.memory_space<vmem>>, %arg6: memref<1024xi32, #tpu.memory_space<vmem>>, %arg7: memref<32784xi32, #tpu.memory_space<vmem>>, %arg8: memref<!tpu.dma_semaphore, #tpu.memory_space<semaphore_mem>>, %arg9: memref<!tpu.dma_semaphore, #tpu.memory_space<semaphore_mem>>, %arg10: memref<!tpu.dma_semaphore, #tpu.memory_space<semaphore_mem>>, %arg11: memref<!tpu.dma_semaphore, #tpu.memory_space<semaphore_mem>>) attributes {dimension_semantics = [#tpu.dimension_semantics<core_parallel>, #tpu.dimension_semantics<subcore_parallel>], iteration_bounds = array<i64: 2, 16>, scalar_prefetch = 0 : i64, scratch_operands = 8 : i64, tpu.core_type = #tpu.core_type<sc_vector_subcore>, window_params = [{transform_indices = #map}, {transform_indices = #map}]} {
    %mul3A = arith.constant 2 : i32
    %mul3A_0 = arith.muli %arg1, %mul3A : i32
    %add3A = arith.addi %mul3A_0, %arg0 : i32
    %broadcast_in_dim3A = arith.constant 0 : i32
    %broadcast_in_dim3A_1 = vector.broadcast %broadcast_in_dim3A : i32 to vector<16xi32>
    %broadcast_in_dim3A_2 = arith.constant 1 : i32
    %broadcast_in_dim3A_3 = vector.broadcast %broadcast_in_dim3A_2 : i32 to vector<16xi32>
    %iota3A = tpu.iota {dimensions = array<i32: 0>} : vector<16xi32>
    %mul3A_4 = arith.constant 4 : i32
    %mul3A_5 = arith.muli %add3A, %mul3A_4 : i32
    %add3A_6 = arith.constant 0 : i32
    %add3A_7 = arith.addi %mul3A_5, %add3A_6 : i32
    %mul3A_8 = arith.constant 4 : i32
    %mul3A_9 = arith.muli %add3A, %mul3A_8 : i32
    %add3A_10 = arith.constant 1 : i32
    %add3A_11 = arith.addi %mul3A_9, %add3A_10 : i32
    %mul3A_12 = arith.constant 4 : i32
    %mul3A_13 = arith.muli %add3A, %mul3A_12 : i32
    %add3A_14 = arith.constant 2 : i32
    %add3A_15 = arith.addi %mul3A_13, %add3A_14 : i32
    %mul3A_16 = arith.constant 4 : i32
    %mul3A_17 = arith.muli %add3A, %mul3A_16 : i32
    %add3A_18 = arith.constant 3 : i32
    %add3A_19 = arith.addi %mul3A_17, %add3A_18 : i32
    %dma_start3A = arith.constant 0 : i32
    %dma_start3A_20 = tpu.memref_slice %arg2[%add3A_7, %dma_start3A] : memref<128x32768xf32, #tpu.memory_space<hbm>> -> memref<1x32768xf32, #tpu.memory_space<hbm>>
    %dma_start3A_21 = tpu.memref_squeeze %dma_start3A_20 : memref<1x32768xf32, #tpu.memory_space<hbm>> -> memref<32768xf32, #tpu.memory_space<hbm>>
    %dma_start3A_22 = arith.constant 0 : i32
    %dma_start3A_23 = tpu.memref_slice %arg2[%add3A_7, %dma_start3A_22] : memref<128x32768xf32, #tpu.memory_space<hbm>> -> memref<1x32768xf32, #tpu.memory_space<hbm>>
    %dma_start3A_24 = tpu.memref_squeeze %dma_start3A_23 : memref<1x32768xf32, #tpu.memory_space<hbm>> -> memref<32768xf32, #tpu.memory_space<hbm>>
    tpu.enqueue_dma source(%dma_start3A_24 : memref<32768xf32, #tpu.memory_space<hbm>>) target(%arg4 : memref<32768xf32, #tpu.memory_space<vmem>>) target_semaphore(%arg8 : memref<!tpu.dma_semaphore, #tpu.memory_space<semaphore_mem>>)
    %dma_wait3A = arith.constant 0 : i32
    %dma_wait3A_25 = tpu.memref_slice %arg2[%add3A_7, %dma_wait3A] : memref<128x32768xf32, #tpu.memory_space<hbm>> -> memref<1x32768xf32, #tpu.memory_space<hbm>>
    %dma_wait3A_26 = tpu.memref_squeeze %dma_wait3A_25 : memref<1x32768xf32, #tpu.memory_space<hbm>> -> memref<32768xf32, #tpu.memory_space<hbm>>
    %dma_wait3A_27 = arith.constant 0 : i32
    %dma_wait3A_28 = tpu.memref_slice %arg2[%add3A_7, %dma_wait3A_27] : memref<128x32768xf32, #tpu.memory_space<hbm>> -> memref<1x32768xf32, #tpu.memory_space<hbm>>
    %dma_wait3A_29 = tpu.memref_squeeze %dma_wait3A_28 : memref<1x32768xf32, #tpu.memory_space<hbm>> -> memref<32768xf32, #tpu.memory_space<hbm>>
    tpu.wait_dma2 semaphore(%arg8 : memref<!tpu.dma_semaphore, #tpu.memory_space<semaphore_mem>>) src(%dma_wait3A_29 : memref<32768xf32, #tpu.memory_space<hbm>>) dst(%arg4 : memref<32768xf32, #tpu.memory_space<vmem>>)
    %dma_start3A_30 = arith.constant 0 : i32
    %dma_start3A_31 = tpu.memref_slice %arg2[%add3A_11, %dma_start3A_30] : memref<128x32768xf32, #tpu.memory_space<hbm>> -> memref<1x32768xf32, #tpu.memory_space<hbm>>
    %dma_start3A_32 = tpu.memref_squeeze %dma_start3A_31 : memref<1x32768xf32, #tpu.memory_space<hbm>> -> memref<32768xf32, #tpu.memory_space<hbm>>
    %dma_start3A_33 = arith.constant 0 : i32
    %dma_start3A_34 = tpu.memref_slice %arg2[%add3A_11, %dma_start3A_33] : memref<128x32768xf32, #tpu.memory_space<hbm>> -> memref<1x32768xf32, #tpu.memory_space<hbm>>
    %dma_start3A_35 = tpu.memref_squeeze %dma_start3A_34 : memref<1x32768xf32, #tpu.memory_space<hbm>> -> memref<32768xf32, #tpu.memory_space<hbm>>
    tpu.enqueue_dma source(%dma_start3A_35 : memref<32768xf32, #tpu.memory_space<hbm>>) target(%arg5 : memref<32768xf32, #tpu.memory_space<vmem>>) target_semaphore(%arg9 : memref<!tpu.dma_semaphore, #tpu.memory_space<semaphore_mem>>)
    %parallel_loop3A = arith.constant 0 : i32
    %parallel_loop3A_36 = arith.constant 64 : i32
    %parallel_loop3A_37 = arith.constant 1 : i32
    scf.for %parallel_loop3A_992 = %parallel_loop3A to %parallel_loop3A_36 step %parallel_loop3A_37  : i32 {
      %parallel_loop3A_993 = arith.constant 16 : i32
      %parallel_loop3A_994 = arith.muli %parallel_loop3A_992, %parallel_loop3A_993 : i32
      %parallel_loop3A_995 = arith.index_cast %parallel_loop3A_994 : i32 to index
      %parallel_loop3A_996 = tpu.vector_load %arg6[%parallel_loop3A_995] {strides = array<i32>} : memref<1024xi32, #tpu.memory_space<vmem>>, vector<16xi32>,
      tpu.vector_store %arg6[%parallel_loop3A_995], %broadcast_in_dim3A_1 {strides = array<i32>} : memref<1024xi32, #tpu.memory_space<vmem>>, vector<16xi32>,
    } {sc.loop_unroll_factor = 4 : i64, sc.parallel_access}
    %parallel_loop3A_38 = arith.constant 0 : i32
    %parallel_loop3A_39 = arith.constant 2048 : i32
    %parallel_loop3A_40 = arith.constant 1 : i32
    scf.for %parallel_loop3A_992 = %parallel_loop3A_38 to %parallel_loop3A_39 step %parallel_loop3A_40  : i32 {
      %parallel_loop3A_993 = arith.constant 16 : i32
      %parallel_loop3A_994 = arith.muli %parallel_loop3A_992, %parallel_loop3A_993 : i32
      %parallel_loop3A_995 = arith.index_cast %parallel_loop3A_994 : i32 to index
      %parallel_loop3A_996 = tpu.vector_load %arg4[%parallel_loop3A_995] {strides = array<i32>} : memref<32768xf32, #tpu.memory_space<vmem>>, vector<16xf32>,
      %parallel_loop3A_997 = vector.bitcast %parallel_loop3A_996 : vector<16xf32> to vector<16xi32>
      %parallel_loop3A_998 = arith.constant 20 : i32
      %parallel_loop3A_999 = vector.broadcast %parallel_loop3A_998 : i32 to vector<16xi32>
      %parallel_loop3A_1000 = arith.shrsi %parallel_loop3A_997, %parallel_loop3A_999 : vector<16xi32>
      %parallel_loop3A_1001 = arith.constant 1023 : i32
      %parallel_loop3A_1002 = vector.broadcast %parallel_loop3A_1001 : i32 to vector<16xi32>
      %parallel_loop3A_1003 = arith.andi %parallel_loop3A_1000, %parallel_loop3A_1002 : vector<16xi32>
      tpu.vector_store_idx %arg6[%parallel_loop3A_1003], %broadcast_in_dim3A_3 {add = true} : memref<1024xi32, #tpu.memory_space<vmem>>[vector<16xi32>], vector<16xi32>,
    } {sc.loop_unroll_factor = 16 : i64, sc.parallel_access}
    %get3A = arith.constant 1008 : index
    %get3A_41 = tpu.vector_load %arg6[%get3A] {strides = array<i32>} : memref<1024xi32, #tpu.memory_space<vmem>>, vector<16xi32>,
    %reduce_sum3A = arith.constant true
    %reduce_sum3A_42 = vector.broadcast %reduce_sum3A : i1 to vector<16xi1>
    %reduce_sum3A_43 = tpu.scan <sum>, %get3A_41 masked %reduce_sum3A_42 : vector<16xi32>, vector<16xi1> -> vector<16xi32>
    %reduce_sum3A_44 = vector.extract %reduce_sum3A_43[15] : i32 from vector<16xi32>
    %while3A = arith.constant 3276 : i32
    %while3A_45 = arith.constant 63 : i32
    %while3A_46 = arith.constant 0 : i32
    %while3A_47:3 = scf.while (%while3A_992 = %while3A_45, %while3A_993 = %while3A_46, %while3A_994 = %reduce_sum3A_44) : (i32, i32, i32) -> (i32, i32, i32) {
      %add3A_995 = arith.addi %while3A_993, %while3A_994 : i32
      %lt3A = arith.cmpi slt, %add3A_995, %while3A : i32
      scf.condition(%lt3A) %while3A_992, %while3A_993, %while3A_994 : i32, i32, i32
    } do {
    ^bb0(%while3A_992: i32, %while3A_993: i32, %while3A_994: i32):
      %sub3A_995 = arith.constant 1 : i32
      %sub3A_996 = arith.subi %while3A_992, %sub3A_995 : i32
      %add3A_997 = arith.addi %while3A_993, %while3A_994 : i32
      %sub3A_998 = arith.constant 1 : i32
      %sub3A_999 = arith.subi %while3A_992, %sub3A_998 : i32
      %mul3A_1000 = arith.constant 16 : i32
      %mul3A_1001 = arith.muli %sub3A_999, %mul3A_1000 : i32
      %get3A_1002 = arith.index_cast %mul3A_1001 : i32 to index
      %get3A_1003 = tpu.vector_load %arg6[%get3A_1002] {strides = array<i32>} : memref<1024xi32, #tpu.memory_space<vmem>>, vector<16xi32>,
      %reduce_sum3A_1004 = arith.constant true
      %reduce_sum3A_1005 = vector.broadcast %reduce_sum3A_1004 : i1 to vector<16xi1>
      %reduce_sum3A_1006 = tpu.scan <sum>, %get3A_1003 masked %reduce_sum3A_1005 : vector<16xi32>, vector<16xi1> -> vector<16xi32>
      %reduce_sum3A_1007 = vector.extract %reduce_sum3A_1006[15] : i32 from vector<16xi32>
      scf.yield %sub3A_996, %add3A_997, %reduce_sum3A_1007 : i32, i32, i32
    }
    %mul3A_48 = arith.constant 16 : i32
    %mul3A_49 = arith.muli %while3A_47#0, %mul3A_48 : i32
    %get3A_50 = arith.index_cast %mul3A_49 : i32 to index
    %get3A_51 = tpu.vector_load %arg6[%get3A_50] {strides = array<i32>} : memref<1024xi32, #tpu.memory_space<vmem>>, vector<16xi32>,
    %rev3A = arith.constant 15 : i32
    %rev3A_52 = vector.broadcast %rev3A : i32 to vector<16xi32>
    %rev3A_53 = tpu.iota {dimensions = array<i32: 0>} : vector<16xi32>
    %rev3A_54 = arith.subi %rev3A_52, %rev3A_53 : vector<16xi32>
    %rev3A_55 = tpu.dynamic_gather %get3A_51[%rev3A_54] in [0] : vector<16xi32>, vector<16xi32> -> vector<16xi32>
    %broadcast_in_dim3A_56 = arith.constant true
    %broadcast_in_dim3A_57 = vector.broadcast %broadcast_in_dim3A_56 : i1 to vector<16xi1>
    %masked_cumsum3A = tpu.scan <sum>, %rev3A_55 masked %broadcast_in_dim3A_57 : vector<16xi32>, vector<16xi1> -> vector<16xi32>
    %rev3A_58 = arith.constant 15 : i32
    %rev3A_59 = vector.broadcast %rev3A_58 : i32 to vector<16xi32>
    %rev3A_60 = tpu.iota {dimensions = array<i32: 0>} : vector<16xi32>
    %rev3A_61 = arith.subi %rev3A_59, %rev3A_60 : vector<16xi32>
    %rev3A_62 = tpu.dynamic_gather %masked_cumsum3A[%rev3A_61] in [0] : vector<16xi32>, vector<16xi32> -> vector<16xi32>
    %sub3A = arith.constant 3276 : i32
    %sub3A_63 = arith.subi %sub3A, %while3A_47#1 : i32
    %ge3A = vector.broadcast %sub3A_63 : i32 to vector<16xi32>
    %ge3A_64 = arith.cmpi sge, %rev3A_62, %ge3A : vector<16xi32>
    %all_reduce_population_count3A = tpu.all_reduce %ge3A_64 {dim = 0 : i64, kind = #tpu.reduction_kind<sum>} : vector<16xi1> -> vector<16xi32>
    %slice3A = vector.extract_strided_slice %all_reduce_population_count3A {offsets = [0], sizes = [1], strides = [1]} : vector<16xi32> to vector<1xi32>
    %squeeze3A = vector.extract %slice3A[0] : i32 from vector<1xi32>
    %sub3A_65 = arith.constant 1 : i32
    %sub3A_66 = arith.subi %squeeze3A, %sub3A_65 : i32
    %iota3A_67 = tpu.iota {dimensions = array<i32: 0>} : vector<16xi32>
    %eq3A = vector.broadcast %sub3A_66 : i32 to vector<16xi32>
    %eq3A_68 = arith.cmpi eq, %iota3A_67, %eq3A : vector<16xi32>
    %jit3A = arith.constant 0 : i32
    %broadcast_in_dim3A_69 = vector.broadcast %jit3A : i32 to vector<16xi32>
    %select_n3A = arith.select %eq3A_68, %rev3A_62, %broadcast_in_dim3A_69 : vector<16xi1>, vector<16xi32>
    %reduce_sum3A_70 = arith.constant true
    %reduce_sum3A_71 = vector.broadcast %reduce_sum3A_70 : i1 to vector<16xi1>
    %reduce_sum3A_72 = tpu.scan <sum>, %select_n3A masked %reduce_sum3A_71 : vector<16xi32>, vector<16xi1> -> vector<16xi32>
    %reduce_sum3A_73 = vector.extract %reduce_sum3A_72[15] : i32 from vector<16xi32>
    %jit3A_74 = arith.constant 0 : i32
    %broadcast_in_dim3A_75 = vector.broadcast %jit3A_74 : i32 to vector<16xi32>
    %select_n3A_76 = arith.select %eq3A_68, %get3A_51, %broadcast_in_dim3A_75 : vector<16xi1>, vector<16xi32>
    %reduce_sum3A_77 = arith.constant true
    %reduce_sum3A_78 = vector.broadcast %reduce_sum3A_77 : i1 to vector<16xi1>
    %reduce_sum3A_79 = tpu.scan <sum>, %select_n3A_76 masked %reduce_sum3A_78 : vector<16xi32>, vector<16xi1> -> vector<16xi32>
    %reduce_sum3A_80 = vector.extract %reduce_sum3A_79[15] : i32 from vector<16xi32>
    %mul3A_81 = arith.constant 16 : i32
    %mul3A_82 = arith.muli %while3A_47#0, %mul3A_81 : i32
    %add3A_83 = arith.addi %mul3A_82, %sub3A_66 : i32
    %sub3A_84 = arith.subi %reduce_sum3A_73, %reduce_sum3A_80 : i32
    %sub3A_85 = arith.subi %sub3A_63, %sub3A_84 : i32
    %parallel_loop3A_86 = arith.constant 0 : i32
    %parallel_loop3A_87 = arith.constant 2048 : i32
    %parallel_loop3A_88 = arith.constant 1 : i32
    %parallel_loop3A_89 = arith.constant 0 : i32
    %parallel_loop3A_90 = scf.for %parallel_loop3A_992 = %parallel_loop3A_86 to %parallel_loop3A_87 step %parallel_loop3A_88 iter_args(%parallel_loop3A_993 = %parallel_loop3A_89) -> (i32)  : i32 {
      %parallel_loop3A_994 = arith.constant 16 : i32
      %parallel_loop3A_995 = arith.muli %parallel_loop3A_992, %parallel_loop3A_994 : i32
      %parallel_loop3A_996 = arith.index_cast %parallel_loop3A_995 : i32 to index
      %parallel_loop3A_997 = tpu.vector_load %arg4[%parallel_loop3A_996] {strides = array<i32>} : memref<32768xf32, #tpu.memory_space<vmem>>, vector<16xf32>,
      %parallel_loop3A_998 = vector.bitcast %parallel_loop3A_997 : vector<16xf32> to vector<16xi32>
      %parallel_loop3A_999 = arith.constant 20 : i32
      %parallel_loop3A_1000 = vector.broadcast %parallel_loop3A_999 : i32 to vector<16xi32>
      %parallel_loop3A_1001 = arith.shrsi %parallel_loop3A_998, %parallel_loop3A_1000 : vector<16xi32>
      %parallel_loop3A_1002 = vector.broadcast %add3A_83 : i32 to vector<16xi32>
      %parallel_loop3A_1003 = arith.cmpi eq, %parallel_loop3A_1001, %parallel_loop3A_1002 : vector<16xi32>
      %parallel_loop3A_1004 = arith.index_cast %parallel_loop3A_993 : i32 to index
      %parallel_loop3A_1005 = tpu.vector_load %arg7[%parallel_loop3A_1004] masked %parallel_loop3A_1003 {strides = array<i32>} : memref<32784xi32, #tpu.memory_space<vmem>>, vector<16xi32>, vector<16xi1>
      tpu.vector_store %arg7[%parallel_loop3A_1004], %parallel_loop3A_998 masked %parallel_loop3A_1003 {strides = array<i32>} : memref<32784xi32, #tpu.memory_space<vmem>>, vector<16xi32>, vector<16xi1>
      %parallel_loop3A_1006 = tpu.all_reduce %parallel_loop3A_1003 {dim = 0 : i64, kind = #tpu.reduction_kind<sum>} : vector<16xi1> -> vector<16xi32>
      %parallel_loop3A_1007 = vector.extract_strided_slice %parallel_loop3A_1006 {offsets = [0], sizes = [1], strides = [1]} : vector<16xi32> to vector<1xi32>
      %parallel_loop3A_1008 = vector.extract %parallel_loop3A_1007[0] : i32 from vector<1xi32>
      %parallel_loop3A_1009 = arith.addi %parallel_loop3A_993, %parallel_loop3A_1008 : i32
      scf.yield %parallel_loop3A_1009 : i32
    } {sc.loop_unroll_factor = 16 : i64, sc.parallel_access}
    %add3A_91 = arith.constant 15 : i32
    %add3A_92 = arith.addi %reduce_sum3A_80, %add3A_91 : i32
    %shift_right_arithmetic3A = arith.constant 4 : i32
    %shift_right_arithmetic3A_93 = arith.shrsi %add3A_92, %shift_right_arithmetic3A : i32
    %parallel_loop3A_94 = arith.constant 0 : i32
    %parallel_loop3A_95 = arith.constant 64 : i32
    %parallel_loop3A_96 = arith.constant 1 : i32
    scf.for %parallel_loop3A_992 = %parallel_loop3A_94 to %parallel_loop3A_95 step %parallel_loop3A_96  : i32 {
      %parallel_loop3A_993 = arith.constant 16 : i32
      %parallel_loop3A_994 = arith.muli %parallel_loop3A_992, %parallel_loop3A_993 : i32
      %parallel_loop3A_995 = arith.index_cast %parallel_loop3A_994 : i32 to index
      %parallel_loop3A_996 = tpu.vector_load %arg6[%parallel_loop3A_995] {strides = array<i32>} : memref<1024xi32, #tpu.memory_space<vmem>>, vector<16xi32>,
      tpu.vector_store %arg6[%parallel_loop3A_995], %broadcast_in_dim3A_1 {strides = array<i32>} : memref<1024xi32, #tpu.memory_space<vmem>>, vector<16xi32>,
    } {sc.loop_unroll_factor = 4 : i64, sc.parallel_access}
    %parallel_loop3A_97 = arith.constant 0 : i32
    %parallel_loop3A_98 = arith.constant 1 : i32
    scf.for %parallel_loop3A_992 = %parallel_loop3A_97 to %shift_right_arithmetic3A_93 step %parallel_loop3A_98  : i32 {
      %parallel_loop3A_993 = arith.constant 16 : i32
      %parallel_loop3A_994 = arith.muli %parallel_loop3A_992, %parallel_loop3A_993 : i32
      %parallel_loop3A_995 = arith.index_cast %parallel_loop3A_994 : i32 to index
      %parallel_loop3A_996 = tpu.vector_load %arg7[%parallel_loop3A_995] {strides = array<i32>} : memref<32784xi32, #tpu.memory_space<vmem>>, vector<16xi32>,
      %parallel_loop3A_997 = arith.constant 16 : i32
      %parallel_loop3A_998 = arith.muli %parallel_loop3A_992, %parallel_loop3A_997 : i32
      %parallel_loop3A_999 = vector.broadcast %parallel_loop3A_998 : i32 to vector<16xi32>
      %parallel_loop3A_1000 = arith.addi %parallel_loop3A_999, %iota3A : vector<16xi32>
      %parallel_loop3A_1001 = vector.broadcast %reduce_sum3A_80 : i32 to vector<16xi32>
      %parallel_loop3A_1002 = arith.cmpi slt, %parallel_loop3A_1000, %parallel_loop3A_1001 : vector<16xi32>
      %parallel_loop3A_1003 = arith.constant 10 : i32
      %parallel_loop3A_1004 = vector.broadcast %parallel_loop3A_1003 : i32 to vector<16xi32>
      %parallel_loop3A_1005 = arith.shrsi %parallel_loop3A_996, %parallel_loop3A_1004 : vector<16xi32>
      %parallel_loop3A_1006 = arith.constant 1023 : i32
      %parallel_loop3A_1007 = vector.broadcast %parallel_loop3A_1006 : i32 to vector<16xi32>
      %parallel_loop3A_1008 = arith.andi %parallel_loop3A_1005, %parallel_loop3A_1007 : vector<16xi32>
      tpu.vector_store_idx %arg6[%parallel_loop3A_1008], %broadcast_in_dim3A_3 masked %parallel_loop3A_1002 {add = true} : memref<1024xi32, #tpu.memory_space<vmem>>[vector<16xi32>], vector<16xi32>, vector<16xi1>
    } {sc.loop_unroll_factor = 1 : i64, sc.parallel_access}
    %get3A_99 = arith.constant 1008 : index
    %get3A_100 = tpu.vector_load %arg6[%get3A_99] {strides = array<i32>} : memref<1024xi32, #tpu.memory_space<vmem>>, vector<16xi32>,
    %reduce_sum3A_101 = arith.constant true
    %reduce_sum3A_102 = vector.broadcast %reduce_sum3A_101 : i1 to vector<16xi1>
    %reduce_sum3A_103 = tpu.scan <sum>, %get3A_100 masked %reduce_sum3A_102 : vector<16xi32>, vector<16xi1> -> vector<16xi32>
    %reduce_sum3A_104 = vector.extract %reduce_sum3A_103[15] : i32 from vector<16xi32>
    %while3A_105 = arith.constant 63 : i32
    %while3A_106 = arith.constant 0 : i32
    %while3A_107:3 = scf.while (%while3A_992 = %while3A_105, %while3A_993 = %while3A_106, %while3A_994 = %reduce_sum3A_104) : (i32, i32, i32) -> (i32, i32, i32) {
      %add3A_995 = arith.addi %while3A_993, %while3A_994 : i32
      %lt3A = arith.cmpi slt, %add3A_995, %sub3A_85 : i32
      scf.condition(%lt3A) %while3A_992, %while3A_993, %while3A_994 : i32, i32, i32
    } do {
    ^bb0(%while3A_992: i32, %while3A_993: i32, %while3A_994: i32):
      %sub3A_995 = arith.constant 1 : i32
      %sub3A_996 = arith.subi %while3A_992, %sub3A_995 : i32
      %add3A_997 = arith.addi %while3A_993, %while3A_994 : i32
      %sub3A_998 = arith.constant 1 : i32
      %sub3A_999 = arith.subi %while3A_992, %sub3A_998 : i32
      %mul3A_1000 = arith.constant 16 : i32
      %mul3A_1001 = arith.muli %sub3A_999, %mul3A_1000 : i32
      %get3A_1002 = arith.index_cast %mul3A_1001 : i32 to index
      %get3A_1003 = tpu.vector_load %arg6[%get3A_1002] {strides = array<i32>} : memref<1024xi32, #tpu.memory_space<vmem>>, vector<16xi32>,
      %reduce_sum3A_1004 = arith.constant true
      %reduce_sum3A_1005 = vector.broadcast %reduce_sum3A_1004 : i1 to vector<16xi1>
      %reduce_sum3A_1006 = tpu.scan <sum>, %get3A_1003 masked %reduce_sum3A_1005 : vector<16xi32>, vector<16xi1> -> vector<16xi32>
      %reduce_sum3A_1007 = vector.extract %reduce_sum3A_1006[15] : i32 from vector<16xi32>
      scf.yield %sub3A_996, %add3A_997, %reduce_sum3A_1007 : i32, i32, i32
    }
    %mul3A_108 = arith.constant 16 : i32
    %mul3A_109 = arith.muli %while3A_107#0, %mul3A_108 : i32
    %get3A_110 = arith.index_cast %mul3A_109 : i32 to index
    %get3A_111 = tpu.vector_load %arg6[%get3A_110] {strides = array<i32>} : memref<1024xi32, #tpu.memory_space<vmem>>, vector<16xi32>,
    %rev3A_112 = arith.constant 15 : i32
    %rev3A_113 = vector.broadcast %rev3A_112 : i32 to vector<16xi32>
    %rev3A_114 = tpu.iota {dimensions = array<i32: 0>} : vector<16xi32>
    %rev3A_115 = arith.subi %rev3A_113, %rev3A_114 : vector<16xi32>
    %rev3A_116 = tpu.dynamic_gather %get3A_111[%rev3A_115] in [0] : vector<16xi32>, vector<16xi32> -> vector<16xi32>
    %broadcast_in_dim3A_117 = arith.constant true
    %broadcast_in_dim3A_118 = vector.broadcast %broadcast_in_dim3A_117 : i1 to vector<16xi1>
    %masked_cumsum3A_119 = tpu.scan <sum>, %rev3A_116 masked %broadcast_in_dim3A_118 : vector<16xi32>, vector<16xi1> -> vector<16xi32>
    %rev3A_120 = arith.constant 15 : i32
    %rev3A_121 = vector.broadcast %rev3A_120 : i32 to vector<16xi32>
    %rev3A_122 = tpu.iota {dimensions = array<i32: 0>} : vector<16xi32>
    %rev3A_123 = arith.subi %rev3A_121, %rev3A_122 : vector<16xi32>
    %rev3A_124 = tpu.dynamic_gather %masked_cumsum3A_119[%rev3A_123] in [0] : vector<16xi32>, vector<16xi32> -> vector<16xi32>
    %sub3A_125 = arith.subi %sub3A_85, %while3A_107#1 : i32
    %ge3A_126 = vector.broadcast %sub3A_125 : i32 to vector<16xi32>
    %ge3A_127 = arith.cmpi sge, %rev3A_124, %ge3A_126 : vector<16xi32>
    %all_reduce_population_count3A_128 = tpu.all_reduce %ge3A_127 {dim = 0 : i64, kind = #tpu.reduction_kind<sum>} : vector<16xi1> -> vector<16xi32>
    %slice3A_129 = vector.extract_strided_slice %all_reduce_population_count3A_128 {offsets = [0], sizes = [1], strides = [1]} : vector<16xi32> to vector<1xi32>
    %squeeze3A_130 = vector.extract %slice3A_129[0] : i32 from vector<1xi32>
    %sub3A_131 = arith.constant 1 : i32
    %sub3A_132 = arith.subi %squeeze3A_130, %sub3A_131 : i32
    %iota3A_133 = tpu.iota {dimensions = array<i32: 0>} : vector<16xi32>
    %eq3A_134 = vector.broadcast %sub3A_132 : i32 to vector<16xi32>
    %eq3A_135 = arith.cmpi eq, %iota3A_133, %eq3A_134 : vector<16xi32>
    %jit3A_136 = arith.constant 0 : i32
    %broadcast_in_dim3A_137 = vector.broadcast %jit3A_136 : i32 to vector<16xi32>
    %select_n3A_138 = arith.select %eq3A_135, %rev3A_124, %broadcast_in_dim3A_137 : vector<16xi1>, vector<16xi32>
    %reduce_sum3A_139 = arith.constant true
    %reduce_sum3A_140 = vector.broadcast %reduce_sum3A_139 : i1 to vector<16xi1>
    %reduce_sum3A_141 = tpu.scan <sum>, %select_n3A_138 masked %reduce_sum3A_140 : vector<16xi32>, vector<16xi1> -> vector<16xi32>
    %reduce_sum3A_142 = vector.extract %reduce_sum3A_141[15] : i32 from vector<16xi32>
    %jit3A_143 = arith.constant 0 : i32
    %broadcast_in_dim3A_144 = vector.broadcast %jit3A_143 : i32 to vector<16xi32>
    %select_n3A_145 = arith.select %eq3A_135, %get3A_111, %broadcast_in_dim3A_144 : vector<16xi1>, vector<16xi32>
    %reduce_sum3A_146 = arith.constant true
    %reduce_sum3A_147 = vector.broadcast %reduce_sum3A_146 : i1 to vector<16xi1>
    %reduce_sum3A_148 = tpu.scan <sum>, %select_n3A_145 masked %reduce_sum3A_147 : vector<16xi32>, vector<16xi1> -> vector<16xi32>
    %reduce_sum3A_149 = vector.extract %reduce_sum3A_148[15] : i32 from vector<16xi32>
    %mul3A_150 = arith.constant 16 : i32
    %mul3A_151 = arith.muli %while3A_107#0, %mul3A_150 : i32
    %add3A_152 = arith.addi %mul3A_151, %sub3A_132 : i32
    %sub3A_153 = arith.subi %reduce_sum3A_142, %reduce_sum3A_149 : i32
    %sub3A_154 = arith.subi %sub3A_125, %sub3A_153 : i32
    %while3A_155 = arith.constant 0 : i32
    %while3A_156 = arith.constant 0 : i32
    %while3A_157 = arith.subi %shift_right_arithmetic3A_93, %while3A_155 : i32
    %while3A_158 = arith.addi %while3A_155, %while3A_157 : i32
    %while3A_159 = arith.constant 1 : i32
    %while3A_160 = arith.divsi %while3A_157, %while3A_159 : i32
    %while3A_161 = arith.muli %while3A_160, %while3A_159 : i32
    %while3A_162 = arith.addi %while3A_155, %while3A_161 : i32
    %while3A_163 = arith.constant 1 : i32
    %while3A_164 = scf.for %while3A_992 = %while3A_155 to %while3A_162 step %while3A_163 iter_args(%while3A_993 = %while3A_156) -> (i32)  : i32 {
      %mul3A_994 = arith.constant 16 : i32
      %mul3A_995 = arith.muli %while3A_992, %mul3A_994 : i32
      %get3A_996 = arith.index_cast %mul3A_995 : i32 to index
      %get3A_997 = tpu.vector_load %arg7[%get3A_996] {strides = array<i32>} : memref<32784xi32, #tpu.memory_space<vmem>>, vector<16xi32>,
      %mul3A_998 = arith.constant 16 : i32
      %mul3A_999 = arith.muli %while3A_992, %mul3A_998 : i32
      %add3A_1000 = vector.broadcast %mul3A_999 : i32 to vector<16xi32>
      %add3A_1001 = arith.addi %add3A_1000, %iota3A : vector<16xi32>
      %lt3A = vector.broadcast %reduce_sum3A_80 : i32 to vector<16xi32>
      %lt3A_1002 = arith.cmpi slt, %add3A_1001, %lt3A : vector<16xi32>
      %shift_right_arithmetic3A_1003 = arith.constant 10 : i32
      %shift_right_arithmetic3A_1004 = vector.broadcast %shift_right_arithmetic3A_1003 : i32 to vector<16xi32>
      %shift_right_arithmetic3A_1005 = arith.shrsi %get3A_997, %shift_right_arithmetic3A_1004 : vector<16xi32>
      %and3A = arith.constant 1023 : i32
      %and3A_1006 = vector.broadcast %and3A : i32 to vector<16xi32>
      %and3A_1007 = arith.andi %shift_right_arithmetic3A_1005, %and3A_1006 : vector<16xi32>
      %eq3A_1008 = vector.broadcast %add3A_152 : i32 to vector<16xi32>
      %eq3A_1009 = arith.cmpi eq, %and3A_1007, %eq3A_1008 : vector<16xi32>
      %and3A_1010 = arith.andi %eq3A_1009, %lt3A_1002 : vector<16xi1>
      %swap3A = arith.index_cast %while3A_993 : i32 to index
      %swap3A_1011 = tpu.vector_load %arg7[%swap3A] masked %and3A_1010 {strides = array<i32>} : memref<32784xi32, #tpu.memory_space<vmem>>, vector<16xi32>, vector<16xi1>
      tpu.vector_store %arg7[%swap3A], %get3A_997 masked %and3A_1010 {strides = array<i32>} : memref<32784xi32, #tpu.memory_space<vmem>>, vector<16xi32>, vector<16xi1>
      %all_reduce_population_count3A_1012 = tpu.all_reduce %and3A_1010 {dim = 0 : i64, kind = #tpu.reduction_kind<sum>} : vector<16xi1> -> vector<16xi32>
      %slice3A_1013 = vector.extract_strided_slice %all_reduce_population_count3A_1012 {offsets = [0], sizes = [1], strides = [1]} : vector<16xi32> to vector<1xi32>
      %squeeze3A_1014 = vector.extract %slice3A_1013[0] : i32 from vector<1xi32>
      %add3A_1015 = arith.addi %while3A_993, %squeeze3A_1014 : i32
      scf.yield %add3A_1015 : i32
    }
    %while3A_165 = arith.constant 1 : i32
    %while3A_166 = scf.for %while3A_992 = %while3A_162 to %while3A_158 step %while3A_165 iter_args(%while3A_993 = %while3A_164) -> (i32)  : i32 {
      %mul3A_994 = arith.constant 16 : i32
      %mul3A_995 = arith.muli %while3A_992, %mul3A_994 : i32
      %get3A_996 = arith.index_cast %mul3A_995 : i32 to index
      %get3A_997 = tpu.vector_load %arg7[%get3A_996] {strides = array<i32>} : memref<32784xi32, #tpu.memory_space<vmem>>, vector<16xi32>,
      %mul3A_998 = arith.constant 16 : i32
      %mul3A_999 = arith.muli %while3A_992, %mul3A_998 : i32
      %add3A_1000 = vector.broadcast %mul3A_999 : i32 to vector<16xi32>
      %add3A_1001 = arith.addi %add3A_1000, %iota3A : vector<16xi32>
      %lt3A = vector.broadcast %reduce_sum3A_80 : i32 to vector<16xi32>
      %lt3A_1002 = arith.cmpi slt, %add3A_1001, %lt3A : vector<16xi32>
      %shift_right_arithmetic3A_1003 = arith.constant 10 : i32
      %shift_right_arithmetic3A_1004 = vector.broadcast %shift_right_arithmetic3A_1003 : i32 to vector<16xi32>
      %shift_right_arithmetic3A_1005 = arith.shrsi %get3A_997, %shift_right_arithmetic3A_1004 : vector<16xi32>
      %and3A = arith.constant 1023 : i32
      %and3A_1006 = vector.broadcast %and3A : i32 to vector<16xi32>
      %and3A_1007 = arith.andi %shift_right_arithmetic3A_1005, %and3A_1006 : vector<16xi32>
      %eq3A_1008 = vector.broadcast %add3A_152 : i32 to vector<16xi32>
      %eq3A_1009 = arith.cmpi eq, %and3A_1007, %eq3A_1008 : vector<16xi32>
      %and3A_1010 = arith.andi %eq3A_1009, %lt3A_1002 : vector<16xi1>
      %swap3A = arith.index_cast %while3A_993 : i32 to index
      %swap3A_1011 = tpu.vector_load %arg7[%swap3A] masked %and3A_1010 {strides = array<i32>} : memref<32784xi32, #tpu.memory_space<vmem>>, vector<16xi32>, vector<16xi1>
      tpu.vector_store %arg7[%swap3A], %get3A_997 masked %and3A_1010 {strides = array<i32>} : memref<32784xi32, #tpu.memory_space<vmem>>, vector<16xi32>, vector<16xi1>
      %all_reduce_population_count3A_1012 = tpu.all_reduce %and3A_1010 {dim = 0 : i64, kind = #tpu.reduction_kind<sum>} : vector<16xi1> -> vector<16xi32>
      %slice3A_1013 = vector.extract_strided_slice %all_reduce_population_count3A_1012 {offsets = [0], sizes = [1], strides = [1]} : vector<16xi32> to vector<1xi32>
      %squeeze3A_1014 = vector.extract %slice3A_1013[0] : i32 from vector<1xi32>
      %add3A_1015 = arith.addi %while3A_993, %squeeze3A_1014 : i32
      scf.yield %add3A_1015 : i32
    }
    %add3A_167 = arith.constant 15 : i32
    %add3A_168 = arith.addi %reduce_sum3A_149, %add3A_167 : i32
    %shift_right_arithmetic3A_169 = arith.constant 4 : i32
    %shift_right_arithmetic3A_170 = arith.shrsi %add3A_168, %shift_right_arithmetic3A_169 : i32
    %parallel_loop3A_171 = arith.constant 0 : i32
    %parallel_loop3A_172 = arith.constant 64 : i32
    %parallel_loop3A_173 = arith.constant 1 : i32
    scf.for %parallel_loop3A_992 = %parallel_loop3A_171 to %parallel_loop3A_172 step %parallel_loop3A_173  : i32 {
      %parallel_loop3A_993 = arith.constant 16 : i32
      %parallel_loop3A_994 = arith.muli %parallel_loop3A_992, %parallel_loop3A_993 : i32
      %parallel_loop3A_995 = arith.index_cast %parallel_loop3A_994 : i32 to index
      %parallel_loop3A_996 = tpu.vector_load %arg6[%parallel_loop3A_995] {strides = array<i32>} : memref<1024xi32, #tpu.memory_space<vmem>>, vector<16xi32>,
      tpu.vector_store %arg6[%parallel_loop3A_995], %broadcast_in_dim3A_1 {strides = array<i32>} : memref<1024xi32, #tpu.memory_space<vmem>>, vector<16xi32>,
    } {sc.loop_unroll_factor = 4 : i64, sc.parallel_access}
    %parallel_loop3A_174 = arith.constant 0 : i32
    %parallel_loop3A_175 = arith.constant 1 : i32
    scf.for %parallel_loop3A_992 = %parallel_loop3A_174 to %shift_right_arithmetic3A_170 step %parallel_loop3A_175  : i32 {
      %parallel_loop3A_993 = arith.constant 16 : i32
      %parallel_loop3A_994 = arith.muli %parallel_loop3A_992, %parallel_loop3A_993 : i32
      %parallel_loop3A_995 = arith.index_cast %parallel_loop3A_994 : i32 to index
      %parallel_loop3A_996 = tpu.vector_load %arg7[%parallel_loop3A_995] {strides = array<i32>} : memref<32784xi32, #tpu.memory_space<vmem>>, vector<16xi32>,
      %parallel_loop3A_997 = arith.constant 16 : i32
      %parallel_loop3A_998 = arith.muli %parallel_loop3A_992, %parallel_loop3A_997 : i32
      %parallel_loop3A_999 = vector.broadcast %parallel_loop3A_998 : i32 to vector<16xi32>
      %parallel_loop3A_1000 = arith.addi %parallel_loop3A_999, %iota3A : vector<16xi32>
      %parallel_loop3A_1001 = vector.broadcast %reduce_sum3A_149 : i32 to vector<16xi32>
      %parallel_loop3A_1002 = arith.cmpi slt, %parallel_loop3A_1000, %parallel_loop3A_1001 : vector<16xi32>
      %parallel_loop3A_1003 = arith.constant 1023 : i32
      %parallel_loop3A_1004 = vector.broadcast %parallel_loop3A_1003 : i32 to vector<16xi32>
      %parallel_loop3A_1005 = arith.andi %parallel_loop3A_996, %parallel_loop3A_1004 : vector<16xi32>
      tpu.vector_store_idx %arg6[%parallel_loop3A_1005], %broadcast_in_dim3A_3 masked %parallel_loop3A_1002 {add = true} : memref<1024xi32, #tpu.memory_space<vmem>>[vector<16xi32>], vector<16xi32>, vector<16xi1>
    } {sc.loop_unroll_factor = 1 : i64, sc.parallel_access}
    %get3A_176 = arith.constant 1008 : index
    %get3A_177 = tpu.vector_load %arg6[%get3A_176] {strides = array<i32>} : memref<1024xi32, #tpu.memory_space<vmem>>, vector<16xi32>,
    %reduce_sum3A_178 = arith.constant true
    %reduce_sum3A_179 = vector.broadcast %reduce_sum3A_178 : i1 to vector<16xi1>
    %reduce_sum3A_180 = tpu.scan <sum>, %get3A_177 masked %reduce_sum3A_179 : vector<16xi32>, vector<16xi1> -> vector<16xi32>
    %reduce_sum3A_181 = vector.extract %reduce_sum3A_180[15] : i32 from vector<16xi32>
    %while3A_182 = arith.constant 63 : i32
    %while3A_183 = arith.constant 0 : i32
    %while3A_184:3 = scf.while (%while3A_992 = %while3A_182, %while3A_993 = %while3A_183, %while3A_994 = %reduce_sum3A_181) : (i32, i32, i32) -> (i32, i32, i32) {
      %add3A_995 = arith.addi %while3A_993, %while3A_994 : i32
      %lt3A = arith.cmpi slt, %add3A_995, %sub3A_154 : i32
      scf.condition(%lt3A) %while3A_992, %while3A_993, %while3A_994 : i32, i32, i32
    } do {
    ^bb0(%while3A_992: i32, %while3A_993: i32, %while3A_994: i32):
      %sub3A_995 = arith.constant 1 : i32
      %sub3A_996 = arith.subi %while3A_992, %sub3A_995 : i32
      %add3A_997 = arith.addi %while3A_993, %while3A_994 : i32
      %sub3A_998 = arith.constant 1 : i32
      %sub3A_999 = arith.subi %while3A_992, %sub3A_998 : i32
      %mul3A_1000 = arith.constant 16 : i32
      %mul3A_1001 = arith.muli %sub3A_999, %mul3A_1000 : i32
      %get3A_1002 = arith.index_cast %mul3A_1001 : i32 to index
      %get3A_1003 = tpu.vector_load %arg6[%get3A_1002] {strides = array<i32>} : memref<1024xi32, #tpu.memory_space<vmem>>, vector<16xi32>,
      %reduce_sum3A_1004 = arith.constant true
      %reduce_sum3A_1005 = vector.broadcast %reduce_sum3A_1004 : i1 to vector<16xi1>
      %reduce_sum3A_1006 = tpu.scan <sum>, %get3A_1003 masked %reduce_sum3A_1005 : vector<16xi32>, vector<16xi1> -> vector<16xi32>
      %reduce_sum3A_1007 = vector.extract %reduce_sum3A_1006[15] : i32 from vector<16xi32>
      scf.yield %sub3A_996, %add3A_997, %reduce_sum3A_1007 : i32, i32, i32
    }
    %mul3A_185 = arith.constant 16 : i32
    %mul3A_186 = arith.muli %while3A_184#0, %mul3A_185 : i32
    %get3A_187 = arith.index_cast %mul3A_186 : i32 to index
    %get3A_188 = tpu.vector_load %arg6[%get3A_187] {strides = array<i32>} : memref<1024xi32, #tpu.memory_space<vmem>>, vector<16xi32>,
    %rev3A_189 = arith.constant 15 : i32
    %rev3A_190 = vector.broadcast %rev3A_189 : i32 to vector<16xi32>
    %rev3A_191 = tpu.iota {dimensions = array<i32: 0>} : vector<16xi32>
    %rev3A_192 = arith.subi %rev3A_190, %rev3A_191 : vector<16xi32>
    %rev3A_193 = tpu.dynamic_gather %get3A_188[%rev3A_192] in [0] : vector<16xi32>, vector<16xi32> -> vector<16xi32>
    %broadcast_in_dim3A_194 = arith.constant true
    %broadcast_in_dim3A_195 = vector.broadcast %broadcast_in_dim3A_194 : i1 to vector<16xi1>
    %masked_cumsum3A_196 = tpu.scan <sum>, %rev3A_193 masked %broadcast_in_dim3A_195 : vector<16xi32>, vector<16xi1> -> vector<16xi32>
    %rev3A_197 = arith.constant 15 : i32
    %rev3A_198 = vector.broadcast %rev3A_197 : i32 to vector<16xi32>
    %rev3A_199 = tpu.iota {dimensions = array<i32: 0>} : vector<16xi32>
    %rev3A_200 = arith.subi %rev3A_198, %rev3A_199 : vector<16xi32>
    %rev3A_201 = tpu.dynamic_gather %masked_cumsum3A_196[%rev3A_200] in [0] : vector<16xi32>, vector<16xi32> -> vector<16xi32>
    %sub3A_202 = arith.subi %sub3A_154, %while3A_184#1 : i32
    %ge3A_203 = vector.broadcast %sub3A_202 : i32 to vector<16xi32>
    %ge3A_204 = arith.cmpi sge, %rev3A_201, %ge3A_203 : vector<16xi32>
    %all_reduce_population_count3A_205 = tpu.all_reduce %ge3A_204 {dim = 0 : i64, kind = #tpu.reduction_kind<sum>} : vector<16xi1> -> vector<16xi32>
    %slice3A_206 = vector.extract_strided_slice %all_reduce_population_count3A_205 {offsets = [0], sizes = [1], strides = [1]} : vector<16xi32> to vector<1xi32>
    %squeeze3A_207 = vector.extract %slice3A_206[0] : i32 from vector<1xi32>
    %sub3A_208 = arith.constant 1 : i32
    %sub3A_209 = arith.subi %squeeze3A_207, %sub3A_208 : i32
    %iota3A_210 = tpu.iota {dimensions = array<i32: 0>} : vector<16xi32>
    %eq3A_211 = vector.broadcast %sub3A_209 : i32 to vector<16xi32>
    %eq3A_212 = arith.cmpi eq, %iota3A_210, %eq3A_211 : vector<16xi32>
    %jit3A_213 = arith.constant 0 : i32
    %broadcast_in_dim3A_214 = vector.broadcast %jit3A_213 : i32 to vector<16xi32>
    %select_n3A_215 = arith.select %eq3A_212, %rev3A_201, %broadcast_in_dim3A_214 : vector<16xi1>, vector<16xi32>
    %reduce_sum3A_216 = arith.constant true
    %reduce_sum3A_217 = vector.broadcast %reduce_sum3A_216 : i1 to vector<16xi1>
    %reduce_sum3A_218 = tpu.scan <sum>, %select_n3A_215 masked %reduce_sum3A_217 : vector<16xi32>, vector<16xi1> -> vector<16xi32>
    %reduce_sum3A_219 = vector.extract %reduce_sum3A_218[15] : i32 from vector<16xi32>
    %jit3A_220 = arith.constant 0 : i32
    %broadcast_in_dim3A_221 = vector.broadcast %jit3A_220 : i32 to vector<16xi32>
    %select_n3A_222 = arith.select %eq3A_212, %get3A_188, %broadcast_in_dim3A_221 : vector<16xi1>, vector<16xi32>
    %reduce_sum3A_223 = arith.constant true
    %reduce_sum3A_224 = vector.broadcast %reduce_sum3A_223 : i1 to vector<16xi1>
    %reduce_sum3A_225 = tpu.scan <sum>, %select_n3A_222 masked %reduce_sum3A_224 : vector<16xi32>, vector<16xi1> -> vector<16xi32>
    %reduce_sum3A_226 = vector.extract %reduce_sum3A_225[15] : i32 from vector<16xi32>
    %mul3A_227 = arith.constant 16 : i32
    %mul3A_228 = arith.muli %while3A_184#0, %mul3A_227 : i32
    %add3A_229 = arith.addi %mul3A_228, %sub3A_209 : i32
    %sub3A_230 = arith.subi %reduce_sum3A_219, %reduce_sum3A_226 : i32
    %sub3A_231 = arith.subi %sub3A_202, %sub3A_230 : i32
    %shift_left3A = arith.constant 20 : i32
    %shift_left3A_232 = arith.shli %add3A_83, %shift_left3A : i32
    %shift_left3A_233 = arith.constant 10 : i32
    %shift_left3A_234 = arith.shli %add3A_152, %shift_left3A_233 : i32
    %or3A = arith.ori %shift_left3A_232, %shift_left3A_234 : i32
    %or3A_235 = arith.ori %or3A, %add3A_229 : i32
    %broadcast_in_dim3A_236 = vector.broadcast %or3A_235 : i32 to vector<16xi32>
    %bitcast3A = vector.bitcast %broadcast_in_dim3A_236 : vector<16xi32> to vector<16xf32>
    %broadcast_in_dim3A_237 = arith.constant 0.000000e+00 : f32
    %broadcast_in_dim3A_238 = vector.broadcast %broadcast_in_dim3A_237 : f32 to vector<16xf32>
    %parallel_loop3A_239 = arith.constant 0 : i32
    %parallel_loop3A_240 = arith.constant 2048 : i32
    %parallel_loop3A_241 = arith.constant 1 : i32
    scf.for %parallel_loop3A_992 = %parallel_loop3A_239 to %parallel_loop3A_240 step %parallel_loop3A_241  : i32 {
      %parallel_loop3A_993 = arith.constant 16 : i32
      %parallel_loop3A_994 = arith.muli %parallel_loop3A_992, %parallel_loop3A_993 : i32
      %parallel_loop3A_995 = arith.index_cast %parallel_loop3A_994 : i32 to index
      %parallel_loop3A_996 = tpu.vector_load %arg4[%parallel_loop3A_995] {strides = array<i32>} : memref<32768xf32, #tpu.memory_space<vmem>>, vector<16xf32>,
      %parallel_loop3A_997 = arith.cmpf oge, %parallel_loop3A_996, %bitcast3A : vector<16xf32>
      %parallel_loop3A_998 = arith.select %parallel_loop3A_997, %parallel_loop3A_996, %broadcast_in_dim3A_238 : vector<16xi1>, vector<16xf32>
      %parallel_loop3A_999 = arith.index_cast %parallel_loop3A_994 : i32 to index
      %parallel_loop3A_1000 = tpu.vector_load %arg4[%parallel_loop3A_999] {strides = array<i32>} : memref<32768xf32, #tpu.memory_space<vmem>>, vector<16xf32>,
      tpu.vector_store %arg4[%parallel_loop3A_999], %parallel_loop3A_998 {strides = array<i32>} : memref<32768xf32, #tpu.memory_space<vmem>>, vector<16xf32>,
    } {sc.loop_unroll_factor = 16 : i64, sc.parallel_access}
    %dma_start3A_242 = arith.constant 0 : i32
    %dma_start3A_243 = tpu.memref_slice %arg3[%add3A_7, %dma_start3A_242] : memref<128x32768xf32, #tpu.memory_space<hbm>> -> memref<1x32768xf32, #tpu.memory_space<hbm>>
    %dma_start3A_244 = tpu.memref_squeeze %dma_start3A_243 : memref<1x32768xf32, #tpu.memory_space<hbm>> -> memref<32768xf32, #tpu.memory_space<hbm>>
    %dma_start3A_245 = arith.constant 0 : i32
    %dma_start3A_246 = tpu.memref_slice %arg3[%add3A_7, %dma_start3A_245] : memref<128x32768xf32, #tpu.memory_space<hbm>> -> memref<1x32768xf32, #tpu.memory_space<hbm>>
    %dma_start3A_247 = tpu.memref_squeeze %dma_start3A_246 : memref<1x32768xf32, #tpu.memory_space<hbm>> -> memref<32768xf32, #tpu.memory_space<hbm>>
    tpu.enqueue_dma source(%arg4 : memref<32768xf32, #tpu.memory_space<vmem>>) target(%dma_start3A_247 : memref<32768xf32, #tpu.memory_space<hbm>>) target_semaphore(%arg10 : memref<!tpu.dma_semaphore, #tpu.memory_space<semaphore_mem>>)
    %dma_wait3A_248 = arith.constant 0 : i32
    %dma_wait3A_249 = tpu.memref_slice %arg2[%add3A_11, %dma_wait3A_248] : memref<128x32768xf32, #tpu.memory_space<hbm>> -> memref<1x32768xf32, #tpu.memory_space<hbm>>
    %dma_wait3A_250 = tpu.memref_squeeze %dma_wait3A_249 : memref<1x32768xf32, #tpu.memory_space<hbm>> -> memref<32768xf32, #tpu.memory_space<hbm>>
    %dma_wait3A_251 = arith.constant 0 : i32
    %dma_wait3A_252 = tpu.memref_slice %arg2[%add3A_11, %dma_wait3A_251] : memref<128x32768xf32, #tpu.memory_space<hbm>> -> memref<1x32768xf32, #tpu.memory_space<hbm>>
    %dma_wait3A_253 = tpu.memref_squeeze %dma_wait3A_252 : memref<1x32768xf32, #tpu.memory_space<hbm>> -> memref<32768xf32, #tpu.memory_space<hbm>>
    tpu.wait_dma2 semaphore(%arg9 : memref<!tpu.dma_semaphore, #tpu.memory_space<semaphore_mem>>) src(%dma_wait3A_253 : memref<32768xf32, #tpu.memory_space<hbm>>) dst(%arg5 : memref<32768xf32, #tpu.memory_space<vmem>>)
    %dma_wait3A_254 = arith.constant 0 : i32
    %dma_wait3A_255 = tpu.memref_slice %arg3[%add3A_7, %dma_wait3A_254] : memref<128x32768xf32, #tpu.memory_space<hbm>> -> memref<1x32768xf32, #tpu.memory_space<hbm>>
    %dma_wait3A_256 = tpu.memref_squeeze %dma_wait3A_255 : memref<1x32768xf32, #tpu.memory_space<hbm>> -> memref<32768xf32, #tpu.memory_space<hbm>>
    %dma_wait3A_257 = arith.constant 0 : i32
    %dma_wait3A_258 = tpu.memref_slice %arg3[%add3A_7, %dma_wait3A_257] : memref<128x32768xf32, #tpu.memory_space<hbm>> -> memref<1x32768xf32, #tpu.memory_space<hbm>>
    %dma_wait3A_259 = tpu.memref_squeeze %dma_wait3A_258 : memref<1x32768xf32, #tpu.memory_space<hbm>> -> memref<32768xf32, #tpu.memory_space<hbm>>
    tpu.wait_dma2 semaphore(%arg10 : memref<!tpu.dma_semaphore, #tpu.memory_space<semaphore_mem>>) src(%arg4 : memref<32768xf32, #tpu.memory_space<vmem>>) dst(%dma_wait3A_259 : memref<32768xf32, #tpu.memory_space<hbm>>)
    %dma_start3A_260 = arith.constant 0 : i32
    %dma_start3A_261 = tpu.memref_slice %arg2[%add3A_15, %dma_start3A_260] : memref<128x32768xf32, #tpu.memory_space<hbm>> -> memref<1x32768xf32, #tpu.memory_space<hbm>>
    %dma_start3A_262 = tpu.memref_squeeze %dma_start3A_261 : memref<1x32768xf32, #tpu.memory_space<hbm>> -> memref<32768xf32, #tpu.memory_space<hbm>>
    %dma_start3A_263 = arith.constant 0 : i32
    %dma_start3A_264 = tpu.memref_slice %arg2[%add3A_15, %dma_start3A_263] : memref<128x32768xf32, #tpu.memory_space<hbm>> -> memref<1x32768xf32, #tpu.memory_space<hbm>>
    %dma_start3A_265 = tpu.memref_squeeze %dma_start3A_264 : memref<1x32768xf32, #tpu.memory_space<hbm>> -> memref<32768xf32, #tpu.memory_space<hbm>>
    tpu.enqueue_dma source(%dma_start3A_265 : memref<32768xf32, #tpu.memory_space<hbm>>) target(%arg4 : memref<32768xf32, #tpu.memory_space<vmem>>) target_semaphore(%arg8 : memref<!tpu.dma_semaphore, #tpu.memory_space<semaphore_mem>>)
    %parallel_loop3A_266 = arith.constant 0 : i32
    %parallel_loop3A_267 = arith.constant 64 : i32
    %parallel_loop3A_268 = arith.constant 1 : i32
    scf.for %parallel_loop3A_992 = %parallel_loop3A_266 to %parallel_loop3A_267 step %parallel_loop3A_268  : i32 {
      %parallel_loop3A_993 = arith.constant 16 : i32
      %parallel_loop3A_994 = arith.muli %parallel_loop3A_992, %parallel_loop3A_993 : i32
      %parallel_loop3A_995 = arith.index_cast %parallel_loop3A_994 : i32 to index
      %parallel_loop3A_996 = tpu.vector_load %arg6[%parallel_loop3A_995] {strides = array<i32>} : memref<1024xi32, #tpu.memory_space<vmem>>, vector<16xi32>,
      tpu.vector_store %arg6[%parallel_loop3A_995], %broadcast_in_dim3A_1 {strides = array<i32>} : memref<1024xi32, #tpu.memory_space<vmem>>, vector<16xi32>,
    } {sc.loop_unroll_factor = 4 : i64, sc.parallel_access}
    %parallel_loop3A_269 = arith.constant 0 : i32
    %parallel_loop3A_270 = arith.constant 2048 : i32
    %parallel_loop3A_271 = arith.constant 1 : i32
    scf.for %parallel_loop3A_992 = %parallel_loop3A_269 to %parallel_loop3A_270 step %parallel_loop3A_271  : i32 {
      %parallel_loop3A_993 = arith.constant 16 : i32
      %parallel_loop3A_994 = arith.muli %parallel_loop3A_992, %parallel_loop3A_993 : i32
      %parallel_loop3A_995 = arith.index_cast %parallel_loop3A_994 : i32 to index
      %parallel_loop3A_996 = tpu.vector_load %arg5[%parallel_loop3A_995] {strides = array<i32>} : memref<32768xf32, #tpu.memory_space<vmem>>, vector<16xf32>,
      %parallel_loop3A_997 = vector.bitcast %parallel_loop3A_996 : vector<16xf32> to vector<16xi32>
      %parallel_loop3A_998 = arith.constant 20 : i32
      %parallel_loop3A_999 = vector.broadcast %parallel_loop3A_998 : i32 to vector<16xi32>
      %parallel_loop3A_1000 = arith.shrsi %parallel_loop3A_997, %parallel_loop3A_999 : vector<16xi32>
      %parallel_loop3A_1001 = arith.constant 1023 : i32
      %parallel_loop3A_1002 = vector.broadcast %parallel_loop3A_1001 : i32 to vector<16xi32>
      %parallel_loop3A_1003 = arith.andi %parallel_loop3A_1000, %parallel_loop3A_1002 : vector<16xi32>
      tpu.vector_store_idx %arg6[%parallel_loop3A_1003], %broadcast_in_dim3A_3 {add = true} : memref<1024xi32, #tpu.memory_space<vmem>>[vector<16xi32>], vector<16xi32>,
    } {sc.loop_unroll_factor = 16 : i64, sc.parallel_access}
    %get3A_272 = arith.constant 1008 : index
    %get3A_273 = tpu.vector_load %arg6[%get3A_272] {strides = array<i32>} : memref<1024xi32, #tpu.memory_space<vmem>>, vector<16xi32>,
    %reduce_sum3A_274 = arith.constant true
    %reduce_sum3A_275 = vector.broadcast %reduce_sum3A_274 : i1 to vector<16xi1>
    %reduce_sum3A_276 = tpu.scan <sum>, %get3A_273 masked %reduce_sum3A_275 : vector<16xi32>, vector<16xi1> -> vector<16xi32>
    %reduce_sum3A_277 = vector.extract %reduce_sum3A_276[15] : i32 from vector<16xi32>
    %while3A_278 = arith.constant 3276 : i32
    %while3A_279 = arith.constant 63 : i32
    %while3A_280 = arith.constant 0 : i32
    %while3A_281:3 = scf.while (%while3A_992 = %while3A_279, %while3A_993 = %while3A_280, %while3A_994 = %reduce_sum3A_277) : (i32, i32, i32) -> (i32, i32, i32) {
      %add3A_995 = arith.addi %while3A_993, %while3A_994 : i32
      %lt3A = arith.cmpi slt, %add3A_995, %while3A_278 : i32
      scf.condition(%lt3A) %while3A_992, %while3A_993, %while3A_994 : i32, i32, i32
    } do {
    ^bb0(%while3A_992: i32, %while3A_993: i32, %while3A_994: i32):
      %sub3A_995 = arith.constant 1 : i32
      %sub3A_996 = arith.subi %while3A_992, %sub3A_995 : i32
      %add3A_997 = arith.addi %while3A_993, %while3A_994 : i32
      %sub3A_998 = arith.constant 1 : i32
      %sub3A_999 = arith.subi %while3A_992, %sub3A_998 : i32
      %mul3A_1000 = arith.constant 16 : i32
      %mul3A_1001 = arith.muli %sub3A_999, %mul3A_1000 : i32
      %get3A_1002 = arith.index_cast %mul3A_1001 : i32 to index
      %get3A_1003 = tpu.vector_load %arg6[%get3A_1002] {strides = array<i32>} : memref<1024xi32, #tpu.memory_space<vmem>>, vector<16xi32>,
      %reduce_sum3A_1004 = arith.constant true
      %reduce_sum3A_1005 = vector.broadcast %reduce_sum3A_1004 : i1 to vector<16xi1>
      %reduce_sum3A_1006 = tpu.scan <sum>, %get3A_1003 masked %reduce_sum3A_1005 : vector<16xi32>, vector<16xi1> -> vector<16xi32>
      %reduce_sum3A_1007 = vector.extract %reduce_sum3A_1006[15] : i32 from vector<16xi32>
      scf.yield %sub3A_996, %add3A_997, %reduce_sum3A_1007 : i32, i32, i32
    }
    %mul3A_282 = arith.constant 16 : i32
    %mul3A_283 = arith.muli %while3A_281#0, %mul3A_282 : i32
    %get3A_284 = arith.index_cast %mul3A_283 : i32 to index
    %get3A_285 = tpu.vector_load %arg6[%get3A_284] {strides = array<i32>} : memref<1024xi32, #tpu.memory_space<vmem>>, vector<16xi32>,
    %rev3A_286 = arith.constant 15 : i32
    %rev3A_287 = vector.broadcast %rev3A_286 : i32 to vector<16xi32>
    %rev3A_288 = tpu.iota {dimensions = array<i32: 0>} : vector<16xi32>
    %rev3A_289 = arith.subi %rev3A_287, %rev3A_288 : vector<16xi32>
    %rev3A_290 = tpu.dynamic_gather %get3A_285[%rev3A_289] in [0] : vector<16xi32>, vector<16xi32> -> vector<16xi32>
    %broadcast_in_dim3A_291 = arith.constant true
    %broadcast_in_dim3A_292 = vector.broadcast %broadcast_in_dim3A_291 : i1 to vector<16xi1>
    %masked_cumsum3A_293 = tpu.scan <sum>, %rev3A_290 masked %broadcast_in_dim3A_292 : vector<16xi32>, vector<16xi1> -> vector<16xi32>
    %rev3A_294 = arith.constant 15 : i32
    %rev3A_295 = vector.broadcast %rev3A_294 : i32 to vector<16xi32>
    %rev3A_296 = tpu.iota {dimensions = array<i32: 0>} : vector<16xi32>
    %rev3A_297 = arith.subi %rev3A_295, %rev3A_296 : vector<16xi32>
    %rev3A_298 = tpu.dynamic_gather %masked_cumsum3A_293[%rev3A_297] in [0] : vector<16xi32>, vector<16xi32> -> vector<16xi32>
    %sub3A_299 = arith.constant 3276 : i32
    %sub3A_300 = arith.subi %sub3A_299, %while3A_281#1 : i32
    %ge3A_301 = vector.broadcast %sub3A_300 : i32 to vector<16xi32>
    %ge3A_302 = arith.cmpi sge, %rev3A_298, %ge3A_301 : vector<16xi32>
    %all_reduce_population_count3A_303 = tpu.all_reduce %ge3A_302 {dim = 0 : i64, kind = #tpu.reduction_kind<sum>} : vector<16xi1> -> vector<16xi32>
    %slice3A_304 = vector.extract_strided_slice %all_reduce_population_count3A_303 {offsets = [0], sizes = [1], strides = [1]} : vector<16xi32> to vector<1xi32>
    %squeeze3A_305 = vector.extract %slice3A_304[0] : i32 from vector<1xi32>
    %sub3A_306 = arith.constant 1 : i32
    %sub3A_307 = arith.subi %squeeze3A_305, %sub3A_306 : i32
    %iota3A_308 = tpu.iota {dimensions = array<i32: 0>} : vector<16xi32>
    %eq3A_309 = vector.broadcast %sub3A_307 : i32 to vector<16xi32>
    %eq3A_310 = arith.cmpi eq, %iota3A_308, %eq3A_309 : vector<16xi32>
    %jit3A_311 = arith.constant 0 : i32
    %broadcast_in_dim3A_312 = vector.broadcast %jit3A_311 : i32 to vector<16xi32>
    %select_n3A_313 = arith.select %eq3A_310, %rev3A_298, %broadcast_in_dim3A_312 : vector<16xi1>, vector<16xi32>
    %reduce_sum3A_314 = arith.constant true
    %reduce_sum3A_315 = vector.broadcast %reduce_sum3A_314 : i1 to vector<16xi1>
    %reduce_sum3A_316 = tpu.scan <sum>, %select_n3A_313 masked %reduce_sum3A_315 : vector<16xi32>, vector<16xi1> -> vector<16xi32>
    %reduce_sum3A_317 = vector.extract %reduce_sum3A_316[15] : i32 from vector<16xi32>
    %jit3A_318 = arith.constant 0 : i32
    %broadcast_in_dim3A_319 = vector.broadcast %jit3A_318 : i32 to vector<16xi32>
    %select_n3A_320 = arith.select %eq3A_310, %get3A_285, %broadcast_in_dim3A_319 : vector<16xi1>, vector<16xi32>
    %reduce_sum3A_321 = arith.constant true
    %reduce_sum3A_322 = vector.broadcast %reduce_sum3A_321 : i1 to vector<16xi1>
    %reduce_sum3A_323 = tpu.scan <sum>, %select_n3A_320 masked %reduce_sum3A_322 : vector<16xi32>, vector<16xi1> -> vector<16xi32>
    %reduce_sum3A_324 = vector.extract %reduce_sum3A_323[15] : i32 from vector<16xi32>
    %mul3A_325 = arith.constant 16 : i32
    %mul3A_326 = arith.muli %while3A_281#0, %mul3A_325 : i32
    %add3A_327 = arith.addi %mul3A_326, %sub3A_307 : i32
    %sub3A_328 = arith.subi %reduce_sum3A_317, %reduce_sum3A_324 : i32
    %sub3A_329 = arith.subi %sub3A_300, %sub3A_328 : i32
    %parallel_loop3A_330 = arith.constant 0 : i32
    %parallel_loop3A_331 = arith.constant 2048 : i32
    %parallel_loop3A_332 = arith.constant 1 : i32
    %parallel_loop3A_333 = arith.constant 0 : i32
    %parallel_loop3A_334 = scf.for %parallel_loop3A_992 = %parallel_loop3A_330 to %parallel_loop3A_331 step %parallel_loop3A_332 iter_args(%parallel_loop3A_993 = %parallel_loop3A_333) -> (i32)  : i32 {
      %parallel_loop3A_994 = arith.constant 16 : i32
      %parallel_loop3A_995 = arith.muli %parallel_loop3A_992, %parallel_loop3A_994 : i32
      %parallel_loop3A_996 = arith.index_cast %parallel_loop3A_995 : i32 to index
      %parallel_loop3A_997 = tpu.vector_load %arg5[%parallel_loop3A_996] {strides = array<i32>} : memref<32768xf32, #tpu.memory_space<vmem>>, vector<16xf32>,
      %parallel_loop3A_998 = vector.bitcast %parallel_loop3A_997 : vector<16xf32> to vector<16xi32>
      %parallel_loop3A_999 = arith.constant 20 : i32
      %parallel_loop3A_1000 = vector.broadcast %parallel_loop3A_999 : i32 to vector<16xi32>
      %parallel_loop3A_1001 = arith.shrsi %parallel_loop3A_998, %parallel_loop3A_1000 : vector<16xi32>
      %parallel_loop3A_1002 = vector.broadcast %add3A_327 : i32 to vector<16xi32>
      %parallel_loop3A_1003 = arith.cmpi eq, %parallel_loop3A_1001, %parallel_loop3A_1002 : vector<16xi32>
      %parallel_loop3A_1004 = arith.index_cast %parallel_loop3A_993 : i32 to index
      %parallel_loop3A_1005 = tpu.vector_load %arg7[%parallel_loop3A_1004] masked %parallel_loop3A_1003 {strides = array<i32>} : memref<32784xi32, #tpu.memory_space<vmem>>, vector<16xi32>, vector<16xi1>
      tpu.vector_store %arg7[%parallel_loop3A_1004], %parallel_loop3A_998 masked %parallel_loop3A_1003 {strides = array<i32>} : memref<32784xi32, #tpu.memory_space<vmem>>, vector<16xi32>, vector<16xi1>
      %parallel_loop3A_1006 = tpu.all_reduce %parallel_loop3A_1003 {dim = 0 : i64, kind = #tpu.reduction_kind<sum>} : vector<16xi1> -> vector<16xi32>
      %parallel_loop3A_1007 = vector.extract_strided_slice %parallel_loop3A_1006 {offsets = [0], sizes = [1], strides = [1]} : vector<16xi32> to vector<1xi32>
      %parallel_loop3A_1008 = vector.extract %parallel_loop3A_1007[0] : i32 from vector<1xi32>
      %parallel_loop3A_1009 = arith.addi %parallel_loop3A_993, %parallel_loop3A_1008 : i32
      scf.yield %parallel_loop3A_1009 : i32
    } {sc.loop_unroll_factor = 16 : i64, sc.parallel_access}
    %add3A_335 = arith.constant 15 : i32
    %add3A_336 = arith.addi %reduce_sum3A_324, %add3A_335 : i32
    %shift_right_arithmetic3A_337 = arith.constant 4 : i32
    %shift_right_arithmetic3A_338 = arith.shrsi %add3A_336, %shift_right_arithmetic3A_337 : i32
    %parallel_loop3A_339 = arith.constant 0 : i32
    %parallel_loop3A_340 = arith.constant 64 : i32
    %parallel_loop3A_341 = arith.constant 1 : i32
    scf.for %parallel_loop3A_992 = %parallel_loop3A_339 to %parallel_loop3A_340 step %parallel_loop3A_341  : i32 {
      %parallel_loop3A_993 = arith.constant 16 : i32
      %parallel_loop3A_994 = arith.muli %parallel_loop3A_992, %parallel_loop3A_993 : i32
      %parallel_loop3A_995 = arith.index_cast %parallel_loop3A_994 : i32 to index
      %parallel_loop3A_996 = tpu.vector_load %arg6[%parallel_loop3A_995] {strides = array<i32>} : memref<1024xi32, #tpu.memory_space<vmem>>, vector<16xi32>,
      tpu.vector_store %arg6[%parallel_loop3A_995], %broadcast_in_dim3A_1 {strides = array<i32>} : memref<1024xi32, #tpu.memory_space<vmem>>, vector<16xi32>,
    } {sc.loop_unroll_factor = 4 : i64, sc.parallel_access}
    %parallel_loop3A_342 = arith.constant 0 : i32
    %parallel_loop3A_343 = arith.constant 1 : i32
    scf.for %parallel_loop3A_992 = %parallel_loop3A_342 to %shift_right_arithmetic3A_338 step %parallel_loop3A_343  : i32 {
      %parallel_loop3A_993 = arith.constant 16 : i32
      %parallel_loop3A_994 = arith.muli %parallel_loop3A_992, %parallel_loop3A_993 : i32
      %parallel_loop3A_995 = arith.index_cast %parallel_loop3A_994 : i32 to index
      %parallel_loop3A_996 = tpu.vector_load %arg7[%parallel_loop3A_995] {strides = array<i32>} : memref<32784xi32, #tpu.memory_space<vmem>>, vector<16xi32>,
      %parallel_loop3A_997 = arith.constant 16 : i32
      %parallel_loop3A_998 = arith.muli %parallel_loop3A_992, %parallel_loop3A_997 : i32
      %parallel_loop3A_999 = vector.broadcast %parallel_loop3A_998 : i32 to vector<16xi32>
      %parallel_loop3A_1000 = arith.addi %parallel_loop3A_999, %iota3A : vector<16xi32>
      %parallel_loop3A_1001 = vector.broadcast %reduce_sum3A_324 : i32 to vector<16xi32>
      %parallel_loop3A_1002 = arith.cmpi slt, %parallel_loop3A_1000, %parallel_loop3A_1001 : vector<16xi32>
      %parallel_loop3A_1003 = arith.constant 10 : i32
      %parallel_loop3A_1004 = vector.broadcast %parallel_loop3A_1003 : i32 to vector<16xi32>
      %parallel_loop3A_1005 = arith.shrsi %parallel_loop3A_996, %parallel_loop3A_1004 : vector<16xi32>
      %parallel_loop3A_1006 = arith.constant 1023 : i32
      %parallel_loop3A_1007 = vector.broadcast %parallel_loop3A_1006 : i32 to vector<16xi32>
      %parallel_loop3A_1008 = arith.andi %parallel_loop3A_1005, %parallel_loop3A_1007 : vector<16xi32>
      tpu.vector_store_idx %arg6[%parallel_loop3A_1008], %broadcast_in_dim3A_3 masked %parallel_loop3A_1002 {add = true} : memref<1024xi32, #tpu.memory_space<vmem>>[vector<16xi32>], vector<16xi32>, vector<16xi1>
    } {sc.loop_unroll_factor = 1 : i64, sc.parallel_access}
    %get3A_344 = arith.constant 1008 : index
    %get3A_345 = tpu.vector_load %arg6[%get3A_344] {strides = array<i32>} : memref<1024xi32, #tpu.memory_space<vmem>>, vector<16xi32>,
    %reduce_sum3A_346 = arith.constant true
    %reduce_sum3A_347 = vector.broadcast %reduce_sum3A_346 : i1 to vector<16xi1>
    %reduce_sum3A_348 = tpu.scan <sum>, %get3A_345 masked %reduce_sum3A_347 : vector<16xi32>, vector<16xi1> -> vector<16xi32>
    %reduce_sum3A_349 = vector.extract %reduce_sum3A_348[15] : i32 from vector<16xi32>
    %while3A_350 = arith.constant 63 : i32
    %while3A_351 = arith.constant 0 : i32
    %while3A_352:3 = scf.while (%while3A_992 = %while3A_350, %while3A_993 = %while3A_351, %while3A_994 = %reduce_sum3A_349) : (i32, i32, i32) -> (i32, i32, i32) {
      %add3A_995 = arith.addi %while3A_993, %while3A_994 : i32
      %lt3A = arith.cmpi slt, %add3A_995, %sub3A_329 : i32
      scf.condition(%lt3A) %while3A_992, %while3A_993, %while3A_994 : i32, i32, i32
    } do {
    ^bb0(%while3A_992: i32, %while3A_993: i32, %while3A_994: i32):
      %sub3A_995 = arith.constant 1 : i32
      %sub3A_996 = arith.subi %while3A_992, %sub3A_995 : i32
      %add3A_997 = arith.addi %while3A_993, %while3A_994 : i32
      %sub3A_998 = arith.constant 1 : i32
      %sub3A_999 = arith.subi %while3A_992, %sub3A_998 : i32
      %mul3A_1000 = arith.constant 16 : i32
      %mul3A_1001 = arith.muli %sub3A_999, %mul3A_1000 : i32
      %get3A_1002 = arith.index_cast %mul3A_1001 : i32 to index
      %get3A_1003 = tpu.vector_load %arg6[%get3A_1002] {strides = array<i32>} : memref<1024xi32, #tpu.memory_space<vmem>>, vector<16xi32>,
      %reduce_sum3A_1004 = arith.constant true
      %reduce_sum3A_1005 = vector.broadcast %reduce_sum3A_1004 : i1 to vector<16xi1>
      %reduce_sum3A_1006 = tpu.scan <sum>, %get3A_1003 masked %reduce_sum3A_1005 : vector<16xi32>, vector<16xi1> -> vector<16xi32>
      %reduce_sum3A_1007 = vector.extract %reduce_sum3A_1006[15] : i32 from vector<16xi32>
      scf.yield %sub3A_996, %add3A_997, %reduce_sum3A_1007 : i32, i32, i32
    }
    %mul3A_353 = arith.constant 16 : i32
    %mul3A_354 = arith.muli %while3A_352#0, %mul3A_353 : i32
    %get3A_355 = arith.index_cast %mul3A_354 : i32 to index
    %get3A_356 = tpu.vector_load %arg6[%get3A_355] {strides = array<i32>} : memref<1024xi32, #tpu.memory_space<vmem>>, vector<16xi32>,
    %rev3A_357 = arith.constant 15 : i32
    %rev3A_358 = vector.broadcast %rev3A_357 : i32 to vector<16xi32>
    %rev3A_359 = tpu.iota {dimensions = array<i32: 0>} : vector<16xi32>
    %rev3A_360 = arith.subi %rev3A_358, %rev3A_359 : vector<16xi32>
    %rev3A_361 = tpu.dynamic_gather %get3A_356[%rev3A_360] in [0] : vector<16xi32>, vector<16xi32> -> vector<16xi32>
    %broadcast_in_dim3A_362 = arith.constant true
    %broadcast_in_dim3A_363 = vector.broadcast %broadcast_in_dim3A_362 : i1 to vector<16xi1>
    %masked_cumsum3A_364 = tpu.scan <sum>, %rev3A_361 masked %broadcast_in_dim3A_363 : vector<16xi32>, vector<16xi1> -> vector<16xi32>
    %rev3A_365 = arith.constant 15 : i32
    %rev3A_366 = vector.broadcast %rev3A_365 : i32 to vector<16xi32>
    %rev3A_367 = tpu.iota {dimensions = array<i32: 0>} : vector<16xi32>
    %rev3A_368 = arith.subi %rev3A_366, %rev3A_367 : vector<16xi32>
    %rev3A_369 = tpu.dynamic_gather %masked_cumsum3A_364[%rev3A_368] in [0] : vector<16xi32>, vector<16xi32> -> vector<16xi32>
    %sub3A_370 = arith.subi %sub3A_329, %while3A_352#1 : i32
    %ge3A_371 = vector.broadcast %sub3A_370 : i32 to vector<16xi32>
    %ge3A_372 = arith.cmpi sge, %rev3A_369, %ge3A_371 : vector<16xi32>
    %all_reduce_population_count3A_373 = tpu.all_reduce %ge3A_372 {dim = 0 : i64, kind = #tpu.reduction_kind<sum>} : vector<16xi1> -> vector<16xi32>
    %slice3A_374 = vector.extract_strided_slice %all_reduce_population_count3A_373 {offsets = [0], sizes = [1], strides = [1]} : vector<16xi32> to vector<1xi32>
    %squeeze3A_375 = vector.extract %slice3A_374[0] : i32 from vector<1xi32>
    %sub3A_376 = arith.constant 1 : i32
    %sub3A_377 = arith.subi %squeeze3A_375, %sub3A_376 : i32
    %iota3A_378 = tpu.iota {dimensions = array<i32: 0>} : vector<16xi32>
    %eq3A_379 = vector.broadcast %sub3A_377 : i32 to vector<16xi32>
    %eq3A_380 = arith.cmpi eq, %iota3A_378, %eq3A_379 : vector<16xi32>
    %jit3A_381 = arith.constant 0 : i32
    %broadcast_in_dim3A_382 = vector.broadcast %jit3A_381 : i32 to vector<16xi32>
    %select_n3A_383 = arith.select %eq3A_380, %rev3A_369, %broadcast_in_dim3A_382 : vector<16xi1>, vector<16xi32>
    %reduce_sum3A_384 = arith.constant true
    %reduce_sum3A_385 = vector.broadcast %reduce_sum3A_384 : i1 to vector<16xi1>
    %reduce_sum3A_386 = tpu.scan <sum>, %select_n3A_383 masked %reduce_sum3A_385 : vector<16xi32>, vector<16xi1> -> vector<16xi32>
    %reduce_sum3A_387 = vector.extract %reduce_sum3A_386[15] : i32 from vector<16xi32>
    %jit3A_388 = arith.constant 0 : i32
    %broadcast_in_dim3A_389 = vector.broadcast %jit3A_388 : i32 to vector<16xi32>
    %select_n3A_390 = arith.select %eq3A_380, %get3A_356, %broadcast_in_dim3A_389 : vector<16xi1>, vector<16xi32>
    %reduce_sum3A_391 = arith.constant true
    %reduce_sum3A_392 = vector.broadcast %reduce_sum3A_391 : i1 to vector<16xi1>
    %reduce_sum3A_393 = tpu.scan <sum>, %select_n3A_390 masked %reduce_sum3A_392 : vector<16xi32>, vector<16xi1> -> vector<16xi32>
    %reduce_sum3A_394 = vector.extract %reduce_sum3A_393[15] : i32 from vector<16xi32>
    %mul3A_395 = arith.constant 16 : i32
    %mul3A_396 = arith.muli %while3A_352#0, %mul3A_395 : i32
    %add3A_397 = arith.addi %mul3A_396, %sub3A_377 : i32
    %sub3A_398 = arith.subi %reduce_sum3A_387, %reduce_sum3A_394 : i32
    %sub3A_399 = arith.subi %sub3A_370, %sub3A_398 : i32
    %while3A_400 = arith.constant 0 : i32
    %while3A_401 = arith.constant 0 : i32
    %while3A_402 = arith.subi %shift_right_arithmetic3A_338, %while3A_400 : i32
    %while3A_403 = arith.addi %while3A_400, %while3A_402 : i32
    %while3A_404 = arith.constant 1 : i32
    %while3A_405 = arith.divsi %while3A_402, %while3A_404 : i32
    %while3A_406 = arith.muli %while3A_405, %while3A_404 : i32
    %while3A_407 = arith.addi %while3A_400, %while3A_406 : i32
    %while3A_408 = arith.constant 1 : i32
    %while3A_409 = scf.for %while3A_992 = %while3A_400 to %while3A_407 step %while3A_408 iter_args(%while3A_993 = %while3A_401) -> (i32)  : i32 {
      %mul3A_994 = arith.constant 16 : i32
      %mul3A_995 = arith.muli %while3A_992, %mul3A_994 : i32
      %get3A_996 = arith.index_cast %mul3A_995 : i32 to index
      %get3A_997 = tpu.vector_load %arg7[%get3A_996] {strides = array<i32>} : memref<32784xi32, #tpu.memory_space<vmem>>, vector<16xi32>,
      %mul3A_998 = arith.constant 16 : i32
      %mul3A_999 = arith.muli %while3A_992, %mul3A_998 : i32
      %add3A_1000 = vector.broadcast %mul3A_999 : i32 to vector<16xi32>
      %add3A_1001 = arith.addi %add3A_1000, %iota3A : vector<16xi32>
      %lt3A = vector.broadcast %reduce_sum3A_324 : i32 to vector<16xi32>
      %lt3A_1002 = arith.cmpi slt, %add3A_1001, %lt3A : vector<16xi32>
      %shift_right_arithmetic3A_1003 = arith.constant 10 : i32
      %shift_right_arithmetic3A_1004 = vector.broadcast %shift_right_arithmetic3A_1003 : i32 to vector<16xi32>
      %shift_right_arithmetic3A_1005 = arith.shrsi %get3A_997, %shift_right_arithmetic3A_1004 : vector<16xi32>
      %and3A = arith.constant 1023 : i32
      %and3A_1006 = vector.broadcast %and3A : i32 to vector<16xi32>
      %and3A_1007 = arith.andi %shift_right_arithmetic3A_1005, %and3A_1006 : vector<16xi32>
      %eq3A_1008 = vector.broadcast %add3A_397 : i32 to vector<16xi32>
      %eq3A_1009 = arith.cmpi eq, %and3A_1007, %eq3A_1008 : vector<16xi32>
      %and3A_1010 = arith.andi %eq3A_1009, %lt3A_1002 : vector<16xi1>
      %swap3A = arith.index_cast %while3A_993 : i32 to index
      %swap3A_1011 = tpu.vector_load %arg7[%swap3A] masked %and3A_1010 {strides = array<i32>} : memref<32784xi32, #tpu.memory_space<vmem>>, vector<16xi32>, vector<16xi1>
      tpu.vector_store %arg7[%swap3A], %get3A_997 masked %and3A_1010 {strides = array<i32>} : memref<32784xi32, #tpu.memory_space<vmem>>, vector<16xi32>, vector<16xi1>
      %all_reduce_population_count3A_1012 = tpu.all_reduce %and3A_1010 {dim = 0 : i64, kind = #tpu.reduction_kind<sum>} : vector<16xi1> -> vector<16xi32>
      %slice3A_1013 = vector.extract_strided_slice %all_reduce_population_count3A_1012 {offsets = [0], sizes = [1], strides = [1]} : vector<16xi32> to vector<1xi32>
      %squeeze3A_1014 = vector.extract %slice3A_1013[0] : i32 from vector<1xi32>
      %add3A_1015 = arith.addi %while3A_993, %squeeze3A_1014 : i32
      scf.yield %add3A_1015 : i32
    }
    %while3A_410 = arith.constant 1 : i32
    %while3A_411 = scf.for %while3A_992 = %while3A_407 to %while3A_403 step %while3A_410 iter_args(%while3A_993 = %while3A_409) -> (i32)  : i32 {
      %mul3A_994 = arith.constant 16 : i32
      %mul3A_995 = arith.muli %while3A_992, %mul3A_994 : i32
      %get3A_996 = arith.index_cast %mul3A_995 : i32 to index
      %get3A_997 = tpu.vector_load %arg7[%get3A_996] {strides = array<i32>} : memref<32784xi32, #tpu.memory_space<vmem>>, vector<16xi32>,
      %mul3A_998 = arith.constant 16 : i32
      %mul3A_999 = arith.muli %while3A_992, %mul3A_998 : i32
      %add3A_1000 = vector.broadcast %mul3A_999 : i32 to vector<16xi32>
      %add3A_1001 = arith.addi %add3A_1000, %iota3A : vector<16xi32>
      %lt3A = vector.broadcast %reduce_sum3A_324 : i32 to vector<16xi32>
      %lt3A_1002 = arith.cmpi slt, %add3A_1001, %lt3A : vector<16xi32>
      %shift_right_arithmetic3A_1003 = arith.constant 10 : i32
      %shift_right_arithmetic3A_1004 = vector.broadcast %shift_right_arithmetic3A_1003 : i32 to vector<16xi32>
      %shift_right_arithmetic3A_1005 = arith.shrsi %get3A_997, %shift_right_arithmetic3A_1004 : vector<16xi32>
      %and3A = arith.constant 1023 : i32
      %and3A_1006 = vector.broadcast %and3A : i32 to vector<16xi32>
      %and3A_1007 = arith.andi %shift_right_arithmetic3A_1005, %and3A_1006 : vector<16xi32>
      %eq3A_1008 = vector.broadcast %add3A_397 : i32 to vector<16xi32>
      %eq3A_1009 = arith.cmpi eq, %and3A_1007, %eq3A_1008 : vector<16xi32>
      %and3A_1010 = arith.andi %eq3A_1009, %lt3A_1002 : vector<16xi1>
      %swap3A = arith.index_cast %while3A_993 : i32 to index
      %swap3A_1011 = tpu.vector_load %arg7[%swap3A] masked %and3A_1010 {strides = array<i32>} : memref<32784xi32, #tpu.memory_space<vmem>>, vector<16xi32>, vector<16xi1>
      tpu.vector_store %arg7[%swap3A], %get3A_997 masked %and3A_1010 {strides = array<i32>} : memref<32784xi32, #tpu.memory_space<vmem>>, vector<16xi32>, vector<16xi1>
      %all_reduce_population_count3A_1012 = tpu.all_reduce %and3A_1010 {dim = 0 : i64, kind = #tpu.reduction_kind<sum>} : vector<16xi1> -> vector<16xi32>
      %slice3A_1013 = vector.extract_strided_slice %all_reduce_population_count3A_1012 {offsets = [0], sizes = [1], strides = [1]} : vector<16xi32> to vector<1xi32>
      %squeeze3A_1014 = vector.extract %slice3A_1013[0] : i32 from vector<1xi32>
      %add3A_1015 = arith.addi %while3A_993, %squeeze3A_1014 : i32
      scf.yield %add3A_1015 : i32
    }
    %add3A_412 = arith.constant 15 : i32
    %add3A_413 = arith.addi %reduce_sum3A_394, %add3A_412 : i32
    %shift_right_arithmetic3A_414 = arith.constant 4 : i32
    %shift_right_arithmetic3A_415 = arith.shrsi %add3A_413, %shift_right_arithmetic3A_414 : i32
    %parallel_loop3A_416 = arith.constant 0 : i32
    %parallel_loop3A_417 = arith.constant 64 : i32
    %parallel_loop3A_418 = arith.constant 1 : i32
    scf.for %parallel_loop3A_992 = %parallel_loop3A_416 to %parallel_loop3A_417 step %parallel_loop3A_418  : i32 {
      %parallel_loop3A_993 = arith.constant 16 : i32
      %parallel_loop3A_994 = arith.muli %parallel_loop3A_992, %parallel_loop3A_993 : i32
      %parallel_loop3A_995 = arith.index_cast %parallel_loop3A_994 : i32 to index
      %parallel_loop3A_996 = tpu.vector_load %arg6[%parallel_loop3A_995] {strides = array<i32>} : memref<1024xi32, #tpu.memory_space<vmem>>, vector<16xi32>,
      tpu.vector_store %arg6[%parallel_loop3A_995], %broadcast_in_dim3A_1 {strides = array<i32>} : memref<1024xi32, #tpu.memory_space<vmem>>, vector<16xi32>,
    } {sc.loop_unroll_factor = 4 : i64, sc.parallel_access}
    %parallel_loop3A_419 = arith.constant 0 : i32
    %parallel_loop3A_420 = arith.constant 1 : i32
    scf.for %parallel_loop3A_992 = %parallel_loop3A_419 to %shift_right_arithmetic3A_415 step %parallel_loop3A_420  : i32 {
      %parallel_loop3A_993 = arith.constant 16 : i32
      %parallel_loop3A_994 = arith.muli %parallel_loop3A_992, %parallel_loop3A_993 : i32
      %parallel_loop3A_995 = arith.index_cast %parallel_loop3A_994 : i32 to index
      %parallel_loop3A_996 = tpu.vector_load %arg7[%parallel_loop3A_995] {strides = array<i32>} : memref<32784xi32, #tpu.memory_space<vmem>>, vector<16xi32>,
      %parallel_loop3A_997 = arith.constant 16 : i32
      %parallel_loop3A_998 = arith.muli %parallel_loop3A_992, %parallel_loop3A_997 : i32
      %parallel_loop3A_999 = vector.broadcast %parallel_loop3A_998 : i32 to vector<16xi32>
      %parallel_loop3A_1000 = arith.addi %parallel_loop3A_999, %iota3A : vector<16xi32>
      %parallel_loop3A_1001 = vector.broadcast %reduce_sum3A_394 : i32 to vector<16xi32>
      %parallel_loop3A_1002 = arith.cmpi slt, %parallel_loop3A_1000, %parallel_loop3A_1001 : vector<16xi32>
      %parallel_loop3A_1003 = arith.constant 1023 : i32
      %parallel_loop3A_1004 = vector.broadcast %parallel_loop3A_1003 : i32 to vector<16xi32>
      %parallel_loop3A_1005 = arith.andi %parallel_loop3A_996, %parallel_loop3A_1004 : vector<16xi32>
      tpu.vector_store_idx %arg6[%parallel_loop3A_1005], %broadcast_in_dim3A_3 masked %parallel_loop3A_1002 {add = true} : memref<1024xi32, #tpu.memory_space<vmem>>[vector<16xi32>], vector<16xi32>, vector<16xi1>
    } {sc.loop_unroll_factor = 1 : i64, sc.parallel_access}
    %get3A_421 = arith.constant 1008 : index
    %get3A_422 = tpu.vector_load %arg6[%get3A_421] {strides = array<i32>} : memref<1024xi32, #tpu.memory_space<vmem>>, vector<16xi32>,
    %reduce_sum3A_423 = arith.constant true
    %reduce_sum3A_424 = vector.broadcast %reduce_sum3A_423 : i1 to vector<16xi1>
    %reduce_sum3A_425 = tpu.scan <sum>, %get3A_422 masked %reduce_sum3A_424 : vector<16xi32>, vector<16xi1> -> vector<16xi32>
    %reduce_sum3A_426 = vector.extract %reduce_sum3A_425[15] : i32 from vector<16xi32>
    %while3A_427 = arith.constant 63 : i32
    %while3A_428 = arith.constant 0 : i32
    %while3A_429:3 = scf.while (%while3A_992 = %while3A_427, %while3A_993 = %while3A_428, %while3A_994 = %reduce_sum3A_426) : (i32, i32, i32) -> (i32, i32, i32) {
      %add3A_995 = arith.addi %while3A_993, %while3A_994 : i32
      %lt3A = arith.cmpi slt, %add3A_995, %sub3A_399 : i32
      scf.condition(%lt3A) %while3A_992, %while3A_993, %while3A_994 : i32, i32, i32
    } do {
    ^bb0(%while3A_992: i32, %while3A_993: i32, %while3A_994: i32):
      %sub3A_995 = arith.constant 1 : i32
      %sub3A_996 = arith.subi %while3A_992, %sub3A_995 : i32
      %add3A_997 = arith.addi %while3A_993, %while3A_994 : i32
      %sub3A_998 = arith.constant 1 : i32
      %sub3A_999 = arith.subi %while3A_992, %sub3A_998 : i32
      %mul3A_1000 = arith.constant 16 : i32
      %mul3A_1001 = arith.muli %sub3A_999, %mul3A_1000 : i32
      %get3A_1002 = arith.index_cast %mul3A_1001 : i32 to index
      %get3A_1003 = tpu.vector_load %arg6[%get3A_1002] {strides = array<i32>} : memref<1024xi32, #tpu.memory_space<vmem>>, vector<16xi32>,
      %reduce_sum3A_1004 = arith.constant true
      %reduce_sum3A_1005 = vector.broadcast %reduce_sum3A_1004 : i1 to vector<16xi1>
      %reduce_sum3A_1006 = tpu.scan <sum>, %get3A_1003 masked %reduce_sum3A_1005 : vector<16xi32>, vector<16xi1> -> vector<16xi32>
      %reduce_sum3A_1007 = vector.extract %reduce_sum3A_1006[15] : i32 from vector<16xi32>
      scf.yield %sub3A_996, %add3A_997, %reduce_sum3A_1007 : i32, i32, i32
    }
    %mul3A_430 = arith.constant 16 : i32
    %mul3A_431 = arith.muli %while3A_429#0, %mul3A_430 : i32
    %get3A_432 = arith.index_cast %mul3A_431 : i32 to index
    %get3A_433 = tpu.vector_load %arg6[%get3A_432] {strides = array<i32>} : memref<1024xi32, #tpu.memory_space<vmem>>, vector<16xi32>,
    %rev3A_434 = arith.constant 15 : i32
    %rev3A_435 = vector.broadcast %rev3A_434 : i32 to vector<16xi32>
    %rev3A_436 = tpu.iota {dimensions = array<i32: 0>} : vector<16xi32>
    %rev3A_437 = arith.subi %rev3A_435, %rev3A_436 : vector<16xi32>
    %rev3A_438 = tpu.dynamic_gather %get3A_433[%rev3A_437] in [0] : vector<16xi32>, vector<16xi32> -> vector<16xi32>
    %broadcast_in_dim3A_439 = arith.constant true
    %broadcast_in_dim3A_440 = vector.broadcast %broadcast_in_dim3A_439 : i1 to vector<16xi1>
    %masked_cumsum3A_441 = tpu.scan <sum>, %rev3A_438 masked %broadcast_in_dim3A_440 : vector<16xi32>, vector<16xi1> -> vector<16xi32>
    %rev3A_442 = arith.constant 15 : i32
    %rev3A_443 = vector.broadcast %rev3A_442 : i32 to vector<16xi32>
    %rev3A_444 = tpu.iota {dimensions = array<i32: 0>} : vector<16xi32>
    %rev3A_445 = arith.subi %rev3A_443, %rev3A_444 : vector<16xi32>
    %rev3A_446 = tpu.dynamic_gather %masked_cumsum3A_441[%rev3A_445] in [0] : vector<16xi32>, vector<16xi32> -> vector<16xi32>
    %sub3A_447 = arith.subi %sub3A_399, %while3A_429#1 : i32
    %ge3A_448 = vector.broadcast %sub3A_447 : i32 to vector<16xi32>
    %ge3A_449 = arith.cmpi sge, %rev3A_446, %ge3A_448 : vector<16xi32>
    %all_reduce_population_count3A_450 = tpu.all_reduce %ge3A_449 {dim = 0 : i64, kind = #tpu.reduction_kind<sum>} : vector<16xi1> -> vector<16xi32>
    %slice3A_451 = vector.extract_strided_slice %all_reduce_population_count3A_450 {offsets = [0], sizes = [1], strides = [1]} : vector<16xi32> to vector<1xi32>
    %squeeze3A_452 = vector.extract %slice3A_451[0] : i32 from vector<1xi32>
    %sub3A_453 = arith.constant 1 : i32
    %sub3A_454 = arith.subi %squeeze3A_452, %sub3A_453 : i32
    %iota3A_455 = tpu.iota {dimensions = array<i32: 0>} : vector<16xi32>
    %eq3A_456 = vector.broadcast %sub3A_454 : i32 to vector<16xi32>
    %eq3A_457 = arith.cmpi eq, %iota3A_455, %eq3A_456 : vector<16xi32>
    %jit3A_458 = arith.constant 0 : i32
    %broadcast_in_dim3A_459 = vector.broadcast %jit3A_458 : i32 to vector<16xi32>
    %select_n3A_460 = arith.select %eq3A_457, %rev3A_446, %broadcast_in_dim3A_459 : vector<16xi1>, vector<16xi32>
    %reduce_sum3A_461 = arith.constant true
    %reduce_sum3A_462 = vector.broadcast %reduce_sum3A_461 : i1 to vector<16xi1>
    %reduce_sum3A_463 = tpu.scan <sum>, %select_n3A_460 masked %reduce_sum3A_462 : vector<16xi32>, vector<16xi1> -> vector<16xi32>
    %reduce_sum3A_464 = vector.extract %reduce_sum3A_463[15] : i32 from vector<16xi32>
    %jit3A_465 = arith.constant 0 : i32
    %broadcast_in_dim3A_466 = vector.broadcast %jit3A_465 : i32 to vector<16xi32>
    %select_n3A_467 = arith.select %eq3A_457, %get3A_433, %broadcast_in_dim3A_466 : vector<16xi1>, vector<16xi32>
    %reduce_sum3A_468 = arith.constant true
    %reduce_sum3A_469 = vector.broadcast %reduce_sum3A_468 : i1 to vector<16xi1>
    %reduce_sum3A_470 = tpu.scan <sum>, %select_n3A_467 masked %reduce_sum3A_469 : vector<16xi32>, vector<16xi1> -> vector<16xi32>
    %reduce_sum3A_471 = vector.extract %reduce_sum3A_470[15] : i32 from vector<16xi32>
    %mul3A_472 = arith.constant 16 : i32
    %mul3A_473 = arith.muli %while3A_429#0, %mul3A_472 : i32
    %add3A_474 = arith.addi %mul3A_473, %sub3A_454 : i32
    %sub3A_475 = arith.subi %reduce_sum3A_464, %reduce_sum3A_471 : i32
    %sub3A_476 = arith.subi %sub3A_447, %sub3A_475 : i32
    %shift_left3A_477 = arith.constant 20 : i32
    %shift_left3A_478 = arith.shli %add3A_327, %shift_left3A_477 : i32
    %shift_left3A_479 = arith.constant 10 : i32
    %shift_left3A_480 = arith.shli %add3A_397, %shift_left3A_479 : i32
    %or3A_481 = arith.ori %shift_left3A_478, %shift_left3A_480 : i32
    %or3A_482 = arith.ori %or3A_481, %add3A_474 : i32
    %broadcast_in_dim3A_483 = vector.broadcast %or3A_482 : i32 to vector<16xi32>
    %bitcast3A_484 = vector.bitcast %broadcast_in_dim3A_483 : vector<16xi32> to vector<16xf32>
    %broadcast_in_dim3A_485 = arith.constant 0.000000e+00 : f32
    %broadcast_in_dim3A_486 = vector.broadcast %broadcast_in_dim3A_485 : f32 to vector<16xf32>
    %parallel_loop3A_487 = arith.constant 0 : i32
    %parallel_loop3A_488 = arith.constant 2048 : i32
    %parallel_loop3A_489 = arith.constant 1 : i32
    scf.for %parallel_loop3A_992 = %parallel_loop3A_487 to %parallel_loop3A_488 step %parallel_loop3A_489  : i32 {
      %parallel_loop3A_993 = arith.constant 16 : i32
      %parallel_loop3A_994 = arith.muli %parallel_loop3A_992, %parallel_loop3A_993 : i32
      %parallel_loop3A_995 = arith.index_cast %parallel_loop3A_994 : i32 to index
      %parallel_loop3A_996 = tpu.vector_load %arg5[%parallel_loop3A_995] {strides = array<i32>} : memref<32768xf32, #tpu.memory_space<vmem>>, vector<16xf32>,
      %parallel_loop3A_997 = arith.cmpf oge, %parallel_loop3A_996, %bitcast3A_484 : vector<16xf32>
      %parallel_loop3A_998 = arith.select %parallel_loop3A_997, %parallel_loop3A_996, %broadcast_in_dim3A_486 : vector<16xi1>, vector<16xf32>
      %parallel_loop3A_999 = arith.index_cast %parallel_loop3A_994 : i32 to index
      %parallel_loop3A_1000 = tpu.vector_load %arg5[%parallel_loop3A_999] {strides = array<i32>} : memref<32768xf32, #tpu.memory_space<vmem>>, vector<16xf32>,
      tpu.vector_store %arg5[%parallel_loop3A_999], %parallel_loop3A_998 {strides = array<i32>} : memref<32768xf32, #tpu.memory_space<vmem>>, vector<16xf32>,
    } {sc.loop_unroll_factor = 16 : i64, sc.parallel_access}
    %dma_start3A_490 = arith.constant 0 : i32
    %dma_start3A_491 = tpu.memref_slice %arg3[%add3A_11, %dma_start3A_490] : memref<128x32768xf32, #tpu.memory_space<hbm>> -> memref<1x32768xf32, #tpu.memory_space<hbm>>
    %dma_start3A_492 = tpu.memref_squeeze %dma_start3A_491 : memref<1x32768xf32, #tpu.memory_space<hbm>> -> memref<32768xf32, #tpu.memory_space<hbm>>
    %dma_start3A_493 = arith.constant 0 : i32
    %dma_start3A_494 = tpu.memref_slice %arg3[%add3A_11, %dma_start3A_493] : memref<128x32768xf32, #tpu.memory_space<hbm>> -> memref<1x32768xf32, #tpu.memory_space<hbm>>
    %dma_start3A_495 = tpu.memref_squeeze %dma_start3A_494 : memref<1x32768xf32, #tpu.memory_space<hbm>> -> memref<32768xf32, #tpu.memory_space<hbm>>
    tpu.enqueue_dma source(%arg5 : memref<32768xf32, #tpu.memory_space<vmem>>) target(%dma_start3A_495 : memref<32768xf32, #tpu.memory_space<hbm>>) target_semaphore(%arg11 : memref<!tpu.dma_semaphore, #tpu.memory_space<semaphore_mem>>)
    %dma_wait3A_496 = arith.constant 0 : i32
    %dma_wait3A_497 = tpu.memref_slice %arg2[%add3A_15, %dma_wait3A_496] : memref<128x32768xf32, #tpu.memory_space<hbm>> -> memref<1x32768xf32, #tpu.memory_space<hbm>>
    %dma_wait3A_498 = tpu.memref_squeeze %dma_wait3A_497 : memref<1x32768xf32, #tpu.memory_space<hbm>> -> memref<32768xf32, #tpu.memory_space<hbm>>
    %dma_wait3A_499 = arith.constant 0 : i32
    %dma_wait3A_500 = tpu.memref_slice %arg2[%add3A_15, %dma_wait3A_499] : memref<128x32768xf32, #tpu.memory_space<hbm>> -> memref<1x32768xf32, #tpu.memory_space<hbm>>
    %dma_wait3A_501 = tpu.memref_squeeze %dma_wait3A_500 : memref<1x32768xf32, #tpu.memory_space<hbm>> -> memref<32768xf32, #tpu.memory_space<hbm>>
    tpu.wait_dma2 semaphore(%arg8 : memref<!tpu.dma_semaphore, #tpu.memory_space<semaphore_mem>>) src(%dma_wait3A_501 : memref<32768xf32, #tpu.memory_space<hbm>>) dst(%arg4 : memref<32768xf32, #tpu.memory_space<vmem>>)
    %dma_wait3A_502 = arith.constant 0 : i32
    %dma_wait3A_503 = tpu.memref_slice %arg3[%add3A_11, %dma_wait3A_502] : memref<128x32768xf32, #tpu.memory_space<hbm>> -> memref<1x32768xf32, #tpu.memory_space<hbm>>
    %dma_wait3A_504 = tpu.memref_squeeze %dma_wait3A_503 : memref<1x32768xf32, #tpu.memory_space<hbm>> -> memref<32768xf32, #tpu.memory_space<hbm>>
    %dma_wait3A_505 = arith.constant 0 : i32
    %dma_wait3A_506 = tpu.memref_slice %arg3[%add3A_11, %dma_wait3A_505] : memref<128x32768xf32, #tpu.memory_space<hbm>> -> memref<1x32768xf32, #tpu.memory_space<hbm>>
    %dma_wait3A_507 = tpu.memref_squeeze %dma_wait3A_506 : memref<1x32768xf32, #tpu.memory_space<hbm>> -> memref<32768xf32, #tpu.memory_space<hbm>>
    tpu.wait_dma2 semaphore(%arg11 : memref<!tpu.dma_semaphore, #tpu.memory_space<semaphore_mem>>) src(%arg5 : memref<32768xf32, #tpu.memory_space<vmem>>) dst(%dma_wait3A_507 : memref<32768xf32, #tpu.memory_space<hbm>>)
    %dma_start3A_508 = arith.constant 0 : i32
    %dma_start3A_509 = tpu.memref_slice %arg2[%add3A_19, %dma_start3A_508] : memref<128x32768xf32, #tpu.memory_space<hbm>> -> memref<1x32768xf32, #tpu.memory_space<hbm>>
    %dma_start3A_510 = tpu.memref_squeeze %dma_start3A_509 : memref<1x32768xf32, #tpu.memory_space<hbm>> -> memref<32768xf32, #tpu.memory_space<hbm>>
    %dma_start3A_511 = arith.constant 0 : i32
    %dma_start3A_512 = tpu.memref_slice %arg2[%add3A_19, %dma_start3A_511] : memref<128x32768xf32, #tpu.memory_space<hbm>> -> memref<1x32768xf32, #tpu.memory_space<hbm>>
    %dma_start3A_513 = tpu.memref_squeeze %dma_start3A_512 : memref<1x32768xf32, #tpu.memory_space<hbm>> -> memref<32768xf32, #tpu.memory_space<hbm>>
    tpu.enqueue_dma source(%dma_start3A_513 : memref<32768xf32, #tpu.memory_space<hbm>>) target(%arg5 : memref<32768xf32, #tpu.memory_space<vmem>>) target_semaphore(%arg9 : memref<!tpu.dma_semaphore, #tpu.memory_space<semaphore_mem>>)
    %parallel_loop3A_514 = arith.constant 0 : i32
    %parallel_loop3A_515 = arith.constant 64 : i32
    %parallel_loop3A_516 = arith.constant 1 : i32
    scf.for %parallel_loop3A_992 = %parallel_loop3A_514 to %parallel_loop3A_515 step %parallel_loop3A_516  : i32 {
      %parallel_loop3A_993 = arith.constant 16 : i32
      %parallel_loop3A_994 = arith.muli %parallel_loop3A_992, %parallel_loop3A_993 : i32
      %parallel_loop3A_995 = arith.index_cast %parallel_loop3A_994 : i32 to index
      %parallel_loop3A_996 = tpu.vector_load %arg6[%parallel_loop3A_995] {strides = array<i32>} : memref<1024xi32, #tpu.memory_space<vmem>>, vector<16xi32>,
      tpu.vector_store %arg6[%parallel_loop3A_995], %broadcast_in_dim3A_1 {strides = array<i32>} : memref<1024xi32, #tpu.memory_space<vmem>>, vector<16xi32>,
    } {sc.loop_unroll_factor = 4 : i64, sc.parallel_access}
    %parallel_loop3A_517 = arith.constant 0 : i32
    %parallel_loop3A_518 = arith.constant 2048 : i32
    %parallel_loop3A_519 = arith.constant 1 : i32
    scf.for %parallel_loop3A_992 = %parallel_loop3A_517 to %parallel_loop3A_518 step %parallel_loop3A_519  : i32 {
      %parallel_loop3A_993 = arith.constant 16 : i32
      %parallel_loop3A_994 = arith.muli %parallel_loop3A_992, %parallel_loop3A_993 : i32
      %parallel_loop3A_995 = arith.index_cast %parallel_loop3A_994 : i32 to index
      %parallel_loop3A_996 = tpu.vector_load %arg4[%parallel_loop3A_995] {strides = array<i32>} : memref<32768xf32, #tpu.memory_space<vmem>>, vector<16xf32>,
      %parallel_loop3A_997 = vector.bitcast %parallel_loop3A_996 : vector<16xf32> to vector<16xi32>
      %parallel_loop3A_998 = arith.constant 20 : i32
      %parallel_loop3A_999 = vector.broadcast %parallel_loop3A_998 : i32 to vector<16xi32>
      %parallel_loop3A_1000 = arith.shrsi %parallel_loop3A_997, %parallel_loop3A_999 : vector<16xi32>
      %parallel_loop3A_1001 = arith.constant 1023 : i32
      %parallel_loop3A_1002 = vector.broadcast %parallel_loop3A_1001 : i32 to vector<16xi32>
      %parallel_loop3A_1003 = arith.andi %parallel_loop3A_1000, %parallel_loop3A_1002 : vector<16xi32>
      tpu.vector_store_idx %arg6[%parallel_loop3A_1003], %broadcast_in_dim3A_3 {add = true} : memref<1024xi32, #tpu.memory_space<vmem>>[vector<16xi32>], vector<16xi32>,
    } {sc.loop_unroll_factor = 16 : i64, sc.parallel_access}
    %get3A_520 = arith.constant 1008 : index
    %get3A_521 = tpu.vector_load %arg6[%get3A_520] {strides = array<i32>} : memref<1024xi32, #tpu.memory_space<vmem>>, vector<16xi32>,
    %reduce_sum3A_522 = arith.constant true
    %reduce_sum3A_523 = vector.broadcast %reduce_sum3A_522 : i1 to vector<16xi1>
    %reduce_sum3A_524 = tpu.scan <sum>, %get3A_521 masked %reduce_sum3A_523 : vector<16xi32>, vector<16xi1> -> vector<16xi32>
    %reduce_sum3A_525 = vector.extract %reduce_sum3A_524[15] : i32 from vector<16xi32>
    %while3A_526 = arith.constant 3276 : i32
    %while3A_527 = arith.constant 63 : i32
    %while3A_528 = arith.constant 0 : i32
    %while3A_529:3 = scf.while (%while3A_992 = %while3A_527, %while3A_993 = %while3A_528, %while3A_994 = %reduce_sum3A_525) : (i32, i32, i32) -> (i32, i32, i32) {
      %add3A_995 = arith.addi %while3A_993, %while3A_994 : i32
      %lt3A = arith.cmpi slt, %add3A_995, %while3A_526 : i32
      scf.condition(%lt3A) %while3A_992, %while3A_993, %while3A_994 : i32, i32, i32
    } do {
    ^bb0(%while3A_992: i32, %while3A_993: i32, %while3A_994: i32):
      %sub3A_995 = arith.constant 1 : i32
      %sub3A_996 = arith.subi %while3A_992, %sub3A_995 : i32
      %add3A_997 = arith.addi %while3A_993, %while3A_994 : i32
      %sub3A_998 = arith.constant 1 : i32
      %sub3A_999 = arith.subi %while3A_992, %sub3A_998 : i32
      %mul3A_1000 = arith.constant 16 : i32
      %mul3A_1001 = arith.muli %sub3A_999, %mul3A_1000 : i32
      %get3A_1002 = arith.index_cast %mul3A_1001 : i32 to index
      %get3A_1003 = tpu.vector_load %arg6[%get3A_1002] {strides = array<i32>} : memref<1024xi32, #tpu.memory_space<vmem>>, vector<16xi32>,
      %reduce_sum3A_1004 = arith.constant true
      %reduce_sum3A_1005 = vector.broadcast %reduce_sum3A_1004 : i1 to vector<16xi1>
      %reduce_sum3A_1006 = tpu.scan <sum>, %get3A_1003 masked %reduce_sum3A_1005 : vector<16xi32>, vector<16xi1> -> vector<16xi32>
      %reduce_sum3A_1007 = vector.extract %reduce_sum3A_1006[15] : i32 from vector<16xi32>
      scf.yield %sub3A_996, %add3A_997, %reduce_sum3A_1007 : i32, i32, i32
    }
    %mul3A_530 = arith.constant 16 : i32
    %mul3A_531 = arith.muli %while3A_529#0, %mul3A_530 : i32
    %get3A_532 = arith.index_cast %mul3A_531 : i32 to index
    %get3A_533 = tpu.vector_load %arg6[%get3A_532] {strides = array<i32>} : memref<1024xi32, #tpu.memory_space<vmem>>, vector<16xi32>,
    %rev3A_534 = arith.constant 15 : i32
    %rev3A_535 = vector.broadcast %rev3A_534 : i32 to vector<16xi32>
    %rev3A_536 = tpu.iota {dimensions = array<i32: 0>} : vector<16xi32>
    %rev3A_537 = arith.subi %rev3A_535, %rev3A_536 : vector<16xi32>
    %rev3A_538 = tpu.dynamic_gather %get3A_533[%rev3A_537] in [0] : vector<16xi32>, vector<16xi32> -> vector<16xi32>
    %broadcast_in_dim3A_539 = arith.constant true
    %broadcast_in_dim3A_540 = vector.broadcast %broadcast_in_dim3A_539 : i1 to vector<16xi1>
    %masked_cumsum3A_541 = tpu.scan <sum>, %rev3A_538 masked %broadcast_in_dim3A_540 : vector<16xi32>, vector<16xi1> -> vector<16xi32>
    %rev3A_542 = arith.constant 15 : i32
    %rev3A_543 = vector.broadcast %rev3A_542 : i32 to vector<16xi32>
    %rev3A_544 = tpu.iota {dimensions = array<i32: 0>} : vector<16xi32>
    %rev3A_545 = arith.subi %rev3A_543, %rev3A_544 : vector<16xi32>
    %rev3A_546 = tpu.dynamic_gather %masked_cumsum3A_541[%rev3A_545] in [0] : vector<16xi32>, vector<16xi32> -> vector<16xi32>
    %sub3A_547 = arith.constant 3276 : i32
    %sub3A_548 = arith.subi %sub3A_547, %while3A_529#1 : i32
    %ge3A_549 = vector.broadcast %sub3A_548 : i32 to vector<16xi32>
    %ge3A_550 = arith.cmpi sge, %rev3A_546, %ge3A_549 : vector<16xi32>
    %all_reduce_population_count3A_551 = tpu.all_reduce %ge3A_550 {dim = 0 : i64, kind = #tpu.reduction_kind<sum>} : vector<16xi1> -> vector<16xi32>
    %slice3A_552 = vector.extract_strided_slice %all_reduce_population_count3A_551 {offsets = [0], sizes = [1], strides = [1]} : vector<16xi32> to vector<1xi32>
    %squeeze3A_553 = vector.extract %slice3A_552[0] : i32 from vector<1xi32>
    %sub3A_554 = arith.constant 1 : i32
    %sub3A_555 = arith.subi %squeeze3A_553, %sub3A_554 : i32
    %iota3A_556 = tpu.iota {dimensions = array<i32: 0>} : vector<16xi32>
    %eq3A_557 = vector.broadcast %sub3A_555 : i32 to vector<16xi32>
    %eq3A_558 = arith.cmpi eq, %iota3A_556, %eq3A_557 : vector<16xi32>
    %jit3A_559 = arith.constant 0 : i32
    %broadcast_in_dim3A_560 = vector.broadcast %jit3A_559 : i32 to vector<16xi32>
    %select_n3A_561 = arith.select %eq3A_558, %rev3A_546, %broadcast_in_dim3A_560 : vector<16xi1>, vector<16xi32>
    %reduce_sum3A_562 = arith.constant true
    %reduce_sum3A_563 = vector.broadcast %reduce_sum3A_562 : i1 to vector<16xi1>
    %reduce_sum3A_564 = tpu.scan <sum>, %select_n3A_561 masked %reduce_sum3A_563 : vector<16xi32>, vector<16xi1> -> vector<16xi32>
    %reduce_sum3A_565 = vector.extract %reduce_sum3A_564[15] : i32 from vector<16xi32>
    %jit3A_566 = arith.constant 0 : i32
    %broadcast_in_dim3A_567 = vector.broadcast %jit3A_566 : i32 to vector<16xi32>
    %select_n3A_568 = arith.select %eq3A_558, %get3A_533, %broadcast_in_dim3A_567 : vector<16xi1>, vector<16xi32>
    %reduce_sum3A_569 = arith.constant true
    %reduce_sum3A_570 = vector.broadcast %reduce_sum3A_569 : i1 to vector<16xi1>
    %reduce_sum3A_571 = tpu.scan <sum>, %select_n3A_568 masked %reduce_sum3A_570 : vector<16xi32>, vector<16xi1> -> vector<16xi32>
    %reduce_sum3A_572 = vector.extract %reduce_sum3A_571[15] : i32 from vector<16xi32>
    %mul3A_573 = arith.constant 16 : i32
    %mul3A_574 = arith.muli %while3A_529#0, %mul3A_573 : i32
    %add3A_575 = arith.addi %mul3A_574, %sub3A_555 : i32
    %sub3A_576 = arith.subi %reduce_sum3A_565, %reduce_sum3A_572 : i32
    %sub3A_577 = arith.subi %sub3A_548, %sub3A_576 : i32
    %parallel_loop3A_578 = arith.constant 0 : i32
    %parallel_loop3A_579 = arith.constant 2048 : i32
    %parallel_loop3A_580 = arith.constant 1 : i32
    %parallel_loop3A_581 = arith.constant 0 : i32
    %parallel_loop3A_582 = scf.for %parallel_loop3A_992 = %parallel_loop3A_578 to %parallel_loop3A_579 step %parallel_loop3A_580 iter_args(%parallel_loop3A_993 = %parallel_loop3A_581) -> (i32)  : i32 {
      %parallel_loop3A_994 = arith.constant 16 : i32
      %parallel_loop3A_995 = arith.muli %parallel_loop3A_992, %parallel_loop3A_994 : i32
      %parallel_loop3A_996 = arith.index_cast %parallel_loop3A_995 : i32 to index
      %parallel_loop3A_997 = tpu.vector_load %arg4[%parallel_loop3A_996] {strides = array<i32>} : memref<32768xf32, #tpu.memory_space<vmem>>, vector<16xf32>,
      %parallel_loop3A_998 = vector.bitcast %parallel_loop3A_997 : vector<16xf32> to vector<16xi32>
      %parallel_loop3A_999 = arith.constant 20 : i32
      %parallel_loop3A_1000 = vector.broadcast %parallel_loop3A_999 : i32 to vector<16xi32>
      %parallel_loop3A_1001 = arith.shrsi %parallel_loop3A_998, %parallel_loop3A_1000 : vector<16xi32>
      %parallel_loop3A_1002 = vector.broadcast %add3A_575 : i32 to vector<16xi32>
      %parallel_loop3A_1003 = arith.cmpi eq, %parallel_loop3A_1001, %parallel_loop3A_1002 : vector<16xi32>
      %parallel_loop3A_1004 = arith.index_cast %parallel_loop3A_993 : i32 to index
      %parallel_loop3A_1005 = tpu.vector_load %arg7[%parallel_loop3A_1004] masked %parallel_loop3A_1003 {strides = array<i32>} : memref<32784xi32, #tpu.memory_space<vmem>>, vector<16xi32>, vector<16xi1>
      tpu.vector_store %arg7[%parallel_loop3A_1004], %parallel_loop3A_998 masked %parallel_loop3A_1003 {strides = array<i32>} : memref<32784xi32, #tpu.memory_space<vmem>>, vector<16xi32>, vector<16xi1>
      %parallel_loop3A_1006 = tpu.all_reduce %parallel_loop3A_1003 {dim = 0 : i64, kind = #tpu.reduction_kind<sum>} : vector<16xi1> -> vector<16xi32>
      %parallel_loop3A_1007 = vector.extract_strided_slice %parallel_loop3A_1006 {offsets = [0], sizes = [1], strides = [1]} : vector<16xi32> to vector<1xi32>
      %parallel_loop3A_1008 = vector.extract %parallel_loop3A_1007[0] : i32 from vector<1xi32>
      %parallel_loop3A_1009 = arith.addi %parallel_loop3A_993, %parallel_loop3A_1008 : i32
      scf.yield %parallel_loop3A_1009 : i32
    } {sc.loop_unroll_factor = 16 : i64, sc.parallel_access}
    %add3A_583 = arith.constant 15 : i32
    %add3A_584 = arith.addi %reduce_sum3A_572, %add3A_583 : i32
    %shift_right_arithmetic3A_585 = arith.constant 4 : i32
    %shift_right_arithmetic3A_586 = arith.shrsi %add3A_584, %shift_right_arithmetic3A_585 : i32
    %parallel_loop3A_587 = arith.constant 0 : i32
    %parallel_loop3A_588 = arith.constant 64 : i32
    %parallel_loop3A_589 = arith.constant 1 : i32
    scf.for %parallel_loop3A_992 = %parallel_loop3A_587 to %parallel_loop3A_588 step %parallel_loop3A_589  : i32 {
      %parallel_loop3A_993 = arith.constant 16 : i32
      %parallel_loop3A_994 = arith.muli %parallel_loop3A_992, %parallel_loop3A_993 : i32
      %parallel_loop3A_995 = arith.index_cast %parallel_loop3A_994 : i32 to index
      %parallel_loop3A_996 = tpu.vector_load %arg6[%parallel_loop3A_995] {strides = array<i32>} : memref<1024xi32, #tpu.memory_space<vmem>>, vector<16xi32>,
      tpu.vector_store %arg6[%parallel_loop3A_995], %broadcast_in_dim3A_1 {strides = array<i32>} : memref<1024xi32, #tpu.memory_space<vmem>>, vector<16xi32>,
    } {sc.loop_unroll_factor = 4 : i64, sc.parallel_access}
    %parallel_loop3A_590 = arith.constant 0 : i32
    %parallel_loop3A_591 = arith.constant 1 : i32
    scf.for %parallel_loop3A_992 = %parallel_loop3A_590 to %shift_right_arithmetic3A_586 step %parallel_loop3A_591  : i32 {
      %parallel_loop3A_993 = arith.constant 16 : i32
      %parallel_loop3A_994 = arith.muli %parallel_loop3A_992, %parallel_loop3A_993 : i32
      %parallel_loop3A_995 = arith.index_cast %parallel_loop3A_994 : i32 to index
      %parallel_loop3A_996 = tpu.vector_load %arg7[%parallel_loop3A_995] {strides = array<i32>} : memref<32784xi32, #tpu.memory_space<vmem>>, vector<16xi32>,
      %parallel_loop3A_997 = arith.constant 16 : i32
      %parallel_loop3A_998 = arith.muli %parallel_loop3A_992, %parallel_loop3A_997 : i32
      %parallel_loop3A_999 = vector.broadcast %parallel_loop3A_998 : i32 to vector<16xi32>
      %parallel_loop3A_1000 = arith.addi %parallel_loop3A_999, %iota3A : vector<16xi32>
      %parallel_loop3A_1001 = vector.broadcast %reduce_sum3A_572 : i32 to vector<16xi32>
      %parallel_loop3A_1002 = arith.cmpi slt, %parallel_loop3A_1000, %parallel_loop3A_1001 : vector<16xi32>
      %parallel_loop3A_1003 = arith.constant 10 : i32
      %parallel_loop3A_1004 = vector.broadcast %parallel_loop3A_1003 : i32 to vector<16xi32>
      %parallel_loop3A_1005 = arith.shrsi %parallel_loop3A_996, %parallel_loop3A_1004 : vector<16xi32>
      %parallel_loop3A_1006 = arith.constant 1023 : i32
      %parallel_loop3A_1007 = vector.broadcast %parallel_loop3A_1006 : i32 to vector<16xi32>
      %parallel_loop3A_1008 = arith.andi %parallel_loop3A_1005, %parallel_loop3A_1007 : vector<16xi32>
      tpu.vector_store_idx %arg6[%parallel_loop3A_1008], %broadcast_in_dim3A_3 masked %parallel_loop3A_1002 {add = true} : memref<1024xi32, #tpu.memory_space<vmem>>[vector<16xi32>], vector<16xi32>, vector<16xi1>
    } {sc.loop_unroll_factor = 1 : i64, sc.parallel_access}
    %get3A_592 = arith.constant 1008 : index
    %get3A_593 = tpu.vector_load %arg6[%get3A_592] {strides = array<i32>} : memref<1024xi32, #tpu.memory_space<vmem>>, vector<16xi32>,
    %reduce_sum3A_594 = arith.constant true
    %reduce_sum3A_595 = vector.broadcast %reduce_sum3A_594 : i1 to vector<16xi1>
    %reduce_sum3A_596 = tpu.scan <sum>, %get3A_593 masked %reduce_sum3A_595 : vector<16xi32>, vector<16xi1> -> vector<16xi32>
    %reduce_sum3A_597 = vector.extract %reduce_sum3A_596[15] : i32 from vector<16xi32>
    %while3A_598 = arith.constant 63 : i32
    %while3A_599 = arith.constant 0 : i32
    %while3A_600:3 = scf.while (%while3A_992 = %while3A_598, %while3A_993 = %while3A_599, %while3A_994 = %reduce_sum3A_597) : (i32, i32, i32) -> (i32, i32, i32) {
      %add3A_995 = arith.addi %while3A_993, %while3A_994 : i32
      %lt3A = arith.cmpi slt, %add3A_995, %sub3A_577 : i32
      scf.condition(%lt3A) %while3A_992, %while3A_993, %while3A_994 : i32, i32, i32
    } do {
    ^bb0(%while3A_992: i32, %while3A_993: i32, %while3A_994: i32):
      %sub3A_995 = arith.constant 1 : i32
      %sub3A_996 = arith.subi %while3A_992, %sub3A_995 : i32
      %add3A_997 = arith.addi %while3A_993, %while3A_994 : i32
      %sub3A_998 = arith.constant 1 : i32
      %sub3A_999 = arith.subi %while3A_992, %sub3A_998 : i32
      %mul3A_1000 = arith.constant 16 : i32
      %mul3A_1001 = arith.muli %sub3A_999, %mul3A_1000 : i32
      %get3A_1002 = arith.index_cast %mul3A_1001 : i32 to index
      %get3A_1003 = tpu.vector_load %arg6[%get3A_1002] {strides = array<i32>} : memref<1024xi32, #tpu.memory_space<vmem>>, vector<16xi32>,
      %reduce_sum3A_1004 = arith.constant true
      %reduce_sum3A_1005 = vector.broadcast %reduce_sum3A_1004 : i1 to vector<16xi1>
      %reduce_sum3A_1006 = tpu.scan <sum>, %get3A_1003 masked %reduce_sum3A_1005 : vector<16xi32>, vector<16xi1> -> vector<16xi32>
      %reduce_sum3A_1007 = vector.extract %reduce_sum3A_1006[15] : i32 from vector<16xi32>
      scf.yield %sub3A_996, %add3A_997, %reduce_sum3A_1007 : i32, i32, i32
    }
    %mul3A_601 = arith.constant 16 : i32
    %mul3A_602 = arith.muli %while3A_600#0, %mul3A_601 : i32
    %get3A_603 = arith.index_cast %mul3A_602 : i32 to index
    %get3A_604 = tpu.vector_load %arg6[%get3A_603] {strides = array<i32>} : memref<1024xi32, #tpu.memory_space<vmem>>, vector<16xi32>,
    %rev3A_605 = arith.constant 15 : i32
    %rev3A_606 = vector.broadcast %rev3A_605 : i32 to vector<16xi32>
    %rev3A_607 = tpu.iota {dimensions = array<i32: 0>} : vector<16xi32>
    %rev3A_608 = arith.subi %rev3A_606, %rev3A_607 : vector<16xi32>
    %rev3A_609 = tpu.dynamic_gather %get3A_604[%rev3A_608] in [0] : vector<16xi32>, vector<16xi32> -> vector<16xi32>
    %broadcast_in_dim3A_610 = arith.constant true
    %broadcast_in_dim3A_611 = vector.broadcast %broadcast_in_dim3A_610 : i1 to vector<16xi1>
    %masked_cumsum3A_612 = tpu.scan <sum>, %rev3A_609 masked %broadcast_in_dim3A_611 : vector<16xi32>, vector<16xi1> -> vector<16xi32>
    %rev3A_613 = arith.constant 15 : i32
    %rev3A_614 = vector.broadcast %rev3A_613 : i32 to vector<16xi32>
    %rev3A_615 = tpu.iota {dimensions = array<i32: 0>} : vector<16xi32>
    %rev3A_616 = arith.subi %rev3A_614, %rev3A_615 : vector<16xi32>
    %rev3A_617 = tpu.dynamic_gather %masked_cumsum3A_612[%rev3A_616] in [0] : vector<16xi32>, vector<16xi32> -> vector<16xi32>
    %sub3A_618 = arith.subi %sub3A_577, %while3A_600#1 : i32
    %ge3A_619 = vector.broadcast %sub3A_618 : i32 to vector<16xi32>
    %ge3A_620 = arith.cmpi sge, %rev3A_617, %ge3A_619 : vector<16xi32>
    %all_reduce_population_count3A_621 = tpu.all_reduce %ge3A_620 {dim = 0 : i64, kind = #tpu.reduction_kind<sum>} : vector<16xi1> -> vector<16xi32>
    %slice3A_622 = vector.extract_strided_slice %all_reduce_population_count3A_621 {offsets = [0], sizes = [1], strides = [1]} : vector<16xi32> to vector<1xi32>
    %squeeze3A_623 = vector.extract %slice3A_622[0] : i32 from vector<1xi32>
    %sub3A_624 = arith.constant 1 : i32
    %sub3A_625 = arith.subi %squeeze3A_623, %sub3A_624 : i32
    %iota3A_626 = tpu.iota {dimensions = array<i32: 0>} : vector<16xi32>
    %eq3A_627 = vector.broadcast %sub3A_625 : i32 to vector<16xi32>
    %eq3A_628 = arith.cmpi eq, %iota3A_626, %eq3A_627 : vector<16xi32>
    %jit3A_629 = arith.constant 0 : i32
    %broadcast_in_dim3A_630 = vector.broadcast %jit3A_629 : i32 to vector<16xi32>
    %select_n3A_631 = arith.select %eq3A_628, %rev3A_617, %broadcast_in_dim3A_630 : vector<16xi1>, vector<16xi32>
    %reduce_sum3A_632 = arith.constant true
    %reduce_sum3A_633 = vector.broadcast %reduce_sum3A_632 : i1 to vector<16xi1>
    %reduce_sum3A_634 = tpu.scan <sum>, %select_n3A_631 masked %reduce_sum3A_633 : vector<16xi32>, vector<16xi1> -> vector<16xi32>
    %reduce_sum3A_635 = vector.extract %reduce_sum3A_634[15] : i32 from vector<16xi32>
    %jit3A_636 = arith.constant 0 : i32
    %broadcast_in_dim3A_637 = vector.broadcast %jit3A_636 : i32 to vector<16xi32>
    %select_n3A_638 = arith.select %eq3A_628, %get3A_604, %broadcast_in_dim3A_637 : vector<16xi1>, vector<16xi32>
    %reduce_sum3A_639 = arith.constant true
    %reduce_sum3A_640 = vector.broadcast %reduce_sum3A_639 : i1 to vector<16xi1>
    %reduce_sum3A_641 = tpu.scan <sum>, %select_n3A_638 masked %reduce_sum3A_640 : vector<16xi32>, vector<16xi1> -> vector<16xi32>
    %reduce_sum3A_642 = vector.extract %reduce_sum3A_641[15] : i32 from vector<16xi32>
    %mul3A_643 = arith.constant 16 : i32
    %mul3A_644 = arith.muli %while3A_600#0, %mul3A_643 : i32
    %add3A_645 = arith.addi %mul3A_644, %sub3A_625 : i32
    %sub3A_646 = arith.subi %reduce_sum3A_635, %reduce_sum3A_642 : i32
    %sub3A_647 = arith.subi %sub3A_618, %sub3A_646 : i32
    %while3A_648 = arith.constant 0 : i32
    %while3A_649 = arith.constant 0 : i32
    %while3A_650 = arith.subi %shift_right_arithmetic3A_586, %while3A_648 : i32
    %while3A_651 = arith.addi %while3A_648, %while3A_650 : i32
    %while3A_652 = arith.constant 1 : i32
    %while3A_653 = arith.divsi %while3A_650, %while3A_652 : i32
    %while3A_654 = arith.muli %while3A_653, %while3A_652 : i32
    %while3A_655 = arith.addi %while3A_648, %while3A_654 : i32
    %while3A_656 = arith.constant 1 : i32
    %while3A_657 = scf.for %while3A_992 = %while3A_648 to %while3A_655 step %while3A_656 iter_args(%while3A_993 = %while3A_649) -> (i32)  : i32 {
      %mul3A_994 = arith.constant 16 : i32
      %mul3A_995 = arith.muli %while3A_992, %mul3A_994 : i32
      %get3A_996 = arith.index_cast %mul3A_995 : i32 to index
      %get3A_997 = tpu.vector_load %arg7[%get3A_996] {strides = array<i32>} : memref<32784xi32, #tpu.memory_space<vmem>>, vector<16xi32>,
      %mul3A_998 = arith.constant 16 : i32
      %mul3A_999 = arith.muli %while3A_992, %mul3A_998 : i32
      %add3A_1000 = vector.broadcast %mul3A_999 : i32 to vector<16xi32>
      %add3A_1001 = arith.addi %add3A_1000, %iota3A : vector<16xi32>
      %lt3A = vector.broadcast %reduce_sum3A_572 : i32 to vector<16xi32>
      %lt3A_1002 = arith.cmpi slt, %add3A_1001, %lt3A : vector<16xi32>
      %shift_right_arithmetic3A_1003 = arith.constant 10 : i32
      %shift_right_arithmetic3A_1004 = vector.broadcast %shift_right_arithmetic3A_1003 : i32 to vector<16xi32>
      %shift_right_arithmetic3A_1005 = arith.shrsi %get3A_997, %shift_right_arithmetic3A_1004 : vector<16xi32>
      %and3A = arith.constant 1023 : i32
      %and3A_1006 = vector.broadcast %and3A : i32 to vector<16xi32>
      %and3A_1007 = arith.andi %shift_right_arithmetic3A_1005, %and3A_1006 : vector<16xi32>
      %eq3A_1008 = vector.broadcast %add3A_645 : i32 to vector<16xi32>
      %eq3A_1009 = arith.cmpi eq, %and3A_1007, %eq3A_1008 : vector<16xi32>
      %and3A_1010 = arith.andi %eq3A_1009, %lt3A_1002 : vector<16xi1>
      %swap3A = arith.index_cast %while3A_993 : i32 to index
      %swap3A_1011 = tpu.vector_load %arg7[%swap3A] masked %and3A_1010 {strides = array<i32>} : memref<32784xi32, #tpu.memory_space<vmem>>, vector<16xi32>, vector<16xi1>
      tpu.vector_store %arg7[%swap3A], %get3A_997 masked %and3A_1010 {strides = array<i32>} : memref<32784xi32, #tpu.memory_space<vmem>>, vector<16xi32>, vector<16xi1>
      %all_reduce_population_count3A_1012 = tpu.all_reduce %and3A_1010 {dim = 0 : i64, kind = #tpu.reduction_kind<sum>} : vector<16xi1> -> vector<16xi32>
      %slice3A_1013 = vector.extract_strided_slice %all_reduce_population_count3A_1012 {offsets = [0], sizes = [1], strides = [1]} : vector<16xi32> to vector<1xi32>
      %squeeze3A_1014 = vector.extract %slice3A_1013[0] : i32 from vector<1xi32>
      %add3A_1015 = arith.addi %while3A_993, %squeeze3A_1014 : i32
      scf.yield %add3A_1015 : i32
    }
    %while3A_658 = arith.constant 1 : i32
    %while3A_659 = scf.for %while3A_992 = %while3A_655 to %while3A_651 step %while3A_658 iter_args(%while3A_993 = %while3A_657) -> (i32)  : i32 {
      %mul3A_994 = arith.constant 16 : i32
      %mul3A_995 = arith.muli %while3A_992, %mul3A_994 : i32
      %get3A_996 = arith.index_cast %mul3A_995 : i32 to index
      %get3A_997 = tpu.vector_load %arg7[%get3A_996] {strides = array<i32>} : memref<32784xi32, #tpu.memory_space<vmem>>, vector<16xi32>,
      %mul3A_998 = arith.constant 16 : i32
      %mul3A_999 = arith.muli %while3A_992, %mul3A_998 : i32
      %add3A_1000 = vector.broadcast %mul3A_999 : i32 to vector<16xi32>
      %add3A_1001 = arith.addi %add3A_1000, %iota3A : vector<16xi32>
      %lt3A = vector.broadcast %reduce_sum3A_572 : i32 to vector<16xi32>
      %lt3A_1002 = arith.cmpi slt, %add3A_1001, %lt3A : vector<16xi32>
      %shift_right_arithmetic3A_1003 = arith.constant 10 : i32
      %shift_right_arithmetic3A_1004 = vector.broadcast %shift_right_arithmetic3A_1003 : i32 to vector<16xi32>
      %shift_right_arithmetic3A_1005 = arith.shrsi %get3A_997, %shift_right_arithmetic3A_1004 : vector<16xi32>
      %and3A = arith.constant 1023 : i32
      %and3A_1006 = vector.broadcast %and3A : i32 to vector<16xi32>
      %and3A_1007 = arith.andi %shift_right_arithmetic3A_1005, %and3A_1006 : vector<16xi32>
      %eq3A_1008 = vector.broadcast %add3A_645 : i32 to vector<16xi32>
      %eq3A_1009 = arith.cmpi eq, %and3A_1007, %eq3A_1008 : vector<16xi32>
      %and3A_1010 = arith.andi %eq3A_1009, %lt3A_1002 : vector<16xi1>
      %swap3A = arith.index_cast %while3A_993 : i32 to index
      %swap3A_1011 = tpu.vector_load %arg7[%swap3A] masked %and3A_1010 {strides = array<i32>} : memref<32784xi32, #tpu.memory_space<vmem>>, vector<16xi32>, vector<16xi1>
      tpu.vector_store %arg7[%swap3A], %get3A_997 masked %and3A_1010 {strides = array<i32>} : memref<32784xi32, #tpu.memory_space<vmem>>, vector<16xi32>, vector<16xi1>
      %all_reduce_population_count3A_1012 = tpu.all_reduce %and3A_1010 {dim = 0 : i64, kind = #tpu.reduction_kind<sum>} : vector<16xi1> -> vector<16xi32>
      %slice3A_1013 = vector.extract_strided_slice %all_reduce_population_count3A_1012 {offsets = [0], sizes = [1], strides = [1]} : vector<16xi32> to vector<1xi32>
      %squeeze3A_1014 = vector.extract %slice3A_1013[0] : i32 from vector<1xi32>
      %add3A_1015 = arith.addi %while3A_993, %squeeze3A_1014 : i32
      scf.yield %add3A_1015 : i32
    }
    %add3A_660 = arith.constant 15 : i32
    %add3A_661 = arith.addi %reduce_sum3A_642, %add3A_660 : i32
    %shift_right_arithmetic3A_662 = arith.constant 4 : i32
    %shift_right_arithmetic3A_663 = arith.shrsi %add3A_661, %shift_right_arithmetic3A_662 : i32
    %parallel_loop3A_664 = arith.constant 0 : i32
    %parallel_loop3A_665 = arith.constant 64 : i32
    %parallel_loop3A_666 = arith.constant 1 : i32
    scf.for %parallel_loop3A_992 = %parallel_loop3A_664 to %parallel_loop3A_665 step %parallel_loop3A_666  : i32 {
      %parallel_loop3A_993 = arith.constant 16 : i32
      %parallel_loop3A_994 = arith.muli %parallel_loop3A_992, %parallel_loop3A_993 : i32
      %parallel_loop3A_995 = arith.index_cast %parallel_loop3A_994 : i32 to index
      %parallel_loop3A_996 = tpu.vector_load %arg6[%parallel_loop3A_995] {strides = array<i32>} : memref<1024xi32, #tpu.memory_space<vmem>>, vector<16xi32>,
      tpu.vector_store %arg6[%parallel_loop3A_995], %broadcast_in_dim3A_1 {strides = array<i32>} : memref<1024xi32, #tpu.memory_space<vmem>>, vector<16xi32>,
    } {sc.loop_unroll_factor = 4 : i64, sc.parallel_access}
    %parallel_loop3A_667 = arith.constant 0 : i32
    %parallel_loop3A_668 = arith.constant 1 : i32
    scf.for %parallel_loop3A_992 = %parallel_loop3A_667 to %shift_right_arithmetic3A_663 step %parallel_loop3A_668  : i32 {
      %parallel_loop3A_993 = arith.constant 16 : i32
      %parallel_loop3A_994 = arith.muli %parallel_loop3A_992, %parallel_loop3A_993 : i32
      %parallel_loop3A_995 = arith.index_cast %parallel_loop3A_994 : i32 to index
      %parallel_loop3A_996 = tpu.vector_load %arg7[%parallel_loop3A_995] {strides = array<i32>} : memref<32784xi32, #tpu.memory_space<vmem>>, vector<16xi32>,
      %parallel_loop3A_997 = arith.constant 16 : i32
      %parallel_loop3A_998 = arith.muli %parallel_loop3A_992, %parallel_loop3A_997 : i32
      %parallel_loop3A_999 = vector.broadcast %parallel_loop3A_998 : i32 to vector<16xi32>
      %parallel_loop3A_1000 = arith.addi %parallel_loop3A_999, %iota3A : vector<16xi32>
      %parallel_loop3A_1001 = vector.broadcast %reduce_sum3A_642 : i32 to vector<16xi32>
      %parallel_loop3A_1002 = arith.cmpi slt, %parallel_loop3A_1000, %parallel_loop3A_1001 : vector<16xi32>
      %parallel_loop3A_1003 = arith.constant 1023 : i32
      %parallel_loop3A_1004 = vector.broadcast %parallel_loop3A_1003 : i32 to vector<16xi32>
      %parallel_loop3A_1005 = arith.andi %parallel_loop3A_996, %parallel_loop3A_1004 : vector<16xi32>
      tpu.vector_store_idx %arg6[%parallel_loop3A_1005], %broadcast_in_dim3A_3 masked %parallel_loop3A_1002 {add = true} : memref<1024xi32, #tpu.memory_space<vmem>>[vector<16xi32>], vector<16xi32>, vector<16xi1>
    } {sc.loop_unroll_factor = 1 : i64, sc.parallel_access}
    %get3A_669 = arith.constant 1008 : index
    %get3A_670 = tpu.vector_load %arg6[%get3A_669] {strides = array<i32>} : memref<1024xi32, #tpu.memory_space<vmem>>, vector<16xi32>,
    %reduce_sum3A_671 = arith.constant true
    %reduce_sum3A_672 = vector.broadcast %reduce_sum3A_671 : i1 to vector<16xi1>
    %reduce_sum3A_673 = tpu.scan <sum>, %get3A_670 masked %reduce_sum3A_672 : vector<16xi32>, vector<16xi1> -> vector<16xi32>
    %reduce_sum3A_674 = vector.extract %reduce_sum3A_673[15] : i32 from vector<16xi32>
    %while3A_675 = arith.constant 63 : i32
    %while3A_676 = arith.constant 0 : i32
    %while3A_677:3 = scf.while (%while3A_992 = %while3A_675, %while3A_993 = %while3A_676, %while3A_994 = %reduce_sum3A_674) : (i32, i32, i32) -> (i32, i32, i32) {
      %add3A_995 = arith.addi %while3A_993, %while3A_994 : i32
      %lt3A = arith.cmpi slt, %add3A_995, %sub3A_647 : i32
      scf.condition(%lt3A) %while3A_992, %while3A_993, %while3A_994 : i32, i32, i32
    } do {
    ^bb0(%while3A_992: i32, %while3A_993: i32, %while3A_994: i32):
      %sub3A_995 = arith.constant 1 : i32
      %sub3A_996 = arith.subi %while3A_992, %sub3A_995 : i32
      %add3A_997 = arith.addi %while3A_993, %while3A_994 : i32
      %sub3A_998 = arith.constant 1 : i32
      %sub3A_999 = arith.subi %while3A_992, %sub3A_998 : i32
      %mul3A_1000 = arith.constant 16 : i32
      %mul3A_1001 = arith.muli %sub3A_999, %mul3A_1000 : i32
      %get3A_1002 = arith.index_cast %mul3A_1001 : i32 to index
      %get3A_1003 = tpu.vector_load %arg6[%get3A_1002] {strides = array<i32>} : memref<1024xi32, #tpu.memory_space<vmem>>, vector<16xi32>,
      %reduce_sum3A_1004 = arith.constant true
      %reduce_sum3A_1005 = vector.broadcast %reduce_sum3A_1004 : i1 to vector<16xi1>
      %reduce_sum3A_1006 = tpu.scan <sum>, %get3A_1003 masked %reduce_sum3A_1005 : vector<16xi32>, vector<16xi1> -> vector<16xi32>
      %reduce_sum3A_1007 = vector.extract %reduce_sum3A_1006[15] : i32 from vector<16xi32>
      scf.yield %sub3A_996, %add3A_997, %reduce_sum3A_1007 : i32, i32, i32
    }
    %mul3A_678 = arith.constant 16 : i32
    %mul3A_679 = arith.muli %while3A_677#0, %mul3A_678 : i32
    %get3A_680 = arith.index_cast %mul3A_679 : i32 to index
    %get3A_681 = tpu.vector_load %arg6[%get3A_680] {strides = array<i32>} : memref<1024xi32, #tpu.memory_space<vmem>>, vector<16xi32>,
    %rev3A_682 = arith.constant 15 : i32
    %rev3A_683 = vector.broadcast %rev3A_682 : i32 to vector<16xi32>
    %rev3A_684 = tpu.iota {dimensions = array<i32: 0>} : vector<16xi32>
    %rev3A_685 = arith.subi %rev3A_683, %rev3A_684 : vector<16xi32>
    %rev3A_686 = tpu.dynamic_gather %get3A_681[%rev3A_685] in [0] : vector<16xi32>, vector<16xi32> -> vector<16xi32>
    %broadcast_in_dim3A_687 = arith.constant true
    %broadcast_in_dim3A_688 = vector.broadcast %broadcast_in_dim3A_687 : i1 to vector<16xi1>
    %masked_cumsum3A_689 = tpu.scan <sum>, %rev3A_686 masked %broadcast_in_dim3A_688 : vector<16xi32>, vector<16xi1> -> vector<16xi32>
    %rev3A_690 = arith.constant 15 : i32
    %rev3A_691 = vector.broadcast %rev3A_690 : i32 to vector<16xi32>
    %rev3A_692 = tpu.iota {dimensions = array<i32: 0>} : vector<16xi32>
    %rev3A_693 = arith.subi %rev3A_691, %rev3A_692 : vector<16xi32>
    %rev3A_694 = tpu.dynamic_gather %masked_cumsum3A_689[%rev3A_693] in [0] : vector<16xi32>, vector<16xi32> -> vector<16xi32>
    %sub3A_695 = arith.subi %sub3A_647, %while3A_677#1 : i32
    %ge3A_696 = vector.broadcast %sub3A_695 : i32 to vector<16xi32>
    %ge3A_697 = arith.cmpi sge, %rev3A_694, %ge3A_696 : vector<16xi32>
    %all_reduce_population_count3A_698 = tpu.all_reduce %ge3A_697 {dim = 0 : i64, kind = #tpu.reduction_kind<sum>} : vector<16xi1> -> vector<16xi32>
    %slice3A_699 = vector.extract_strided_slice %all_reduce_population_count3A_698 {offsets = [0], sizes = [1], strides = [1]} : vector<16xi32> to vector<1xi32>
    %squeeze3A_700 = vector.extract %slice3A_699[0] : i32 from vector<1xi32>
    %sub3A_701 = arith.constant 1 : i32
    %sub3A_702 = arith.subi %squeeze3A_700, %sub3A_701 : i32
    %iota3A_703 = tpu.iota {dimensions = array<i32: 0>} : vector<16xi32>
    %eq3A_704 = vector.broadcast %sub3A_702 : i32 to vector<16xi32>
    %eq3A_705 = arith.cmpi eq, %iota3A_703, %eq3A_704 : vector<16xi32>
    %jit3A_706 = arith.constant 0 : i32
    %broadcast_in_dim3A_707 = vector.broadcast %jit3A_706 : i32 to vector<16xi32>
    %select_n3A_708 = arith.select %eq3A_705, %rev3A_694, %broadcast_in_dim3A_707 : vector<16xi1>, vector<16xi32>
    %reduce_sum3A_709 = arith.constant true
    %reduce_sum3A_710 = vector.broadcast %reduce_sum3A_709 : i1 to vector<16xi1>
    %reduce_sum3A_711 = tpu.scan <sum>, %select_n3A_708 masked %reduce_sum3A_710 : vector<16xi32>, vector<16xi1> -> vector<16xi32>
    %reduce_sum3A_712 = vector.extract %reduce_sum3A_711[15] : i32 from vector<16xi32>
    %jit3A_713 = arith.constant 0 : i32
    %broadcast_in_dim3A_714 = vector.broadcast %jit3A_713 : i32 to vector<16xi32>
    %select_n3A_715 = arith.select %eq3A_705, %get3A_681, %broadcast_in_dim3A_714 : vector<16xi1>, vector<16xi32>
    %reduce_sum3A_716 = arith.constant true
    %reduce_sum3A_717 = vector.broadcast %reduce_sum3A_716 : i1 to vector<16xi1>
    %reduce_sum3A_718 = tpu.scan <sum>, %select_n3A_715 masked %reduce_sum3A_717 : vector<16xi32>, vector<16xi1> -> vector<16xi32>
    %reduce_sum3A_719 = vector.extract %reduce_sum3A_718[15] : i32 from vector<16xi32>
    %mul3A_720 = arith.constant 16 : i32
    %mul3A_721 = arith.muli %while3A_677#0, %mul3A_720 : i32
    %add3A_722 = arith.addi %mul3A_721, %sub3A_702 : i32
    %sub3A_723 = arith.subi %reduce_sum3A_712, %reduce_sum3A_719 : i32
    %sub3A_724 = arith.subi %sub3A_695, %sub3A_723 : i32
    %shift_left3A_725 = arith.constant 20 : i32
    %shift_left3A_726 = arith.shli %add3A_575, %shift_left3A_725 : i32
    %shift_left3A_727 = arith.constant 10 : i32
    %shift_left3A_728 = arith.shli %add3A_645, %shift_left3A_727 : i32
    %or3A_729 = arith.ori %shift_left3A_726, %shift_left3A_728 : i32
    %or3A_730 = arith.ori %or3A_729, %add3A_722 : i32
    %broadcast_in_dim3A_731 = vector.broadcast %or3A_730 : i32 to vector<16xi32>
    %bitcast3A_732 = vector.bitcast %broadcast_in_dim3A_731 : vector<16xi32> to vector<16xf32>
    %broadcast_in_dim3A_733 = arith.constant 0.000000e+00 : f32
    %broadcast_in_dim3A_734 = vector.broadcast %broadcast_in_dim3A_733 : f32 to vector<16xf32>
    %parallel_loop3A_735 = arith.constant 0 : i32
    %parallel_loop3A_736 = arith.constant 2048 : i32
    %parallel_loop3A_737 = arith.constant 1 : i32
    scf.for %parallel_loop3A_992 = %parallel_loop3A_735 to %parallel_loop3A_736 step %parallel_loop3A_737  : i32 {
      %parallel_loop3A_993 = arith.constant 16 : i32
      %parallel_loop3A_994 = arith.muli %parallel_loop3A_992, %parallel_loop3A_993 : i32
      %parallel_loop3A_995 = arith.index_cast %parallel_loop3A_994 : i32 to index
      %parallel_loop3A_996 = tpu.vector_load %arg4[%parallel_loop3A_995] {strides = array<i32>} : memref<32768xf32, #tpu.memory_space<vmem>>, vector<16xf32>,
      %parallel_loop3A_997 = arith.cmpf oge, %parallel_loop3A_996, %bitcast3A_732 : vector<16xf32>
      %parallel_loop3A_998 = arith.select %parallel_loop3A_997, %parallel_loop3A_996, %broadcast_in_dim3A_734 : vector<16xi1>, vector<16xf32>
      %parallel_loop3A_999 = arith.index_cast %parallel_loop3A_994 : i32 to index
      %parallel_loop3A_1000 = tpu.vector_load %arg4[%parallel_loop3A_999] {strides = array<i32>} : memref<32768xf32, #tpu.memory_space<vmem>>, vector<16xf32>,
      tpu.vector_store %arg4[%parallel_loop3A_999], %parallel_loop3A_998 {strides = array<i32>} : memref<32768xf32, #tpu.memory_space<vmem>>, vector<16xf32>,
    } {sc.loop_unroll_factor = 16 : i64, sc.parallel_access}
    %dma_start3A_738 = arith.constant 0 : i32
    %dma_start3A_739 = tpu.memref_slice %arg3[%add3A_15, %dma_start3A_738] : memref<128x32768xf32, #tpu.memory_space<hbm>> -> memref<1x32768xf32, #tpu.memory_space<hbm>>
    %dma_start3A_740 = tpu.memref_squeeze %dma_start3A_739 : memref<1x32768xf32, #tpu.memory_space<hbm>> -> memref<32768xf32, #tpu.memory_space<hbm>>
    %dma_start3A_741 = arith.constant 0 : i32
    %dma_start3A_742 = tpu.memref_slice %arg3[%add3A_15, %dma_start3A_741] : memref<128x32768xf32, #tpu.memory_space<hbm>> -> memref<1x32768xf32, #tpu.memory_space<hbm>>
    %dma_start3A_743 = tpu.memref_squeeze %dma_start3A_742 : memref<1x32768xf32, #tpu.memory_space<hbm>> -> memref<32768xf32, #tpu.memory_space<hbm>>
    tpu.enqueue_dma source(%arg4 : memref<32768xf32, #tpu.memory_space<vmem>>) target(%dma_start3A_743 : memref<32768xf32, #tpu.memory_space<hbm>>) target_semaphore(%arg10 : memref<!tpu.dma_semaphore, #tpu.memory_space<semaphore_mem>>)
    %dma_wait3A_744 = arith.constant 0 : i32
    %dma_wait3A_745 = tpu.memref_slice %arg2[%add3A_19, %dma_wait3A_744] : memref<128x32768xf32, #tpu.memory_space<hbm>> -> memref<1x32768xf32, #tpu.memory_space<hbm>>
    %dma_wait3A_746 = tpu.memref_squeeze %dma_wait3A_745 : memref<1x32768xf32, #tpu.memory_space<hbm>> -> memref<32768xf32, #tpu.memory_space<hbm>>
    %dma_wait3A_747 = arith.constant 0 : i32
    %dma_wait3A_748 = tpu.memref_slice %arg2[%add3A_19, %dma_wait3A_747] : memref<128x32768xf32, #tpu.memory_space<hbm>> -> memref<1x32768xf32, #tpu.memory_space<hbm>>
    %dma_wait3A_749 = tpu.memref_squeeze %dma_wait3A_748 : memref<1x32768xf32, #tpu.memory_space<hbm>> -> memref<32768xf32, #tpu.memory_space<hbm>>
    tpu.wait_dma2 semaphore(%arg9 : memref<!tpu.dma_semaphore, #tpu.memory_space<semaphore_mem>>) src(%dma_wait3A_749 : memref<32768xf32, #tpu.memory_space<hbm>>) dst(%arg5 : memref<32768xf32, #tpu.memory_space<vmem>>)
    %parallel_loop3A_750 = arith.constant 0 : i32
    %parallel_loop3A_751 = arith.constant 64 : i32
    %parallel_loop3A_752 = arith.constant 1 : i32
    scf.for %parallel_loop3A_992 = %parallel_loop3A_750 to %parallel_loop3A_751 step %parallel_loop3A_752  : i32 {
      %parallel_loop3A_993 = arith.constant 16 : i32
      %parallel_loop3A_994 = arith.muli %parallel_loop3A_992, %parallel_loop3A_993 : i32
      %parallel_loop3A_995 = arith.index_cast %parallel_loop3A_994 : i32 to index
      %parallel_loop3A_996 = tpu.vector_load %arg6[%parallel_loop3A_995] {strides = array<i32>} : memref<1024xi32, #tpu.memory_space<vmem>>, vector<16xi32>,
      tpu.vector_store %arg6[%parallel_loop3A_995], %broadcast_in_dim3A_1 {strides = array<i32>} : memref<1024xi32, #tpu.memory_space<vmem>>, vector<16xi32>,
    } {sc.loop_unroll_factor = 4 : i64, sc.parallel_access}
    %parallel_loop3A_753 = arith.constant 0 : i32
    %parallel_loop3A_754 = arith.constant 2048 : i32
    %parallel_loop3A_755 = arith.constant 1 : i32
    scf.for %parallel_loop3A_992 = %parallel_loop3A_753 to %parallel_loop3A_754 step %parallel_loop3A_755  : i32 {
      %parallel_loop3A_993 = arith.constant 16 : i32
      %parallel_loop3A_994 = arith.muli %parallel_loop3A_992, %parallel_loop3A_993 : i32
      %parallel_loop3A_995 = arith.index_cast %parallel_loop3A_994 : i32 to index
      %parallel_loop3A_996 = tpu.vector_load %arg5[%parallel_loop3A_995] {strides = array<i32>} : memref<32768xf32, #tpu.memory_space<vmem>>, vector<16xf32>,
      %parallel_loop3A_997 = vector.bitcast %parallel_loop3A_996 : vector<16xf32> to vector<16xi32>
      %parallel_loop3A_998 = arith.constant 20 : i32
      %parallel_loop3A_999 = vector.broadcast %parallel_loop3A_998 : i32 to vector<16xi32>
      %parallel_loop3A_1000 = arith.shrsi %parallel_loop3A_997, %parallel_loop3A_999 : vector<16xi32>
      %parallel_loop3A_1001 = arith.constant 1023 : i32
      %parallel_loop3A_1002 = vector.broadcast %parallel_loop3A_1001 : i32 to vector<16xi32>
      %parallel_loop3A_1003 = arith.andi %parallel_loop3A_1000, %parallel_loop3A_1002 : vector<16xi32>
      tpu.vector_store_idx %arg6[%parallel_loop3A_1003], %broadcast_in_dim3A_3 {add = true} : memref<1024xi32, #tpu.memory_space<vmem>>[vector<16xi32>], vector<16xi32>,
    } {sc.loop_unroll_factor = 16 : i64, sc.parallel_access}
    %get3A_756 = arith.constant 1008 : index
    %get3A_757 = tpu.vector_load %arg6[%get3A_756] {strides = array<i32>} : memref<1024xi32, #tpu.memory_space<vmem>>, vector<16xi32>,
    %reduce_sum3A_758 = arith.constant true
    %reduce_sum3A_759 = vector.broadcast %reduce_sum3A_758 : i1 to vector<16xi1>
    %reduce_sum3A_760 = tpu.scan <sum>, %get3A_757 masked %reduce_sum3A_759 : vector<16xi32>, vector<16xi1> -> vector<16xi32>
    %reduce_sum3A_761 = vector.extract %reduce_sum3A_760[15] : i32 from vector<16xi32>
    %while3A_762 = arith.constant 3276 : i32
    %while3A_763 = arith.constant 63 : i32
    %while3A_764 = arith.constant 0 : i32
    %while3A_765:3 = scf.while (%while3A_992 = %while3A_763, %while3A_993 = %while3A_764, %while3A_994 = %reduce_sum3A_761) : (i32, i32, i32) -> (i32, i32, i32) {
      %add3A_995 = arith.addi %while3A_993, %while3A_994 : i32
      %lt3A = arith.cmpi slt, %add3A_995, %while3A_762 : i32
      scf.condition(%lt3A) %while3A_992, %while3A_993, %while3A_994 : i32, i32, i32
    } do {
    ^bb0(%while3A_992: i32, %while3A_993: i32, %while3A_994: i32):
      %sub3A_995 = arith.constant 1 : i32
      %sub3A_996 = arith.subi %while3A_992, %sub3A_995 : i32
      %add3A_997 = arith.addi %while3A_993, %while3A_994 : i32
      %sub3A_998 = arith.constant 1 : i32
      %sub3A_999 = arith.subi %while3A_992, %sub3A_998 : i32
      %mul3A_1000 = arith.constant 16 : i32
      %mul3A_1001 = arith.muli %sub3A_999, %mul3A_1000 : i32
      %get3A_1002 = arith.index_cast %mul3A_1001 : i32 to index
      %get3A_1003 = tpu.vector_load %arg6[%get3A_1002] {strides = array<i32>} : memref<1024xi32, #tpu.memory_space<vmem>>, vector<16xi32>,
      %reduce_sum3A_1004 = arith.constant true
      %reduce_sum3A_1005 = vector.broadcast %reduce_sum3A_1004 : i1 to vector<16xi1>
      %reduce_sum3A_1006 = tpu.scan <sum>, %get3A_1003 masked %reduce_sum3A_1005 : vector<16xi32>, vector<16xi1> -> vector<16xi32>
      %reduce_sum3A_1007 = vector.extract %reduce_sum3A_1006[15] : i32 from vector<16xi32>
      scf.yield %sub3A_996, %add3A_997, %reduce_sum3A_1007 : i32, i32, i32
    }
    %mul3A_766 = arith.constant 16 : i32
    %mul3A_767 = arith.muli %while3A_765#0, %mul3A_766 : i32
    %get3A_768 = arith.index_cast %mul3A_767 : i32 to index
    %get3A_769 = tpu.vector_load %arg6[%get3A_768] {strides = array<i32>} : memref<1024xi32, #tpu.memory_space<vmem>>, vector<16xi32>,
    %rev3A_770 = arith.constant 15 : i32
    %rev3A_771 = vector.broadcast %rev3A_770 : i32 to vector<16xi32>
    %rev3A_772 = tpu.iota {dimensions = array<i32: 0>} : vector<16xi32>
    %rev3A_773 = arith.subi %rev3A_771, %rev3A_772 : vector<16xi32>
    %rev3A_774 = tpu.dynamic_gather %get3A_769[%rev3A_773] in [0] : vector<16xi32>, vector<16xi32> -> vector<16xi32>
    %broadcast_in_dim3A_775 = arith.constant true
    %broadcast_in_dim3A_776 = vector.broadcast %broadcast_in_dim3A_775 : i1 to vector<16xi1>
    %masked_cumsum3A_777 = tpu.scan <sum>, %rev3A_774 masked %broadcast_in_dim3A_776 : vector<16xi32>, vector<16xi1> -> vector<16xi32>
    %rev3A_778 = arith.constant 15 : i32
    %rev3A_779 = vector.broadcast %rev3A_778 : i32 to vector<16xi32>
    %rev3A_780 = tpu.iota {dimensions = array<i32: 0>} : vector<16xi32>
    %rev3A_781 = arith.subi %rev3A_779, %rev3A_780 : vector<16xi32>
    %rev3A_782 = tpu.dynamic_gather %masked_cumsum3A_777[%rev3A_781] in [0] : vector<16xi32>, vector<16xi32> -> vector<16xi32>
    %sub3A_783 = arith.constant 3276 : i32
    %sub3A_784 = arith.subi %sub3A_783, %while3A_765#1 : i32
    %ge3A_785 = vector.broadcast %sub3A_784 : i32 to vector<16xi32>
    %ge3A_786 = arith.cmpi sge, %rev3A_782, %ge3A_785 : vector<16xi32>
    %all_reduce_population_count3A_787 = tpu.all_reduce %ge3A_786 {dim = 0 : i64, kind = #tpu.reduction_kind<sum>} : vector<16xi1> -> vector<16xi32>
    %slice3A_788 = vector.extract_strided_slice %all_reduce_population_count3A_787 {offsets = [0], sizes = [1], strides = [1]} : vector<16xi32> to vector<1xi32>
    %squeeze3A_789 = vector.extract %slice3A_788[0] : i32 from vector<1xi32>
    %sub3A_790 = arith.constant 1 : i32
    %sub3A_791 = arith.subi %squeeze3A_789, %sub3A_790 : i32
    %iota3A_792 = tpu.iota {dimensions = array<i32: 0>} : vector<16xi32>
    %eq3A_793 = vector.broadcast %sub3A_791 : i32 to vector<16xi32>
    %eq3A_794 = arith.cmpi eq, %iota3A_792, %eq3A_793 : vector<16xi32>
    %jit3A_795 = arith.constant 0 : i32
    %broadcast_in_dim3A_796 = vector.broadcast %jit3A_795 : i32 to vector<16xi32>
    %select_n3A_797 = arith.select %eq3A_794, %rev3A_782, %broadcast_in_dim3A_796 : vector<16xi1>, vector<16xi32>
    %reduce_sum3A_798 = arith.constant true
    %reduce_sum3A_799 = vector.broadcast %reduce_sum3A_798 : i1 to vector<16xi1>
    %reduce_sum3A_800 = tpu.scan <sum>, %select_n3A_797 masked %reduce_sum3A_799 : vector<16xi32>, vector<16xi1> -> vector<16xi32>
    %reduce_sum3A_801 = vector.extract %reduce_sum3A_800[15] : i32 from vector<16xi32>
    %jit3A_802 = arith.constant 0 : i32
    %broadcast_in_dim3A_803 = vector.broadcast %jit3A_802 : i32 to vector<16xi32>
    %select_n3A_804 = arith.select %eq3A_794, %get3A_769, %broadcast_in_dim3A_803 : vector<16xi1>, vector<16xi32>
    %reduce_sum3A_805 = arith.constant true
    %reduce_sum3A_806 = vector.broadcast %reduce_sum3A_805 : i1 to vector<16xi1>
    %reduce_sum3A_807 = tpu.scan <sum>, %select_n3A_804 masked %reduce_sum3A_806 : vector<16xi32>, vector<16xi1> -> vector<16xi32>
    %reduce_sum3A_808 = vector.extract %reduce_sum3A_807[15] : i32 from vector<16xi32>
    %mul3A_809 = arith.constant 16 : i32
    %mul3A_810 = arith.muli %while3A_765#0, %mul3A_809 : i32
    %add3A_811 = arith.addi %mul3A_810, %sub3A_791 : i32
    %sub3A_812 = arith.subi %reduce_sum3A_801, %reduce_sum3A_808 : i32
    %sub3A_813 = arith.subi %sub3A_784, %sub3A_812 : i32
    %parallel_loop3A_814 = arith.constant 0 : i32
    %parallel_loop3A_815 = arith.constant 2048 : i32
    %parallel_loop3A_816 = arith.constant 1 : i32
    %parallel_loop3A_817 = arith.constant 0 : i32
    %parallel_loop3A_818 = scf.for %parallel_loop3A_992 = %parallel_loop3A_814 to %parallel_loop3A_815 step %parallel_loop3A_816 iter_args(%parallel_loop3A_993 = %parallel_loop3A_817) -> (i32)  : i32 {
      %parallel_loop3A_994 = arith.constant 16 : i32
      %parallel_loop3A_995 = arith.muli %parallel_loop3A_992, %parallel_loop3A_994 : i32
      %parallel_loop3A_996 = arith.index_cast %parallel_loop3A_995 : i32 to index
      %parallel_loop3A_997 = tpu.vector_load %arg5[%parallel_loop3A_996] {strides = array<i32>} : memref<32768xf32, #tpu.memory_space<vmem>>, vector<16xf32>,
      %parallel_loop3A_998 = vector.bitcast %parallel_loop3A_997 : vector<16xf32> to vector<16xi32>
      %parallel_loop3A_999 = arith.constant 20 : i32
      %parallel_loop3A_1000 = vector.broadcast %parallel_loop3A_999 : i32 to vector<16xi32>
      %parallel_loop3A_1001 = arith.shrsi %parallel_loop3A_998, %parallel_loop3A_1000 : vector<16xi32>
      %parallel_loop3A_1002 = vector.broadcast %add3A_811 : i32 to vector<16xi32>
      %parallel_loop3A_1003 = arith.cmpi eq, %parallel_loop3A_1001, %parallel_loop3A_1002 : vector<16xi32>
      %parallel_loop3A_1004 = arith.index_cast %parallel_loop3A_993 : i32 to index
      %parallel_loop3A_1005 = tpu.vector_load %arg7[%parallel_loop3A_1004] masked %parallel_loop3A_1003 {strides = array<i32>} : memref<32784xi32, #tpu.memory_space<vmem>>, vector<16xi32>, vector<16xi1>
      tpu.vector_store %arg7[%parallel_loop3A_1004], %parallel_loop3A_998 masked %parallel_loop3A_1003 {strides = array<i32>} : memref<32784xi32, #tpu.memory_space<vmem>>, vector<16xi32>, vector<16xi1>
      %parallel_loop3A_1006 = tpu.all_reduce %parallel_loop3A_1003 {dim = 0 : i64, kind = #tpu.reduction_kind<sum>} : vector<16xi1> -> vector<16xi32>
      %parallel_loop3A_1007 = vector.extract_strided_slice %parallel_loop3A_1006 {offsets = [0], sizes = [1], strides = [1]} : vector<16xi32> to vector<1xi32>
      %parallel_loop3A_1008 = vector.extract %parallel_loop3A_1007[0] : i32 from vector<1xi32>
      %parallel_loop3A_1009 = arith.addi %parallel_loop3A_993, %parallel_loop3A_1008 : i32
      scf.yield %parallel_loop3A_1009 : i32
    } {sc.loop_unroll_factor = 16 : i64, sc.parallel_access}
    %add3A_819 = arith.constant 15 : i32
    %add3A_820 = arith.addi %reduce_sum3A_808, %add3A_819 : i32
    %shift_right_arithmetic3A_821 = arith.constant 4 : i32
    %shift_right_arithmetic3A_822 = arith.shrsi %add3A_820, %shift_right_arithmetic3A_821 : i32
    %parallel_loop3A_823 = arith.constant 0 : i32
    %parallel_loop3A_824 = arith.constant 64 : i32
    %parallel_loop3A_825 = arith.constant 1 : i32
    scf.for %parallel_loop3A_992 = %parallel_loop3A_823 to %parallel_loop3A_824 step %parallel_loop3A_825  : i32 {
      %parallel_loop3A_993 = arith.constant 16 : i32
      %parallel_loop3A_994 = arith.muli %parallel_loop3A_992, %parallel_loop3A_993 : i32
      %parallel_loop3A_995 = arith.index_cast %parallel_loop3A_994 : i32 to index
      %parallel_loop3A_996 = tpu.vector_load %arg6[%parallel_loop3A_995] {strides = array<i32>} : memref<1024xi32, #tpu.memory_space<vmem>>, vector<16xi32>,
      tpu.vector_store %arg6[%parallel_loop3A_995], %broadcast_in_dim3A_1 {strides = array<i32>} : memref<1024xi32, #tpu.memory_space<vmem>>, vector<16xi32>,
    } {sc.loop_unroll_factor = 4 : i64, sc.parallel_access}
    %parallel_loop3A_826 = arith.constant 0 : i32
    %parallel_loop3A_827 = arith.constant 1 : i32
    scf.for %parallel_loop3A_992 = %parallel_loop3A_826 to %shift_right_arithmetic3A_822 step %parallel_loop3A_827  : i32 {
      %parallel_loop3A_993 = arith.constant 16 : i32
      %parallel_loop3A_994 = arith.muli %parallel_loop3A_992, %parallel_loop3A_993 : i32
      %parallel_loop3A_995 = arith.index_cast %parallel_loop3A_994 : i32 to index
      %parallel_loop3A_996 = tpu.vector_load %arg7[%parallel_loop3A_995] {strides = array<i32>} : memref<32784xi32, #tpu.memory_space<vmem>>, vector<16xi32>,
      %parallel_loop3A_997 = arith.constant 16 : i32
      %parallel_loop3A_998 = arith.muli %parallel_loop3A_992, %parallel_loop3A_997 : i32
      %parallel_loop3A_999 = vector.broadcast %parallel_loop3A_998 : i32 to vector<16xi32>
      %parallel_loop3A_1000 = arith.addi %parallel_loop3A_999, %iota3A : vector<16xi32>
      %parallel_loop3A_1001 = vector.broadcast %reduce_sum3A_808 : i32 to vector<16xi32>
      %parallel_loop3A_1002 = arith.cmpi slt, %parallel_loop3A_1000, %parallel_loop3A_1001 : vector<16xi32>
      %parallel_loop3A_1003 = arith.constant 10 : i32
      %parallel_loop3A_1004 = vector.broadcast %parallel_loop3A_1003 : i32 to vector<16xi32>
      %parallel_loop3A_1005 = arith.shrsi %parallel_loop3A_996, %parallel_loop3A_1004 : vector<16xi32>
      %parallel_loop3A_1006 = arith.constant 1023 : i32
      %parallel_loop3A_1007 = vector.broadcast %parallel_loop3A_1006 : i32 to vector<16xi32>
      %parallel_loop3A_1008 = arith.andi %parallel_loop3A_1005, %parallel_loop3A_1007 : vector<16xi32>
      tpu.vector_store_idx %arg6[%parallel_loop3A_1008], %broadcast_in_dim3A_3 masked %parallel_loop3A_1002 {add = true} : memref<1024xi32, #tpu.memory_space<vmem>>[vector<16xi32>], vector<16xi32>, vector<16xi1>
    } {sc.loop_unroll_factor = 1 : i64, sc.parallel_access}
    %get3A_828 = arith.constant 1008 : index
    %get3A_829 = tpu.vector_load %arg6[%get3A_828] {strides = array<i32>} : memref<1024xi32, #tpu.memory_space<vmem>>, vector<16xi32>,
    %reduce_sum3A_830 = arith.constant true
    %reduce_sum3A_831 = vector.broadcast %reduce_sum3A_830 : i1 to vector<16xi1>
    %reduce_sum3A_832 = tpu.scan <sum>, %get3A_829 masked %reduce_sum3A_831 : vector<16xi32>, vector<16xi1> -> vector<16xi32>
    %reduce_sum3A_833 = vector.extract %reduce_sum3A_832[15] : i32 from vector<16xi32>
    %while3A_834 = arith.constant 63 : i32
    %while3A_835 = arith.constant 0 : i32
    %while3A_836:3 = scf.while (%while3A_992 = %while3A_834, %while3A_993 = %while3A_835, %while3A_994 = %reduce_sum3A_833) : (i32, i32, i32) -> (i32, i32, i32) {
      %add3A_995 = arith.addi %while3A_993, %while3A_994 : i32
      %lt3A = arith.cmpi slt, %add3A_995, %sub3A_813 : i32
      scf.condition(%lt3A) %while3A_992, %while3A_993, %while3A_994 : i32, i32, i32
    } do {
    ^bb0(%while3A_992: i32, %while3A_993: i32, %while3A_994: i32):
      %sub3A_995 = arith.constant 1 : i32
      %sub3A_996 = arith.subi %while3A_992, %sub3A_995 : i32
      %add3A_997 = arith.addi %while3A_993, %while3A_994 : i32
      %sub3A_998 = arith.constant 1 : i32
      %sub3A_999 = arith.subi %while3A_992, %sub3A_998 : i32
      %mul3A_1000 = arith.constant 16 : i32
      %mul3A_1001 = arith.muli %sub3A_999, %mul3A_1000 : i32
      %get3A_1002 = arith.index_cast %mul3A_1001 : i32 to index
      %get3A_1003 = tpu.vector_load %arg6[%get3A_1002] {strides = array<i32>} : memref<1024xi32, #tpu.memory_space<vmem>>, vector<16xi32>,
      %reduce_sum3A_1004 = arith.constant true
      %reduce_sum3A_1005 = vector.broadcast %reduce_sum3A_1004 : i1 to vector<16xi1>
      %reduce_sum3A_1006 = tpu.scan <sum>, %get3A_1003 masked %reduce_sum3A_1005 : vector<16xi32>, vector<16xi1> -> vector<16xi32>
      %reduce_sum3A_1007 = vector.extract %reduce_sum3A_1006[15] : i32 from vector<16xi32>
      scf.yield %sub3A_996, %add3A_997, %reduce_sum3A_1007 : i32, i32, i32
    }
    %mul3A_837 = arith.constant 16 : i32
    %mul3A_838 = arith.muli %while3A_836#0, %mul3A_837 : i32
    %get3A_839 = arith.index_cast %mul3A_838 : i32 to index
    %get3A_840 = tpu.vector_load %arg6[%get3A_839] {strides = array<i32>} : memref<1024xi32, #tpu.memory_space<vmem>>, vector<16xi32>,
    %rev3A_841 = arith.constant 15 : i32
    %rev3A_842 = vector.broadcast %rev3A_841 : i32 to vector<16xi32>
    %rev3A_843 = tpu.iota {dimensions = array<i32: 0>} : vector<16xi32>
    %rev3A_844 = arith.subi %rev3A_842, %rev3A_843 : vector<16xi32>
    %rev3A_845 = tpu.dynamic_gather %get3A_840[%rev3A_844] in [0] : vector<16xi32>, vector<16xi32> -> vector<16xi32>
    %broadcast_in_dim3A_846 = arith.constant true
    %broadcast_in_dim3A_847 = vector.broadcast %broadcast_in_dim3A_846 : i1 to vector<16xi1>
    %masked_cumsum3A_848 = tpu.scan <sum>, %rev3A_845 masked %broadcast_in_dim3A_847 : vector<16xi32>, vector<16xi1> -> vector<16xi32>
    %rev3A_849 = arith.constant 15 : i32
    %rev3A_850 = vector.broadcast %rev3A_849 : i32 to vector<16xi32>
    %rev3A_851 = tpu.iota {dimensions = array<i32: 0>} : vector<16xi32>
    %rev3A_852 = arith.subi %rev3A_850, %rev3A_851 : vector<16xi32>
    %rev3A_853 = tpu.dynamic_gather %masked_cumsum3A_848[%rev3A_852] in [0] : vector<16xi32>, vector<16xi32> -> vector<16xi32>
    %sub3A_854 = arith.subi %sub3A_813, %while3A_836#1 : i32
    %ge3A_855 = vector.broadcast %sub3A_854 : i32 to vector<16xi32>
    %ge3A_856 = arith.cmpi sge, %rev3A_853, %ge3A_855 : vector<16xi32>
    %all_reduce_population_count3A_857 = tpu.all_reduce %ge3A_856 {dim = 0 : i64, kind = #tpu.reduction_kind<sum>} : vector<16xi1> -> vector<16xi32>
    %slice3A_858 = vector.extract_strided_slice %all_reduce_population_count3A_857 {offsets = [0], sizes = [1], strides = [1]} : vector<16xi32> to vector<1xi32>
    %squeeze3A_859 = vector.extract %slice3A_858[0] : i32 from vector<1xi32>
    %sub3A_860 = arith.constant 1 : i32
    %sub3A_861 = arith.subi %squeeze3A_859, %sub3A_860 : i32
    %iota3A_862 = tpu.iota {dimensions = array<i32: 0>} : vector<16xi32>
    %eq3A_863 = vector.broadcast %sub3A_861 : i32 to vector<16xi32>
    %eq3A_864 = arith.cmpi eq, %iota3A_862, %eq3A_863 : vector<16xi32>
    %jit3A_865 = arith.constant 0 : i32
    %broadcast_in_dim3A_866 = vector.broadcast %jit3A_865 : i32 to vector<16xi32>
    %select_n3A_867 = arith.select %eq3A_864, %rev3A_853, %broadcast_in_dim3A_866 : vector<16xi1>, vector<16xi32>
    %reduce_sum3A_868 = arith.constant true
    %reduce_sum3A_869 = vector.broadcast %reduce_sum3A_868 : i1 to vector<16xi1>
    %reduce_sum3A_870 = tpu.scan <sum>, %select_n3A_867 masked %reduce_sum3A_869 : vector<16xi32>, vector<16xi1> -> vector<16xi32>
    %reduce_sum3A_871 = vector.extract %reduce_sum3A_870[15] : i32 from vector<16xi32>
    %jit3A_872 = arith.constant 0 : i32
    %broadcast_in_dim3A_873 = vector.broadcast %jit3A_872 : i32 to vector<16xi32>
    %select_n3A_874 = arith.select %eq3A_864, %get3A_840, %broadcast_in_dim3A_873 : vector<16xi1>, vector<16xi32>
    %reduce_sum3A_875 = arith.constant true
    %reduce_sum3A_876 = vector.broadcast %reduce_sum3A_875 : i1 to vector<16xi1>
    %reduce_sum3A_877 = tpu.scan <sum>, %select_n3A_874 masked %reduce_sum3A_876 : vector<16xi32>, vector<16xi1> -> vector<16xi32>
    %reduce_sum3A_878 = vector.extract %reduce_sum3A_877[15] : i32 from vector<16xi32>
    %mul3A_879 = arith.constant 16 : i32
    %mul3A_880 = arith.muli %while3A_836#0, %mul3A_879 : i32
    %add3A_881 = arith.addi %mul3A_880, %sub3A_861 : i32
    %sub3A_882 = arith.subi %reduce_sum3A_871, %reduce_sum3A_878 : i32
    %sub3A_883 = arith.subi %sub3A_854, %sub3A_882 : i32
    %while3A_884 = arith.constant 0 : i32
    %while3A_885 = arith.constant 0 : i32
    %while3A_886 = arith.subi %shift_right_arithmetic3A_822, %while3A_884 : i32
    %while3A_887 = arith.addi %while3A_884, %while3A_886 : i32
    %while3A_888 = arith.constant 1 : i32
    %while3A_889 = arith.divsi %while3A_886, %while3A_888 : i32
    %while3A_890 = arith.muli %while3A_889, %while3A_888 : i32
    %while3A_891 = arith.addi %while3A_884, %while3A_890 : i32
    %while3A_892 = arith.constant 1 : i32
    %while3A_893 = scf.for %while3A_992 = %while3A_884 to %while3A_891 step %while3A_892 iter_args(%while3A_993 = %while3A_885) -> (i32)  : i32 {
      %mul3A_994 = arith.constant 16 : i32
      %mul3A_995 = arith.muli %while3A_992, %mul3A_994 : i32
      %get3A_996 = arith.index_cast %mul3A_995 : i32 to index
      %get3A_997 = tpu.vector_load %arg7[%get3A_996] {strides = array<i32>} : memref<32784xi32, #tpu.memory_space<vmem>>, vector<16xi32>,
      %mul3A_998 = arith.constant 16 : i32
      %mul3A_999 = arith.muli %while3A_992, %mul3A_998 : i32
      %add3A_1000 = vector.broadcast %mul3A_999 : i32 to vector<16xi32>
      %add3A_1001 = arith.addi %add3A_1000, %iota3A : vector<16xi32>
      %lt3A = vector.broadcast %reduce_sum3A_808 : i32 to vector<16xi32>
      %lt3A_1002 = arith.cmpi slt, %add3A_1001, %lt3A : vector<16xi32>
      %shift_right_arithmetic3A_1003 = arith.constant 10 : i32
      %shift_right_arithmetic3A_1004 = vector.broadcast %shift_right_arithmetic3A_1003 : i32 to vector<16xi32>
      %shift_right_arithmetic3A_1005 = arith.shrsi %get3A_997, %shift_right_arithmetic3A_1004 : vector<16xi32>
      %and3A = arith.constant 1023 : i32
      %and3A_1006 = vector.broadcast %and3A : i32 to vector<16xi32>
      %and3A_1007 = arith.andi %shift_right_arithmetic3A_1005, %and3A_1006 : vector<16xi32>
      %eq3A_1008 = vector.broadcast %add3A_881 : i32 to vector<16xi32>
      %eq3A_1009 = arith.cmpi eq, %and3A_1007, %eq3A_1008 : vector<16xi32>
      %and3A_1010 = arith.andi %eq3A_1009, %lt3A_1002 : vector<16xi1>
      %swap3A = arith.index_cast %while3A_993 : i32 to index
      %swap3A_1011 = tpu.vector_load %arg7[%swap3A] masked %and3A_1010 {strides = array<i32>} : memref<32784xi32, #tpu.memory_space<vmem>>, vector<16xi32>, vector<16xi1>
      tpu.vector_store %arg7[%swap3A], %get3A_997 masked %and3A_1010 {strides = array<i32>} : memref<32784xi32, #tpu.memory_space<vmem>>, vector<16xi32>, vector<16xi1>
      %all_reduce_population_count3A_1012 = tpu.all_reduce %and3A_1010 {dim = 0 : i64, kind = #tpu.reduction_kind<sum>} : vector<16xi1> -> vector<16xi32>
      %slice3A_1013 = vector.extract_strided_slice %all_reduce_population_count3A_1012 {offsets = [0], sizes = [1], strides = [1]} : vector<16xi32> to vector<1xi32>
      %squeeze3A_1014 = vector.extract %slice3A_1013[0] : i32 from vector<1xi32>
      %add3A_1015 = arith.addi %while3A_993, %squeeze3A_1014 : i32
      scf.yield %add3A_1015 : i32
    }
    %while3A_894 = arith.constant 1 : i32
    %while3A_895 = scf.for %while3A_992 = %while3A_891 to %while3A_887 step %while3A_894 iter_args(%while3A_993 = %while3A_893) -> (i32)  : i32 {
      %mul3A_994 = arith.constant 16 : i32
      %mul3A_995 = arith.muli %while3A_992, %mul3A_994 : i32
      %get3A_996 = arith.index_cast %mul3A_995 : i32 to index
      %get3A_997 = tpu.vector_load %arg7[%get3A_996] {strides = array<i32>} : memref<32784xi32, #tpu.memory_space<vmem>>, vector<16xi32>,
      %mul3A_998 = arith.constant 16 : i32
      %mul3A_999 = arith.muli %while3A_992, %mul3A_998 : i32
      %add3A_1000 = vector.broadcast %mul3A_999 : i32 to vector<16xi32>
      %add3A_1001 = arith.addi %add3A_1000, %iota3A : vector<16xi32>
      %lt3A = vector.broadcast %reduce_sum3A_808 : i32 to vector<16xi32>
      %lt3A_1002 = arith.cmpi slt, %add3A_1001, %lt3A : vector<16xi32>
      %shift_right_arithmetic3A_1003 = arith.constant 10 : i32
      %shift_right_arithmetic3A_1004 = vector.broadcast %shift_right_arithmetic3A_1003 : i32 to vector<16xi32>
      %shift_right_arithmetic3A_1005 = arith.shrsi %get3A_997, %shift_right_arithmetic3A_1004 : vector<16xi32>
      %and3A = arith.constant 1023 : i32
      %and3A_1006 = vector.broadcast %and3A : i32 to vector<16xi32>
      %and3A_1007 = arith.andi %shift_right_arithmetic3A_1005, %and3A_1006 : vector<16xi32>
      %eq3A_1008 = vector.broadcast %add3A_881 : i32 to vector<16xi32>
      %eq3A_1009 = arith.cmpi eq, %and3A_1007, %eq3A_1008 : vector<16xi32>
      %and3A_1010 = arith.andi %eq3A_1009, %lt3A_1002 : vector<16xi1>
      %swap3A = arith.index_cast %while3A_993 : i32 to index
      %swap3A_1011 = tpu.vector_load %arg7[%swap3A] masked %and3A_1010 {strides = array<i32>} : memref<32784xi32, #tpu.memory_space<vmem>>, vector<16xi32>, vector<16xi1>
      tpu.vector_store %arg7[%swap3A], %get3A_997 masked %and3A_1010 {strides = array<i32>} : memref<32784xi32, #tpu.memory_space<vmem>>, vector<16xi32>, vector<16xi1>
      %all_reduce_population_count3A_1012 = tpu.all_reduce %and3A_1010 {dim = 0 : i64, kind = #tpu.reduction_kind<sum>} : vector<16xi1> -> vector<16xi32>
      %slice3A_1013 = vector.extract_strided_slice %all_reduce_population_count3A_1012 {offsets = [0], sizes = [1], strides = [1]} : vector<16xi32> to vector<1xi32>
      %squeeze3A_1014 = vector.extract %slice3A_1013[0] : i32 from vector<1xi32>
      %add3A_1015 = arith.addi %while3A_993, %squeeze3A_1014 : i32
      scf.yield %add3A_1015 : i32
    }
    %add3A_896 = arith.constant 15 : i32
    %add3A_897 = arith.addi %reduce_sum3A_878, %add3A_896 : i32
    %shift_right_arithmetic3A_898 = arith.constant 4 : i32
    %shift_right_arithmetic3A_899 = arith.shrsi %add3A_897, %shift_right_arithmetic3A_898 : i32
    %parallel_loop3A_900 = arith.constant 0 : i32
    %parallel_loop3A_901 = arith.constant 64 : i32
    %parallel_loop3A_902 = arith.constant 1 : i32
    scf.for %parallel_loop3A_992 = %parallel_loop3A_900 to %parallel_loop3A_901 step %parallel_loop3A_902  : i32 {
      %parallel_loop3A_993 = arith.constant 16 : i32
      %parallel_loop3A_994 = arith.muli %parallel_loop3A_992, %parallel_loop3A_993 : i32
      %parallel_loop3A_995 = arith.index_cast %parallel_loop3A_994 : i32 to index
      %parallel_loop3A_996 = tpu.vector_load %arg6[%parallel_loop3A_995] {strides = array<i32>} : memref<1024xi32, #tpu.memory_space<vmem>>, vector<16xi32>,
      tpu.vector_store %arg6[%parallel_loop3A_995], %broadcast_in_dim3A_1 {strides = array<i32>} : memref<1024xi32, #tpu.memory_space<vmem>>, vector<16xi32>,
    } {sc.loop_unroll_factor = 4 : i64, sc.parallel_access}
    %parallel_loop3A_903 = arith.constant 0 : i32
    %parallel_loop3A_904 = arith.constant 1 : i32
    scf.for %parallel_loop3A_992 = %parallel_loop3A_903 to %shift_right_arithmetic3A_899 step %parallel_loop3A_904  : i32 {
      %parallel_loop3A_993 = arith.constant 16 : i32
      %parallel_loop3A_994 = arith.muli %parallel_loop3A_992, %parallel_loop3A_993 : i32
      %parallel_loop3A_995 = arith.index_cast %parallel_loop3A_994 : i32 to index
      %parallel_loop3A_996 = tpu.vector_load %arg7[%parallel_loop3A_995] {strides = array<i32>} : memref<32784xi32, #tpu.memory_space<vmem>>, vector<16xi32>,
      %parallel_loop3A_997 = arith.constant 16 : i32
      %parallel_loop3A_998 = arith.muli %parallel_loop3A_992, %parallel_loop3A_997 : i32
      %parallel_loop3A_999 = vector.broadcast %parallel_loop3A_998 : i32 to vector<16xi32>
      %parallel_loop3A_1000 = arith.addi %parallel_loop3A_999, %iota3A : vector<16xi32>
      %parallel_loop3A_1001 = vector.broadcast %reduce_sum3A_878 : i32 to vector<16xi32>
      %parallel_loop3A_1002 = arith.cmpi slt, %parallel_loop3A_1000, %parallel_loop3A_1001 : vector<16xi32>
      %parallel_loop3A_1003 = arith.constant 1023 : i32
      %parallel_loop3A_1004 = vector.broadcast %parallel_loop3A_1003 : i32 to vector<16xi32>
      %parallel_loop3A_1005 = arith.andi %parallel_loop3A_996, %parallel_loop3A_1004 : vector<16xi32>
      tpu.vector_store_idx %arg6[%parallel_loop3A_1005], %broadcast_in_dim3A_3 masked %parallel_loop3A_1002 {add = true} : memref<1024xi32, #tpu.memory_space<vmem>>[vector<16xi32>], vector<16xi32>, vector<16xi1>
    } {sc.loop_unroll_factor = 1 : i64, sc.parallel_access}
    %get3A_905 = arith.constant 1008 : index
    %get3A_906 = tpu.vector_load %arg6[%get3A_905] {strides = array<i32>} : memref<1024xi32, #tpu.memory_space<vmem>>, vector<16xi32>,
    %reduce_sum3A_907 = arith.constant true
    %reduce_sum3A_908 = vector.broadcast %reduce_sum3A_907 : i1 to vector<16xi1>
    %reduce_sum3A_909 = tpu.scan <sum>, %get3A_906 masked %reduce_sum3A_908 : vector<16xi32>, vector<16xi1> -> vector<16xi32>
    %reduce_sum3A_910 = vector.extract %reduce_sum3A_909[15] : i32 from vector<16xi32>
    %while3A_911 = arith.constant 63 : i32
    %while3A_912 = arith.constant 0 : i32
    %while3A_913:3 = scf.while (%while3A_992 = %while3A_911, %while3A_993 = %while3A_912, %while3A_994 = %reduce_sum3A_910) : (i32, i32, i32) -> (i32, i32, i32) {
      %add3A_995 = arith.addi %while3A_993, %while3A_994 : i32
      %lt3A = arith.cmpi slt, %add3A_995, %sub3A_883 : i32
      scf.condition(%lt3A) %while3A_992, %while3A_993, %while3A_994 : i32, i32, i32
    } do {
    ^bb0(%while3A_992: i32, %while3A_993: i32, %while3A_994: i32):
      %sub3A_995 = arith.constant 1 : i32
      %sub3A_996 = arith.subi %while3A_992, %sub3A_995 : i32
      %add3A_997 = arith.addi %while3A_993, %while3A_994 : i32
      %sub3A_998 = arith.constant 1 : i32
      %sub3A_999 = arith.subi %while3A_992, %sub3A_998 : i32
      %mul3A_1000 = arith.constant 16 : i32
      %mul3A_1001 = arith.muli %sub3A_999, %mul3A_1000 : i32
      %get3A_1002 = arith.index_cast %mul3A_1001 : i32 to index
      %get3A_1003 = tpu.vector_load %arg6[%get3A_1002] {strides = array<i32>} : memref<1024xi32, #tpu.memory_space<vmem>>, vector<16xi32>,
      %reduce_sum3A_1004 = arith.constant true
      %reduce_sum3A_1005 = vector.broadcast %reduce_sum3A_1004 : i1 to vector<16xi1>
      %reduce_sum3A_1006 = tpu.scan <sum>, %get3A_1003 masked %reduce_sum3A_1005 : vector<16xi32>, vector<16xi1> -> vector<16xi32>
      %reduce_sum3A_1007 = vector.extract %reduce_sum3A_1006[15] : i32 from vector<16xi32>
      scf.yield %sub3A_996, %add3A_997, %reduce_sum3A_1007 : i32, i32, i32
    }
    %mul3A_914 = arith.constant 16 : i32
    %mul3A_915 = arith.muli %while3A_913#0, %mul3A_914 : i32
    %get3A_916 = arith.index_cast %mul3A_915 : i32 to index
    %get3A_917 = tpu.vector_load %arg6[%get3A_916] {strides = array<i32>} : memref<1024xi32, #tpu.memory_space<vmem>>, vector<16xi32>,
    %rev3A_918 = arith.constant 15 : i32
    %rev3A_919 = vector.broadcast %rev3A_918 : i32 to vector<16xi32>
    %rev3A_920 = tpu.iota {dimensions = array<i32: 0>} : vector<16xi32>
    %rev3A_921 = arith.subi %rev3A_919, %rev3A_920 : vector<16xi32>
    %rev3A_922 = tpu.dynamic_gather %get3A_917[%rev3A_921] in [0] : vector<16xi32>, vector<16xi32> -> vector<16xi32>
    %broadcast_in_dim3A_923 = arith.constant true
    %broadcast_in_dim3A_924 = vector.broadcast %broadcast_in_dim3A_923 : i1 to vector<16xi1>
    %masked_cumsum3A_925 = tpu.scan <sum>, %rev3A_922 masked %broadcast_in_dim3A_924 : vector<16xi32>, vector<16xi1> -> vector<16xi32>
    %rev3A_926 = arith.constant 15 : i32
    %rev3A_927 = vector.broadcast %rev3A_926 : i32 to vector<16xi32>
    %rev3A_928 = tpu.iota {dimensions = array<i32: 0>} : vector<16xi32>
    %rev3A_929 = arith.subi %rev3A_927, %rev3A_928 : vector<16xi32>
    %rev3A_930 = tpu.dynamic_gather %masked_cumsum3A_925[%rev3A_929] in [0] : vector<16xi32>, vector<16xi32> -> vector<16xi32>
    %sub3A_931 = arith.subi %sub3A_883, %while3A_913#1 : i32
    %ge3A_932 = vector.broadcast %sub3A_931 : i32 to vector<16xi32>
    %ge3A_933 = arith.cmpi sge, %rev3A_930, %ge3A_932 : vector<16xi32>
    %all_reduce_population_count3A_934 = tpu.all_reduce %ge3A_933 {dim = 0 : i64, kind = #tpu.reduction_kind<sum>} : vector<16xi1> -> vector<16xi32>
    %slice3A_935 = vector.extract_strided_slice %all_reduce_population_count3A_934 {offsets = [0], sizes = [1], strides = [1]} : vector<16xi32> to vector<1xi32>
    %squeeze3A_936 = vector.extract %slice3A_935[0] : i32 from vector<1xi32>
    %sub3A_937 = arith.constant 1 : i32
    %sub3A_938 = arith.subi %squeeze3A_936, %sub3A_937 : i32
    %iota3A_939 = tpu.iota {dimensions = array<i32: 0>} : vector<16xi32>
    %eq3A_940 = vector.broadcast %sub3A_938 : i32 to vector<16xi32>
    %eq3A_941 = arith.cmpi eq, %iota3A_939, %eq3A_940 : vector<16xi32>
    %jit3A_942 = arith.constant 0 : i32
    %broadcast_in_dim3A_943 = vector.broadcast %jit3A_942 : i32 to vector<16xi32>
    %select_n3A_944 = arith.select %eq3A_941, %rev3A_930, %broadcast_in_dim3A_943 : vector<16xi1>, vector<16xi32>
    %reduce_sum3A_945 = arith.constant true
    %reduce_sum3A_946 = vector.broadcast %reduce_sum3A_945 : i1 to vector<16xi1>
    %reduce_sum3A_947 = tpu.scan <sum>, %select_n3A_944 masked %reduce_sum3A_946 : vector<16xi32>, vector<16xi1> -> vector<16xi32>
    %reduce_sum3A_948 = vector.extract %reduce_sum3A_947[15] : i32 from vector<16xi32>
    %jit3A_949 = arith.constant 0 : i32
    %broadcast_in_dim3A_950 = vector.broadcast %jit3A_949 : i32 to vector<16xi32>
    %select_n3A_951 = arith.select %eq3A_941, %get3A_917, %broadcast_in_dim3A_950 : vector<16xi1>, vector<16xi32>
    %reduce_sum3A_952 = arith.constant true
    %reduce_sum3A_953 = vector.broadcast %reduce_sum3A_952 : i1 to vector<16xi1>
    %reduce_sum3A_954 = tpu.scan <sum>, %select_n3A_951 masked %reduce_sum3A_953 : vector<16xi32>, vector<16xi1> -> vector<16xi32>
    %reduce_sum3A_955 = vector.extract %reduce_sum3A_954[15] : i32 from vector<16xi32>
    %mul3A_956 = arith.constant 16 : i32
    %mul3A_957 = arith.muli %while3A_913#0, %mul3A_956 : i32
    %add3A_958 = arith.addi %mul3A_957, %sub3A_938 : i32
    %sub3A_959 = arith.subi %reduce_sum3A_948, %reduce_sum3A_955 : i32
    %sub3A_960 = arith.subi %sub3A_931, %sub3A_959 : i32
    %shift_left3A_961 = arith.constant 20 : i32
    %shift_left3A_962 = arith.shli %add3A_811, %shift_left3A_961 : i32
    %shift_left3A_963 = arith.constant 10 : i32
    %shift_left3A_964 = arith.shli %add3A_881, %shift_left3A_963 : i32
    %or3A_965 = arith.ori %shift_left3A_962, %shift_left3A_964 : i32
    %or3A_966 = arith.ori %or3A_965, %add3A_958 : i32
    %broadcast_in_dim3A_967 = vector.broadcast %or3A_966 : i32 to vector<16xi32>
    %bitcast3A_968 = vector.bitcast %broadcast_in_dim3A_967 : vector<16xi32> to vector<16xf32>
    %broadcast_in_dim3A_969 = arith.constant 0.000000e+00 : f32
    %broadcast_in_dim3A_970 = vector.broadcast %broadcast_in_dim3A_969 : f32 to vector<16xf32>
    %parallel_loop3A_971 = arith.constant 0 : i32
    %parallel_loop3A_972 = arith.constant 2048 : i32
    %parallel_loop3A_973 = arith.constant 1 : i32
    scf.for %parallel_loop3A_992 = %parallel_loop3A_971 to %parallel_loop3A_972 step %parallel_loop3A_973  : i32 {
      %parallel_loop3A_993 = arith.constant 16 : i32
      %parallel_loop3A_994 = arith.muli %parallel_loop3A_992, %parallel_loop3A_993 : i32
      %parallel_loop3A_995 = arith.index_cast %parallel_loop3A_994 : i32 to index
      %parallel_loop3A_996 = tpu.vector_load %arg5[%parallel_loop3A_995] {strides = array<i32>} : memref<32768xf32, #tpu.memory_space<vmem>>, vector<16xf32>,
      %parallel_loop3A_997 = arith.cmpf oge, %parallel_loop3A_996, %bitcast3A_968 : vector<16xf32>
      %parallel_loop3A_998 = arith.select %parallel_loop3A_997, %parallel_loop3A_996, %broadcast_in_dim3A_970 : vector<16xi1>, vector<16xf32>
      %parallel_loop3A_999 = arith.index_cast %parallel_loop3A_994 : i32 to index
      %parallel_loop3A_1000 = tpu.vector_load %arg5[%parallel_loop3A_999] {strides = array<i32>} : memref<32768xf32, #tpu.memory_space<vmem>>, vector<16xf32>,
      tpu.vector_store %arg5[%parallel_loop3A_999], %parallel_loop3A_998 {strides = array<i32>} : memref<32768xf32, #tpu.memory_space<vmem>>, vector<16xf32>,
    } {sc.loop_unroll_factor = 16 : i64, sc.parallel_access}
    %dma_start3A_974 = arith.constant 0 : i32
    %dma_start3A_975 = tpu.memref_slice %arg3[%add3A_19, %dma_start3A_974] : memref<128x32768xf32, #tpu.memory_space<hbm>> -> memref<1x32768xf32, #tpu.memory_space<hbm>>
    %dma_start3A_976 = tpu.memref_squeeze %dma_start3A_975 : memref<1x32768xf32, #tpu.memory_space<hbm>> -> memref<32768xf32, #tpu.memory_space<hbm>>
    %dma_start3A_977 = arith.constant 0 : i32
    %dma_start3A_978 = tpu.memref_slice %arg3[%add3A_19, %dma_start3A_977] : memref<128x32768xf32, #tpu.memory_space<hbm>> -> memref<1x32768xf32, #tpu.memory_space<hbm>>
    %dma_start3A_979 = tpu.memref_squeeze %dma_start3A_978 : memref<1x32768xf32, #tpu.memory_space<hbm>> -> memref<32768xf32, #tpu.memory_space<hbm>>
    tpu.enqueue_dma source(%arg5 : memref<32768xf32, #tpu.memory_space<vmem>>) target(%dma_start3A_979 : memref<32768xf32, #tpu.memory_space<hbm>>) target_semaphore(%arg11 : memref<!tpu.dma_semaphore, #tpu.memory_space<semaphore_mem>>)
    %dma_wait3A_980 = arith.constant 0 : i32
    %dma_wait3A_981 = tpu.memref_slice %arg3[%add3A_15, %dma_wait3A_980] : memref<128x32768xf32, #tpu.memory_space<hbm>> -> memref<1x32768xf32, #tpu.memory_space<hbm>>
    %dma_wait3A_982 = tpu.memref_squeeze %dma_wait3A_981 : memref<1x32768xf32, #tpu.memory_space<hbm>> -> memref<32768xf32, #tpu.memory_space<hbm>>
    %dma_wait3A_983 = arith.constant 0 : i32
    %dma_wait3A_984 = tpu.memref_slice %arg3[%add3A_15, %dma_wait3A_983] : memref<128x32768xf32, #tpu.memory_space<hbm>> -> memref<1x32768xf32, #tpu.memory_space<hbm>>
    %dma_wait3A_985 = tpu.memref_squeeze %dma_wait3A_984 : memref<1x32768xf32, #tpu.memory_space<hbm>> -> memref<32768xf32, #tpu.memory_space<hbm>>
    tpu.wait_dma2 semaphore(%arg10 : memref<!tpu.dma_semaphore, #tpu.memory_space<semaphore_mem>>) src(%arg4 : memref<32768xf32, #tpu.memory_space<vmem>>) dst(%dma_wait3A_985 : memref<32768xf32, #tpu.memory_space<hbm>>)
    %dma_wait3A_986 = arith.constant 0 : i32
    %dma_wait3A_987 = tpu.memref_slice %arg3[%add3A_19, %dma_wait3A_986] : memref<128x32768xf32, #tpu.memory_space<hbm>> -> memref<1x32768xf32, #tpu.memory_space<hbm>>
    %dma_wait3A_988 = tpu.memref_squeeze %dma_wait3A_987 : memref<1x32768xf32, #tpu.memory_space<hbm>> -> memref<32768xf32, #tpu.memory_space<hbm>>
    %dma_wait3A_989 = arith.constant 0 : i32
    %dma_wait3A_990 = tpu.memref_slice %arg3[%add3A_19, %dma_wait3A_989] : memref<128x32768xf32, #tpu.memory_space<hbm>> -> memref<1x32768xf32, #tpu.memory_space<hbm>>
    %dma_wait3A_991 = tpu.memref_squeeze %dma_wait3A_990 : memref<1x32768xf32, #tpu.memory_space<hbm>> -> memref<32768xf32, #tpu.memory_space<hbm>>
    tpu.wait_dma2 semaphore(%arg11 : memref<!tpu.dma_semaphore, #tpu.memory_space<semaphore_mem>>) src(%arg5 : memref<32768xf32, #tpu.memory_space<vmem>>) dst(%dma_wait3A_991 : memref<32768xf32, #tpu.memory_space<hbm>>)
    return
  }
}

module attributes {stable_mosaic.version = 14 : i64} {
  func.func @_act_body(%arg0: i32, %arg1: memref<32x32768xf32, #tpu.memory_space<vmem>>, %arg2: memref<32x32768xf32, #tpu.memory_space<vmem>>, %arg3: memref<32x32768xf32, #tpu.memory_space<vmem>>) attributes {dimension_semantics = [#tpu.dimension_semantics<arbitrary>], iteration_bounds = array<i64: 4>, scalar_prefetch = 0 : i64, scratch_operands = 0 : i64, tpu.core_type = #tpu.core_type<tc>, window_params = [{transform_indices = @transform_0, window_bounds = array<i64: 32, 32768>}, {transform_indices = @transform_1, window_bounds = array<i64: 32, 32768>}, {transform_indices = @transform_2, window_bounds = array<i64: 32, 32768>}]} {
    %get3A = arith.constant 0 : index
    %get3A_0 = arith.constant 0 : index
    %get3A_1 = vector.load %arg1[%get3A, %get3A_0] : memref<32x32768xf32, #tpu.memory_space<vmem>>, vector<32x32768xf32>
    %get3A_2 = arith.constant 0 : index
    %get3A_3 = arith.constant 0 : index
    %get3A_4 = vector.load %arg2[%get3A_2, %get3A_3] : memref<32x32768xf32, #tpu.memory_space<vmem>>, vector<32x32768xf32>
    %sub3A = arith.constant 3.14159274 : f32
    %sub3A_5 = vector.broadcast %sub3A : f32 to vector<32x32768xf32>
    %sub3A_6 = arith.subf %get3A_1, %sub3A_5 : vector<32x32768xf32>
    %mul3A = arith.mulf %sub3A_6, %sub3A_6 : vector<32x32768xf32>
    %mul3A_7 = arith.constant 4.15223411E-14 : f32
    %mul3A_8 = vector.broadcast %mul3A_7 : f32 to vector<32x32768xf32>
    %mul3A_9 = arith.mulf %mul3A_8, %mul3A : vector<32x32768xf32>
    %add3A = arith.constant -1.13603293E-11 : f32
    %add3A_10 = vector.broadcast %add3A : f32 to vector<32x32768xf32>
    %add3A_11 = arith.addf %mul3A_9, %add3A_10 : vector<32x32768xf32>
    %mul3A_12 = arith.mulf %add3A_11, %mul3A : vector<32x32768xf32>
    %add3A_13 = arith.constant 2.08661066E-9 : f32
    %add3A_14 = vector.broadcast %add3A_13 : f32 to vector<32x32768xf32>
    %add3A_15 = arith.addf %mul3A_12, %add3A_14 : vector<32x32768xf32>
    %mul3A_16 = arith.mulf %add3A_15, %mul3A : vector<32x32768xf32>
    %add3A_17 = arith.constant -2.75566151E-7 : f32
    %add3A_18 = vector.broadcast %add3A_17 : f32 to vector<32x32768xf32>
    %add3A_19 = arith.addf %mul3A_16, %add3A_18 : vector<32x32768xf32>
    %mul3A_20 = arith.mulf %add3A_19, %mul3A : vector<32x32768xf32>
    %add3A_21 = arith.constant 2.48015422E-5 : f32
    %add3A_22 = vector.broadcast %add3A_21 : f32 to vector<32x32768xf32>
    %add3A_23 = arith.addf %mul3A_20, %add3A_22 : vector<32x32768xf32>
    %mul3A_24 = arith.mulf %add3A_23, %mul3A : vector<32x32768xf32>
    %add3A_25 = arith.constant -0.00138888857 : f32
    %add3A_26 = vector.broadcast %add3A_25 : f32 to vector<32x32768xf32>
    %add3A_27 = arith.addf %mul3A_24, %add3A_26 : vector<32x32768xf32>
    %mul3A_28 = arith.mulf %add3A_27, %mul3A : vector<32x32768xf32>
    %add3A_29 = arith.constant 0.0416666642 : f32
    %add3A_30 = vector.broadcast %add3A_29 : f32 to vector<32x32768xf32>
    %add3A_31 = arith.addf %mul3A_28, %add3A_30 : vector<32x32768xf32>
    %mul3A_32 = arith.mulf %add3A_31, %mul3A : vector<32x32768xf32>
    %add3A_33 = arith.constant -5.000000e-01 : f32
    %add3A_34 = vector.broadcast %add3A_33 : f32 to vector<32x32768xf32>
    %add3A_35 = arith.addf %mul3A_32, %add3A_34 : vector<32x32768xf32>
    %mul3A_36 = arith.mulf %add3A_35, %mul3A : vector<32x32768xf32>
    %add3A_37 = arith.constant 1.000000e+00 : f32
    %add3A_38 = vector.broadcast %add3A_37 : f32 to vector<32x32768xf32>
    %add3A_39 = arith.addf %mul3A_36, %add3A_38 : vector<32x32768xf32>
    %sub3A_40 = arith.constant 1.000000e+00 : f32
    %sub3A_41 = vector.broadcast %sub3A_40 : f32 to vector<32x32768xf32>
    %sub3A_42 = arith.subf %sub3A_41, %add3A_39 : vector<32x32768xf32>
    %mul3A_43 = arith.constant 5.000000e-01 : f32
    %mul3A_44 = vector.broadcast %mul3A_43 : f32 to vector<32x32768xf32>
    %mul3A_45 = arith.mulf %mul3A_44, %sub3A_42 : vector<32x32768xf32>
    %mul3A_46 = arith.mulf %get3A_4, %mul3A_45 : vector<32x32768xf32>
    %swap3A = arith.constant 0 : index
    %swap3A_47 = arith.constant 0 : index
    %swap3A_48 = vector.load %arg3[%swap3A, %swap3A_47] : memref<32x32768xf32, #tpu.memory_space<vmem>>, vector<32x32768xf32>
    tpu.vector_store %arg3[%swap3A, %swap3A_47], %mul3A_46 {strides = array<i32>} : memref<32x32768xf32, #tpu.memory_space<vmem>>, vector<32x32768xf32>,
    return
  }
  func.func @transform_0(%arg0: i32) -> (i32, i32) {
    %c0_i32 = arith.constant 0 : i32
    %c0_i32_0 = arith.constant 0 : i32
    return %arg0, %c0_i32 : i32, i32
  }
  func.func @transform_1(%arg0: i32) -> (i32, i32) {
    %c0_i32 = arith.constant 0 : i32
    %c0_i32_0 = arith.constant 0 : i32
    return %arg0, %c0_i32 : i32, i32
  }
  func.func @transform_2(%arg0: i32) -> (i32, i32) {
    %c0_i32 = arith.constant 0 : i32
    %c0_i32_0 = arith.constant 0 : i32
    return %arg0, %c0_i32 : i32, i32
  }
}

</mosaic_0001>

<sc_bundles>
// kernel: kernel.4.cloned.1.call-start
scs
__scs_entry_jumppad:
0x0: {  	(pc) =	sbr.rel $0x88, $3  }
0x1: {  	(tag) =	ssettag $0x0;
	lr =	simm.s32 $0x1  }
0x2: {  	[smem:$0x3F9F] =	sst lr;
	_ =	strace $0xD0000000  }
0x3: {  	_ = 	snop  }
0x4: {  	_ = 	snop  }
0x5: {  	_ = 	snop  }
0x6: {  	_ = 	snop  }
0x7: {  	_ = 	snop  }
__scs_overlays_trampoline_lowered:
0x8: {  	[smem:$0x3FAE] =	sst s0  }
0x9: {  	[smem:$0x3FAF] =	sst s1  }
0xa: {  	[smem:$0x3FB0] =	sst s2  }
0xb: {  	[smem:$0x3FB1] =	sst s3  }
0xc: {  	[smem:$0x3FB2] =	sst s4  }
0xd: {  	[smem:$0x3FB3] =	sst s5  }
0xe: {  	[smem:$0x3FB4] =	sst s6  }
0xf: {  	[smem:$0x3FB5] =	sst s7  }
0x10: {  	[smem:$0x3FB6] =	sst s8  }
0x11: {  	[smem:$0x3FB7] =	sst s9;
	s0 =	simm.s32 @!p0 $0x0  }
0x12: {  	s1 =	sld [smem:$0x3F9D];
	s0 =	simm.s32 @p0 $0x1  }
0x13: {  	[smem:$0x3FB8] =	sst s0;
	s0 =	simm.s32 @!p1 $0x0  }
0x14: {  	s2 =	sld [smem:$0x3F9C];
	s0 =	simm.s32 @p1 $0x1  }
0x15: {  	[smem:$0x3FB9] =	sst s0;
	s0 =	simm.s32 @!p2 $0x0  }
0x16: {  	s3 =	sld [smem:$0x3FDB];
	s0 =	simm.s32 @p2 $0x1  }
0x17: {  	s4 =	simm.s32 $0x1BF5;
	[smem:$0x3FBB] =	sst s0  }
0x18: {  	s0 =	sld [smem:$0x3F9E];
	_ =	swait.ge [sflag:s4], $0x0  }
0x19: {  	s7 =	sld [smem:$0x3F9F]  }
0x1a: {  	s8 =	sadd.s32 $0xFFFFE003, lr  }
0x1b: {  	s9 =	sadd.s32 $0xFFFFFEF7, lr;
	s5 =	simm.s32 $0xFFFFFFFF;
	p2 =	slt.u32 s8, $0xFFFFF086  }
0x1c: {  	p1 =	slt.u32 s9, $0xF7A;
	s5 =	simm.s32 @!p2 $0x0  }
0x1d: {  	s5 =	simm.s32 @p1 $0x1;
	p0 =	seq.s32 s7, s2  }
0x1e: {  	s7 =	smul.u32 @!p0 $0xF7A, s2;
	p2 =	seq.s32 @!p0 s5, $0x0  }
0x1f: {  	s9 =	smul.u32 $0xF7A, s1;
	s8 =	simm.s32 @!p0 $0x1BF5;
	p2 =	por !p2, p0  }
0x20: {  	[sflag:s8] =	ssyncset.s32 @!p0 $0xFFFFF086;
	s6 =	sadd.s32 @!p0 s3, s7;
	s7 =	simm.s32 @!p0 $0x108  }
0x21: {  	s3 =	sadd.s32 s3, s9;
	s6 =	sadd.s32 @!p0 $0x88, s6;
	s7 =	simm.s32 @p2 $0x1082  }
0x22: {  	[simem:s7], [sflag:s8] =	dma.local @!p0 [hbm:s6], $0xF7A  }
0x23: {  	s9 =	sor.u32 $0xD0000000, s2;
	s6 =	simm.s32 $0x108;
	_ =	swait.ge @!p0 [sflag:s8], $0x0  }
0x24: {  	s3 =	sadd.s32 $0x88, s3;
	s6 =	simm.s32 @!p1 $0x1082;
	[sflag:s4] =	ssyncset.s32 $0xFFFFF086  }
0x25: {  	[simem:s6], [sflag:s4] =	dma.local [hbm:s3], $0xF7A  }
0x26: {  	[smem:$0x3F9F] =	sst s1;
	(tag) =	ssettag s2;
	_ =	strace s9  }
0x27: {  	s1 =	sld [smem:$0x3FAF]  }
0x28: {  	s2 =	sld [smem:$0x3FB0]  }
0x29: {  	s4 =	sld [smem:$0x3FB2]  }
0x2a: {  	p0 =	seq.s32 s5, $0x0;
	s5 =	sld [smem:$0x3FB3]  }
0x2b: {  	s6 =	sld [smem:$0x3FB4]  }
0x2c: {  	s7 =	sld [smem:$0x3FB5]  }
0x2d: {  	s3 =	simm.s32 $0x108;
	s8 =	sld [smem:$0x3FB6]  }
0x2e: {  	s3 =	simm.s32 @!p0 $0x1082;
	s9 =	sld [smem:$0x3FB7]  }
0x2f: {  	lr =	sadd.s32 s0, s3;
	s0 =	sld [smem:$0x3FAE]  }
0x30: {  	s3 =	sld [smem:$0x3FB1]  }
0x31: {  	[smem:$0x3FBA] =	sst s10  }
0x32: {  	s10 =	sld [smem:$0x3FB8];
	_ =	sdelay $0x3  }
0x33: {  	p0 =	seq.s32 s10, $0x1;
	s10 =	sld [smem:$0x3FBA];
	_ =	sdelay $0x3  }
0x34: {  	[smem:$0x3FBA] =	sst s10  }
0x35: {  	s10 =	sld [smem:$0x3FB9];
	_ =	sdelay $0x3  }
0x36: {  	p1 =	seq.s32 s10, $0x1;
	s10 =	sld [smem:$0x3FBA];
	_ =	sdelay $0x3  }
0x37: {  	[smem:$0x3FBA] =	sst s10  }
0x38: {  	s10 =	sld [smem:$0x3FBB]  }
0x39: {  	_ = 	snop;
	(pc) =	sbr.ind lr, $3  }
0x3a: {  	_ = 	snop  }
0x3b: {  	_ = 	snop  }
0x3c: {  	p2 =	seq.s32 s10, $0x1;
	s10 =	sld [smem:$0x3FBA]  }
0x3d: {  	_ =	shalt  }
0x3e: {  	_ =	shalt  }
0x3f: {  	_ =	shalt  }
0x40: {  	_ =	shalt  }
0x41: {  	_ =	shalt  }
0x42: {  	_ =	shalt  }
0x43: {  	_ =	shalt  }
0x44: {  	_ =	shalt  }
0x45: {  	_ =	shalt  }
0x46: {  	_ =	shalt  }
0x47: {  	_ =	shalt  }
0x48: {  	_ =	shalt  }
0x49: {  	_ =	shalt  }
0x4a: {  	_ =	shalt  }
0x4b: {  	_ =	shalt  }
0x4c: {  	_ =	shalt  }
0x4d: {  	_ =	shalt  }
0x4e: {  	_ =	shalt  }
0x4f: {  	_ =	shalt  }
0x50: {  	_ =	shalt  }
0x51: {  	_ =	shalt  }
0x52: {  	_ =	shalt  }
0x53: {  	_ =	shalt  }
0x54: {  	_ =	shalt  }
0x55: {  	_ =	shalt  }
0x56: {  	_ =	shalt  }
0x57: {  	_ =	shalt  }
0x58: {  	_ =	shalt  }
0x59: {  	_ =	shalt  }
0x5a: {  	_ =	shalt  }
0x5b: {  	_ =	shalt  }
0x5c: {  	_ =	shalt  }
0x5d: {  	_ =	shalt  }
0x5e: {  	_ =	shalt  }
0x5f: {  	_ =	shalt  }
0x60: {  	_ =	shalt  }
0x61: {  	_ =	shalt  }
0x62: {  	_ =	shalt  }
0x63: {  	_ =	shalt  }
0x64: {  	_ =	shalt  }
0x65: {  	_ =	shalt  }
0x66: {  	_ =	shalt  }
0x67: {  	_ =	shalt  }
0x68: {  	_ =	shalt  }
0x69: {  	_ =	shalt  }
0x6a: {  	_ =	shalt  }
0x6b: {  	_ =	shalt  }
0x6c: {  	_ =	shalt  }
0x6d: {  	_ =	shalt  }
0x6e: {  	_ =	shalt  }
0x6f: {  	_ =	shalt  }
0x70: {  	_ =	shalt  }
0x71: {  	_ =	shalt  }
0x72: {  	_ =	shalt  }
0x73: {  	_ =	shalt  }
0x74: {  	_ =	shalt  }
0x75: {  	_ =	shalt  }
0x76: {  	_ =	shalt  }
0x77: {  	_ =	shalt  }
0x78: {  	_ =	shalt  }
0x79: {  	_ =	shalt  }
0x7a: {  	_ =	shalt  }
0x7b: {  	_ =	shalt  }
0x7c: {  	_ =	shalt  }
0x7d: {  	_ =	shalt  }
0x7e: {  	_ =	shalt  }
0x7f: {  	_ =	shalt  }
0x80: {  	_ =	shalt  }
0x81: {  	_ =	shalt  }
0x82: {  	_ =	shalt  }
0x83: {  	_ =	shalt  }
0x84: {  	_ =	shalt  }
0x85: {  	_ =	shalt  }
0x86: {  	_ =	shalt  }
0x87: {  	_ =	shalt  }
.Lfunc_end0:
.L_simem_size_0:
called_computation_lowered:
.L_overlay_start_0:
0x88: {  	s2 =	sld [smem:$0x3FD9]  }
0x89: {  	s3 =	sld [smem:$0x3FFE];
	_ =	sdelay $0x1  }
0x8a: {  	s1 =	srdreg.scid  }
0x8b: {  	s0 =	sand.u32 $0x1, s1  }
0x8c: {  	s17 =	sshll.u32 s0, $0xA;
	s2 =	sadd.s32 s3, s2  }
0x8d: {  	s2 =	sadd.s32 s2, s17  }
0x8e: {  	[smem:$0x3FC6] =	sst s2  }
0x8f: {  	_ = 	snop  }
0x90: {  	s2 =	sld [smem:$0x3FD0];
	(tm) =	ssettm $0x1  }
0x91: {  	s18 =	sld [smem:$0x3FFB];
	_ =	sdelay $0x3  }
0x92: {  	_ =	strace s18  }
0x93: {  	s3 =	sld [smem:$0x3FFC];
	_ =	sdelay $0x3  }
0x94: {  	_ =	strace s3  }
0x95: {  	s3 =	sld [smem:$0x3FFD];
	_ =	sdelay $0x3  }
0x96: {  	_ =	strace s3  }
0x97: {  	_ =	strace $0x8FFFFFFF  }
0x98: {  	s19 =	sld [smem:$0x3FDB];
	_ =	sdelay $0x1  }
0x99: {  	s4 =	simm.s32 $_scs_section_size  }
0x9a: {  	s5 =	simm.s32 $_size__tile_overlayer_lowered;
	s6 =	simm.s32 $_tile_overlayer_lowered  }
0x9b: {  	s22 =	simm.s32 $0x1BFF;
	s21 =	sshll.u32 s6, $0x1;
	s3 =	sadd.s32 s4, s19  }
0x9c: {  	s7 =	simm.s32 $0x0;
	s20 =	sshll.u32 s5, $0x1;
	s5 =	sadd.s32 s21, s3  }
0x9d: {  	[timem:s7], [sflag:s22] =	dma.local [hbm:s5], s20  }
0x9e: {  	_ =	swait.ge [sflag:s22], s20  }
0x9f: {  	s4 =	ssub.s32 $0x0, s20;
	[sflag:s22] =	ssyncset.done $0x0  }
0xa0: {  	[sflag:s22] =	ssyncadd.s32 s4;
	_ =	sdelay $0x1  }
0xa1: {  	s23 =	simm.s32 $0x1B8B  }
0xa2: {  	_ =	swait.ge [sflag:s23], $0x1  }
0xa3: {  	[sflag:s23] =	ssyncset.done $0x0  }
0xa4: {  	s25 =	simm.s32 $0x1B8E;
	s24 =	sld [smem:$0x3FFE];
	[sflag:s23] =	ssyncadd.s32 $0xFFFFFFFF  }
0xa5: {  	s26 =	simm.s32 $execute0_lowered;
	[smem:$0x3FD2] =	sst s25  }
0xa6: {  	s5 =	sshll.u32 s26, $0x1;
	_ =	strace $0x80000046;
	[dreg:$0x1] =	wrdreg $0xFFFFFFFF  }
0xa7: {  	s28 =	simm.s32 $_size_execute0_lowered;
	s3 =	sadd.s32 s3, s5;
	[dreg:$0x0] =	wrdreg $0x0  }
0xa8: {  	s5 =	sshll.u32 s28, $0x1;
	[dreg:$0x2] =	wrdreg s3  }
0xa9: {  	[dreg:$0x3] =	wrdreg s5  }
0xaa: {  	[dreg:$0x4] =	wrdreg $0xC0  }
0xab: {  	_ =	task [dreg:s7], $0x5FFFF  }
0xac: {  	[dreg:$0x1] =	wrdreg $0xFFFFFFFF  }
0xad: {  	[dreg:$0x0] =	wrdreg $0x60  }
0xae: {  	[dreg:$0x2] =	wrdreg s24  }
0xaf: {  	[dreg:$0x3] =	wrdreg s2  }
0xb0: {  	[dreg:$0x4] =	wrdreg $0x9  }
0xb1: {  	_ =	task.clear_ibuf [dreg:s7], $0x5FFFF;
	_ =	strace $0x90000046  }
0xb2: {  	s29 =	simm.s32 $0x9;
	_ =	strace $0x80000048  }
0xb3: {  	_ =	swait.ge [sflag:s29], $0x1  }
0xb4: {  	[sflag:s29] =	ssyncadd.s32 $0xFFFFFFFF  }
0xb5: {  	_ =	strace $0x90000048  }
0xb6: {  	_ =	sfence  }
0xb7: {  	s30 =	sld [smem:$0x0];
	_ =	sdelay $0x2  }
0xb8: {  	s31 =	sshll.u32 s1, $0xD;
	s1 =	sshrl.u32 s1, $0x2  }
0xb9: {  	s3 =	sand.u32 $0x4000, s31;
	s1 =	sadd.s32 s1, s30  }
0xba: {  	s0 =	sor.u32 s3, s0;
	s1 =	sshll.u32 s1, $0x11  }
0xbb: {  	s0 =	sor.u32 s1, s0  }
0xbc: {  	s0 =	sadd.s32 $0x8F2B, s0  }
0xbd: {  	[sflag:s0] =	ssyncadd.remote.s32 $0x1  }
0xbe: {  	_ =	sfence.sel $0xFFFF  }
0xbf: {  	[dreg:$0x0] =	wrdreg $0xFFFFFFFF;
	(pc) =	sbr.abs _section_cstart, $3  }
0xc0: {  	[dreg:$0x1] =	wrdreg $0xFFFFFFFF  }
0xc1: {  	_ =	task.clear_ibuf [dreg:s7], $0x2FFFF;
	_ =	strace $0x9FFFFFFF  }
0xc2: {  	(tm) =	ssettm $0x7FFFFFFF  }
0xc3: {  	_ =	shalt  }
tec
execute0_lowered:
.L_overlay_start_1:
0x0: {  	(tag) =	ssettag $0x1  }
0x1: {  	s3 =	rddreg [dreg:$0x0]  }
0x2: {  	s10 =	rddreg [dreg:$0x1];
	s4 =	srdreg.scid  }
0x3: {  	s2 =	simm.s32 $0x0;
	s1 =	stileid.u32;
	s13 =	simm.s32 $0x400  }
0x4: {  	s14 =	simm.s32 $0x1;
	s15 =	simm.s32 $0x8000;
	s16 =	simm.s32 $0x10000  }
0x5: {  	s17 =	simm.s32 $0x2;
	s18 =	simm.s32 $0x3;
	s19 =	simm.s32 $0x4  }
0x6: {  	s20 =	simm.s32 $0x0;
	s4 =	sand.u32 $0x1, s4;
	[smem:$0x7FF] =	sst s2  }
0x7: {  	s5 =	sshll.u32 s1, $0xF;
	s6 =	sshll.u32 s4, $0x6;
	s4 =	ssub.s32 $0x2, s4  }
0x8: {  	s8 =	sadd.s32 $0x600, s3;
	s6 =	sor.u32 s6, s5;
	s31 =	sshrl.u32 s4, $0x1  }
0x9: {  	_ =	strace $0x80000047;
	s7 =	sor.u32 $0x10, s6;
	s11 =	ssub.s32 s4, s31  }
0xa: {  	v0 =	vlaneseq.u32;
	s3 =	sadd.s32 s8, s6;
	s5 =	sadd.s32 s10, s6;
	s9 =	sor.u32 $0x20, s6  }
0xb: {  	v3 =	vmul.u32 $0xFFFFFFFF, v0;
	s12 =	sor.u32 $0x30, s6;
	s4 =	sadd.s32 s8, s7;
	s6 =	sadd.s32 s8, s9  }
0xc: {  	s7 =	sadd.s32 s10, s7;
	s8 =	sadd.s32 s8, s12;
	s9 =	sadd.s32 s10, s9  }
0xd: {  	v1 =	vimm.s32 $0x0;
	v2 =	vimm.s32 $0x1;
	v3 =	vadd.s32 $0xF, v3;
	s10 =	sadd.s32 s10, s12;
	s11 =	smax.u32 s11, $0x1;
	s12 =	simm.s32 $0x80  }
.LBB2_1:
0xe: {  	[tilespmem:s2], [sflag:$0x1] =	stream.strided.gather [hbm4b:s3+s12], $0x8000, s13, s12, $0x38;
	[tilespmem:$0x18480] =	vst v63  }
0xf: {  	_ =	swait.ge [sflag:s14], $0x8000  }
0x10: {  	[sflag:s14] =	ssyncset.done $0x0  }
0x11: {  	s22 =	simm.s32 $0x10020;
	[sflag:s14] =	ssyncadd.s32 $0xFFFF8000  }
0x12: {  	[tilespmem:s15], [sflag:$0x2] =	stream.strided.gather [hbm4b:s4+s12], $0x8000, s13, s12, $0x38;
	[tilespmem:$0x18480] =	vst v63  }
0x13: {  	[tilespmem:s22+$0xFFFFFFE0] =	vst v1  }
0x14: {  	[tilespmem:s22+$0x10] =	vst v1  }
0x15: {  	s23 =	simm.s32 $0x0;
	[tilespmem:s22+$0x0] =	vst v1  }
.LBB2_2:
0x16: {  	s23 =	sadd.s32 $0x4, s23  }
0x17: {  	[tilespmem:s22+$0xFFFFFFF0] =	vst v1;
	s22 =	sadd.s32 $0x40, s22;
	p0 =	slt.u32 s23, $0x3C  }
.Ltmp0:
0x18: {  	[tilespmem:s22+$0xFFFFFFE0] =	vst v1;
	(pc) =	sbr.rel @p0 .LBB2_2-.Ltmp0, $3  }
0x19: {  	_ =	sdelay $0x1  }
0x1a: {  	[tilespmem:s22+$0x10] =	vst v1  }
0x1b: {  	s21 =	simm.s32 $0x80;
	[tilespmem:s22+$0x0] =	vst v1  }
0x1c: {  	[tilespmem:s22+$0xFFFFFFF0] =	vst v1  }
0x1d: {  	v4 =	vld [tilespmem:s21+$0xFFFFFFA0]  }
0x1e: {  	v5 =	vld [tilespmem:s21+$0xFFFFFFB0]  }
0x1f: {  	v6 =	vld [tilespmem:s21+$0xFFFFFFC0]  }
0x20: {  	v7 =	vld [tilespmem:s21+$0xFFFFFFD0]  }
0x21: {  	v8 =	vld [tilespmem:s21+$0xFFFFFF80]  }
0x22: {  	v9 =	vld [tilespmem:s21+$0x70]  }
0x23: {  	v10 =	vld [tilespmem:s21+$0x60]  }
0x24: {  	v11 =	vld [tilespmem:s21+$0x50]  }
0x25: {  	v12 =	vld [tilespmem:s21+$0x40]  }
0x26: {  	v13 =	vld [tilespmem:s21+$0x30]  }
0x27: {  	v14 =	vld [tilespmem:s21+$0x20];
	v8 =	vshrl.u32 v8, $0x14  }
0x28: {  	v15 =	vld [tilespmem:s21+$0x10];
	v9 =	vshrl.u32 v9, $0x14;
	v8 =	vand.u32 $0x3FF, v8  }
0x29: {  	v18 =	vld [tilespmem:s21+$0xFFFFFFE0];
	v10 =	vshrl.u32 v10, $0x14;
	v9 =	vand.u32 $0x3FF, v9  }
0x2a: {  	v16 =	vld [tilespmem:s21+$0x0];
	v11 =	vshrl.u32 v11, $0x14;
	v10 =	vand.u32 $0x3FF, v10  }
0x2b: {  	v17 =	vld [tilespmem:s21+$0xFFFFFFF0];
	v13 =	vshrl.u32 v13, $0x14;
	v11 =	vand.u32 $0x3FF, v11  }
0x2c: {  	v60 =	vld [tilespmem:s21+$0xFFFFFF90];
	v12 =	vshrl.u32 v12, $0x14;
	v56 =	vand.u32 $0x3FF, v13  }
0x2d: {  	v57 =	vshrl.u32 v15, $0x14;
	v12 =	vand.u32 $0x3FF, v12;
	[tilespmem:v8+s16+$0x0] =	vst.idx.add.s32.msk $0xffff, v2  }
0x2e: {  	v61 =	vshrl.u32 v18, $0x14;
	v13 =	vand.u32 $0x3FF, v57;
	[tilespmem:v9+s16+$0x0] =	vst.idx.add.s32.msk $0xffff, v2  }
0x2f: {  	v59 =	vshrl.u32 v14, $0x14;
	v7 =	vshrl.u32 v7, $0x14;
	v14 =	vand.u32 $0x3FF, v61;
	[tilespmem:v10+s16+$0x0] =	vst.idx.add.s32.msk $0xffff, v2  }
0x30: {  	v5 =	vshrl.u32 v5, $0x14;
	v7 =	vand.u32 $0x3FF, v7;
	[tilespmem:v11+s16+$0x0] =	vst.idx.add.s32.msk $0xffff, v2  }
0x31: {  	v4 =	vshrl.u32 v4, $0x14;
	v5 =	vand.u32 $0x3FF, v5;
	[tilespmem:v56+s16+$0x0] =	vst.idx.add.s32.msk $0xffff, v2  }
0x32: {  	v58 =	vshrl.u32 v16, $0x14;
	v63 =	vand.u32 $0x3FF, v4;
	[tilespmem:v12+s16+$0x0] =	vst.idx.add.s32.msk $0xffff, v2  }
0x33: {  	v9 =	vand.u32 $0x3FF, v58;
	[tilespmem:v13+s16+$0x0] =	vst.idx.add.s32.msk $0xffff, v2  }
0x34: {  	v62 =	vshrl.u32 v17, $0x14;
	v10 =	vand.u32 $0x3FF, v59;
	[tilespmem:v14+s16+$0x0] =	vst.idx.add.s32.msk $0xffff, v2  }
0x35: {  	v4 =	vshrl.u32 v6, $0x14;
	v6 =	vshrl.u32 v60, $0x14;
	v8 =	vand.u32 $0x3FF, v62;
	[tilespmem:v7+s16+$0x0] =	vst.idx.add.s32.msk $0xffff, v2  }
0x36: {  	[tilespmem:v5+s16+$0x0] =	vst.idx.add.s32.msk $0xffff, v2;
	v5 =	vand.u32 $0x3FF, v6  }
0x37: {  	v4 =	vand.u32 $0x3FF, v4;
	[tilespmem:v63+s16+$0x0] =	vst.idx.add.s32.msk $0xffff, v2  }
0x38: {  	[tilespmem:v9+s16+$0x0] =	vst.idx.add.s32.msk $0xffff, v2  }
0x39: {  	[tilespmem:v10+s16+$0x0] =	vst.idx.add.s32.msk $0xffff, v2  }
0x3a: {  	s22 =	simm.s32 $0x0;
	[tilespmem:v8+s16+$0x0] =	vst.idx.add.s32.msk $0xffff, v2  }
.LBB2_4:
0x3b: {  	s22 =	sadd.s32 $0x10, s22;
	[tilespmem:v5+s16+$0x0] =	vst.idx.add.s32.msk $0xffff, v2;
	s21 =	sadd.s32 $0x100, s21  }
0x3c: {  	p0 =	slt.u32 s22, $0x7F0;
	[tilespmem:v4+s16+$0x0] =	vst.idx.add.s32.msk $0xffff, v2  }
0x3d: {  	v5 =	vld [tilespmem:s21+$0xFFFFFFA0]  }
0x3e: {  	v4 =	vld [tilespmem:s21+$0xFFFFFFB0]  }
0x3f: {  	v6 =	vld [tilespmem:s21+$0xFFFFFFC0]  }
0x40: {  	v7 =	vld [tilespmem:s21+$0xFFFFFFD0]  }
0x41: {  	v8 =	vld [tilespmem:s21+$0xFFFFFF80]  }
0x42: {  	v9 =	vld [tilespmem:s21+$0x70]  }
0x43: {  	v10 =	vld [tilespmem:s21+$0x60]  }
0x44: {  	v11 =	vld [tilespmem:s21+$0x50]  }
0x45: {  	v12 =	vld [tilespmem:s21+$0x40]  }
0x46: {  	v8 =	vshrl.u32 v8, $0x14;
	v13 =	vld [tilespmem:s21+$0x30]  }
0x47: {  	v8 =	vand.u32 $0x3FF, v8;
	v14 =	vld [tilespmem:s21+$0x20];
	v9 =	vshrl.u32 v9, $0x14  }
0x48: {  	v15 =	vld [tilespmem:s21+$0x10];
	v10 =	vshrl.u32 v10, $0x14;
	v9 =	vand.u32 $0x3FF, v9  }
0x49: {  	v16 =	vld [tilespmem:s21+$0x0];
	v11 =	vshrl.u32 v11, $0x14;
	v10 =	vand.u32 $0x3FF, v10  }
0x4a: {  	v17 =	vld [tilespmem:s21+$0xFFFFFFF0];
	v12 =	vshrl.u32 v12, $0x14;
	v11 =	vand.u32 $0x3FF, v11  }
0x4b: {  	v18 =	vld [tilespmem:s21+$0xFFFFFFE0];
	v13 =	vshrl.u32 v13, $0x14  }
0x4c: {  	[tilespmem:v8+s16+$0x0] =	vst.idx.add.s32.msk $0xffff, v2;
	v8 =	vshrl.u32 v14, $0x14;
	v13 =	vand.u32 $0x3FF, v13  }
0x4d: {  	v12 =	vand.u32 $0x3FF, v12;
	v14 =	vshrl.u32 v15, $0x14;
	v8 =	vand.u32 $0x3FF, v8;
	[tilespmem:v9+s16+$0x0] =	vst.idx.add.s32.msk $0xffff, v2  }
0x4e: {  	v9 =	vshrl.u32 v16, $0x14;
	v14 =	vand.u32 $0x3FF, v14;
	[tilespmem:v10+s16+$0x0] =	vst.idx.add.s32.msk $0xffff, v2  }
0x4f: {  	v10 =	vshrl.u32 v17, $0x14;
	v9 =	vand.u32 $0x3FF, v9;
	[tilespmem:v11+s16+$0x0] =	vst.idx.add.s32.msk $0xffff, v2  }
0x50: {  	v11 =	vld [tilespmem:s21+$0xFFFFFF90];
	v15 =	vshrl.u32 v18, $0x14;
	v10 =	vand.u32 $0x3FF, v10  }
0x51: {  	v7 =	vshrl.u32 v7, $0x14;
	v15 =	vand.u32 $0x3FF, v15;
	[tilespmem:v13+s16+$0x0] =	vst.idx.add.s32.msk $0xffff, v2  }
0x52: {  	v6 =	vshrl.u32 v6, $0x14;
	v7 =	vand.u32 $0x3FF, v7;
	[tilespmem:v12+s16+$0x0] =	vst.idx.add.s32.msk $0xffff, v2  }
0x53: {  	v12 =	vshrl.u32 v4, $0x14;
	v4 =	vand.u32 $0x3FF, v6;
	[tilespmem:v14+s16+$0x0] =	vst.idx.add.s32.msk $0xffff, v2  }
0x54: {  	v5 =	vshrl.u32 v5, $0x14;
	v6 =	vand.u32 $0x3FF, v12;
	[tilespmem:v9+s16+$0x0] =	vst.idx.add.s32.msk $0xffff, v2  }
0x55: {  	v9 =	vshrl.u32 v11, $0x14;
	v11 =	vand.u32 $0x3FF, v5;
	[tilespmem:v8+s16+$0x0] =	vst.idx.add.s32.msk $0xffff, v2  }
.Ltmp1:
0x56: {  	v5 =	vand.u32 $0x3FF, v9;
	[tilespmem:v15+s16+$0x0] =	vst.idx.add.s32.msk $0xffff, v2;
	(pc) =	sbr.rel @p0 .LBB2_4-.Ltmp1, $4  }
0x57: {  	[tilespmem:v7+s16+$0x0] =	vst.idx.add.s32.msk $0xffff, v2  }
0x58: {  	[tilespmem:v10+s16+$0x0] =	vst.idx.add.s32.msk $0xffff, v2  }
0x59: {  	[tilespmem:v6+s16+$0x0] =	vst.idx.add.s32.msk $0xffff, v2  }
0x5a: {  	[tilespmem:v11+s16+$0x0] =	vst.idx.add.s32.msk $0xffff, v2  }
0x5b: {  	_ =	sdelay $0x3  }
0x5c: {  	[tilespmem:v5+s16+$0x0] =	vst.idx.add.s32.msk $0xffff, v2  }
0x5d: {  	[tilespmem:v4+s16+$0x0] =	vst.idx.add.s32.msk $0xffff, v2  }
0x5e: {  	v4 =	vld [tilespmem:$0x103F0];
	_ =	sdelay $0x4  }
0x5f: {  	(xrf0) =	vadd.scan.msk.s32 $0xffff, v4;
	_ =	sdelay $0x5  }
0x60: {  	v4, _, _ =	vpop (xrf0)  }
0x61: {  	(v2sf) =	vpush v4, $0xF;
	_ =	sdelay $0xe  }
0x62: {  	s23 =	spop (v2sf)  }
0x63: {  	p0 =	sgt.s32 s23, $0xCCB  }
.Ltmp2:
0x64: {  	_ = 	snop;
	(pc) =	sbr.rel @p0 .LBB2_8-.Ltmp2, $2  }
0x65: {  	_ =	sdelay $0x2  }
0x66: {  	s22 =	simm.s32 $0xCCC;
	s21 =	simm.s32 $0x3F0;
	s24 =	simm.s32 $0x103E0  }
.LBB2_6:
0x67: {  	v4 =	vld [tilespmem:s24+$0x0];
	_ =	sdelay $0x4  }
0x68: {  	(xrf0) =	vadd.scan.msk.s32 $0xffff, v4;
	_ =	sdelay $0x5  }
0x69: {  	v4, _, _ =	vpop (xrf0)  }
0x6a: {  	(v2sf) =	vpush v4, $0xF;
	_ =	sdelay $0xe  }
0x6b: {  	s22 =	smov.u32 s23;
	s31 =	spop (v2sf)  }
0x6c: {  	s23 =	sadd.s32 s22, s31  }
0x6d: {  	p0 =	slt.s32 s23, $0xCCC  }
.Ltmp3:
0x6e: {  	_ = 	snop;
	(pc) =	sbr.rel @p0 .LBB2_6-.Ltmp3, $2  }
0x6f: {  	_ =	sdelay $0x2  }
0x70: {  	s21 =	sadd.s32 $0xFFFFFFF0, s21;
	s24 =	sadd.s32 $0xFFFFFFF0, s24  }
0x71: {  	s22 =	ssub.s32 $0xCCC, s22  }
.LBB2_8:
0x72: {  	v4 =	vld [tilespmem:s21+$0x10000];
	_ =	sdelay $0x4  }
0x73: {  	v5 =	vperm.xlane v4, v3;
	_ =	sdelay $0x1  }
0x74: {  	(xrf0) =	vadd.scan.msk.s32 $0xffff, v5;
	_ =	sdelay $0x5  }
0x75: {  	v5, _, _ =	vpop (xrf0)  }
0x76: {  	v5 =	vperm.xlane v5, v3;
	_ =	sdelay $0x1  }
0x77: {  	vm0 =	vge.s32 v5, s22  }
0x78: {  	v6 =	vmpcnt.ones.xlane vm0;
	_ =	sdelay $0x1  }
0x79: {  	(v2sf) =	vpush v6, $0x0;
	_ =	sdelay $0x1  }
0x7a: {  	s24 =	simm.s32 $0x80  }
0x7b: {  	v7 =	vld [tilespmem:s24+$0x70]  }
0x7c: {  	v10 =	vld [tilespmem:s24+$0x50]  }
0x7d: {  	v11 =	vld [tilespmem:s24+$0x40]  }
0x7e: {  	v14 =	vld [tilespmem:s24+$0x30]  }
0x7f: {  	v15 =	vld [tilespmem:s24+$0x20]  }
0x80: {  	v17 =	vld [tilespmem:s24+$0x10]  }
0x81: {  	v19 =	vld [tilespmem:s24+$0x0]  }
0x82: {  	v21 =	vld [tilespmem:s24+$0xFFFFFFF0]  }
0x83: {  	v40 =	vld [tilespmem:s24+$0xFFFFFFE0]  }
0x84: {  	v42 =	vld [tilespmem:s24+$0xFFFFFFD0]  }
0x85: {  	v31 =	vld [tilespmem:s24+$0xFFFFFF80]  }
0x86: {  	v46 =	vld [tilespmem:s24+$0xFFFFFFC0]  }
0x87: {  	v43 =	vld [tilespmem:s24+$0xFFFFFF90];
	v27 =	vshra.s32 v7, $0x14;
	v24 =	vshra.s32 v10, $0x14;
	s23 =	spop (v2sf)  }
0x88: {  	v45 =	vld [tilespmem:s24+$0xFFFFFFA0];
	v22 =	vshra.s32 v15, $0x14;
	v28 =	vshra.s32 v14, $0x14;
	v29 =	vshra.s32 v11, $0x14;
	s23 =	sadd.s32 $0xFFFFFFFF, s23  }
0x89: {  	v47 =	vld [tilespmem:s24+$0xFFFFFFB0];
	v13 =	vshra.s32 v21, $0x14;
	v18 =	vshra.s32 v19, $0x14;
	v23 =	vshra.s32 v17, $0x14;
	s21 =	sadd.s32 s21, s23  }
0x8a: {  	v16 =	vshra.s32 v42, $0x14;
	v6 =	vshra.s32 v31, $0x14;
	v12 =	vmov s21  }
0x8b: {  	v20 =	vshra.s32 v40, $0x14;
	v8 =	vshra.s32 v46, $0x14;
	vm15 =	veq.s32 v6, v12  }
0x8c: {  	v6 =	vshra.s32 v43, $0x14;
	vm10 =	veq.s32 v8, v12;
	vm11 =	veq.s32 v16, v12  }
0x8d: {  	v26 =	vmpcnt.ones.xlane vm15;
	vm14 =	veq.s32 v6, v12;
	v6 =	vshra.s32 v45, $0x14  }
0x8e: {  	v30 =	vmpcnt.ones.xlane vm14;
	vm12 =	veq.s32 v6, v12;
	v6 =	vshra.s32 v47, $0x14  }
0x8f: {  	s30 =	simm.s32 $0x180;
	v9 =	vld [tilespmem:s24+$0x60];
	v32 =	vmpcnt.ones.xlane vm12;
	vm9 =	veq.s32 v6, v12;
	(v2sf) =	vpush v26, $0x0  }
0x90: {  	v8 =	vld [tilespmem:s30+$0x60];
	vm13 =	veq.s32 v20, v12;
	v26 =	vmpcnt.ones.xlane vm9;
	(v2sf) =	vpush v30, $0x0  }
0x91: {  	v16 =	vld [tilespmem:s30+$0x50];
	vm8 =	veq.s32 v13, v12;
	v30 =	vmpcnt.ones.xlane vm10;
	(v2sf) =	vpush v32, $0x0  }
0x92: {  	v20 =	vld [tilespmem:s30+$0x40];
	vm7 =	veq.s32 v18, v12;
	v57 =	vmpcnt.ones.xlane vm11;
	(v2sf) =	vpush v26, $0x0  }
0x93: {  	v13 =	vld [tilespmem:s30+$0x30];
	vm6 =	veq.s32 v23, v12;
	v26 =	vmpcnt.ones.xlane vm13;
	(v2sf) =	vpush v30, $0x0  }
0x94: {  	v18 =	vld [tilespmem:s30+$0x20];
	vm5 =	veq.s32 v22, v12;
	v30 =	vmpcnt.ones.xlane vm8;
	(v2sf) =	vpush v57, $0x0  }
0x95: {  	v23 =	vld [tilespmem:s30+$0x10];
	vm4 =	veq.s32 v28, v12;
	v58 =	vmpcnt.ones.xlane vm7;
	(v2sf) =	vpush v26, $0x0  }
0x96: {  	vm3 =	veq.s32 v24, v12;
	v24 =	vld [tilespmem:s30+$0xFFFFFFD0];
	v33 =	vmpcnt.ones.xlane vm6;
	(v2sf) =	vpush v30, $0x0  }
0x97: {  	s25 =	simm.s32 $0x0;
	vm0 =	veq.s32 v27, v12;
	v27 =	vld [tilespmem:s30+$0xFFFFFF90];
	v30 =	vmpcnt.ones.xlane vm5;
	(v2sf) =	vpush v58, $0x0  }
0x98: {  	vm2 =	veq.s32 v29, v12;
	v28 =	vmpcnt.ones.xlane vm4;
	[tilespmem:s25+$0x10400] =	vst.msk vm15, v31;
	v31 =	vld [tilespmem:s30+$0xFFFFFFB0];
	(v2sf) =	vpush v33, $0x0  }
0x99: {  	v25 =	vshra.s32 v9, $0x14;
	v29 =	vmpcnt.ones.xlane vm2;
	v6 =	vld [tilespmem:s30+$0x70];
	(v2sf) =	vpush v30, $0x0  }
0x9a: {  	vm1 =	veq.s32 v25, v12;
	v32 =	vld [tilespmem:s30+$0xFFFFFFF0];
	v30 =	vmpcnt.ones.xlane vm3;
	(v2sf) =	vpush v28, $0x0  }
0x9b: {  	v59 =	vmpcnt.ones.xlane vm1;
	v26 =	vld [tilespmem:s30+$0x0];
	(v2sf) =	vpush v29, $0x0  }
0x9c: {  	v35 =	vmpcnt.ones.xlane vm0;
	v28 =	vld [tilespmem:s30+$0xFFFFFF80];
	(v2sf) =	vpush v30, $0x0  }
0x9d: {  	v22 =	vld [tilespmem:s30+$0xFFFFFFE0];
	v34 =	vshra.s32 v16, $0x14;
	(v2sf) =	vpush v59, $0x0  }
0x9e: {  	v37 =	vshra.s32 v18, $0x14;
	v36 =	vshra.s32 v13, $0x14;
	v29 =	vld [tilespmem:s30+$0xFFFFFFA0];
	s26 =	spop (v2sf);
	(v2sf) =	vpush v35, $0x0  }
0x9f: {  	v25 =	vld [tilespmem:s30+$0xFFFFFFC0];
	v38 =	vshra.s32 v23, $0x14;
	v44 =	vshra.s32 v24, $0x14;
	v60 =	vshra.s32 v27, $0x14;
	s31 =	sadd.s32 $0x0, s26;
	s0 =	spop (v2sf)  }
0xa0: {  	v63 =	vshra.s32 v31, $0x14;
	v41 =	vshra.s32 v32, $0x14;
	v33 =	vshra.s32 v8, $0x14;
	[tilespmem:s31+$0x10400] =	vst.msk vm14, v43;
	s24 =	sadd.s32 s31, s0;
	s26 =	spop (v2sf)  }
0xa1: {  	v39 =	vshra.s32 v26, $0x14;
	v30 =	vshra.s32 v6, $0x14;
	v48 =	vshra.s32 v28, $0x14;
	[tilespmem:s24+$0x10400] =	vst.msk vm12, v45;
	s24 =	sadd.s32 s24, s26;
	s29 =	spop (v2sf)  }
0xa2: {  	v35 =	vshra.s32 v20, $0x14;
	v43 =	vshra.s32 v22, $0x14;
	vm12 =	veq.s32 v48, v12;
	[tilespmem:s24+$0x10400] =	vst.msk vm9, v47;
	s24 =	sadd.s32 s24, s29;
	s30 =	spop (v2sf)  }
0xa3: {  	v62 =	vshra.s32 v29, $0x14;
	v61 =	vmpcnt.ones.xlane vm12;
	vm9 =	veq.s32 v60, v12;
	[tilespmem:s24+$0x10400] =	vst.msk vm10, v46;
	s25 =	sadd.s32 s24, s30;
	s31 =	spop (v2sf)  }
0xa4: {  	v45 =	vshra.s32 v25, $0x14;
	s24 =	simm.s32 $0x10;
	v46 =	vmpcnt.ones.xlane vm9;
	vm10 =	veq.s32 v62, v12;
	[tilespmem:s25+$0x10400] =	vst.msk vm11, v42;
	s26 =	sadd.s32 s25, s31;
	s28 =	spop (v2sf)  }
0xa5: {  	v42 =	vmpcnt.ones.xlane vm10;
	vm11 =	veq.s32 v63, v12;
	s25 =	simm.s32 $0x280;
	(v2sf) =	vpush v61, $0x0;
	[tilespmem:s26+$0x10400] =	vst.msk vm13, v40;
	s26 =	sadd.s32 s26, s28;
	s28 =	spop (v2sf)  }
.LBB2_9:
0xa6: {  	v40 =	vld [tilespmem:s25+$0x70];
	v47 =	vmpcnt.ones.xlane vm11;
	vm14 =	veq.s32 v45, v12;
	(v2sf) =	vpush v46, $0x0;
	[tilespmem:s26+$0x10400] =	vst.msk vm8, v21;
	s26 =	sadd.s32 s26, s28;
	s28 =	spop (v2sf);
	v21 =	vmovc v32  }
0xa7: {  	vm15 =	veq.s32 v44, v12;
	v32 =	vld [tilespmem:s25+$0x60];
	v45 =	vmpcnt.ones.xlane vm14;
	(v2sf) =	vpush v42, $0x0;
	[tilespmem:s26+$0x10400] =	vst.msk vm7, v19;
	s26 =	sadd.s32 s26, s28;
	s28 =	spop (v2sf);
	v19 =	vmovc v26  }
0xa8: {  	vm13 =	veq.s32 v43, v12;
	v26 =	vmpcnt.ones.xlane vm15;
	v42 =	vld [tilespmem:s25+$0x50];
	(v2sf) =	vpush v47, $0x0;
	[tilespmem:s26+$0x10400] =	vst.msk vm6, v17;
	s26 =	sadd.s32 s26, s28;
	s28 =	spop (v2sf);
	v17 =	vmovc v23  }
0xa9: {  	vm8 =	veq.s32 v41, v12;
	v23 =	vmpcnt.ones.xlane vm13;
	v43 =	vld [tilespmem:s25+$0x40];
	(v2sf) =	vpush v45, $0x0;
	[tilespmem:s26+$0x10400] =	vst.msk vm5, v15;
	s26 =	sadd.s32 s26, s28;
	s28 =	spop (v2sf);
	v15 =	vmovc v18  }
0xaa: {  	v41 =	vmpcnt.ones.xlane vm8;
	vm7 =	veq.s32 v39, v12;
	(v2sf) =	vpush v26, $0x0;
	[tilespmem:s26+$0x10400] =	vst.msk vm4, v14;
	s26 =	sadd.s32 s26, s28;
	s28 =	spop (v2sf);
	v14 =	vmovc v13;
	v13 =	vld [tilespmem:s25+$0x30]  }
0xab: {  	v39 =	vmpcnt.ones.xlane vm7;
	vm6 =	veq.s32 v38, v12;
	v18 =	vld [tilespmem:s25+$0x20];
	(v2sf) =	vpush v23, $0x0;
	[tilespmem:s26+$0x10400] =	vst.msk vm2, v11;
	s26 =	sadd.s32 s26, s28;
	s28 =	spop (v2sf);
	v11 =	vmovc v20  }
0xac: {  	v38 =	vmpcnt.ones.xlane vm6;
	vm5 =	veq.s32 v37, v12;
	v23 =	vld [tilespmem:s25+$0x10];
	(v2sf) =	vpush v41, $0x0;
	[tilespmem:s26+$0x10400] =	vst.msk vm3, v10;
	s26 =	sadd.s32 s26, s28;
	s28 =	spop (v2sf);
	v10 =	vmovc v16  }
0xad: {  	v37 =	vmpcnt.ones.xlane vm5;
	vm4 =	veq.s32 v36, v12;
	v26 =	vld [tilespmem:s25+$0x0];
	(v2sf) =	vpush v39, $0x0;
	[tilespmem:s26+$0x10400] =	vst.msk vm1, v9;
	s26 =	sadd.s32 s26, s28;
	s28 =	spop (v2sf);
	v9 =	vmovc v8;
	v8 =	vmovc v32  }
0xae: {  	v36 =	vmpcnt.ones.xlane vm4;
	vm2 =	veq.s32 v35, v12;
	v32 =	vld [tilespmem:s25+$0xFFFFFFF0];
	(v2sf) =	vpush v38, $0x0;
	[tilespmem:s26+$0x10400] =	vst.msk vm0, v7;
	s26 =	sadd.s32 s26, s28;
	v7 =	vmovc v6;
	v6 =	vmovc v40  }
0xaf: {  	vm3 =	veq.s32 v34, v12;
	v16 =	vmovc v42;
	v20 =	vmovc v43;
	v40 =	vld [tilespmem:s25+$0xFFFFFFE0];
	[tilespmem:s26+$0x10400] =	vst.msk vm12, v28;
	v28 =	vmpcnt.ones.xlane vm2;
	(v2sf) =	vpush v37, $0x0  }
0xb0: {  	v34 =	vmpcnt.ones.xlane vm3;
	vm1 =	veq.s32 v33, v12;
	v42 =	vld [tilespmem:s25+$0xFFFFFFD0];
	(v2sf) =	vpush v36, $0x0  }
0xb1: {  	v33 =	vmpcnt.ones.xlane vm1;
	vm0 =	veq.s32 v30, v12;
	v46 =	vld [tilespmem:s25+$0xFFFFFFC0];
	(v2sf) =	vpush v28, $0x0  }
0xb2: {  	s24 =	sadd.s32 $0x10, s24;
	v35 =	vmpcnt.ones.xlane vm0;
	v28 =	vld [tilespmem:s25+$0xFFFFFF80];
	(v2sf) =	vpush v34, $0x0  }
0xb3: {  	p0 =	slt.u32 s24, $0x7F0;
	v30 =	vshra.s32 v6, $0x14;
	v47 =	vld [tilespmem:s25+$0xFFFFFF90];
	(v2sf) =	vpush v33, $0x0  }
0xb4: {  	v34 =	vshra.s32 v16, $0x14;
	v33 =	vshra.s32 v8, $0x14;
	v48 =	vld [tilespmem:s25+$0xFFFFFFA0];
	s28 =	spop (v2sf);
	(v2sf) =	vpush v35, $0x0  }
0xb5: {  	v37 =	vshra.s32 v18, $0x14;
	v36 =	vshra.s32 v13, $0x14;
	v35 =	vshra.s32 v20, $0x14;
	v49 =	vld [tilespmem:s25+$0xFFFFFFB0];
	s26 =	sadd.s32 s26, s28;
	s28 =	spop (v2sf)  }
0xb6: {  	v38 =	vshra.s32 v23, $0x14;
	v39 =	vshra.s32 v26, $0x14;
	v41 =	vshra.s32 v32, $0x14;
	[tilespmem:s26+$0x10400] =	vst.msk vm9, v27;
	s26 =	sadd.s32 s26, s28;
	s28 =	spop (v2sf)  }
.Ltmp4:
0xb7: {  	v43 =	vshra.s32 v40, $0x14;
	v44 =	vshra.s32 v42, $0x14;
	v50 =	vshra.s32 v28, $0x14;
	[tilespmem:s26+$0x10400] =	vst.msk vm10, v29;
	s26 =	sadd.s32 s26, s28;
	s28 =	spop (v2sf);
	(pc) =	sbr.rel @p0 .LBB2_9-.Ltmp4, $4  }
0xb8: {  	v45 =	vshra.s32 v46, $0x14;
	vm12 =	veq.s32 v50, v12;
	v50 =	vshra.s32 v47, $0x14;
	[tilespmem:s26+$0x10400] =	vst.msk vm11, v31;
	s26 =	sadd.s32 s26, s28;
	s28 =	spop (v2sf);
	v27 =	vmovc v47  }
0xb9: {  	v47 =	vmpcnt.ones.xlane vm12;
	vm9 =	veq.s32 v50, v12;
	v50 =	vshra.s32 v48, $0x14;
	[tilespmem:s26+$0x10400] =	vst.msk vm14, v25;
	s26 =	sadd.s32 s26, s28;
	s28 =	spop (v2sf);
	v25 =	vmovc v46;
	v29 =	vmovc v48  }
0xba: {  	v46 =	vmpcnt.ones.xlane vm9;
	vm10 =	veq.s32 v50, v12;
	v48 =	vshra.s32 v49, $0x14;
	[tilespmem:s26+$0x10400] =	vst.msk vm15, v24;
	s26 =	sadd.s32 s26, s28;
	s28 =	spop (v2sf);
	v24 =	vmovc v42;
	v31 =	vmovc v49  }
0xbb: {  	s25 =	sadd.s32 $0x100, s25;
	v42 =	vmpcnt.ones.xlane vm10;
	vm11 =	veq.s32 v48, v12;
	(v2sf) =	vpush v47, $0x0;
	[tilespmem:s26+$0x10400] =	vst.msk vm13, v22;
	s26 =	sadd.s32 s26, s28;
	s28 =	spop (v2sf);
	v22 =	vmovc v40  }
0xbc: {  	vm13 =	veq.s32 v45, v12;
	v51 =	vimm.s32 $0x0;
	(v2sf) =	vpush v46, $0x0  }
0xbd: {  	v53 =	vimm.s32 $0x0;
	v55 =	vimm.s32 $0x0;
	(v2sf) =	vpush v42, $0x0  }
0xbe: {  	v45 =	vsel vm13, $0xFFFFFFFF, v51;
	v52 =	vmpcnt.ones.xlane vm13;
	vm13 =	veq.s32 v44, v12  }
0xbf: {  	[tilespmem:$0x1FFD0] =	vst v45;
	v44 =	vsel vm13, $0xFFFFFFFF, v53;
	v54 =	vmpcnt.ones.xlane vm13;
	vm13 =	veq.s32 v43, v12  }
0xc0: {  	[tilespmem:$0x1FFE0] =	vst v44;
	v43 =	vsel vm13, $0xFFFFFFFF, v55  }
0xc1: {  	[tilespmem:$0x1FFF0] =	vst v43  }
0xc2: {  	v40 =	vmpcnt.ones.xlane vm11;
	s24 =	sadd.s32 s26, s28;
	s25 =	spop (v2sf);
	[tilespmem:s26+$0x10400] =	vst.msk vm8, v21  }
0xc3: {  	[tilespmem:s24+$0x10400] =	vst.msk vm7, v19;
	s24 =	sadd.s32 s24, s25;
	s26 =	spop (v2sf)  }
0xc4: {  	(v2sf) =	vpush v40, $0x0;
	[tilespmem:s24+$0x10400] =	vst.msk vm6, v17;
	s24 =	sadd.s32 s24, s26;
	s28 =	spop (v2sf)  }
0xc5: {  	[tilespmem:s24+$0x10400] =	vst.msk vm5, v15;
	s24 =	sadd.s32 s24, s28;
	s29 =	spop (v2sf)  }
0xc6: {  	[tilespmem:s24+$0x10400] =	vst.msk vm4, v14;
	s24 =	sadd.s32 s24, s29;
	s30 =	spop (v2sf)  }
0xc7: {  	[tilespmem:s24+$0x10400] =	vst.msk vm2, v11;
	s24 =	sadd.s32 s24, s30;
	s31 =	spop (v2sf)  }
0xc8: {  	[tilespmem:s24+$0x10400] =	vst.msk vm3, v10;
	s24 =	sadd.s32 s24, s31;
	s0 =	spop (v2sf)  }
0xc9: {  	[tilespmem:s24+$0x10400] =	vst.msk vm1, v9;
	s24 =	sadd.s32 s24, s0;
	s26 =	spop (v2sf)  }
0xca: {  	[tilespmem:s24+$0x10400] =	vst.msk vm0, v7;
	s24 =	sadd.s32 s24, s26;
	s28 =	spop (v2sf)  }
0xcb: {  	(v2sf) =	vpush v52, $0x0;
	[tilespmem:s24+$0x10400] =	vst.msk vm12, v28;
	s24 =	sadd.s32 s24, s28;
	s29 =	spop (v2sf)  }
0xcc: {  	[tilespmem:s24+$0x10400] =	vst.msk vm9, v27;
	s24 =	sadd.s32 s24, s29;
	s30 =	spop (v2sf)  }
0xcd: {  	[tilespmem:s24+$0x10400] =	vst.msk vm10, v29;
	s24 =	sadd.s32 s24, s30  }
0xce: {  	[tilespmem:s24+$0x10400] =	vst.msk vm11, v31  }
0xcf: {  	v7 =	vld [tilespmem:$0x1FFD0];
	_ =	sdelay $0x1  }
0xd0: {  	vm14 =	veq.s32 v39, v12;
	v56 =	vmpcnt.ones.xlane vm13;
	vm13 =	veq.s32 v41, v12  }
0xd1: {  	vm15 =	veq.s32 v38, v12;
	v41 =	vmpcnt.ones.xlane vm13;
	(v2sf) =	vpush v54, $0x0  }
0xd2: {  	v39 =	vmpcnt.ones.xlane vm14;
	v57 =	vmpcnt.ones.xlane vm15;
	(v2sf) =	vpush v56, $0x0;
	s31 =	spop (v2sf)  }
0xd3: {  	vm8 =	veq.s32 v37, v12;
	(v2sf) =	vpush v41, $0x0;
	s24 =	sadd.s32 s24, s31;
	vm10 =	vnez.u8 v7  }
0xd4: {  	vm7 =	veq.s32 v36, v12;
	v58 =	vmpcnt.ones.xlane vm8;
	(v2sf) =	vpush v39, $0x0;
	[tilespmem:s24+$0x10400] =	vst.msk vm10, v25  }
0xd5: {  	v59 =	vmpcnt.ones.xlane vm7;
	vm6 =	veq.s32 v35, v12;
	(v2sf) =	vpush v57, $0x0;
	v7 =	vld [tilespmem:$0x1FFE0]  }
0xd6: {  	v60 =	vmpcnt.ones.xlane vm6;
	vm5 =	veq.s32 v34, v12;
	(v2sf) =	vpush v58, $0x0  }
0xd7: {  	v61 =	vmpcnt.ones.xlane vm5;
	vm4 =	veq.s32 v33, v12;
	(v2sf) =	vpush v59, $0x0  }
0xd8: {  	v62 =	vmpcnt.ones.xlane vm4;
	(v2sf) =	vpush v60, $0x0  }
0xd9: {  	(v2sf) =	vpush v61, $0x0;
	s0 =	spop (v2sf)  }
0xda: {  	(v2sf) =	vpush v62, $0x0;
	s24 =	sadd.s32 s24, s0;
	vm11 =	vnez.u8 v7  }
0xdb: {  	[tilespmem:s24+$0x10400] =	vst.msk vm11, v24  }
0xdc: {  	vm2 =	veq.s32 v30, v12;
	v7 =	vld [tilespmem:$0x1FFF0]  }
0xdd: {  	v63 =	vmpcnt.ones.xlane vm2;
	_ =	sdelay $0x1  }
0xde: {  	(v2sf) =	vpush v63, $0x0  }
0xdf: {  	s26 =	spop (v2sf)  }
0xe0: {  	s28 =	spop (v2sf);
	s24 =	sadd.s32 s24, s26;
	vm12 =	vnez.u8 v7  }
0xe1: {  	s29 =	spop (v2sf);
	[tilespmem:s24+$0x10400] =	vst.msk vm12, v22;
	s24 =	sadd.s32 s24, s28  }
0xe2: {  	s30 =	spop (v2sf);
	[tilespmem:s24+$0x10400] =	vst.msk vm13, v32;
	s24 =	sadd.s32 s24, s29  }
0xe3: {  	s31 =	spop (v2sf);
	[tilespmem:s24+$0x10400] =	vst.msk vm14, v26;
	s24 =	sadd.s32 s24, s30  }
0xe4: {  	s0 =	spop (v2sf);
	[tilespmem:s24+$0x10400] =	vst.msk vm15, v23;
	s24 =	sadd.s32 s24, s31  }
0xe5: {  	s26 =	spop (v2sf);
	[tilespmem:s24+$0x10400] =	vst.msk vm8, v18;
	s24 =	sadd.s32 s24, s0  }
0xe6: {  	s28 =	spop (v2sf);
	[tilespmem:s24+$0x10400] =	vst.msk vm7, v13;
	s24 =	sadd.s32 s24, s26  }
0xe7: {  	s29 =	spop (v2sf);
	[tilespmem:s24+$0x10400] =	vst.msk vm6, v20;
	s24 =	sadd.s32 s24, s28  }
0xe8: {  	s30 =	spop (v2sf);
	[tilespmem:s24+$0x10400] =	vst.msk vm5, v16;
	s24 =	sadd.s32 s24, s29  }
0xe9: {  	[tilespmem:s24+$0x10400] =	vst.msk vm4, v8;
	s24 =	sadd.s32 s24, s30  }
0xea: {  	[tilespmem:s24+$0x10400] =	vst.msk vm2, v6;
	s24 =	simm.s32 $0x10020  }
0xeb: {  	[tilespmem:s24+$0xFFFFFFE0] =	vst v1  }
0xec: {  	[tilespmem:s24+$0x10] =	vst v1  }
0xed: {  	s25 =	simm.s32 $0x0;
	s31 =	spop (v2sf);
	[tilespmem:s24+$0x0] =	vst v1  }
.LBB2_11:
0xee: {  	s25 =	sadd.s32 $0x4, s25  }
0xef: {  	[tilespmem:s24+$0xFFFFFFF0] =	vst v1;
	s24 =	sadd.s32 $0x40, s24;
	p0 =	slt.u32 s25, $0x3C  }
.Ltmp5:
0xf0: {  	[tilespmem:s24+$0xFFFFFFE0] =	vst v1;
	(pc) =	sbr.rel @p0 .LBB2_11-.Ltmp5, $3  }
0xf1: {  	_ =	sdelay $0x1  }
0xf2: {  	[tilespmem:s24+$0x10] =	vst v1  }
0xf3: {  	[tilespmem:s24+$0x0] =	vst v1  }
0xf4: {  	v6 =	vmov s23  }
0xf5: {  	vm0 =	veq.s32 v6, v0  }
0xf6: {  	v5 =	vnsel vm0, $0x0, v5  }
0xf7: {  	v4 =	vnsel vm0, $0x0, v4;
	(xrf0) =	vadd.scan.msk.s32 $0xffff, v5  }
0xf8: {  	(xrf0) =	vadd.scan.msk.s32 $0xffff, v4;
	_ =	sdelay $0x4  }
0xf9: {  	v4, _, _ =	vpop (xrf0)  }
0xfa: {  	(v2sf) =	vpush v4, $0xF;
	v4, _, _ =	vpop (xrf0)  }
0xfb: {  	(v2sf) =	vpush v4, $0xF;
	_ =	sdelay $0xd  }
0xfc: {  	s23 =	spop (v2sf)  }
0xfd: {  	[tilespmem:s24+$0xFFFFFFF0] =	vst v1;
	s24 =	spop (v2sf)  }
0xfe: {  	s25 =	sadd.s32 $0xF, s24  }
0xff: {  	s25 =	sshra.s32 s25, $0x4  }
0x100: {  	p0 =	slt.s32 s25, $0x1  }
.Ltmp6:
0x101: {  	_ = 	snop;
	(pc) =	sbr.rel @p0 .LBB2_16-.Ltmp6, $2  }
0x102: {  	_ =	sdelay $0x2  }
0x103: {  	v4 =	vbroadcast v4, $0xF  }
0x104: {  	s28 =	simm.s32 $0x10400  }
0x105: {  	p0 =	seq.s32 s25, $0x1;
	v5 =	vld [tilespmem:s28+$0x0]  }
.Ltmp7:
0x106: {  	_ = 	snop;
	(pc) =	sbr.rel @p0 .LBB2_15-.Ltmp7, $4  }
0x107: {  	_ = 	snop  }
0x108: {  	s26 =	simm.s32 $0x0  }
0x109: {  	v6 =	vor.u32 s26, v0  }
0x10a: {  	s29 =	simm.s32 $0x10410;
	s28 =	sadd.s32 $0xFFFFFFFF, s25;
	vm0 =	vlt.s32 v6, v4;
	v5 =	vshrl.u32 v5, $0xA  }
.LBB2_14:
0x10b: {  	v6 =	vld [tilespmem:s29+$0x0];
	p0 =	seq.s32 s28, $0x1;
	s28 =	sadd.s32 $0xFFFFFFFF, s28;
	v7 =	vand.u32 $0x3FF, v5  }
.Ltmp8:
0x10c: {  	(pc) =	sbr.rel @!p0 .LBB2_14-.Ltmp8, $4  }
0x10d: {  	_ = 	snop  }
0x10e: {  	s26 =	sadd.s32 $0x10, s26  }
0x10f: {  	v8 =	vor.u32 s26, v0  }
0x110: {  	s29 =	sadd.s32 $0x10, s29;
	v5 =	vshrl.u32 v6, $0xA;
	[tilespmem:v7+s16+$0x0] =	vst.idx.add.s32.msk vm0, v2;
	vm0 =	vlt.s32 v8, v4  }
.LBB2_15:
0x111: {  	v5 =	vand.u32 $0x3FF, v5;
	_ =	sdelay $0x4  }
0x112: {  	[tilespmem:v5+s16+$0x0] =	vst.idx.add.s32.msk vm0, v2  }
.LBB2_16:
0x113: {  	v5 =	vld [tilespmem:$0x103F0];
	_ =	sdelay $0x4  }
0x114: {  	(xrf0) =	vadd.scan.msk.s32 $0xffff, v5;
	_ =	sdelay $0x5  }
0x115: {  	v5, _, _ =	vpop (xrf0)  }
0x116: {  	(v2sf) =	vpush v5, $0xF;
	_ =	sdelay $0xd  }
0x117: {  	s23 =	ssub.s32 s24, s23  }
0x118: {  	s23 =	sadd.s32 s22, s23;
	s26 =	spop (v2sf)  }
0x119: {  	p0 =	slt.s32 s26, s23  }
.Ltmp9:
0x11a: {  	_ = 	snop;
	(pc) =	sbr.rel @!p0 .LBB2_18-.Ltmp9, $2  }
0x11b: {  	_ =	sdelay $0x2  }
0x11c: {  	s24 =	simm.s32 $0x0;
	s28 =	simm.s32 $0x103E0;
	s22 =	simm.s32 $0x3F0  }
.LBB2_17:
0x11d: {  	v5 =	vld [tilespmem:s28+$0x0];
	_ =	sdelay $0x4  }
0x11e: {  	(xrf0) =	vadd.scan.msk.s32 $0xffff, v5;
	_ =	sdelay $0x5  }
0x11f: {  	v5, _, _ =	vpop (xrf0)  }
0x120: {  	(v2sf) =	vpush v5, $0xF;
	_ =	sdelay $0xe  }
0x121: {  	s24 =	smov.u32 s26;
	s31 =	spop (v2sf)  }
0x122: {  	s26 =	sadd.s32 s24, s31  }
0x123: {  	p0 =	slt.s32 s26, s23  }
.Ltmp10:
0x124: {  	_ = 	snop;
	(pc) =	sbr.rel @p0 .LBB2_17-.Ltmp10, $2  }
0x125: {  	_ =	sdelay $0x2  }
0x126: {  	s22 =	sadd.s32 $0xFFFFFFF0, s22;
	s28 =	sadd.s32 $0xFFFFFFF0, s28  }
.LBB2_18:
0x127: {  	v5 =	vld [tilespmem:s22+$0x10000];
	_ =	sdelay $0x4  }
0x128: {  	v6 =	vperm.xlane v5, v3;
	_ =	sdelay $0x1  }
0x129: {  	(xrf0) =	vadd.scan.msk.s32 $0xffff, v6;
	_ =	sdelay $0x5  }
0x12a: {  	v6, _, _ =	vpop (xrf0)  }
0x12b: {  	v6 =	vperm.xlane v6, v3  }
0x12c: {  	s24 =	ssub.s32 s23, s24  }
0x12d: {  	vm0 =	vge.s32 v6, s24  }
0x12e: {  	v7 =	vmpcnt.ones.xlane vm0;
	_ =	sdelay $0x1  }
0x12f: {  	(v2sf) =	vpush v7, $0x0;
	_ =	sdelay $0xe  }
0x130: {  	s31 =	spop (v2sf)  }
0x131: {  	s28 =	sadd.s32 $0xFFFFFFFF, s31  }
0x132: {  	v7 =	vmov s28  }
0x133: {  	vm15 =	veq.s32 v7, v0  }
0x134: {  	v6 =	vnsel vm15, $0x0, v6  }
0x135: {  	v5 =	vnsel vm15, $0x0, v5;
	(xrf0) =	vadd.scan.msk.s32 $0xffff, v6  }
0x136: {  	(xrf0) =	vadd.scan.msk.s32 $0xffff, v5;
	_ =	sdelay $0x4  }
0x137: {  	v5, _, _ =	vpop (xrf0)  }
0x138: {  	(v2sf) =	vpush v5, $0xF;
	v5, _, _ =	vpop (xrf0)  }
0x139: {  	(v2sf) =	vpush v5, $0xF;
	_ =	sdelay $0x9  }
0x13a: {  	p0 =	sgt.s32 s25, $0x0  }
.Ltmp11:
0x13b: {  	_ = 	snop;
	(pc) =	sbr.rel @!p0 .LBB2_19-.Ltmp11, $3  }
0x13c: {  	_ =	sdelay $0x1  }
0x13d: {  	s26 =	spop (v2sf)  }
0x13e: {  	s22 =	sadd.s32 s22, s28;
	s23 =	spop (v2sf)  }
0x13f: {  	p1 =	seq.s32 s25, $0x1  }
.Ltmp12:
0x140: {  	_ = 	snop;
	(pc) =	sbr.rel @p1 .LBB2_116-.Ltmp12, $3  }
0x141: {  	_ =	sdelay $0x1  }
0x142: {  	s29 =	simm.s32 $0x10400  }
0x143: {  	v6 =	vmov s22;
	s28 =	simm.s32 $0x0;
	s25 =	sadd.s32 $0xFFFFFFFF, s25;
	p0 =	por $0x0, $0x0;
	v7 =	vld [tilespmem:s29+$0x0]  }
0x144: {  	_ =	sdelay $0x3  }
0x145: {  	v8 =	vshrl.u32 v7, $0xA  }
0x146: {  	v9 =	vor.u32 s28, v0;
	v8 =	vand.u32 $0x3FF, v8  }
0x147: {  	vm0 =	vlt.s32 v9, v4;
	vm1 =	veq.s32 v8, v6  }
0x148: {  	vm0 =	vmand vm0, vm1  }
0x149: {  	v8 =	vmpcnt.ones.xlane vm0;
	_ =	sdelay $0x1  }
0x14a: {  	p1 =	seq.s32 s25, $0x1;
	(v2sf) =	vpush v8, $0x0  }
.Ltmp13:
0x14b: {  	_ = 	snop;
	(pc) =	sbr.rel @p1 .LBB2_118-.Ltmp13, $3  }
0x14c: {  	_ =	sdelay $0x1  }
0x14d: {  	s30 =	simm.s32 $0x10410;
	s31 =	sadd.s32 $0xFFFFFFFF, s25;
	[tilespmem:s28+$0x10400] =	vst.msk vm0, v7  }
0x14e: {  	p0 =	por $0x1, $0x1;
	s29 =	simm.s32 $0x0;
	s25 =	simm.s32 $0x0;
	v7 =	vld [tilespmem:s30+$0x0]  }
.LBB2_119:
0x14f: {  	p1 =	seq.s32 s31, $0x1;
	_ =	sdelay $0x3  }
0x150: {  	s29 =	sadd.s32 $0x10, s29;
	v8 =	vshrl.u32 v7, $0xA  }
0x151: {  	v9 =	vor.u32 s29, v0;
	v8 =	vand.u32 $0x3FF, v8  }
0x152: {  	vm0 =	vlt.s32 v9, v4;
	vm1 =	veq.s32 v8, v6  }
0x153: {  	vm0 =	vmand vm0, vm1  }
0x154: {  	v8 =	vmpcnt.ones.xlane vm0  }
0x155: {  	s0 =	spop (v2sf)  }
0x156: {  	(v2sf) =	vpush v8, $0x0;
	s25 =	sadd.s32 s25, s0  }
.Ltmp14:
0x157: {  	[tilespmem:s25+$0x10400] =	vst.msk vm0, v7;
	(pc) =	sbr.rel @!p1 .LBB2_119-.Ltmp14, $3  }
0x158: {  	_ =	sdelay $0x1  }
0x159: {  	s30 =	sadd.s32 $0x10, s30  }
0x15a: {  	s31 =	sadd.s32 $0xFFFFFFFF, s31;
	v7 =	vld [tilespmem:s30+$0x0]  }
.LBB2_120:
0x15b: {  	_ =	sdelay $0x2  }
0x15c: {  	s0 =	sadd.s32 @p0 $0x10, s29;
	s29 =	simm.s32 $0x0  }
0x15d: {  	s29 =	smov.u32 @p0 s0;
	v8 =	vshrl.u32 v7, $0xA  }
0x15e: {  	v9 =	vor.u32 s29, v0;
	v8 =	vand.u32 $0x3FF, v8  }
0x15f: {  	vm0 =	vlt.s32 v9, v4;
	vm1 =	veq.s32 v8, v6  }
0x160: {  	vm0 =	vmand vm0, vm1  }
0x161: {  	v4 =	vmpcnt.ones.xlane vm0;
	_ =	sdelay $0x1  }
0x162: {  	(v2sf) =	vpush v4, $0x0;
	_ =	sdelay $0xb  }
0x163: {  	s0 =	spop @p0 (v2sf)  }
0x164: {  	s0 =	sadd.s32 @p0 s25, s0  }
0x165: {  	s28 =	smov.u32 @p0 s0  }
0x166: {  	[tilespmem:s28+$0x10400] =	vst.msk vm0, v7;
	s31 =	spop (v2sf)  }
.LBB2_19:
0x167: {  	s25 =	ssub.s32 s23, s26  }
0x168: {  	s24 =	sadd.s32 s24, s25;
	s25 =	simm.s32 $0x10020  }
0x169: {  	[tilespmem:s25+$0xFFFFFFE0] =	vst v1  }
0x16a: {  	[tilespmem:s25+$0x10] =	vst v1  }
0x16b: {  	s26 =	simm.s32 $0x0;
	[tilespmem:s25+$0x0] =	vst v1  }
.LBB2_20:
0x16c: {  	s26 =	sadd.s32 $0x4, s26  }
0x16d: {  	[tilespmem:s25+$0xFFFFFFF0] =	vst v1;
	s25 =	sadd.s32 $0x40, s25;
	p0 =	slt.u32 s26, $0x3C  }
.Ltmp15:
0x16e: {  	[tilespmem:s25+$0xFFFFFFE0] =	vst v1;
	(pc) =	sbr.rel @p0 .LBB2_20-.Ltmp15, $3  }
0x16f: {  	_ =	sdelay $0x1  }
0x170: {  	[tilespmem:s25+$0x10] =	vst v1  }
0x171: {  	[tilespmem:s25+$0x0] =	vst v1  }
0x172: {  	s0 =	sadd.s32 $0xF, s23  }
0x173: {  	[tilespmem:s25+$0xFFFFFFF0] =	vst v1;
	s25 =	sshra.s32 s0, $0x4  }
0x174: {  	p0 =	slt.s32 s25, $0x1  }
.Ltmp16:
0x175: {  	_ = 	snop;
	(pc) =	sbr.rel @p0 .LBB2_25-.Ltmp16, $1  }
0x176: {  	_ =	sdelay $0x3  }
0x177: {  	s26 =	simm.s32 $0x10400  }
0x178: {  	v4 =	vbroadcast v5, $0xF;
	p0 =	seq.s32 s25, $0x1;
	v5 =	vld [tilespmem:s26+$0x0]  }
.Ltmp17:
0x179: {  	_ = 	snop;
	(pc) =	sbr.rel @p0 .LBB2_24-.Ltmp17, $4  }
0x17a: {  	s23 =	simm.s32 $0x0  }
0x17b: {  	v6 =	vor.u32 s23, v0  }
0x17c: {  	vm0 =	vlt.s32 v6, v4  }
0x17d: {  	s25 =	sadd.s32 $0xFFFFFFFF, s25;
	s26 =	simm.s32 $0x10410;
	v5 =	vand.u32 $0x3FF, v5  }
.LBB2_23:
0x17e: {  	v6 =	vld [tilespmem:s26+$0x0];
	p0 =	seq.s32 s25, $0x1;
	s25 =	sadd.s32 $0xFFFFFFFF, s25  }
.Ltmp18:
0x17f: {  	(pc) =	sbr.rel @!p0 .LBB2_23-.Ltmp18, $4  }
0x180: {  	s23 =	sadd.s32 $0x10, s23  }
0x181: {  	v7 =	vor.u32 s23, v0  }
0x182: {  	[tilespmem:v5+s16+$0x0] =	vst.idx.add.s32.msk vm0, v2;
	vm0 =	vlt.s32 v7, v4  }
0x183: {  	s26 =	sadd.s32 $0x10, s26;
	v5 =	vand.u32 $0x3FF, v6  }
.LBB2_24:
0x184: {  	_ =	sdelay $0x4  }
0x185: {  	[tilespmem:v5+s16+$0x0] =	vst.idx.add.s32.msk vm0, v2  }
.LBB2_25:
0x186: {  	v4 =	vld [tilespmem:$0x103F0];
	_ =	sdelay $0x4  }
0x187: {  	(xrf0) =	vadd.scan.msk.s32 $0xffff, v4;
	_ =	sdelay $0x5  }
0x188: {  	v4, _, _ =	vpop (xrf0)  }
0x189: {  	(v2sf) =	vpush v4, $0xF;
	_ =	sdelay $0xe  }
0x18a: {  	s26 =	spop (v2sf)  }
0x18b: {  	p0 =	slt.s32 s26, s24  }
.Ltmp19:
0x18c: {  	_ = 	snop;
	(pc) =	sbr.rel @!p0 .LBB2_27-.Ltmp19, $2  }
0x18d: {  	_ =	sdelay $0x2  }
0x18e: {  	s25 =	simm.s32 $0x0;
	s23 =	simm.s32 $0x3F0;
	s28 =	simm.s32 $0x103E0  }
.LBB2_26:
0x18f: {  	v4 =	vld [tilespmem:s28+$0x0];
	_ =	sdelay $0x4  }
0x190: {  	(xrf0) =	vadd.scan.msk.s32 $0xffff, v4;
	_ =	sdelay $0x5  }
0x191: {  	v4, _, _ =	vpop (xrf0)  }
0x192: {  	(v2sf) =	vpush v4, $0xF;
	_ =	sdelay $0xe  }
0x193: {  	s0 =	spop (v2sf)  }
0x194: {  	s25 =	smov.u32 s26;
	s26 =	sadd.s32 s26, s0  }
0x195: {  	p0 =	slt.s32 s26, s24  }
.Ltmp20:
0x196: {  	_ = 	snop;
	(pc) =	sbr.rel @p0 .LBB2_26-.Ltmp20, $2  }
0x197: {  	_ =	sdelay $0x2  }
0x198: {  	s23 =	sadd.s32 $0xFFFFFFF0, s23;
	s28 =	sadd.s32 $0xFFFFFFF0, s28  }
.LBB2_27:
0x199: {  	v4 =	vld [tilespmem:s23+$0x10000];
	_ =	sdelay $0x4  }
0x19a: {  	v4 =	vperm.xlane v4, v3;
	_ =	sdelay $0x1  }
0x19b: {  	(xrf0) =	vadd.scan.msk.s32 $0xffff, v4;
	_ =	sdelay $0x5  }
0x19c: {  	v4, _, _ =	vpop (xrf0)  }
0x19d: {  	v4 =	vperm.xlane v4, v3  }
0x19e: {  	s0 =	ssub.s32 s24, s25  }
0x19f: {  	vm0 =	vge.s32 v4, s0  }
0x1a0: {  	v4 =	vmpcnt.ones.xlane vm0;
	_ =	sdelay $0x1  }
0x1a1: {  	(v2sf) =	vpush v4, $0x0;
	_ =	sdelay $0xe  }
0x1a2: {  	s31 =	sshll.u32 s21, $0x14;
	s30 =	spop (v2sf)  }
0x1a3: {  	s22 =	sshll.u32 s22, $0xA;
	s21 =	simm.s32 $0x80;
	s0 =	sadd.s32 s30, s23  }
0x1a4: {  	s22 =	sor.u32 s31, s22;
	v5 =	vld [tilespmem:s21+$0x70];
	s0 =	sadd.s32 $0xFFFFFFFF, s0  }
0x1a5: {  	v6 =	vld [tilespmem:s21+$0xFFFFFF90];
	s0 =	sor.u32 s0, s22  }
0x1a6: {  	v7 =	vld [tilespmem:s21+$0xFFFFFFA0];
	v4 =	vmov s0  }
0x1a7: {  	v8 =	vld [tilespmem:s21+$0xFFFFFFB0];
	v4 =	vbroadcast v4, $0x0  }
0x1a8: {  	v9 =	vld [tilespmem:s21+$0xFFFFFFC0]  }
0x1a9: {  	v10 =	vld [tilespmem:s21+$0xFFFFFFD0];
	vm0 =	vge.f32 v5, v4  }
0x1aa: {  	v11 =	vld [tilespmem:s21+$0xFFFFFFE0];
	vm1 =	vge.f32 v6, v4;
	v5 =	vnsel vm0, $0x0, v5  }
0x1ab: {  	v12 =	vld [tilespmem:s21+$0xFFFFFFF0];
	v6 =	vnsel vm1, $0x0, v6;
	vm0 =	vge.f32 v7, v4;
	[tilespmem:s21+$0x70] =	vst v5  }
0x1ac: {  	[tilespmem:s21+$0xFFFFFF90] =	vst v6;
	v5 =	vnsel vm0, $0x0, v7;
	vm0 =	vge.f32 v8, v4;
	v7 =	vld [tilespmem:s21+$0x0]  }
0x1ad: {  	v13 =	vld [tilespmem:s21+$0x10];
	[tilespmem:s21+$0xFFFFFFA0] =	vst v5;
	v5 =	vnsel vm0, $0x0, v8;
	vm0 =	vge.f32 v9, v4  }
0x1ae: {  	[tilespmem:s21+$0xFFFFFFB0] =	vst v5;
	v6 =	vnsel vm0, $0x0, v9;
	vm0 =	vge.f32 v10, v4;
	v5 =	vld [tilespmem:s21+$0x20]  }
0x1af: {  	[tilespmem:s21+$0xFFFFFFC0] =	vst v6;
	v8 =	vnsel vm0, $0x0, v10;
	vm0 =	vge.f32 v11, v4;
	v6 =	vld [tilespmem:s21+$0x30]  }
0x1b0: {  	[tilespmem:s21+$0xFFFFFFD0] =	vst v8;
	v9 =	vnsel vm0, $0x0, v11;
	vm0 =	vge.f32 v12, v4;
	v8 =	vld [tilespmem:s21+$0x40]  }
0x1b1: {  	v10 =	vld [tilespmem:s21+$0x50];
	[tilespmem:s21+$0xFFFFFFE0] =	vst v9;
	v9 =	vnsel vm0, $0x0, v12;
	vm0 =	vge.f32 v7, v4  }
0x1b2: {  	[tilespmem:s21+$0xFFFFFFF0] =	vst v9;
	v11 =	vnsel vm0, $0x0, v7;
	vm0 =	vge.f32 v13, v4;
	v9 =	vld [tilespmem:s21+$0x60]  }
0x1b3: {  	s23 =	simm.s32 $0x180;
	s22 =	simm.s32 $0x0;
	v7 =	vld [tilespmem:s21+$0xFFFFFF80];
	[tilespmem:s21+$0x0] =	vst v11;
	v11 =	vnsel vm0, $0x0, v13;
	vm0 =	vge.f32 v5, v4  }
.LBB2_28:
0x1b4: {  	v12 =	vld [tilespmem:s23+$0x70];
	s22 =	sadd.s32 $0x10, s22;
	[tilespmem:s21+$0x10] =	vst v11;
	v5 =	vnsel vm0, $0x0, v5;
	vm0 =	vge.f32 v6, v4  }
0x1b5: {  	v11 =	vld [tilespmem:s23+$0xFFFFFF90];
	p0 =	slt.u32 s22, $0x7F0;
	[tilespmem:s21+$0x20] =	vst v5;
	v5 =	vnsel vm0, $0x0, v6;
	vm0 =	vge.f32 v8, v4  }
0x1b6: {  	v6 =	vld [tilespmem:s23+$0xFFFFFFA0];
	[tilespmem:s21+$0x30] =	vst v5;
	v5 =	vnsel vm0, $0x0, v8;
	vm0 =	vge.f32 v10, v4  }
0x1b7: {  	v8 =	vld [tilespmem:s23+$0xFFFFFFB0];
	[tilespmem:s21+$0x40] =	vst v5;
	v5 =	vnsel vm0, $0x0, v10;
	vm0 =	vge.f32 v9, v4  }
0x1b8: {  	v10 =	vld [tilespmem:s23+$0xFFFFFFC0];
	vm1 =	vge.f32 v7, v4;
	[tilespmem:s21+$0x50] =	vst v5;
	v5 =	vnsel vm0, $0x0, v9  }
0x1b9: {  	v9 =	vld [tilespmem:s23+$0xFFFFFFD0];
	vm0 =	vge.f32 v12, v4;
	v7 =	vnsel vm1, $0x0, v7;
	[tilespmem:s21+$0x60] =	vst v5  }
0x1ba: {  	vm1 =	vge.f32 v11, v4;
	v13 =	vld [tilespmem:s23+$0xFFFFFFE0];
	v5 =	vnsel vm0, $0x0, v12;
	[tilespmem:s21+$0xFFFFFF80] =	vst v7;
	s21 =	smov.u32 s23  }
0x1bb: {  	v7 =	vnsel vm1, $0x0, v11;
	vm0 =	vge.f32 v6, v4;
	v11 =	vld [tilespmem:s23+$0xFFFFFFF0];
	[tilespmem:s23+$0x70] =	vst v5  }
0x1bc: {  	[tilespmem:s23+$0xFFFFFF90] =	vst v7;
	v5 =	vnsel vm0, $0x0, v6;
	vm0 =	vge.f32 v8, v4;
	v7 =	vld [tilespmem:s23+$0x0]  }
0x1bd: {  	[tilespmem:s23+$0xFFFFFFA0] =	vst v5;
	v5 =	vnsel vm0, $0x0, v8;
	vm0 =	vge.f32 v10, v4;
	v12 =	vld [tilespmem:s23+$0x10]  }
0x1be: {  	[tilespmem:s23+$0xFFFFFFB0] =	vst v5;
	v6 =	vnsel vm0, $0x0, v10;
	vm0 =	vge.f32 v9, v4;
	v5 =	vld [tilespmem:s23+$0x20]  }
.Ltmp21:
0x1bf: {  	[tilespmem:s23+$0xFFFFFFC0] =	vst v6;
	v8 =	vnsel vm0, $0x0, v9;
	vm0 =	vge.f32 v13, v4;
	v6 =	vld [tilespmem:s23+$0x30];
	(pc) =	sbr.rel @p0 .LBB2_28-.Ltmp21, $4  }
0x1c0: {  	[tilespmem:s23+$0xFFFFFFD0] =	vst v8;
	v9 =	vnsel vm0, $0x0, v13;
	vm0 =	vge.f32 v11, v4;
	v8 =	vld [tilespmem:s23+$0x40]  }
0x1c1: {  	[tilespmem:s23+$0xFFFFFFE0] =	vst v9;
	v9 =	vnsel vm0, $0x0, v11;
	vm0 =	vge.f32 v7, v4;
	v10 =	vld [tilespmem:s23+$0x50]  }
0x1c2: {  	[tilespmem:s23+$0xFFFFFFF0] =	vst v9;
	v11 =	vnsel vm0, $0x0, v7;
	vm0 =	vge.f32 v12, v4;
	v9 =	vld [tilespmem:s23+$0x60]  }
0x1c3: {  	s23 =	sadd.s32 $0x100, s23;
	v7 =	vld [tilespmem:s21+$0xFFFFFF80];
	[tilespmem:s21+$0x0] =	vst v11;
	v11 =	vnsel vm0, $0x0, v12;
	vm0 =	vge.f32 v5, v4  }
0x1c4: {  	[tilespmem:s21+$0x10] =	vst v11;
	v5 =	vnsel vm0, $0x0, v5;
	vm12 =	vge.f32 v6, v4  }
0x1c5: {  	[tilespmem:s21+$0x20] =	vst v5;
	v5 =	vnsel vm12, $0x0, v6;
	vm13 =	vge.f32 v8, v4  }
0x1c6: {  	[tilespmem:s21+$0x30] =	vst v5;
	v5 =	vnsel vm13, $0x0, v8;
	vm14 =	vge.f32 v10, v4  }
0x1c7: {  	[tilespmem:s21+$0x40] =	vst v5;
	v5 =	vnsel vm14, $0x0, v10;
	vm15 =	vge.f32 v9, v4  }
0x1c8: {  	vm1 =	vge.f32 v7, v4;
	[tilespmem:s21+$0x50] =	vst v5;
	v4 =	vnsel vm15, $0x0, v9  }
0x1c9: {  	v5 =	vnsel vm1, $0x0, v7;
	[tilespmem:s21+$0x60] =	vst v4  }
0x1ca: {  	[tilespmem:s21+$0xFFFFFF80] =	vst v5  }
0x1cb: {  	[hbm4b:s5+s12] =	stream.strided.scatter [tilespmem:s2], [sflag:$0x3], $0x8000, s13, s12, $0x38;
	[tilespmem:$0x18480] =	vst v63  }
0x1cc: {  	_ =	swait.ge [sflag:s17], $0x8000  }
0x1cd: {  	[sflag:s17] =	ssyncset.done $0x0  }
0x1ce: {  	[sflag:s17] =	ssyncadd.s32 $0xFFFF8000  }
0x1cf: {  	_ =	swait.ge [sflag:s18], $0x8000  }
0x1d0: {  	[sflag:s18] =	ssyncset.done $0x0  }
0x1d1: {  	s22 =	simm.s32 $0x10020;
	[sflag:s18] =	ssyncadd.s32 $0xFFFF8000  }
0x1d2: {  	[tilespmem:s2], [sflag:$0x1] =	stream.strided.gather [hbm4b:s6+s12], $0x8000, s13, s12, $0x38;
	[tilespmem:$0x18480] =	vst v63  }
0x1d3: {  	[tilespmem:s22+$0xFFFFFFE0] =	vst v1  }
0x1d4: {  	[tilespmem:s22+$0x10] =	vst v1  }
0x1d5: {  	s23 =	simm.s32 $0x0;
	s21 =	simm.s32 $0x8080;
	[tilespmem:s22+$0x0] =	vst v1  }
.LBB2_30:
0x1d6: {  	s23 =	sadd.s32 $0x4, s23  }
0x1d7: {  	[tilespmem:s22+$0xFFFFFFF0] =	vst v1;
	s22 =	sadd.s32 $0x40, s22;
	p0 =	slt.u32 s23, $0x3C  }
.Ltmp22:
0x1d8: {  	[tilespmem:s22+$0xFFFFFFE0] =	vst v1;
	(pc) =	sbr.rel @p0 .LBB2_30-.Ltmp22, $3  }
0x1d9: {  	_ =	sdelay $0x1  }
0x1da: {  	[tilespmem:s22+$0x10] =	vst v1  }
0x1db: {  	[tilespmem:s22+$0x0] =	vst v1  }
0x1dc: {  	[tilespmem:s22+$0xFFFFFFF0] =	vst v1  }
0x1dd: {  	v4 =	vld [tilespmem:s21+$0xFFFFFFA0]  }
0x1de: {  	v5 =	vld [tilespmem:s21+$0xFFFFFFB0]  }
0x1df: {  	v6 =	vld [tilespmem:s21+$0xFFFFFFC0]  }
0x1e0: {  	v7 =	vld [tilespmem:s21+$0xFFFFFFD0]  }
0x1e1: {  	v8 =	vld [tilespmem:s21+$0xFFFFFF80]  }
0x1e2: {  	v9 =	vld [tilespmem:s21+$0x70]  }
0x1e3: {  	v10 =	vld [tilespmem:s21+$0x60]  }
0x1e4: {  	v11 =	vld [tilespmem:s21+$0x50]  }
0x1e5: {  	v12 =	vld [tilespmem:s21+$0x40]  }
0x1e6: {  	v13 =	vld [tilespmem:s21+$0x30]  }
0x1e7: {  	v14 =	vld [tilespmem:s21+$0x20];
	v8 =	vshrl.u32 v8, $0x14  }
0x1e8: {  	v15 =	vld [tilespmem:s21+$0x10];
	v9 =	vshrl.u32 v9, $0x14;
	v8 =	vand.u32 $0x3FF, v8  }
0x1e9: {  	v18 =	vld [tilespmem:s21+$0xFFFFFFE0];
	v10 =	vshrl.u32 v10, $0x14;
	v9 =	vand.u32 $0x3FF, v9  }
0x1ea: {  	v16 =	vld [tilespmem:s21+$0x0];
	v11 =	vshrl.u32 v11, $0x14;
	v10 =	vand.u32 $0x3FF, v10  }
0x1eb: {  	v17 =	vld [tilespmem:s21+$0xFFFFFFF0];
	v13 =	vshrl.u32 v13, $0x14;
	v11 =	vand.u32 $0x3FF, v11  }
0x1ec: {  	v60 =	vld [tilespmem:s21+$0xFFFFFF90];
	v12 =	vshrl.u32 v12, $0x14;
	v56 =	vand.u32 $0x3FF, v13  }
0x1ed: {  	v57 =	vshrl.u32 v15, $0x14;
	v12 =	vand.u32 $0x3FF, v12;
	[tilespmem:v8+s16+$0x0] =	vst.idx.add.s32.msk $0xffff, v2  }
0x1ee: {  	v61 =	vshrl.u32 v18, $0x14;
	v13 =	vand.u32 $0x3FF, v57;
	[tilespmem:v9+s16+$0x0] =	vst.idx.add.s32.msk $0xffff, v2  }
0x1ef: {  	v59 =	vshrl.u32 v14, $0x14;
	v7 =	vshrl.u32 v7, $0x14;
	v14 =	vand.u32 $0x3FF, v61;
	[tilespmem:v10+s16+$0x0] =	vst.idx.add.s32.msk $0xffff, v2  }
0x1f0: {  	v5 =	vshrl.u32 v5, $0x14;
	v7 =	vand.u32 $0x3FF, v7;
	[tilespmem:v11+s16+$0x0] =	vst.idx.add.s32.msk $0xffff, v2  }
0x1f1: {  	v4 =	vshrl.u32 v4, $0x14;
	v5 =	vand.u32 $0x3FF, v5;
	[tilespmem:v56+s16+$0x0] =	vst.idx.add.s32.msk $0xffff, v2  }
0x1f2: {  	v58 =	vshrl.u32 v16, $0x14;
	v63 =	vand.u32 $0x3FF, v4;
	[tilespmem:v12+s16+$0x0] =	vst.idx.add.s32.msk $0xffff, v2  }
0x1f3: {  	v9 =	vand.u32 $0x3FF, v58;
	[tilespmem:v13+s16+$0x0] =	vst.idx.add.s32.msk $0xffff, v2  }
0x1f4: {  	v62 =	vshrl.u32 v17, $0x14;
	v10 =	vand.u32 $0x3FF, v59;
	[tilespmem:v14+s16+$0x0] =	vst.idx.add.s32.msk $0xffff, v2  }
0x1f5: {  	v4 =	vshrl.u32 v6, $0x14;
	v6 =	vshrl.u32 v60, $0x14;
	v8 =	vand.u32 $0x3FF, v62;
	[tilespmem:v7+s16+$0x0] =	vst.idx.add.s32.msk $0xffff, v2  }
0x1f6: {  	[tilespmem:v5+s16+$0x0] =	vst.idx.add.s32.msk $0xffff, v2;
	v5 =	vand.u32 $0x3FF, v6  }
0x1f7: {  	v4 =	vand.u32 $0x3FF, v4;
	[tilespmem:v63+s16+$0x0] =	vst.idx.add.s32.msk $0xffff, v2  }
0x1f8: {  	[tilespmem:v9+s16+$0x0] =	vst.idx.add.s32.msk $0xffff, v2  }
0x1f9: {  	[tilespmem:v10+s16+$0x0] =	vst.idx.add.s32.msk $0xffff, v2  }
0x1fa: {  	s22 =	simm.s32 $0x0;
	[tilespmem:v8+s16+$0x0] =	vst.idx.add.s32.msk $0xffff, v2  }
.LBB2_32:
0x1fb: {  	s22 =	sadd.s32 $0x10, s22;
	[tilespmem:v5+s16+$0x0] =	vst.idx.add.s32.msk $0xffff, v2;
	s21 =	sadd.s32 $0x100, s21  }
0x1fc: {  	p0 =	slt.u32 s22, $0x7F0;
	[tilespmem:v4+s16+$0x0] =	vst.idx.add.s32.msk $0xffff, v2  }
0x1fd: {  	v5 =	vld [tilespmem:s21+$0xFFFFFFA0]  }
0x1fe: {  	v4 =	vld [tilespmem:s21+$0xFFFFFFB0]  }
0x1ff: {  	v6 =	vld [tilespmem:s21+$0xFFFFFFC0]  }
0x200: {  	v7 =	vld [tilespmem:s21+$0xFFFFFFD0]  }
0x201: {  	v8 =	vld [tilespmem:s21+$0xFFFFFF80]  }
0x202: {  	v9 =	vld [tilespmem:s21+$0x70]  }
0x203: {  	v10 =	vld [tilespmem:s21+$0x60]  }
0x204: {  	v11 =	vld [tilespmem:s21+$0x50]  }
0x205: {  	v12 =	vld [tilespmem:s21+$0x40]  }
0x206: {  	v8 =	vshrl.u32 v8, $0x14;
	v13 =	vld [tilespmem:s21+$0x30]  }
0x207: {  	v8 =	vand.u32 $0x3FF, v8;
	v14 =	vld [tilespmem:s21+$0x20];
	v9 =	vshrl.u32 v9, $0x14  }
0x208: {  	v15 =	vld [tilespmem:s21+$0x10];
	v10 =	vshrl.u32 v10, $0x14;
	v9 =	vand.u32 $0x3FF, v9  }
0x209: {  	v16 =	vld [tilespmem:s21+$0x0];
	v11 =	vshrl.u32 v11, $0x14;
	v10 =	vand.u32 $0x3FF, v10  }
0x20a: {  	v17 =	vld [tilespmem:s21+$0xFFFFFFF0];
	v12 =	vshrl.u32 v12, $0x14;
	v11 =	vand.u32 $0x3FF, v11  }
0x20b: {  	v18 =	vld [tilespmem:s21+$0xFFFFFFE0];
	v13 =	vshrl.u32 v13, $0x14  }
0x20c: {  	[tilespmem:v8+s16+$0x0] =	vst.idx.add.s32.msk $0xffff, v2;
	v8 =	vshrl.u32 v14, $0x14;
	v13 =	vand.u32 $0x3FF, v13  }
0x20d: {  	v12 =	vand.u32 $0x3FF, v12;
	v14 =	vshrl.u32 v15, $0x14;
	v8 =	vand.u32 $0x3FF, v8;
	[tilespmem:v9+s16+$0x0] =	vst.idx.add.s32.msk $0xffff, v2  }
0x20e: {  	v9 =	vshrl.u32 v16, $0x14;
	v14 =	vand.u32 $0x3FF, v14;
	[tilespmem:v10+s16+$0x0] =	vst.idx.add.s32.msk $0xffff, v2  }
0x20f: {  	v10 =	vshrl.u32 v17, $0x14;
	v9 =	vand.u32 $0x3FF, v9;
	[tilespmem:v11+s16+$0x0] =	vst.idx.add.s32.msk $0xffff, v2  }
0x210: {  	v11 =	vld [tilespmem:s21+$0xFFFFFF90];
	v15 =	vshrl.u32 v18, $0x14;
	v10 =	vand.u32 $0x3FF, v10  }
0x211: {  	v7 =	vshrl.u32 v7, $0x14;
	v15 =	vand.u32 $0x3FF, v15;
	[tilespmem:v13+s16+$0x0] =	vst.idx.add.s32.msk $0xffff, v2  }
0x212: {  	v6 =	vshrl.u32 v6, $0x14;
	v7 =	vand.u32 $0x3FF, v7;
	[tilespmem:v12+s16+$0x0] =	vst.idx.add.s32.msk $0xffff, v2  }
0x213: {  	v12 =	vshrl.u32 v4, $0x14;
	v4 =	vand.u32 $0x3FF, v6;
	[tilespmem:v14+s16+$0x0] =	vst.idx.add.s32.msk $0xffff, v2  }
0x214: {  	v5 =	vshrl.u32 v5, $0x14;
	v6 =	vand.u32 $0x3FF, v12;
	[tilespmem:v9+s16+$0x0] =	vst.idx.add.s32.msk $0xffff, v2  }
0x215: {  	v9 =	vshrl.u32 v11, $0x14;
	v11 =	vand.u32 $0x3FF, v5;
	[tilespmem:v8+s16+$0x0] =	vst.idx.add.s32.msk $0xffff, v2  }
.Ltmp23:
0x216: {  	v5 =	vand.u32 $0x3FF, v9;
	[tilespmem:v15+s16+$0x0] =	vst.idx.add.s32.msk $0xffff, v2;
	(pc) =	sbr.rel @p0 .LBB2_32-.Ltmp23, $4  }
0x217: {  	[tilespmem:v7+s16+$0x0] =	vst.idx.add.s32.msk $0xffff, v2  }
0x218: {  	[tilespmem:v10+s16+$0x0] =	vst.idx.add.s32.msk $0xffff, v2  }
0x219: {  	[tilespmem:v6+s16+$0x0] =	vst.idx.add.s32.msk $0xffff, v2  }
0x21a: {  	[tilespmem:v11+s16+$0x0] =	vst.idx.add.s32.msk $0xffff, v2  }
0x21b: {  	_ =	sdelay $0x3  }
0x21c: {  	[tilespmem:v5+s16+$0x0] =	vst.idx.add.s32.msk $0xffff, v2  }
0x21d: {  	[tilespmem:v4+s16+$0x0] =	vst.idx.add.s32.msk $0xffff, v2  }
0x21e: {  	v4 =	vld [tilespmem:$0x103F0];
	_ =	sdelay $0x4  }
0x21f: {  	(xrf0) =	vadd.scan.msk.s32 $0xffff, v4;
	_ =	sdelay $0x5  }
0x220: {  	v4, _, _ =	vpop (xrf0)  }
0x221: {  	(v2sf) =	vpush v4, $0xF;
	_ =	sdelay $0xe  }
0x222: {  	s23 =	spop (v2sf)  }
0x223: {  	p0 =	sgt.s32 s23, $0xCCB  }
.Ltmp24:
0x224: {  	_ = 	snop;
	(pc) =	sbr.rel @p0 .LBB2_36-.Ltmp24, $2  }
0x225: {  	_ =	sdelay $0x2  }
0x226: {  	s22 =	simm.s32 $0xCCC;
	s21 =	simm.s32 $0x3F0;
	s24 =	simm.s32 $0x103E0  }
.LBB2_34:
0x227: {  	v4 =	vld [tilespmem:s24+$0x0];
	_ =	sdelay $0x4  }
0x228: {  	(xrf0) =	vadd.scan.msk.s32 $0xffff, v4;
	_ =	sdelay $0x5  }
0x229: {  	v4, _, _ =	vpop (xrf0)  }
0x22a: {  	(v2sf) =	vpush v4, $0xF;
	_ =	sdelay $0xe  }
0x22b: {  	s0 =	spop (v2sf)  }
0x22c: {  	s22 =	smov.u32 s23;
	s23 =	sadd.s32 s23, s0  }
0x22d: {  	p0 =	slt.s32 s23, $0xCCC  }
.Ltmp25:
0x22e: {  	_ = 	snop;
	(pc) =	sbr.rel @p0 .LBB2_34-.Ltmp25, $2  }
0x22f: {  	_ =	sdelay $0x2  }
0x230: {  	s21 =	sadd.s32 $0xFFFFFFF0, s21;
	s24 =	sadd.s32 $0xFFFFFFF0, s24  }
0x231: {  	s22 =	ssub.s32 $0xCCC, s22  }
.LBB2_36:
0x232: {  	v4 =	vld [tilespmem:s21+$0x10000];
	_ =	sdelay $0x4  }
0x233: {  	v5 =	vperm.xlane v4, v3;
	_ =	sdelay $0x1  }
0x234: {  	(xrf0) =	vadd.scan.msk.s32 $0xffff, v5;
	_ =	sdelay $0x5  }
0x235: {  	v5, _, _ =	vpop (xrf0)  }
0x236: {  	v5 =	vperm.xlane v5, v3;
	_ =	sdelay $0x1  }
0x237: {  	vm0 =	vge.s32 v5, s22  }
0x238: {  	v6 =	vmpcnt.ones.xlane vm0;
	_ =	sdelay $0x1  }
0x239: {  	(v2sf) =	vpush v6, $0x0;
	_ =	sdelay $0x1  }
0x23a: {  	s0 =	simm.s32 $0x8080  }
0x23b: {  	v7 =	vld [tilespmem:s0+$0x70]  }
0x23c: {  	v10 =	vld [tilespmem:s0+$0x50]  }
0x23d: {  	v11 =	vld [tilespmem:s0+$0x40]  }
0x23e: {  	v14 =	vld [tilespmem:s0+$0x30]  }
0x23f: {  	v15 =	vld [tilespmem:s0+$0x20]  }
0x240: {  	v17 =	vld [tilespmem:s0+$0x10]  }
0x241: {  	v19 =	vld [tilespmem:s0+$0x0]  }
0x242: {  	v21 =	vld [tilespmem:s0+$0xFFFFFFF0]  }
0x243: {  	v40 =	vld [tilespmem:s0+$0xFFFFFFE0]  }
0x244: {  	v42 =	vld [tilespmem:s0+$0xFFFFFFD0]  }
0x245: {  	v31 =	vld [tilespmem:s0+$0xFFFFFF80]  }
0x246: {  	v46 =	vld [tilespmem:s0+$0xFFFFFFC0]  }
0x247: {  	v43 =	vld [tilespmem:s0+$0xFFFFFF90];
	v27 =	vshra.s32 v7, $0x14;
	v24 =	vshra.s32 v10, $0x14;
	s23 =	spop (v2sf)  }
0x248: {  	v45 =	vld [tilespmem:s0+$0xFFFFFFA0];
	v22 =	vshra.s32 v15, $0x14;
	v28 =	vshra.s32 v14, $0x14;
	v29 =	vshra.s32 v11, $0x14;
	s23 =	sadd.s32 $0xFFFFFFFF, s23  }
0x249: {  	v47 =	vld [tilespmem:s0+$0xFFFFFFB0];
	v13 =	vshra.s32 v21, $0x14;
	v18 =	vshra.s32 v19, $0x14;
	v23 =	vshra.s32 v17, $0x14;
	s21 =	sadd.s32 s21, s23  }
0x24a: {  	v16 =	vshra.s32 v42, $0x14;
	v6 =	vshra.s32 v31, $0x14;
	v12 =	vmov s21  }
0x24b: {  	v20 =	vshra.s32 v40, $0x14;
	v8 =	vshra.s32 v46, $0x14;
	vm15 =	veq.s32 v6, v12  }
0x24c: {  	v6 =	vshra.s32 v43, $0x14;
	vm10 =	veq.s32 v8, v12;
	vm11 =	veq.s32 v16, v12  }
0x24d: {  	v26 =	vmpcnt.ones.xlane vm15;
	vm14 =	veq.s32 v6, v12;
	v6 =	vshra.s32 v45, $0x14  }
0x24e: {  	v30 =	vmpcnt.ones.xlane vm14;
	vm12 =	veq.s32 v6, v12;
	v6 =	vshra.s32 v47, $0x14  }
0x24f: {  	s24 =	simm.s32 $0x8180;
	v9 =	vld [tilespmem:s0+$0x60];
	v32 =	vmpcnt.ones.xlane vm12;
	vm9 =	veq.s32 v6, v12;
	(v2sf) =	vpush v26, $0x0  }
0x250: {  	v8 =	vld [tilespmem:s24+$0x60];
	vm13 =	veq.s32 v20, v12;
	v26 =	vmpcnt.ones.xlane vm9;
	(v2sf) =	vpush v30, $0x0  }
0x251: {  	v16 =	vld [tilespmem:s24+$0x50];
	vm8 =	veq.s32 v13, v12;
	v30 =	vmpcnt.ones.xlane vm10;
	(v2sf) =	vpush v32, $0x0  }
0x252: {  	v20 =	vld [tilespmem:s24+$0x40];
	vm7 =	veq.s32 v18, v12;
	v57 =	vmpcnt.ones.xlane vm11;
	(v2sf) =	vpush v26, $0x0  }
0x253: {  	v13 =	vld [tilespmem:s24+$0x30];
	vm6 =	veq.s32 v23, v12;
	v26 =	vmpcnt.ones.xlane vm13;
	(v2sf) =	vpush v30, $0x0  }
0x254: {  	v18 =	vld [tilespmem:s24+$0x20];
	vm5 =	veq.s32 v22, v12;
	v30 =	vmpcnt.ones.xlane vm8;
	(v2sf) =	vpush v57, $0x0  }
0x255: {  	v23 =	vld [tilespmem:s24+$0x10];
	vm4 =	veq.s32 v28, v12;
	v58 =	vmpcnt.ones.xlane vm7;
	(v2sf) =	vpush v26, $0x0  }
0x256: {  	vm3 =	veq.s32 v24, v12;
	v24 =	vld [tilespmem:s24+$0xFFFFFFD0];
	v33 =	vmpcnt.ones.xlane vm6;
	(v2sf) =	vpush v30, $0x0  }
0x257: {  	s31 =	simm.s32 $0x0;
	vm0 =	veq.s32 v27, v12;
	v27 =	vld [tilespmem:s24+$0xFFFFFF90];
	v30 =	vmpcnt.ones.xlane vm5;
	(v2sf) =	vpush v58, $0x0  }
0x258: {  	vm2 =	veq.s32 v29, v12;
	v28 =	vmpcnt.ones.xlane vm4;
	[tilespmem:s31+$0x10400] =	vst.msk vm15, v31;
	v31 =	vld [tilespmem:s24+$0xFFFFFFB0];
	(v2sf) =	vpush v33, $0x0  }
0x259: {  	v25 =	vshra.s32 v9, $0x14;
	v29 =	vmpcnt.ones.xlane vm2;
	v6 =	vld [tilespmem:s24+$0x70];
	(v2sf) =	vpush v30, $0x0  }
0x25a: {  	vm1 =	veq.s32 v25, v12;
	v32 =	vld [tilespmem:s24+$0xFFFFFFF0];
	v30 =	vmpcnt.ones.xlane vm3;
	(v2sf) =	vpush v28, $0x0  }
0x25b: {  	v59 =	vmpcnt.ones.xlane vm1;
	v26 =	vld [tilespmem:s24+$0x0];
	(v2sf) =	vpush v29, $0x0  }
0x25c: {  	v35 =	vmpcnt.ones.xlane vm0;
	v28 =	vld [tilespmem:s24+$0xFFFFFF80];
	(v2sf) =	vpush v30, $0x0  }
0x25d: {  	v22 =	vld [tilespmem:s24+$0xFFFFFFE0];
	v34 =	vshra.s32 v16, $0x14;
	(v2sf) =	vpush v59, $0x0  }
0x25e: {  	v37 =	vshra.s32 v18, $0x14;
	v36 =	vshra.s32 v13, $0x14;
	v29 =	vld [tilespmem:s24+$0xFFFFFFA0];
	s25 =	spop (v2sf);
	(v2sf) =	vpush v35, $0x0  }
0x25f: {  	v25 =	vld [tilespmem:s24+$0xFFFFFFC0];
	v38 =	vshra.s32 v23, $0x14;
	v44 =	vshra.s32 v24, $0x14;
	v60 =	vshra.s32 v27, $0x14;
	s24 =	sadd.s32 $0x0, s25;
	s25 =	spop (v2sf)  }
0x260: {  	v63 =	vshra.s32 v31, $0x14;
	v41 =	vshra.s32 v32, $0x14;
	v33 =	vshra.s32 v8, $0x14;
	[tilespmem:s24+$0x10400] =	vst.msk vm14, v43;
	s0 =	sadd.s32 s24, s25;
	s26 =	spop (v2sf)  }
0x261: {  	v39 =	vshra.s32 v26, $0x14;
	v30 =	vshra.s32 v6, $0x14;
	v48 =	vshra.s32 v28, $0x14;
	[tilespmem:s0+$0x10400] =	vst.msk vm12, v45;
	s0 =	sadd.s32 s0, s26;
	s29 =	spop (v2sf)  }
0x262: {  	v35 =	vshra.s32 v20, $0x14;
	v43 =	vshra.s32 v22, $0x14;
	vm12 =	veq.s32 v48, v12;
	[tilespmem:s0+$0x10400] =	vst.msk vm9, v47;
	s0 =	sadd.s32 s0, s29;
	s30 =	spop (v2sf)  }
0x263: {  	v62 =	vshra.s32 v29, $0x14;
	v61 =	vmpcnt.ones.xlane vm12;
	vm9 =	veq.s32 v60, v12;
	[tilespmem:s0+$0x10400] =	vst.msk vm10, v46;
	s0 =	sadd.s32 s0, s30;
	s31 =	spop (v2sf)  }
0x264: {  	s24 =	simm.s32 $0x10;
	v45 =	vshra.s32 v25, $0x14;
	v46 =	vmpcnt.ones.xlane vm9;
	vm10 =	veq.s32 v62, v12;
	[tilespmem:s0+$0x10400] =	vst.msk vm11, v42;
	s0 =	sadd.s32 s0, s31;
	s26 =	spop (v2sf)  }
0x265: {  	s25 =	simm.s32 $0x8280;
	v42 =	vmpcnt.ones.xlane vm10;
	vm11 =	veq.s32 v63, v12;
	(v2sf) =	vpush v61, $0x0;
	[tilespmem:s0+$0x10400] =	vst.msk vm13, v40;
	s26 =	sadd.s32 s0, s26;
	s28 =	spop (v2sf)  }
.LBB2_37:
0x266: {  	v40 =	vld [tilespmem:s25+$0x70];
	v47 =	vmpcnt.ones.xlane vm11;
	vm14 =	veq.s32 v45, v12;
	(v2sf) =	vpush v46, $0x0;
	[tilespmem:s26+$0x10400] =	vst.msk vm8, v21;
	s0 =	sadd.s32 s26, s28;
	s26 =	spop (v2sf);
	v21 =	vmovc v32  }
0x267: {  	vm15 =	veq.s32 v44, v12;
	v32 =	vld [tilespmem:s25+$0x60];
	v45 =	vmpcnt.ones.xlane vm14;
	(v2sf) =	vpush v42, $0x0;
	[tilespmem:s0+$0x10400] =	vst.msk vm7, v19;
	s0 =	sadd.s32 s0, s26;
	s26 =	spop (v2sf);
	v19 =	vmovc v26  }
0x268: {  	vm13 =	veq.s32 v43, v12;
	v26 =	vmpcnt.ones.xlane vm15;
	v42 =	vld [tilespmem:s25+$0x50];
	(v2sf) =	vpush v47, $0x0;
	[tilespmem:s0+$0x10400] =	vst.msk vm6, v17;
	s0 =	sadd.s32 s0, s26;
	s26 =	spop (v2sf);
	v17 =	vmovc v23  }
0x269: {  	vm8 =	veq.s32 v41, v12;
	v23 =	vmpcnt.ones.xlane vm13;
	v43 =	vld [tilespmem:s25+$0x40];
	(v2sf) =	vpush v45, $0x0;
	[tilespmem:s0+$0x10400] =	vst.msk vm5, v15;
	s0 =	sadd.s32 s0, s26;
	s26 =	spop (v2sf);
	v15 =	vmovc v18  }
0x26a: {  	v41 =	vmpcnt.ones.xlane vm8;
	vm7 =	veq.s32 v39, v12;
	(v2sf) =	vpush v26, $0x0;
	[tilespmem:s0+$0x10400] =	vst.msk vm4, v14;
	s0 =	sadd.s32 s0, s26;
	s26 =	spop (v2sf);
	v14 =	vmovc v13;
	v13 =	vld [tilespmem:s25+$0x30]  }
0x26b: {  	v39 =	vmpcnt.ones.xlane vm7;
	vm6 =	veq.s32 v38, v12;
	v18 =	vld [tilespmem:s25+$0x20];
	(v2sf) =	vpush v23, $0x0;
	[tilespmem:s0+$0x10400] =	vst.msk vm2, v11;
	s0 =	sadd.s32 s0, s26;
	s26 =	spop (v2sf);
	v11 =	vmovc v20  }
0x26c: {  	v38 =	vmpcnt.ones.xlane vm6;
	vm5 =	veq.s32 v37, v12;
	v23 =	vld [tilespmem:s25+$0x10];
	(v2sf) =	vpush v41, $0x0;
	[tilespmem:s0+$0x10400] =	vst.msk vm3, v10;
	s0 =	sadd.s32 s0, s26;
	s26 =	spop (v2sf);
	v10 =	vmovc v16  }
0x26d: {  	v37 =	vmpcnt.ones.xlane vm5;
	vm4 =	veq.s32 v36, v12;
	v26 =	vld [tilespmem:s25+$0x0];
	(v2sf) =	vpush v39, $0x0;
	[tilespmem:s0+$0x10400] =	vst.msk vm1, v9;
	s0 =	sadd.s32 s0, s26;
	s26 =	spop (v2sf);
	v9 =	vmovc v8;
	v8 =	vmovc v32  }
0x26e: {  	v36 =	vmpcnt.ones.xlane vm4;
	vm2 =	veq.s32 v35, v12;
	v32 =	vld [tilespmem:s25+$0xFFFFFFF0];
	(v2sf) =	vpush v38, $0x0;
	[tilespmem:s0+$0x10400] =	vst.msk vm0, v7;
	s0 =	sadd.s32 s0, s26;
	v7 =	vmovc v6;
	v6 =	vmovc v40  }
0x26f: {  	vm3 =	veq.s32 v34, v12;
	v16 =	vmovc v42;
	v20 =	vmovc v43;
	v40 =	vld [tilespmem:s25+$0xFFFFFFE0];
	[tilespmem:s0+$0x10400] =	vst.msk vm12, v28;
	v28 =	vmpcnt.ones.xlane vm2;
	(v2sf) =	vpush v37, $0x0  }
0x270: {  	v34 =	vmpcnt.ones.xlane vm3;
	vm1 =	veq.s32 v33, v12;
	v42 =	vld [tilespmem:s25+$0xFFFFFFD0];
	(v2sf) =	vpush v36, $0x0  }
0x271: {  	v33 =	vmpcnt.ones.xlane vm1;
	vm0 =	veq.s32 v30, v12;
	v46 =	vld [tilespmem:s25+$0xFFFFFFC0];
	(v2sf) =	vpush v28, $0x0  }
0x272: {  	s24 =	sadd.s32 $0x10, s24;
	v35 =	vmpcnt.ones.xlane vm0;
	v28 =	vld [tilespmem:s25+$0xFFFFFF80];
	(v2sf) =	vpush v34, $0x0  }
0x273: {  	p0 =	slt.u32 s24, $0x7F0;
	v30 =	vshra.s32 v6, $0x14;
	v47 =	vld [tilespmem:s25+$0xFFFFFF90];
	(v2sf) =	vpush v33, $0x0  }
0x274: {  	v34 =	vshra.s32 v16, $0x14;
	v33 =	vshra.s32 v8, $0x14;
	v48 =	vld [tilespmem:s25+$0xFFFFFFA0];
	s26 =	spop (v2sf);
	(v2sf) =	vpush v35, $0x0  }
0x275: {  	v37 =	vshra.s32 v18, $0x14;
	v36 =	vshra.s32 v13, $0x14;
	v35 =	vshra.s32 v20, $0x14;
	v49 =	vld [tilespmem:s25+$0xFFFFFFB0];
	s0 =	sadd.s32 s0, s26;
	s26 =	spop (v2sf)  }
0x276: {  	v38 =	vshra.s32 v23, $0x14;
	v39 =	vshra.s32 v26, $0x14;
	v41 =	vshra.s32 v32, $0x14;
	[tilespmem:s0+$0x10400] =	vst.msk vm9, v27;
	s0 =	sadd.s32 s0, s26;
	s26 =	spop (v2sf)  }
.Ltmp26:
0x277: {  	v43 =	vshra.s32 v40, $0x14;
	v44 =	vshra.s32 v42, $0x14;
	v50 =	vshra.s32 v28, $0x14;
	[tilespmem:s0+$0x10400] =	vst.msk vm10, v29;
	s0 =	sadd.s32 s0, s26;
	s26 =	spop (v2sf);
	(pc) =	sbr.rel @p0 .LBB2_37-.Ltmp26, $4  }
0x278: {  	v45 =	vshra.s32 v46, $0x14;
	vm12 =	veq.s32 v50, v12;
	v50 =	vshra.s32 v47, $0x14;
	[tilespmem:s0+$0x10400] =	vst.msk vm11, v31;
	s0 =	sadd.s32 s0, s26;
	s26 =	spop (v2sf);
	v27 =	vmovc v47  }
0x279: {  	v47 =	vmpcnt.ones.xlane vm12;
	vm9 =	veq.s32 v50, v12;
	v50 =	vshra.s32 v48, $0x14;
	[tilespmem:s0+$0x10400] =	vst.msk vm14, v25;
	s0 =	sadd.s32 s0, s26;
	s26 =	spop (v2sf);
	v25 =	vmovc v46;
	v29 =	vmovc v48  }
0x27a: {  	v46 =	vmpcnt.ones.xlane vm9;
	vm10 =	veq.s32 v50, v12;
	v48 =	vshra.s32 v49, $0x14;
	[tilespmem:s0+$0x10400] =	vst.msk vm15, v24;
	s0 =	sadd.s32 s0, s26;
	s26 =	spop (v2sf);
	v24 =	vmovc v42;
	v31 =	vmovc v49  }
0x27b: {  	s25 =	sadd.s32 $0x100, s25;
	v42 =	vmpcnt.ones.xlane vm10;
	vm11 =	veq.s32 v48, v12;
	(v2sf) =	vpush v47, $0x0;
	[tilespmem:s0+$0x10400] =	vst.msk vm13, v22;
	s26 =	sadd.s32 s0, s26;
	s28 =	spop (v2sf);
	v22 =	vmovc v40  }
0x27c: {  	vm13 =	veq.s32 v45, v12;
	v51 =	vimm.s32 $0x0;
	(v2sf) =	vpush v46, $0x0  }
0x27d: {  	v53 =	vimm.s32 $0x0;
	v55 =	vimm.s32 $0x0;
	(v2sf) =	vpush v42, $0x0  }
0x27e: {  	v45 =	vsel vm13, $0xFFFFFFFF, v51;
	v52 =	vmpcnt.ones.xlane vm13;
	vm13 =	veq.s32 v44, v12  }
0x27f: {  	[tilespmem:$0x1FFA0] =	vst v45;
	v44 =	vsel vm13, $0xFFFFFFFF, v53;
	v54 =	vmpcnt.ones.xlane vm13;
	vm13 =	veq.s32 v43, v12  }
0x280: {  	[tilespmem:$0x1FFB0] =	vst v44;
	v43 =	vsel vm13, $0xFFFFFFFF, v55  }
0x281: {  	[tilespmem:$0x1FFC0] =	vst v43  }
0x282: {  	v40 =	vmpcnt.ones.xlane vm11;
	s0 =	sadd.s32 s26, s28;
	s24 =	spop (v2sf);
	[tilespmem:s26+$0x10400] =	vst.msk vm8, v21  }
0x283: {  	[tilespmem:s0+$0x10400] =	vst.msk vm7, v19;
	s0 =	sadd.s32 s0, s24;
	s26 =	spop (v2sf)  }
0x284: {  	(v2sf) =	vpush v40, $0x0;
	[tilespmem:s0+$0x10400] =	vst.msk vm6, v17;
	s0 =	sadd.s32 s0, s26;
	s28 =	spop (v2sf)  }
0x285: {  	[tilespmem:s0+$0x10400] =	vst.msk vm5, v15;
	s0 =	sadd.s32 s0, s28;
	s29 =	spop (v2sf)  }
0x286: {  	[tilespmem:s0+$0x10400] =	vst.msk vm4, v14;
	s0 =	sadd.s32 s0, s29;
	s30 =	spop (v2sf)  }
0x287: {  	[tilespmem:s0+$0x10400] =	vst.msk vm2, v11;
	s0 =	sadd.s32 s0, s30;
	s31 =	spop (v2sf)  }
0x288: {  	[tilespmem:s0+$0x10400] =	vst.msk vm3, v10;
	s0 =	sadd.s32 s0, s31;
	s25 =	spop (v2sf)  }
0x289: {  	[tilespmem:s0+$0x10400] =	vst.msk vm1, v9;
	s0 =	sadd.s32 s0, s25;
	s26 =	spop (v2sf)  }
0x28a: {  	[tilespmem:s0+$0x10400] =	vst.msk vm0, v7;
	s0 =	sadd.s32 s0, s26;
	s28 =	spop (v2sf)  }
0x28b: {  	(v2sf) =	vpush v52, $0x0;
	[tilespmem:s0+$0x10400] =	vst.msk vm12, v28;
	s0 =	sadd.s32 s0, s28;
	s29 =	spop (v2sf)  }
0x28c: {  	[tilespmem:s0+$0x10400] =	vst.msk vm9, v27;
	s0 =	sadd.s32 s0, s29;
	s30 =	spop (v2sf)  }
0x28d: {  	[tilespmem:s0+$0x10400] =	vst.msk vm10, v29;
	s0 =	sadd.s32 s0, s30  }
0x28e: {  	[tilespmem:s0+$0x10400] =	vst.msk vm11, v31  }
0x28f: {  	v7 =	vld [tilespmem:$0x1FFA0];
	_ =	sdelay $0x1  }
0x290: {  	vm14 =	veq.s32 v39, v12;
	v56 =	vmpcnt.ones.xlane vm13;
	vm13 =	veq.s32 v41, v12  }
0x291: {  	vm15 =	veq.s32 v38, v12;
	v41 =	vmpcnt.ones.xlane vm13;
	(v2sf) =	vpush v54, $0x0  }
0x292: {  	v39 =	vmpcnt.ones.xlane vm14;
	v57 =	vmpcnt.ones.xlane vm15;
	(v2sf) =	vpush v56, $0x0;
	s31 =	spop (v2sf)  }
0x293: {  	vm8 =	veq.s32 v37, v12;
	(v2sf) =	vpush v41, $0x0;
	s0 =	sadd.s32 s0, s31;
	vm10 =	vnez.u8 v7  }
0x294: {  	vm7 =	veq.s32 v36, v12;
	v58 =	vmpcnt.ones.xlane vm8;
	(v2sf) =	vpush v39, $0x0;
	[tilespmem:s0+$0x10400] =	vst.msk vm10, v25  }
0x295: {  	v59 =	vmpcnt.ones.xlane vm7;
	vm6 =	veq.s32 v35, v12;
	(v2sf) =	vpush v57, $0x0;
	v7 =	vld [tilespmem:$0x1FFB0]  }
0x296: {  	v60 =	vmpcnt.ones.xlane vm6;
	vm5 =	veq.s32 v34, v12;
	(v2sf) =	vpush v58, $0x0  }
0x297: {  	v61 =	vmpcnt.ones.xlane vm5;
	vm4 =	veq.s32 v33, v12;
	(v2sf) =	vpush v59, $0x0  }
0x298: {  	v62 =	vmpcnt.ones.xlane vm4;
	(v2sf) =	vpush v60, $0x0  }
0x299: {  	(v2sf) =	vpush v61, $0x0;
	s25 =	spop (v2sf)  }
0x29a: {  	(v2sf) =	vpush v62, $0x0;
	s0 =	sadd.s32 s0, s25;
	vm11 =	vnez.u8 v7  }
0x29b: {  	[tilespmem:s0+$0x10400] =	vst.msk vm11, v24  }
0x29c: {  	vm2 =	veq.s32 v30, v12;
	v7 =	vld [tilespmem:$0x1FFC0]  }
0x29d: {  	v63 =	vmpcnt.ones.xlane vm2;
	_ =	sdelay $0x1  }
0x29e: {  	(v2sf) =	vpush v63, $0x0  }
0x29f: {  	s26 =	spop (v2sf)  }
0x2a0: {  	s28 =	spop (v2sf);
	s0 =	sadd.s32 s0, s26;
	vm12 =	vnez.u8 v7  }
0x2a1: {  	s29 =	spop (v2sf);
	[tilespmem:s0+$0x10400] =	vst.msk vm12, v22;
	s0 =	sadd.s32 s0, s28  }
0x2a2: {  	s30 =	spop (v2sf);
	[tilespmem:s0+$0x10400] =	vst.msk vm13, v32;
	s0 =	sadd.s32 s0, s29  }
0x2a3: {  	s31 =	spop (v2sf);
	[tilespmem:s0+$0x10400] =	vst.msk vm14, v26;
	s0 =	sadd.s32 s0, s30  }
0x2a4: {  	s25 =	spop (v2sf);
	[tilespmem:s0+$0x10400] =	vst.msk vm15, v23;
	s0 =	sadd.s32 s0, s31  }
0x2a5: {  	s26 =	spop (v2sf);
	[tilespmem:s0+$0x10400] =	vst.msk vm8, v18;
	s0 =	sadd.s32 s0, s25  }
0x2a6: {  	s28 =	spop (v2sf);
	[tilespmem:s0+$0x10400] =	vst.msk vm7, v13;
	s0 =	sadd.s32 s0, s26  }
0x2a7: {  	s29 =	spop (v2sf);
	[tilespmem:s0+$0x10400] =	vst.msk vm6, v20;
	s0 =	sadd.s32 s0, s28  }
0x2a8: {  	s30 =	spop (v2sf);
	[tilespmem:s0+$0x10400] =	vst.msk vm5, v16;
	s0 =	sadd.s32 s0, s29  }
0x2a9: {  	[tilespmem:s0+$0x10400] =	vst.msk vm4, v8;
	s0 =	sadd.s32 s0, s30  }
0x2aa: {  	s24 =	simm.s32 $0x10020;
	[tilespmem:s0+$0x10400] =	vst.msk vm2, v6  }
0x2ab: {  	[tilespmem:s24+$0xFFFFFFE0] =	vst v1  }
0x2ac: {  	[tilespmem:s24+$0x10] =	vst v1  }
0x2ad: {  	s31 =	spop (v2sf);
	s25 =	simm.s32 $0x0;
	[tilespmem:s24+$0x0] =	vst v1  }
.LBB2_39:
0x2ae: {  	s25 =	sadd.s32 $0x4, s25  }
0x2af: {  	[tilespmem:s24+$0xFFFFFFF0] =	vst v1;
	s24 =	sadd.s32 $0x40, s24;
	p0 =	slt.u32 s25, $0x3C  }
.Ltmp27:
0x2b0: {  	[tilespmem:s24+$0xFFFFFFE0] =	vst v1;
	(pc) =	sbr.rel @p0 .LBB2_39-.Ltmp27, $3  }
0x2b1: {  	_ =	sdelay $0x1  }
0x2b2: {  	[tilespmem:s24+$0x10] =	vst v1  }
0x2b3: {  	[tilespmem:s24+$0x0] =	vst v1  }
0x2b4: {  	v6 =	vmov s23  }
0x2b5: {  	vm0 =	veq.s32 v6, v0  }
0x2b6: {  	v5 =	vnsel vm0, $0x0, v5  }
0x2b7: {  	v4 =	vnsel vm0, $0x0, v4;
	(xrf0) =	vadd.scan.msk.s32 $0xffff, v5  }
0x2b8: {  	(xrf0) =	vadd.scan.msk.s32 $0xffff, v4;
	_ =	sdelay $0x4  }
0x2b9: {  	v4, _, _ =	vpop (xrf0)  }
0x2ba: {  	(v2sf) =	vpush v4, $0xF;
	v4, _, _ =	vpop (xrf0)  }
0x2bb: {  	(v2sf) =	vpush v4, $0xF;
	_ =	sdelay $0xd  }
0x2bc: {  	s23 =	spop (v2sf)  }
0x2bd: {  	[tilespmem:s24+$0xFFFFFFF0] =	vst v1;
	s24 =	spop (v2sf)  }
0x2be: {  	s0 =	sadd.s32 $0xF, s24  }
0x2bf: {  	s25 =	sshra.s32 s0, $0x4  }
0x2c0: {  	p0 =	slt.s32 s25, $0x1  }
.Ltmp28:
0x2c1: {  	_ = 	snop;
	(pc) =	sbr.rel @p0 .LBB2_44-.Ltmp28, $2  }
0x2c2: {  	_ =	sdelay $0x2  }
0x2c3: {  	v4 =	vbroadcast v4, $0xF  }
0x2c4: {  	s28 =	simm.s32 $0x10400  }
0x2c5: {  	p0 =	seq.s32 s25, $0x1;
	v5 =	vld [tilespmem:s28+$0x0]  }
.Ltmp29:
0x2c6: {  	_ = 	snop;
	(pc) =	sbr.rel @p0 .LBB2_43-.Ltmp29, $4  }
0x2c7: {  	_ = 	snop  }
0x2c8: {  	s26 =	simm.s32 $0x0  }
0x2c9: {  	v6 =	vor.u32 s26, v0  }
0x2ca: {  	s29 =	simm.s32 $0x10410;
	s28 =	sadd.s32 $0xFFFFFFFF, s25;
	vm0 =	vlt.s32 v6, v4;
	v5 =	vshrl.u32 v5, $0xA  }
.LBB2_42:
0x2cb: {  	v6 =	vld [tilespmem:s29+$0x0];
	p0 =	seq.s32 s28, $0x1;
	s28 =	sadd.s32 $0xFFFFFFFF, s28;
	v7 =	vand.u32 $0x3FF, v5  }
.Ltmp30:
0x2cc: {  	(pc) =	sbr.rel @!p0 .LBB2_42-.Ltmp30, $4  }
0x2cd: {  	_ = 	snop  }
0x2ce: {  	s26 =	sadd.s32 $0x10, s26  }
0x2cf: {  	v8 =	vor.u32 s26, v0  }
0x2d0: {  	s29 =	sadd.s32 $0x10, s29;
	v5 =	vshrl.u32 v6, $0xA;
	[tilespmem:v7+s16+$0x0] =	vst.idx.add.s32.msk vm0, v2;
	vm0 =	vlt.s32 v8, v4  }
.LBB2_43:
0x2d1: {  	v5 =	vand.u32 $0x3FF, v5;
	_ =	sdelay $0x4  }
0x2d2: {  	[tilespmem:v5+s16+$0x0] =	vst.idx.add.s32.msk vm0, v2  }
.LBB2_44:
0x2d3: {  	v5 =	vld [tilespmem:$0x103F0];
	_ =	sdelay $0x4  }
0x2d4: {  	(xrf0) =	vadd.scan.msk.s32 $0xffff, v5;
	_ =	sdelay $0x5  }
0x2d5: {  	v5, _, _ =	vpop (xrf0)  }
0x2d6: {  	(v2sf) =	vpush v5, $0xF;
	_ =	sdelay $0xd  }
0x2d7: {  	s0 =	ssub.s32 s24, s23  }
0x2d8: {  	s23 =	sadd.s32 s22, s0;
	s26 =	spop (v2sf)  }
0x2d9: {  	p0 =	slt.s32 s26, s23  }
.Ltmp31:
0x2da: {  	_ = 	snop;
	(pc) =	sbr.rel @!p0 .LBB2_46-.Ltmp31, $2  }
0x2db: {  	_ =	sdelay $0x2  }
0x2dc: {  	s24 =	simm.s32 $0x0;
	s28 =	simm.s32 $0x103E0;
	s22 =	simm.s32 $0x3F0  }
.LBB2_45:
0x2dd: {  	v5 =	vld [tilespmem:s28+$0x0];
	_ =	sdelay $0x4  }
0x2de: {  	(xrf0) =	vadd.scan.msk.s32 $0xffff, v5;
	_ =	sdelay $0x5  }
0x2df: {  	v5, _, _ =	vpop (xrf0)  }
0x2e0: {  	(v2sf) =	vpush v5, $0xF;
	_ =	sdelay $0xe  }
0x2e1: {  	s0 =	spop (v2sf)  }
0x2e2: {  	s24 =	smov.u32 s26;
	s26 =	sadd.s32 s26, s0  }
0x2e3: {  	p0 =	slt.s32 s26, s23  }
.Ltmp32:
0x2e4: {  	_ = 	snop;
	(pc) =	sbr.rel @p0 .LBB2_45-.Ltmp32, $2  }
0x2e5: {  	_ =	sdelay $0x2  }
0x2e6: {  	s22 =	sadd.s32 $0xFFFFFFF0, s22;
	s28 =	sadd.s32 $0xFFFFFFF0, s28  }
.LBB2_46:
0x2e7: {  	v5 =	vld [tilespmem:s22+$0x10000];
	_ =	sdelay $0x4  }
0x2e8: {  	v6 =	vperm.xlane v5, v3;
	_ =	sdelay $0x1  }
0x2e9: {  	(xrf0) =	vadd.scan.msk.s32 $0xffff, v6;
	_ =	sdelay $0x5  }
0x2ea: {  	v6, _, _ =	vpop (xrf0)  }
0x2eb: {  	v6 =	vperm.xlane v6, v3  }
0x2ec: {  	s24 =	ssub.s32 s23, s24  }
0x2ed: {  	vm0 =	vge.s32 v6, s24  }
0x2ee: {  	v7 =	vmpcnt.ones.xlane vm0;
	_ =	sdelay $0x1  }
0x2ef: {  	(v2sf) =	vpush v7, $0x0;
	_ =	sdelay $0xe  }
0x2f0: {  	s0 =	spop (v2sf)  }
0x2f1: {  	s0 =	sadd.s32 $0xFFFFFFFF, s0  }
0x2f2: {  	v7 =	vmov s0  }
0x2f3: {  	vm15 =	veq.s32 v7, v0  }
0x2f4: {  	v6 =	vnsel vm15, $0x0, v6  }
0x2f5: {  	v5 =	vnsel vm15, $0x0, v5;
	(xrf0) =	vadd.scan.msk.s32 $0xffff, v6  }
0x2f6: {  	(xrf0) =	vadd.scan.msk.s32 $0xffff, v5;
	_ =	sdelay $0x4  }
0x2f7: {  	v5, _, _ =	vpop (xrf0)  }
0x2f8: {  	(v2sf) =	vpush v5, $0xF;
	v5, _, _ =	vpop (xrf0)  }
0x2f9: {  	(v2sf) =	vpush v5, $0xF;
	_ =	sdelay $0x9  }
0x2fa: {  	p0 =	sgt.s32 s25, $0x0  }
.Ltmp33:
0x2fb: {  	_ = 	snop;
	(pc) =	sbr.rel @!p0 .LBB2_47-.Ltmp33, $3  }
0x2fc: {  	_ =	sdelay $0x1  }
0x2fd: {  	s26 =	spop (v2sf)  }
0x2fe: {  	s22 =	sadd.s32 s22, s0;
	s23 =	spop (v2sf)  }
0x2ff: {  	p1 =	seq.s32 s25, $0x1  }
.Ltmp34:
0x300: {  	_ = 	snop;
	(pc) =	sbr.rel @p1 .LBB2_122-.Ltmp34, $3  }
0x301: {  	_ =	sdelay $0x1  }
0x302: {  	s0 =	simm.s32 $0x10400  }
0x303: {  	v6 =	vmov s22;
	s28 =	simm.s32 $0x0;
	s25 =	sadd.s32 $0xFFFFFFFF, s25;
	p0 =	por $0x0, $0x0;
	v7 =	vld [tilespmem:s0+$0x0]  }
0x304: {  	_ =	sdelay $0x3  }
0x305: {  	v8 =	vshrl.u32 v7, $0xA  }
0x306: {  	v9 =	vor.u32 s28, v0;
	v8 =	vand.u32 $0x3FF, v8  }
0x307: {  	vm0 =	vlt.s32 v9, v4;
	vm1 =	veq.s32 v8, v6  }
0x308: {  	vm0 =	vmand vm0, vm1  }
0x309: {  	v8 =	vmpcnt.ones.xlane vm0;
	_ =	sdelay $0x1  }
0x30a: {  	p1 =	seq.s32 s25, $0x1;
	(v2sf) =	vpush v8, $0x0  }
.Ltmp35:
0x30b: {  	_ = 	snop;
	(pc) =	sbr.rel @p1 .LBB2_124-.Ltmp35, $3  }
0x30c: {  	_ =	sdelay $0x1  }
0x30d: {  	s30 =	simm.s32 $0x10410;
	s31 =	sadd.s32 $0xFFFFFFFF, s25;
	[tilespmem:s28+$0x10400] =	vst.msk vm0, v7  }
0x30e: {  	p0 =	por $0x1, $0x1;
	s29 =	simm.s32 $0x0;
	s25 =	simm.s32 $0x0;
	v7 =	vld [tilespmem:s30+$0x0]  }
.LBB2_125:
0x30f: {  	p1 =	seq.s32 s31, $0x1;
	_ =	sdelay $0x3  }
0x310: {  	s29 =	sadd.s32 $0x10, s29;
	v8 =	vshrl.u32 v7, $0xA  }
0x311: {  	v9 =	vor.u32 s29, v0;
	v8 =	vand.u32 $0x3FF, v8  }
0x312: {  	vm0 =	vlt.s32 v9, v4;
	vm1 =	veq.s32 v8, v6  }
0x313: {  	vm0 =	vmand vm0, vm1  }
0x314: {  	v8 =	vmpcnt.ones.xlane vm0  }
0x315: {  	s0 =	spop (v2sf)  }
0x316: {  	(v2sf) =	vpush v8, $0x0;
	s25 =	sadd.s32 s25, s0  }
.Ltmp36:
0x317: {  	[tilespmem:s25+$0x10400] =	vst.msk vm0, v7;
	(pc) =	sbr.rel @!p1 .LBB2_125-.Ltmp36, $3  }
0x318: {  	_ =	sdelay $0x1  }
0x319: {  	s30 =	sadd.s32 $0x10, s30  }
0x31a: {  	s31 =	sadd.s32 $0xFFFFFFFF, s31;
	v7 =	vld [tilespmem:s30+$0x0]  }
.LBB2_126:
0x31b: {  	_ =	sdelay $0x2  }
0x31c: {  	s0 =	sadd.s32 @p0 $0x10, s29;
	s29 =	simm.s32 $0x0  }
0x31d: {  	s29 =	smov.u32 @p0 s0;
	v8 =	vshrl.u32 v7, $0xA  }
0x31e: {  	v9 =	vor.u32 s29, v0;
	v8 =	vand.u32 $0x3FF, v8  }
0x31f: {  	vm0 =	vlt.s32 v9, v4;
	vm1 =	veq.s32 v8, v6  }
0x320: {  	vm0 =	vmand vm0, vm1  }
0x321: {  	v4 =	vmpcnt.ones.xlane vm0;
	_ =	sdelay $0x1  }
0x322: {  	(v2sf) =	vpush v4, $0x0;
	_ =	sdelay $0xb  }
0x323: {  	s0 =	spop @p0 (v2sf)  }
0x324: {  	s0 =	sadd.s32 @p0 s25, s0  }
0x325: {  	s28 =	smov.u32 @p0 s0  }
0x326: {  	[tilespmem:s28+$0x10400] =	vst.msk vm0, v7;
	s31 =	spop (v2sf)  }
.LBB2_47:
0x327: {  	s25 =	simm.s32 $0x10020  }
0x328: {  	[tilespmem:s25+$0xFFFFFFE0] =	vst v1  }
0x329: {  	s0 =	ssub.s32 s23, s26;
	[tilespmem:s25+$0x10] =	vst v1  }
0x32a: {  	s26 =	simm.s32 $0x0;
	s24 =	sadd.s32 s24, s0;
	[tilespmem:s25+$0x0] =	vst v1  }
.LBB2_48:
0x32b: {  	s26 =	sadd.s32 $0x4, s26  }
0x32c: {  	[tilespmem:s25+$0xFFFFFFF0] =	vst v1;
	s25 =	sadd.s32 $0x40, s25;
	p0 =	slt.u32 s26, $0x3C  }
.Ltmp37:
0x32d: {  	[tilespmem:s25+$0xFFFFFFE0] =	vst v1;
	(pc) =	sbr.rel @p0 .LBB2_48-.Ltmp37, $3  }
0x32e: {  	_ =	sdelay $0x1  }
0x32f: {  	[tilespmem:s25+$0x10] =	vst v1  }
0x330: {  	[tilespmem:s25+$0x0] =	vst v1  }
0x331: {  	s0 =	sadd.s32 $0xF, s23  }
0x332: {  	[tilespmem:s25+$0xFFFFFFF0] =	vst v1;
	s25 =	sshra.s32 s0, $0x4  }
0x333: {  	p0 =	slt.s32 s25, $0x1  }
.Ltmp38:
0x334: {  	_ = 	snop;
	(pc) =	sbr.rel @p0 .LBB2_53-.Ltmp38, $1  }
0x335: {  	_ =	sdelay $0x3  }
0x336: {  	s26 =	simm.s32 $0x10400  }
0x337: {  	v4 =	vbroadcast v5, $0xF;
	p0 =	seq.s32 s25, $0x1;
	v5 =	vld [tilespmem:s26+$0x0]  }
.Ltmp39:
0x338: {  	_ = 	snop;
	(pc) =	sbr.rel @p0 .LBB2_52-.Ltmp39, $4  }
0x339: {  	s23 =	simm.s32 $0x0  }
0x33a: {  	v6 =	vor.u32 s23, v0  }
0x33b: {  	vm0 =	vlt.s32 v6, v4  }
0x33c: {  	s25 =	sadd.s32 $0xFFFFFFFF, s25;
	s26 =	simm.s32 $0x10410;
	v5 =	vand.u32 $0x3FF, v5  }
.LBB2_51:
0x33d: {  	v6 =	vld [tilespmem:s26+$0x0];
	p0 =	seq.s32 s25, $0x1;
	s25 =	sadd.s32 $0xFFFFFFFF, s25  }
.Ltmp40:
0x33e: {  	(pc) =	sbr.rel @!p0 .LBB2_51-.Ltmp40, $4  }
0x33f: {  	s23 =	sadd.s32 $0x10, s23  }
0x340: {  	v7 =	vor.u32 s23, v0  }
0x341: {  	[tilespmem:v5+s16+$0x0] =	vst.idx.add.s32.msk vm0, v2;
	vm0 =	vlt.s32 v7, v4  }
0x342: {  	s26 =	sadd.s32 $0x10, s26;
	v5 =	vand.u32 $0x3FF, v6  }
.LBB2_52:
0x343: {  	_ =	sdelay $0x4  }
0x344: {  	[tilespmem:v5+s16+$0x0] =	vst.idx.add.s32.msk vm0, v2  }
.LBB2_53:
0x345: {  	v4 =	vld [tilespmem:$0x103F0];
	_ =	sdelay $0x4  }
0x346: {  	(xrf0) =	vadd.scan.msk.s32 $0xffff, v4;
	_ =	sdelay $0x5  }
0x347: {  	v4, _, _ =	vpop (xrf0)  }
0x348: {  	(v2sf) =	vpush v4, $0xF;
	_ =	sdelay $0xe  }
0x349: {  	s26 =	spop (v2sf)  }
0x34a: {  	p0 =	slt.s32 s26, s24  }
.Ltmp41:
0x34b: {  	_ = 	snop;
	(pc) =	sbr.rel @!p0 .LBB2_55-.Ltmp41, $2  }
0x34c: {  	_ =	sdelay $0x2  }
0x34d: {  	s25 =	simm.s32 $0x0;
	s23 =	simm.s32 $0x3F0;
	s28 =	simm.s32 $0x103E0  }
.LBB2_54:
0x34e: {  	v4 =	vld [tilespmem:s28+$0x0];
	_ =	sdelay $0x4  }
0x34f: {  	(xrf0) =	vadd.scan.msk.s32 $0xffff, v4;
	_ =	sdelay $0x5  }
0x350: {  	v4, _, _ =	vpop (xrf0)  }
0x351: {  	(v2sf) =	vpush v4, $0xF;
	_ =	sdelay $0xe  }
0x352: {  	s0 =	spop (v2sf)  }
0x353: {  	s25 =	smov.u32 s26;
	s26 =	sadd.s32 s26, s0  }
0x354: {  	p0 =	slt.s32 s26, s24  }
.Ltmp42:
0x355: {  	_ = 	snop;
	(pc) =	sbr.rel @p0 .LBB2_54-.Ltmp42, $2  }
0x356: {  	_ =	sdelay $0x2  }
0x357: {  	s23 =	sadd.s32 $0xFFFFFFF0, s23;
	s28 =	sadd.s32 $0xFFFFFFF0, s28  }
.LBB2_55:
0x358: {  	v4 =	vld [tilespmem:s23+$0x10000];
	_ =	sdelay $0x4  }
0x359: {  	v4 =	vperm.xlane v4, v3;
	_ =	sdelay $0x1  }
0x35a: {  	(xrf0) =	vadd.scan.msk.s32 $0xffff, v4;
	_ =	sdelay $0x5  }
0x35b: {  	v4, _, _ =	vpop (xrf0)  }
0x35c: {  	v4 =	vperm.xlane v4, v3  }
0x35d: {  	s0 =	ssub.s32 s24, s25  }
0x35e: {  	vm0 =	vge.s32 v4, s0  }
0x35f: {  	v4 =	vmpcnt.ones.xlane vm0;
	_ =	sdelay $0x1  }
0x360: {  	(v2sf) =	vpush v4, $0x0;
	_ =	sdelay $0xe  }
0x361: {  	s31 =	sshll.u32 s21, $0x14;
	s30 =	spop (v2sf)  }
0x362: {  	s22 =	sshll.u32 s22, $0xA;
	s21 =	simm.s32 $0x8080;
	s0 =	sadd.s32 s30, s23  }
0x363: {  	s22 =	sor.u32 s31, s22;
	v5 =	vld [tilespmem:s21+$0x70];
	s0 =	sadd.s32 $0xFFFFFFFF, s0  }
0x364: {  	v6 =	vld [tilespmem:s21+$0xFFFFFF90];
	s0 =	sor.u32 s0, s22  }
0x365: {  	v7 =	vld [tilespmem:s21+$0xFFFFFFA0];
	v4 =	vmov s0  }
0x366: {  	v8 =	vld [tilespmem:s21+$0xFFFFFFB0];
	v4 =	vbroadcast v4, $0x0  }
0x367: {  	v9 =	vld [tilespmem:s21+$0xFFFFFFC0]  }
0x368: {  	v10 =	vld [tilespmem:s21+$0xFFFFFFD0];
	vm0 =	vge.f32 v5, v4  }
0x369: {  	v11 =	vld [tilespmem:s21+$0xFFFFFFE0];
	vm1 =	vge.f32 v6, v4;
	v5 =	vnsel vm0, $0x0, v5  }
0x36a: {  	v12 =	vld [tilespmem:s21+$0xFFFFFFF0];
	v6 =	vnsel vm1, $0x0, v6;
	vm0 =	vge.f32 v7, v4;
	[tilespmem:s21+$0x70] =	vst v5  }
0x36b: {  	[tilespmem:s21+$0xFFFFFF90] =	vst v6;
	v5 =	vnsel vm0, $0x0, v7;
	vm0 =	vge.f32 v8, v4;
	v7 =	vld [tilespmem:s21+$0x0]  }
0x36c: {  	v13 =	vld [tilespmem:s21+$0x10];
	[tilespmem:s21+$0xFFFFFFA0] =	vst v5;
	v5 =	vnsel vm0, $0x0, v8;
	vm0 =	vge.f32 v9, v4  }
0x36d: {  	[tilespmem:s21+$0xFFFFFFB0] =	vst v5;
	v6 =	vnsel vm0, $0x0, v9;
	vm0 =	vge.f32 v10, v4;
	v5 =	vld [tilespmem:s21+$0x20]  }
0x36e: {  	[tilespmem:s21+$0xFFFFFFC0] =	vst v6;
	v8 =	vnsel vm0, $0x0, v10;
	vm0 =	vge.f32 v11, v4;
	v6 =	vld [tilespmem:s21+$0x30]  }
0x36f: {  	[tilespmem:s21+$0xFFFFFFD0] =	vst v8;
	v9 =	vnsel vm0, $0x0, v11;
	vm0 =	vge.f32 v12, v4;
	v8 =	vld [tilespmem:s21+$0x40]  }
0x370: {  	v10 =	vld [tilespmem:s21+$0x50];
	[tilespmem:s21+$0xFFFFFFE0] =	vst v9;
	v9 =	vnsel vm0, $0x0, v12;
	vm0 =	vge.f32 v7, v4  }
0x371: {  	[tilespmem:s21+$0xFFFFFFF0] =	vst v9;
	v11 =	vnsel vm0, $0x0, v7;
	vm0 =	vge.f32 v13, v4;
	v9 =	vld [tilespmem:s21+$0x60]  }
0x372: {  	s23 =	simm.s32 $0x8180;
	s22 =	simm.s32 $0x0;
	v7 =	vld [tilespmem:s21+$0xFFFFFF80];
	[tilespmem:s21+$0x0] =	vst v11;
	v11 =	vnsel vm0, $0x0, v13;
	vm0 =	vge.f32 v5, v4  }
.LBB2_56:
0x373: {  	v12 =	vld [tilespmem:s23+$0x70];
	s22 =	sadd.s32 $0x10, s22;
	[tilespmem:s21+$0x10] =	vst v11;
	v5 =	vnsel vm0, $0x0, v5;
	vm0 =	vge.f32 v6, v4  }
0x374: {  	v11 =	vld [tilespmem:s23+$0xFFFFFF90];
	p0 =	slt.u32 s22, $0x7F0;
	[tilespmem:s21+$0x20] =	vst v5;
	v5 =	vnsel vm0, $0x0, v6;
	vm0 =	vge.f32 v8, v4  }
0x375: {  	v6 =	vld [tilespmem:s23+$0xFFFFFFA0];
	[tilespmem:s21+$0x30] =	vst v5;
	v5 =	vnsel vm0, $0x0, v8;
	vm0 =	vge.f32 v10, v4  }
0x376: {  	v8 =	vld [tilespmem:s23+$0xFFFFFFB0];
	[tilespmem:s21+$0x40] =	vst v5;
	v5 =	vnsel vm0, $0x0, v10;
	vm0 =	vge.f32 v9, v4  }
0x377: {  	v10 =	vld [tilespmem:s23+$0xFFFFFFC0];
	vm1 =	vge.f32 v7, v4;
	[tilespmem:s21+$0x50] =	vst v5;
	v5 =	vnsel vm0, $0x0, v9  }
0x378: {  	v9 =	vld [tilespmem:s23+$0xFFFFFFD0];
	vm0 =	vge.f32 v12, v4;
	v7 =	vnsel vm1, $0x0, v7;
	[tilespmem:s21+$0x60] =	vst v5  }
0x379: {  	vm1 =	vge.f32 v11, v4;
	v13 =	vld [tilespmem:s23+$0xFFFFFFE0];
	v5 =	vnsel vm0, $0x0, v12;
	[tilespmem:s21+$0xFFFFFF80] =	vst v7;
	s21 =	smov.u32 s23  }
0x37a: {  	v7 =	vnsel vm1, $0x0, v11;
	vm0 =	vge.f32 v6, v4;
	v11 =	vld [tilespmem:s23+$0xFFFFFFF0];
	[tilespmem:s23+$0x70] =	vst v5  }
0x37b: {  	[tilespmem:s23+$0xFFFFFF90] =	vst v7;
	v5 =	vnsel vm0, $0x0, v6;
	vm0 =	vge.f32 v8, v4;
	v7 =	vld [tilespmem:s23+$0x0]  }
0x37c: {  	[tilespmem:s23+$0xFFFFFFA0] =	vst v5;
	v5 =	vnsel vm0, $0x0, v8;
	vm0 =	vge.f32 v10, v4;
	v12 =	vld [tilespmem:s23+$0x10]  }
0x37d: {  	[tilespmem:s23+$0xFFFFFFB0] =	vst v5;
	v6 =	vnsel vm0, $0x0, v10;
	vm0 =	vge.f32 v9, v4;
	v5 =	vld [tilespmem:s23+$0x20]  }
.Ltmp43:
0x37e: {  	[tilespmem:s23+$0xFFFFFFC0] =	vst v6;
	v8 =	vnsel vm0, $0x0, v9;
	vm0 =	vge.f32 v13, v4;
	v6 =	vld [tilespmem:s23+$0x30];
	(pc) =	sbr.rel @p0 .LBB2_56-.Ltmp43, $4  }
0x37f: {  	[tilespmem:s23+$0xFFFFFFD0] =	vst v8;
	v9 =	vnsel vm0, $0x0, v13;
	vm0 =	vge.f32 v11, v4;
	v8 =	vld [tilespmem:s23+$0x40]  }
0x380: {  	[tilespmem:s23+$0xFFFFFFE0] =	vst v9;
	v9 =	vnsel vm0, $0x0, v11;
	vm0 =	vge.f32 v7, v4;
	v10 =	vld [tilespmem:s23+$0x50]  }
0x381: {  	[tilespmem:s23+$0xFFFFFFF0] =	vst v9;
	v11 =	vnsel vm0, $0x0, v7;
	vm0 =	vge.f32 v12, v4;
	v9 =	vld [tilespmem:s23+$0x60]  }
0x382: {  	s23 =	sadd.s32 $0x100, s23;
	v7 =	vld [tilespmem:s21+$0xFFFFFF80];
	[tilespmem:s21+$0x0] =	vst v11;
	v11 =	vnsel vm0, $0x0, v12;
	vm0 =	vge.f32 v5, v4  }
0x383: {  	[tilespmem:s21+$0x10] =	vst v11;
	v5 =	vnsel vm0, $0x0, v5;
	vm12 =	vge.f32 v6, v4  }
0x384: {  	[tilespmem:s21+$0x20] =	vst v5;
	v5 =	vnsel vm12, $0x0, v6;
	vm13 =	vge.f32 v8, v4  }
0x385: {  	[tilespmem:s21+$0x30] =	vst v5;
	v5 =	vnsel vm13, $0x0, v8;
	vm14 =	vge.f32 v10, v4  }
0x386: {  	[tilespmem:s21+$0x40] =	vst v5;
	v5 =	vnsel vm14, $0x0, v10;
	vm15 =	vge.f32 v9, v4  }
0x387: {  	vm1 =	vge.f32 v7, v4;
	[tilespmem:s21+$0x50] =	vst v5;
	v4 =	vnsel vm15, $0x0, v9  }
0x388: {  	v5 =	vnsel vm1, $0x0, v7;
	[tilespmem:s21+$0x60] =	vst v4  }
0x389: {  	[tilespmem:s21+$0xFFFFFF80] =	vst v5  }
0x38a: {  	[hbm4b:s7+s12] =	stream.strided.scatter [tilespmem:s15], [sflag:$0x4], $0x8000, s13, s12, $0x38;
	[tilespmem:$0x18480] =	vst v63  }
0x38b: {  	_ =	swait.ge [sflag:s14], $0x8000  }
0x38c: {  	[sflag:s14] =	ssyncset.done $0x0  }
0x38d: {  	[sflag:s14] =	ssyncadd.s32 $0xFFFF8000  }
0x38e: {  	_ =	swait.ge [sflag:s19], $0x8000  }
0x38f: {  	[sflag:s19] =	ssyncset.done $0x0  }
0x390: {  	s22 =	simm.s32 $0x10020;
	[sflag:s19] =	ssyncadd.s32 $0xFFFF8000  }
0x391: {  	[tilespmem:s15], [sflag:$0x2] =	stream.strided.gather [hbm4b:s8+s12], $0x8000, s13, s12, $0x38;
	[tilespmem:$0x18480] =	vst v63  }
0x392: {  	[tilespmem:s22+$0xFFFFFFE0] =	vst v1  }
0x393: {  	[tilespmem:s22+$0x10] =	vst v1  }
0x394: {  	s23 =	simm.s32 $0x0;
	[tilespmem:s22+$0x0] =	vst v1  }
.LBB2_58:
0x395: {  	s23 =	sadd.s32 $0x4, s23  }
0x396: {  	[tilespmem:s22+$0xFFFFFFF0] =	vst v1;
	s22 =	sadd.s32 $0x40, s22;
	p0 =	slt.u32 s23, $0x3C  }
.Ltmp44:
0x397: {  	[tilespmem:s22+$0xFFFFFFE0] =	vst v1;
	(pc) =	sbr.rel @p0 .LBB2_58-.Ltmp44, $3  }
0x398: {  	_ =	sdelay $0x1  }
0x399: {  	[tilespmem:s22+$0x10] =	vst v1  }
0x39a: {  	s21 =	simm.s32 $0x80;
	[tilespmem:s22+$0x0] =	vst v1  }
0x39b: {  	[tilespmem:s22+$0xFFFFFFF0] =	vst v1  }
0x39c: {  	v4 =	vld [tilespmem:s21+$0xFFFFFFA0]  }
0x39d: {  	v5 =	vld [tilespmem:s21+$0xFFFFFFB0]  }
0x39e: {  	v6 =	vld [tilespmem:s21+$0xFFFFFFC0]  }
0x39f: {  	v7 =	vld [tilespmem:s21+$0xFFFFFFD0]  }
0x3a0: {  	v8 =	vld [tilespmem:s21+$0xFFFFFF80]  }
0x3a1: {  	v9 =	vld [tilespmem:s21+$0x70]  }
0x3a2: {  	v10 =	vld [tilespmem:s21+$0x60]  }
0x3a3: {  	v11 =	vld [tilespmem:s21+$0x50]  }
0x3a4: {  	v12 =	vld [tilespmem:s21+$0x40]  }
0x3a5: {  	v13 =	vld [tilespmem:s21+$0x30]  }
0x3a6: {  	v14 =	vld [tilespmem:s21+$0x20];
	v8 =	vshrl.u32 v8, $0x14  }
0x3a7: {  	v15 =	vld [tilespmem:s21+$0x10];
	v9 =	vshrl.u32 v9, $0x14;
	v8 =	vand.u32 $0x3FF, v8  }
0x3a8: {  	v18 =	vld [tilespmem:s21+$0xFFFFFFE0];
	v10 =	vshrl.u32 v10, $0x14;
	v9 =	vand.u32 $0x3FF, v9  }
0x3a9: {  	v16 =	vld [tilespmem:s21+$0x0];
	v11 =	vshrl.u32 v11, $0x14;
	v10 =	vand.u32 $0x3FF, v10  }
0x3aa: {  	v17 =	vld [tilespmem:s21+$0xFFFFFFF0];
	v13 =	vshrl.u32 v13, $0x14;
	v11 =	vand.u32 $0x3FF, v11  }
0x3ab: {  	v60 =	vld [tilespmem:s21+$0xFFFFFF90];
	v12 =	vshrl.u32 v12, $0x14;
	v56 =	vand.u32 $0x3FF, v13  }
0x3ac: {  	v57 =	vshrl.u32 v15, $0x14;
	v12 =	vand.u32 $0x3FF, v12;
	[tilespmem:v8+s16+$0x0] =	vst.idx.add.s32.msk $0xffff, v2  }
0x3ad: {  	v61 =	vshrl.u32 v18, $0x14;
	v13 =	vand.u32 $0x3FF, v57;
	[tilespmem:v9+s16+$0x0] =	vst.idx.add.s32.msk $0xffff, v2  }
0x3ae: {  	v59 =	vshrl.u32 v14, $0x14;
	v7 =	vshrl.u32 v7, $0x14;
	v14 =	vand.u32 $0x3FF, v61;
	[tilespmem:v10+s16+$0x0] =	vst.idx.add.s32.msk $0xffff, v2  }
0x3af: {  	v5 =	vshrl.u32 v5, $0x14;
	v7 =	vand.u32 $0x3FF, v7;
	[tilespmem:v11+s16+$0x0] =	vst.idx.add.s32.msk $0xffff, v2  }
0x3b0: {  	v4 =	vshrl.u32 v4, $0x14;
	v5 =	vand.u32 $0x3FF, v5;
	[tilespmem:v56+s16+$0x0] =	vst.idx.add.s32.msk $0xffff, v2  }
0x3b1: {  	v58 =	vshrl.u32 v16, $0x14;
	v63 =	vand.u32 $0x3FF, v4;
	[tilespmem:v12+s16+$0x0] =	vst.idx.add.s32.msk $0xffff, v2  }
0x3b2: {  	v9 =	vand.u32 $0x3FF, v58;
	[tilespmem:v13+s16+$0x0] =	vst.idx.add.s32.msk $0xffff, v2  }
0x3b3: {  	v62 =	vshrl.u32 v17, $0x14;
	v10 =	vand.u32 $0x3FF, v59;
	[tilespmem:v14+s16+$0x0] =	vst.idx.add.s32.msk $0xffff, v2  }
0x3b4: {  	v4 =	vshrl.u32 v6, $0x14;
	v6 =	vshrl.u32 v60, $0x14;
	v8 =	vand.u32 $0x3FF, v62;
	[tilespmem:v7+s16+$0x0] =	vst.idx.add.s32.msk $0xffff, v2  }
0x3b5: {  	[tilespmem:v5+s16+$0x0] =	vst.idx.add.s32.msk $0xffff, v2;
	v5 =	vand.u32 $0x3FF, v6  }
0x3b6: {  	v4 =	vand.u32 $0x3FF, v4;
	[tilespmem:v63+s16+$0x0] =	vst.idx.add.s32.msk $0xffff, v2  }
0x3b7: {  	[tilespmem:v9+s16+$0x0] =	vst.idx.add.s32.msk $0xffff, v2  }
0x3b8: {  	[tilespmem:v10+s16+$0x0] =	vst.idx.add.s32.msk $0xffff, v2  }
0x3b9: {  	s22 =	simm.s32 $0x0;
	[tilespmem:v8+s16+$0x0] =	vst.idx.add.s32.msk $0xffff, v2  }
.LBB2_60:
0x3ba: {  	s22 =	sadd.s32 $0x10, s22;
	[tilespmem:v5+s16+$0x0] =	vst.idx.add.s32.msk $0xffff, v2;
	s21 =	sadd.s32 $0x100, s21  }
0x3bb: {  	p0 =	slt.u32 s22, $0x7F0;
	[tilespmem:v4+s16+$0x0] =	vst.idx.add.s32.msk $0xffff, v2  }
0x3bc: {  	v5 =	vld [tilespmem:s21+$0xFFFFFFA0]  }
0x3bd: {  	v4 =	vld [tilespmem:s21+$0xFFFFFFB0]  }
0x3be: {  	v6 =	vld [tilespmem:s21+$0xFFFFFFC0]  }
0x3bf: {  	v7 =	vld [tilespmem:s21+$0xFFFFFFD0]  }
0x3c0: {  	v8 =	vld [tilespmem:s21+$0xFFFFFF80]  }
0x3c1: {  	v9 =	vld [tilespmem:s21+$0x70]  }
0x3c2: {  	v10 =	vld [tilespmem:s21+$0x60]  }
0x3c3: {  	v11 =	vld [tilespmem:s21+$0x50]  }
0x3c4: {  	v12 =	vld [tilespmem:s21+$0x40]  }
0x3c5: {  	v8 =	vshrl.u32 v8, $0x14;
	v13 =	vld [tilespmem:s21+$0x30]  }
0x3c6: {  	v8 =	vand.u32 $0x3FF, v8;
	v14 =	vld [tilespmem:s21+$0x20];
	v9 =	vshrl.u32 v9, $0x14  }
0x3c7: {  	v15 =	vld [tilespmem:s21+$0x10];
	v10 =	vshrl.u32 v10, $0x14;
	v9 =	vand.u32 $0x3FF, v9  }
0x3c8: {  	v16 =	vld [tilespmem:s21+$0x0];
	v11 =	vshrl.u32 v11, $0x14;
	v10 =	vand.u32 $0x3FF, v10  }
0x3c9: {  	v17 =	vld [tilespmem:s21+$0xFFFFFFF0];
	v12 =	vshrl.u32 v12, $0x14;
	v11 =	vand.u32 $0x3FF, v11  }
0x3ca: {  	v18 =	vld [tilespmem:s21+$0xFFFFFFE0];
	v13 =	vshrl.u32 v13, $0x14  }
0x3cb: {  	[tilespmem:v8+s16+$0x0] =	vst.idx.add.s32.msk $0xffff, v2;
	v8 =	vshrl.u32 v14, $0x14;
	v13 =	vand.u32 $0x3FF, v13  }
0x3cc: {  	v12 =	vand.u32 $0x3FF, v12;
	v14 =	vshrl.u32 v15, $0x14;
	v8 =	vand.u32 $0x3FF, v8;
	[tilespmem:v9+s16+$0x0] =	vst.idx.add.s32.msk $0xffff, v2  }
0x3cd: {  	v9 =	vshrl.u32 v16, $0x14;
	v14 =	vand.u32 $0x3FF, v14;
	[tilespmem:v10+s16+$0x0] =	vst.idx.add.s32.msk $0xffff, v2  }
0x3ce: {  	v10 =	vshrl.u32 v17, $0x14;
	v9 =	vand.u32 $0x3FF, v9;
	[tilespmem:v11+s16+$0x0] =	vst.idx.add.s32.msk $0xffff, v2  }
0x3cf: {  	v11 =	vld [tilespmem:s21+$0xFFFFFF90];
	v15 =	vshrl.u32 v18, $0x14;
	v10 =	vand.u32 $0x3FF, v10  }
0x3d0: {  	v7 =	vshrl.u32 v7, $0x14;
	v15 =	vand.u32 $0x3FF, v15;
	[tilespmem:v13+s16+$0x0] =	vst.idx.add.s32.msk $0xffff, v2  }
0x3d1: {  	v6 =	vshrl.u32 v6, $0x14;
	v7 =	vand.u32 $0x3FF, v7;
	[tilespmem:v12+s16+$0x0] =	vst.idx.add.s32.msk $0xffff, v2  }
0x3d2: {  	v12 =	vshrl.u32 v4, $0x14;
	v4 =	vand.u32 $0x3FF, v6;
	[tilespmem:v14+s16+$0x0] =	vst.idx.add.s32.msk $0xffff, v2  }
0x3d3: {  	v5 =	vshrl.u32 v5, $0x14;
	v6 =	vand.u32 $0x3FF, v12;
	[tilespmem:v9+s16+$0x0] =	vst.idx.add.s32.msk $0xffff, v2  }
0x3d4: {  	v9 =	vshrl.u32 v11, $0x14;
	v11 =	vand.u32 $0x3FF, v5;
	[tilespmem:v8+s16+$0x0] =	vst.idx.add.s32.msk $0xffff, v2  }
.Ltmp45:
0x3d5: {  	v5 =	vand.u32 $0x3FF, v9;
	[tilespmem:v15+s16+$0x0] =	vst.idx.add.s32.msk $0xffff, v2;
	(pc) =	sbr.rel @p0 .LBB2_60-.Ltmp45, $4  }
0x3d6: {  	[tilespmem:v7+s16+$0x0] =	vst.idx.add.s32.msk $0xffff, v2  }
0x3d7: {  	[tilespmem:v10+s16+$0x0] =	vst.idx.add.s32.msk $0xffff, v2  }
0x3d8: {  	[tilespmem:v6+s16+$0x0] =	vst.idx.add.s32.msk $0xffff, v2  }
0x3d9: {  	[tilespmem:v11+s16+$0x0] =	vst.idx.add.s32.msk $0xffff, v2  }
0x3da: {  	_ =	sdelay $0x3  }
0x3db: {  	[tilespmem:v5+s16+$0x0] =	vst.idx.add.s32.msk $0xffff, v2  }
0x3dc: {  	[tilespmem:v4+s16+$0x0] =	vst.idx.add.s32.msk $0xffff, v2  }
0x3dd: {  	v4 =	vld [tilespmem:$0x103F0];
	_ =	sdelay $0x4  }
0x3de: {  	(xrf0) =	vadd.scan.msk.s32 $0xffff, v4;
	_ =	sdelay $0x5  }
0x3df: {  	v4, _, _ =	vpop (xrf0)  }
0x3e0: {  	(v2sf) =	vpush v4, $0xF;
	_ =	sdelay $0xe  }
0x3e1: {  	s23 =	spop (v2sf)  }
0x3e2: {  	p0 =	sgt.s32 s23, $0xCCB  }
.Ltmp46:
0x3e3: {  	_ = 	snop;
	(pc) =	sbr.rel @p0 .LBB2_64-.Ltmp46, $2  }
0x3e4: {  	_ =	sdelay $0x2  }
0x3e5: {  	s22 =	simm.s32 $0xCCC;
	s21 =	simm.s32 $0x3F0;
	s24 =	simm.s32 $0x103E0  }
.LBB2_62:
0x3e6: {  	v4 =	vld [tilespmem:s24+$0x0];
	_ =	sdelay $0x4  }
0x3e7: {  	(xrf0) =	vadd.scan.msk.s32 $0xffff, v4;
	_ =	sdelay $0x5  }
0x3e8: {  	v4, _, _ =	vpop (xrf0)  }
0x3e9: {  	(v2sf) =	vpush v4, $0xF;
	_ =	sdelay $0xe  }
0x3ea: {  	s0 =	spop (v2sf)  }
0x3eb: {  	s22 =	smov.u32 s23;
	s23 =	sadd.s32 s23, s0  }
0x3ec: {  	p0 =	slt.s32 s23, $0xCCC  }
.Ltmp47:
0x3ed: {  	_ = 	snop;
	(pc) =	sbr.rel @p0 .LBB2_62-.Ltmp47, $2  }
0x3ee: {  	_ =	sdelay $0x2  }
0x3ef: {  	s21 =	sadd.s32 $0xFFFFFFF0, s21;
	s24 =	sadd.s32 $0xFFFFFFF0, s24  }
0x3f0: {  	s22 =	ssub.s32 $0xCCC, s22  }
.LBB2_64:
0x3f1: {  	v4 =	vld [tilespmem:s21+$0x10000];
	_ =	sdelay $0x4  }
0x3f2: {  	v5 =	vperm.xlane v4, v3;
	_ =	sdelay $0x1  }
0x3f3: {  	(xrf0) =	vadd.scan.msk.s32 $0xffff, v5;
	_ =	sdelay $0x5  }
0x3f4: {  	v5, _, _ =	vpop (xrf0)  }
0x3f5: {  	v5 =	vperm.xlane v5, v3;
	_ =	sdelay $0x1  }
0x3f6: {  	vm0 =	vge.s32 v5, s22  }
0x3f7: {  	v6 =	vmpcnt.ones.xlane vm0;
	_ =	sdelay $0x1  }
0x3f8: {  	(v2sf) =	vpush v6, $0x0;
	_ =	sdelay $0x1  }
0x3f9: {  	s0 =	simm.s32 $0x80  }
0x3fa: {  	v7 =	vld [tilespmem:s0+$0x70]  }
0x3fb: {  	v10 =	vld [tilespmem:s0+$0x50]  }
0x3fc: {  	v11 =	vld [tilespmem:s0+$0x40]  }
0x3fd: {  	v14 =	vld [tilespmem:s0+$0x30]  }
0x3fe: {  	v15 =	vld [tilespmem:s0+$0x20]  }
0x3ff: {  	v17 =	vld [tilespmem:s0+$0x10]  }
0x400: {  	v19 =	vld [tilespmem:s0+$0x0]  }
0x401: {  	v21 =	vld [tilespmem:s0+$0xFFFFFFF0]  }
0x402: {  	v40 =	vld [tilespmem:s0+$0xFFFFFFE0]  }
0x403: {  	v42 =	vld [tilespmem:s0+$0xFFFFFFD0]  }
0x404: {  	v31 =	vld [tilespmem:s0+$0xFFFFFF80]  }
0x405: {  	v46 =	vld [tilespmem:s0+$0xFFFFFFC0]  }
0x406: {  	v43 =	vld [tilespmem:s0+$0xFFFFFF90];
	v27 =	vshra.s32 v7, $0x14;
	v24 =	vshra.s32 v10, $0x14;
	s23 =	spop (v2sf)  }
0x407: {  	v45 =	vld [tilespmem:s0+$0xFFFFFFA0];
	v22 =	vshra.s32 v15, $0x14;
	v28 =	vshra.s32 v14, $0x14;
	v29 =	vshra.s32 v11, $0x14;
	s23 =	sadd.s32 $0xFFFFFFFF, s23  }
0x408: {  	v47 =	vld [tilespmem:s0+$0xFFFFFFB0];
	v13 =	vshra.s32 v21, $0x14;
	v18 =	vshra.s32 v19, $0x14;
	v23 =	vshra.s32 v17, $0x14;
	s21 =	sadd.s32 s21, s23  }
0x409: {  	v16 =	vshra.s32 v42, $0x14;
	v6 =	vshra.s32 v31, $0x14;
	v12 =	vmov s21  }
0x40a: {  	v20 =	vshra.s32 v40, $0x14;
	v8 =	vshra.s32 v46, $0x14;
	vm15 =	veq.s32 v6, v12  }
0x40b: {  	v6 =	vshra.s32 v43, $0x14;
	vm10 =	veq.s32 v8, v12;
	vm11 =	veq.s32 v16, v12  }
0x40c: {  	v26 =	vmpcnt.ones.xlane vm15;
	vm14 =	veq.s32 v6, v12;
	v6 =	vshra.s32 v45, $0x14  }
0x40d: {  	v30 =	vmpcnt.ones.xlane vm14;
	vm12 =	veq.s32 v6, v12;
	v6 =	vshra.s32 v47, $0x14  }
0x40e: {  	s24 =	simm.s32 $0x180;
	v9 =	vld [tilespmem:s0+$0x60];
	v32 =	vmpcnt.ones.xlane vm12;
	vm9 =	veq.s32 v6, v12;
	(v2sf) =	vpush v26, $0x0  }
0x40f: {  	v8 =	vld [tilespmem:s24+$0x60];
	vm13 =	veq.s32 v20, v12;
	v26 =	vmpcnt.ones.xlane vm9;
	(v2sf) =	vpush v30, $0x0  }
0x410: {  	v16 =	vld [tilespmem:s24+$0x50];
	vm8 =	veq.s32 v13, v12;
	v30 =	vmpcnt.ones.xlane vm10;
	(v2sf) =	vpush v32, $0x0  }
0x411: {  	v20 =	vld [tilespmem:s24+$0x40];
	vm7 =	veq.s32 v18, v12;
	v57 =	vmpcnt.ones.xlane vm11;
	(v2sf) =	vpush v26, $0x0  }
0x412: {  	v13 =	vld [tilespmem:s24+$0x30];
	vm6 =	veq.s32 v23, v12;
	v26 =	vmpcnt.ones.xlane vm13;
	(v2sf) =	vpush v30, $0x0  }
0x413: {  	v18 =	vld [tilespmem:s24+$0x20];
	vm5 =	veq.s32 v22, v12;
	v30 =	vmpcnt.ones.xlane vm8;
	(v2sf) =	vpush v57, $0x0  }
0x414: {  	v23 =	vld [tilespmem:s24+$0x10];
	vm4 =	veq.s32 v28, v12;
	v58 =	vmpcnt.ones.xlane vm7;
	(v2sf) =	vpush v26, $0x0  }
0x415: {  	vm3 =	veq.s32 v24, v12;
	v24 =	vld [tilespmem:s24+$0xFFFFFFD0];
	v33 =	vmpcnt.ones.xlane vm6;
	(v2sf) =	vpush v30, $0x0  }
0x416: {  	s31 =	simm.s32 $0x0;
	vm0 =	veq.s32 v27, v12;
	v27 =	vld [tilespmem:s24+$0xFFFFFF90];
	v30 =	vmpcnt.ones.xlane vm5;
	(v2sf) =	vpush v58, $0x0  }
0x417: {  	vm2 =	veq.s32 v29, v12;
	v28 =	vmpcnt.ones.xlane vm4;
	[tilespmem:s31+$0x10400] =	vst.msk vm15, v31;
	v31 =	vld [tilespmem:s24+$0xFFFFFFB0];
	(v2sf) =	vpush v33, $0x0  }
0x418: {  	v25 =	vshra.s32 v9, $0x14;
	v29 =	vmpcnt.ones.xlane vm2;
	v6 =	vld [tilespmem:s24+$0x70];
	(v2sf) =	vpush v30, $0x0  }
0x419: {  	vm1 =	veq.s32 v25, v12;
	v32 =	vld [tilespmem:s24+$0xFFFFFFF0];
	v30 =	vmpcnt.ones.xlane vm3;
	(v2sf) =	vpush v28, $0x0  }
0x41a: {  	v59 =	vmpcnt.ones.xlane vm1;
	v26 =	vld [tilespmem:s24+$0x0];
	(v2sf) =	vpush v29, $0x0  }
0x41b: {  	v35 =	vmpcnt.ones.xlane vm0;
	v28 =	vld [tilespmem:s24+$0xFFFFFF80];
	(v2sf) =	vpush v30, $0x0  }
0x41c: {  	v22 =	vld [tilespmem:s24+$0xFFFFFFE0];
	v34 =	vshra.s32 v16, $0x14;
	(v2sf) =	vpush v59, $0x0  }
0x41d: {  	v37 =	vshra.s32 v18, $0x14;
	v36 =	vshra.s32 v13, $0x14;
	v29 =	vld [tilespmem:s24+$0xFFFFFFA0];
	s25 =	spop (v2sf);
	(v2sf) =	vpush v35, $0x0  }
0x41e: {  	v25 =	vld [tilespmem:s24+$0xFFFFFFC0];
	v38 =	vshra.s32 v23, $0x14;
	v44 =	vshra.s32 v24, $0x14;
	v60 =	vshra.s32 v27, $0x14;
	s24 =	sadd.s32 $0x0, s25;
	s25 =	spop (v2sf)  }
0x41f: {  	v63 =	vshra.s32 v31, $0x14;
	v41 =	vshra.s32 v32, $0x14;
	v33 =	vshra.s32 v8, $0x14;
	[tilespmem:s24+$0x10400] =	vst.msk vm14, v43;
	s0 =	sadd.s32 s24, s25;
	s26 =	spop (v2sf)  }
0x420: {  	v39 =	vshra.s32 v26, $0x14;
	v30 =	vshra.s32 v6, $0x14;
	v48 =	vshra.s32 v28, $0x14;
	[tilespmem:s0+$0x10400] =	vst.msk vm12, v45;
	s0 =	sadd.s32 s0, s26;
	s29 =	spop (v2sf)  }
0x421: {  	v35 =	vshra.s32 v20, $0x14;
	v43 =	vshra.s32 v22, $0x14;
	vm12 =	veq.s32 v48, v12;
	[tilespmem:s0+$0x10400] =	vst.msk vm9, v47;
	s0 =	sadd.s32 s0, s29;
	s30 =	spop (v2sf)  }
0x422: {  	v62 =	vshra.s32 v29, $0x14;
	v61 =	vmpcnt.ones.xlane vm12;
	vm9 =	veq.s32 v60, v12;
	[tilespmem:s0+$0x10400] =	vst.msk vm10, v46;
	s0 =	sadd.s32 s0, s30;
	s31 =	spop (v2sf)  }
0x423: {  	s24 =	simm.s32 $0x10;
	v45 =	vshra.s32 v25, $0x14;
	v46 =	vmpcnt.ones.xlane vm9;
	vm10 =	veq.s32 v62, v12;
	[tilespmem:s0+$0x10400] =	vst.msk vm11, v42;
	s0 =	sadd.s32 s0, s31;
	s26 =	spop (v2sf)  }
0x424: {  	s25 =	simm.s32 $0x280;
	v42 =	vmpcnt.ones.xlane vm10;
	vm11 =	veq.s32 v63, v12;
	(v2sf) =	vpush v61, $0x0;
	[tilespmem:s0+$0x10400] =	vst.msk vm13, v40;
	s26 =	sadd.s32 s0, s26;
	s28 =	spop (v2sf)  }
.LBB2_65:
0x425: {  	v40 =	vld [tilespmem:s25+$0x70];
	v47 =	vmpcnt.ones.xlane vm11;
	vm14 =	veq.s32 v45, v12;
	(v2sf) =	vpush v46, $0x0;
	[tilespmem:s26+$0x10400] =	vst.msk vm8, v21;
	s0 =	sadd.s32 s26, s28;
	s26 =	spop (v2sf);
	v21 =	vmovc v32  }
0x426: {  	vm15 =	veq.s32 v44, v12;
	v32 =	vld [tilespmem:s25+$0x60];
	v45 =	vmpcnt.ones.xlane vm14;
	(v2sf) =	vpush v42, $0x0;
	[tilespmem:s0+$0x10400] =	vst.msk vm7, v19;
	s0 =	sadd.s32 s0, s26;
	s26 =	spop (v2sf);
	v19 =	vmovc v26  }
0x427: {  	vm13 =	veq.s32 v43, v12;
	v26 =	vmpcnt.ones.xlane vm15;
	v42 =	vld [tilespmem:s25+$0x50];
	(v2sf) =	vpush v47, $0x0;
	[tilespmem:s0+$0x10400] =	vst.msk vm6, v17;
	s0 =	sadd.s32 s0, s26;
	s26 =	spop (v2sf);
	v17 =	vmovc v23  }
0x428: {  	vm8 =	veq.s32 v41, v12;
	v23 =	vmpcnt.ones.xlane vm13;
	v43 =	vld [tilespmem:s25+$0x40];
	(v2sf) =	vpush v45, $0x0;
	[tilespmem:s0+$0x10400] =	vst.msk vm5, v15;
	s0 =	sadd.s32 s0, s26;
	s26 =	spop (v2sf);
	v15 =	vmovc v18  }
0x429: {  	v41 =	vmpcnt.ones.xlane vm8;
	vm7 =	veq.s32 v39, v12;
	(v2sf) =	vpush v26, $0x0;
	[tilespmem:s0+$0x10400] =	vst.msk vm4, v14;
	s0 =	sadd.s32 s0, s26;
	s26 =	spop (v2sf);
	v14 =	vmovc v13;
	v13 =	vld [tilespmem:s25+$0x30]  }
0x42a: {  	v39 =	vmpcnt.ones.xlane vm7;
	vm6 =	veq.s32 v38, v12;
	v18 =	vld [tilespmem:s25+$0x20];
	(v2sf) =	vpush v23, $0x0;
	[tilespmem:s0+$0x10400] =	vst.msk vm2, v11;
	s0 =	sadd.s32 s0, s26;
	s26 =	spop (v2sf);
	v11 =	vmovc v20  }
0x42b: {  	v38 =	vmpcnt.ones.xlane vm6;
	vm5 =	veq.s32 v37, v12;
	v23 =	vld [tilespmem:s25+$0x10];
	(v2sf) =	vpush v41, $0x0;
	[tilespmem:s0+$0x10400] =	vst.msk vm3, v10;
	s0 =	sadd.s32 s0, s26;
	s26 =	spop (v2sf);
	v10 =	vmovc v16  }
0x42c: {  	v37 =	vmpcnt.ones.xlane vm5;
	vm4 =	veq.s32 v36, v12;
	v26 =	vld [tilespmem:s25+$0x0];
	(v2sf) =	vpush v39, $0x0;
	[tilespmem:s0+$0x10400] =	vst.msk vm1, v9;
	s0 =	sadd.s32 s0, s26;
	s26 =	spop (v2sf);
	v9 =	vmovc v8;
	v8 =	vmovc v32  }
0x42d: {  	v36 =	vmpcnt.ones.xlane vm4;
	vm2 =	veq.s32 v35, v12;
	v32 =	vld [tilespmem:s25+$0xFFFFFFF0];
	(v2sf) =	vpush v38, $0x0;
	[tilespmem:s0+$0x10400] =	vst.msk vm0, v7;
	s0 =	sadd.s32 s0, s26;
	v7 =	vmovc v6;
	v6 =	vmovc v40  }
0x42e: {  	vm3 =	veq.s32 v34, v12;
	v16 =	vmovc v42;
	v20 =	vmovc v43;
	v40 =	vld [tilespmem:s25+$0xFFFFFFE0];
	[tilespmem:s0+$0x10400] =	vst.msk vm12, v28;
	v28 =	vmpcnt.ones.xlane vm2;
	(v2sf) =	vpush v37, $0x0  }
0x42f: {  	v34 =	vmpcnt.ones.xlane vm3;
	vm1 =	veq.s32 v33, v12;
	v42 =	vld [tilespmem:s25+$0xFFFFFFD0];
	(v2sf) =	vpush v36, $0x0  }
0x430: {  	v33 =	vmpcnt.ones.xlane vm1;
	vm0 =	veq.s32 v30, v12;
	v46 =	vld [tilespmem:s25+$0xFFFFFFC0];
	(v2sf) =	vpush v28, $0x0  }
0x431: {  	s24 =	sadd.s32 $0x10, s24;
	v35 =	vmpcnt.ones.xlane vm0;
	v28 =	vld [tilespmem:s25+$0xFFFFFF80];
	(v2sf) =	vpush v34, $0x0  }
0x432: {  	p0 =	slt.u32 s24, $0x7F0;
	v30 =	vshra.s32 v6, $0x14;
	v47 =	vld [tilespmem:s25+$0xFFFFFF90];
	(v2sf) =	vpush v33, $0x0  }
0x433: {  	v34 =	vshra.s32 v16, $0x14;
	v33 =	vshra.s32 v8, $0x14;
	v48 =	vld [tilespmem:s25+$0xFFFFFFA0];
	s26 =	spop (v2sf);
	(v2sf) =	vpush v35, $0x0  }
0x434: {  	v37 =	vshra.s32 v18, $0x14;
	v36 =	vshra.s32 v13, $0x14;
	v35 =	vshra.s32 v20, $0x14;
	v49 =	vld [tilespmem:s25+$0xFFFFFFB0];
	s0 =	sadd.s32 s0, s26;
	s26 =	spop (v2sf)  }
0x435: {  	v38 =	vshra.s32 v23, $0x14;
	v39 =	vshra.s32 v26, $0x14;
	v41 =	vshra.s32 v32, $0x14;
	[tilespmem:s0+$0x10400] =	vst.msk vm9, v27;
	s0 =	sadd.s32 s0, s26;
	s26 =	spop (v2sf)  }
.Ltmp48:
0x436: {  	v43 =	vshra.s32 v40, $0x14;
	v44 =	vshra.s32 v42, $0x14;
	v50 =	vshra.s32 v28, $0x14;
	[tilespmem:s0+$0x10400] =	vst.msk vm10, v29;
	s0 =	sadd.s32 s0, s26;
	s26 =	spop (v2sf);
	(pc) =	sbr.rel @p0 .LBB2_65-.Ltmp48, $4  }
0x437: {  	v45 =	vshra.s32 v46, $0x14;
	vm12 =	veq.s32 v50, v12;
	v50 =	vshra.s32 v47, $0x14;
	[tilespmem:s0+$0x10400] =	vst.msk vm11, v31;
	s0 =	sadd.s32 s0, s26;
	s26 =	spop (v2sf);
	v27 =	vmovc v47  }
0x438: {  	v47 =	vmpcnt.ones.xlane vm12;
	vm9 =	veq.s32 v50, v12;
	v50 =	vshra.s32 v48, $0x14;
	[tilespmem:s0+$0x10400] =	vst.msk vm14, v25;
	s0 =	sadd.s32 s0, s26;
	s26 =	spop (v2sf);
	v25 =	vmovc v46;
	v29 =	vmovc v48  }
0x439: {  	v46 =	vmpcnt.ones.xlane vm9;
	vm10 =	veq.s32 v50, v12;
	v48 =	vshra.s32 v49, $0x14;
	[tilespmem:s0+$0x10400] =	vst.msk vm15, v24;
	s0 =	sadd.s32 s0, s26;
	s26 =	spop (v2sf);
	v24 =	vmovc v42;
	v31 =	vmovc v49  }
0x43a: {  	s25 =	sadd.s32 $0x100, s25;
	v42 =	vmpcnt.ones.xlane vm10;
	vm11 =	veq.s32 v48, v12;
	(v2sf) =	vpush v47, $0x0;
	[tilespmem:s0+$0x10400] =	vst.msk vm13, v22;
	s26 =	sadd.s32 s0, s26;
	s28 =	spop (v2sf);
	v22 =	vmovc v40  }
0x43b: {  	vm13 =	veq.s32 v45, v12;
	v51 =	vimm.s32 $0x0;
	(v2sf) =	vpush v46, $0x0  }
0x43c: {  	v53 =	vimm.s32 $0x0;
	v55 =	vimm.s32 $0x0;
	(v2sf) =	vpush v42, $0x0  }
0x43d: {  	v45 =	vsel vm13, $0xFFFFFFFF, v51;
	v52 =	vmpcnt.ones.xlane vm13;
	vm13 =	veq.s32 v44, v12  }
0x43e: {  	[tilespmem:$0x1FF70] =	vst v45;
	v44 =	vsel vm13, $0xFFFFFFFF, v53;
	v54 =	vmpcnt.ones.xlane vm13;
	vm13 =	veq.s32 v43, v12  }
0x43f: {  	[tilespmem:$0x1FF80] =	vst v44;
	v43 =	vsel vm13, $0xFFFFFFFF, v55  }
0x440: {  	[tilespmem:$0x1FF90] =	vst v43  }
0x441: {  	v40 =	vmpcnt.ones.xlane vm11;
	s0 =	sadd.s32 s26, s28;
	s24 =	spop (v2sf);
	[tilespmem:s26+$0x10400] =	vst.msk vm8, v21  }
0x442: {  	[tilespmem:s0+$0x10400] =	vst.msk vm7, v19;
	s0 =	sadd.s32 s0, s24;
	s26 =	spop (v2sf)  }
0x443: {  	(v2sf) =	vpush v40, $0x0;
	[tilespmem:s0+$0x10400] =	vst.msk vm6, v17;
	s0 =	sadd.s32 s0, s26;
	s28 =	spop (v2sf)  }
0x444: {  	[tilespmem:s0+$0x10400] =	vst.msk vm5, v15;
	s0 =	sadd.s32 s0, s28;
	s29 =	spop (v2sf)  }
0x445: {  	[tilespmem:s0+$0x10400] =	vst.msk vm4, v14;
	s0 =	sadd.s32 s0, s29;
	s30 =	spop (v2sf)  }
0x446: {  	[tilespmem:s0+$0x10400] =	vst.msk vm2, v11;
	s0 =	sadd.s32 s0, s30;
	s31 =	spop (v2sf)  }
0x447: {  	[tilespmem:s0+$0x10400] =	vst.msk vm3, v10;
	s0 =	sadd.s32 s0, s31;
	s25 =	spop (v2sf)  }
0x448: {  	[tilespmem:s0+$0x10400] =	vst.msk vm1, v9;
	s0 =	sadd.s32 s0, s25;
	s26 =	spop (v2sf)  }
0x449: {  	[tilespmem:s0+$0x10400] =	vst.msk vm0, v7;
	s0 =	sadd.s32 s0, s26;
	s28 =	spop (v2sf)  }
0x44a: {  	(v2sf) =	vpush v52, $0x0;
	[tilespmem:s0+$0x10400] =	vst.msk vm12, v28;
	s0 =	sadd.s32 s0, s28;
	s29 =	spop (v2sf)  }
0x44b: {  	[tilespmem:s0+$0x10400] =	vst.msk vm9, v27;
	s0 =	sadd.s32 s0, s29;
	s30 =	spop (v2sf)  }
0x44c: {  	[tilespmem:s0+$0x10400] =	vst.msk vm10, v29;
	s0 =	sadd.s32 s0, s30  }
0x44d: {  	[tilespmem:s0+$0x10400] =	vst.msk vm11, v31  }
0x44e: {  	v7 =	vld [tilespmem:$0x1FF70];
	_ =	sdelay $0x1  }
0x44f: {  	vm14 =	veq.s32 v39, v12;
	v56 =	vmpcnt.ones.xlane vm13;
	vm13 =	veq.s32 v41, v12  }
0x450: {  	vm15 =	veq.s32 v38, v12;
	v41 =	vmpcnt.ones.xlane vm13;
	(v2sf) =	vpush v54, $0x0  }
0x451: {  	v39 =	vmpcnt.ones.xlane vm14;
	v57 =	vmpcnt.ones.xlane vm15;
	(v2sf) =	vpush v56, $0x0;
	s31 =	spop (v2sf)  }
0x452: {  	vm8 =	veq.s32 v37, v12;
	(v2sf) =	vpush v41, $0x0;
	s0 =	sadd.s32 s0, s31;
	vm10 =	vnez.u8 v7  }
0x453: {  	vm7 =	veq.s32 v36, v12;
	v58 =	vmpcnt.ones.xlane vm8;
	(v2sf) =	vpush v39, $0x0;
	[tilespmem:s0+$0x10400] =	vst.msk vm10, v25  }
0x454: {  	v59 =	vmpcnt.ones.xlane vm7;
	vm6 =	veq.s32 v35, v12;
	(v2sf) =	vpush v57, $0x0;
	v7 =	vld [tilespmem:$0x1FF80]  }
0x455: {  	v60 =	vmpcnt.ones.xlane vm6;
	vm5 =	veq.s32 v34, v12;
	(v2sf) =	vpush v58, $0x0  }
0x456: {  	v61 =	vmpcnt.ones.xlane vm5;
	vm4 =	veq.s32 v33, v12;
	(v2sf) =	vpush v59, $0x0  }
0x457: {  	v62 =	vmpcnt.ones.xlane vm4;
	(v2sf) =	vpush v60, $0x0  }
0x458: {  	(v2sf) =	vpush v61, $0x0;
	s25 =	spop (v2sf)  }
0x459: {  	(v2sf) =	vpush v62, $0x0;
	s0 =	sadd.s32 s0, s25;
	vm11 =	vnez.u8 v7  }
0x45a: {  	[tilespmem:s0+$0x10400] =	vst.msk vm11, v24  }
0x45b: {  	vm2 =	veq.s32 v30, v12;
	v7 =	vld [tilespmem:$0x1FF90]  }
0x45c: {  	v63 =	vmpcnt.ones.xlane vm2;
	_ =	sdelay $0x1  }
0x45d: {  	(v2sf) =	vpush v63, $0x0  }
0x45e: {  	s26 =	spop (v2sf)  }
0x45f: {  	s28 =	spop (v2sf);
	s0 =	sadd.s32 s0, s26;
	vm12 =	vnez.u8 v7  }
0x460: {  	s29 =	spop (v2sf);
	[tilespmem:s0+$0x10400] =	vst.msk vm12, v22;
	s0 =	sadd.s32 s0, s28  }
0x461: {  	s30 =	spop (v2sf);
	[tilespmem:s0+$0x10400] =	vst.msk vm13, v32;
	s0 =	sadd.s32 s0, s29  }
0x462: {  	s31 =	spop (v2sf);
	[tilespmem:s0+$0x10400] =	vst.msk vm14, v26;
	s0 =	sadd.s32 s0, s30  }
0x463: {  	s25 =	spop (v2sf);
	[tilespmem:s0+$0x10400] =	vst.msk vm15, v23;
	s0 =	sadd.s32 s0, s31  }
0x464: {  	s26 =	spop (v2sf);
	[tilespmem:s0+$0x10400] =	vst.msk vm8, v18;
	s0 =	sadd.s32 s0, s25  }
0x465: {  	s28 =	spop (v2sf);
	[tilespmem:s0+$0x10400] =	vst.msk vm7, v13;
	s0 =	sadd.s32 s0, s26  }
0x466: {  	s29 =	spop (v2sf);
	[tilespmem:s0+$0x10400] =	vst.msk vm6, v20;
	s0 =	sadd.s32 s0, s28  }
0x467: {  	s30 =	spop (v2sf);
	[tilespmem:s0+$0x10400] =	vst.msk vm5, v16;
	s0 =	sadd.s32 s0, s29  }
0x468: {  	[tilespmem:s0+$0x10400] =	vst.msk vm4, v8;
	s0 =	sadd.s32 s0, s30  }
0x469: {  	s24 =	simm.s32 $0x10020;
	[tilespmem:s0+$0x10400] =	vst.msk vm2, v6  }
0x46a: {  	[tilespmem:s24+$0xFFFFFFE0] =	vst v1  }
0x46b: {  	[tilespmem:s24+$0x10] =	vst v1  }
0x46c: {  	s31 =	spop (v2sf);
	s25 =	simm.s32 $0x0;
	[tilespmem:s24+$0x0] =	vst v1  }
.LBB2_67:
0x46d: {  	s25 =	sadd.s32 $0x4, s25  }
0x46e: {  	[tilespmem:s24+$0xFFFFFFF0] =	vst v1;
	s24 =	sadd.s32 $0x40, s24;
	p0 =	slt.u32 s25, $0x3C  }
.Ltmp49:
0x46f: {  	[tilespmem:s24+$0xFFFFFFE0] =	vst v1;
	(pc) =	sbr.rel @p0 .LBB2_67-.Ltmp49, $3  }
0x470: {  	_ =	sdelay $0x1  }
0x471: {  	[tilespmem:s24+$0x10] =	vst v1  }
0x472: {  	[tilespmem:s24+$0x0] =	vst v1  }
0x473: {  	v6 =	vmov s23  }
0x474: {  	vm0 =	veq.s32 v6, v0  }
0x475: {  	v5 =	vnsel vm0, $0x0, v5  }
0x476: {  	v4 =	vnsel vm0, $0x0, v4;
	(xrf0) =	vadd.scan.msk.s32 $0xffff, v5  }
0x477: {  	(xrf0) =	vadd.scan.msk.s32 $0xffff, v4;
	_ =	sdelay $0x4  }
0x478: {  	v4, _, _ =	vpop (xrf0)  }
0x479: {  	(v2sf) =	vpush v4, $0xF;
	v4, _, _ =	vpop (xrf0)  }
0x47a: {  	(v2sf) =	vpush v4, $0xF;
	_ =	sdelay $0xd  }
0x47b: {  	s23 =	spop (v2sf)  }
0x47c: {  	[tilespmem:s24+$0xFFFFFFF0] =	vst v1;
	s24 =	spop (v2sf)  }
0x47d: {  	s0 =	sadd.s32 $0xF, s24  }
0x47e: {  	s25 =	sshra.s32 s0, $0x4  }
0x47f: {  	p0 =	slt.s32 s25, $0x1  }
.Ltmp50:
0x480: {  	_ = 	snop;
	(pc) =	sbr.rel @p0 .LBB2_72-.Ltmp50, $2  }
0x481: {  	_ =	sdelay $0x2  }
0x482: {  	v4 =	vbroadcast v4, $0xF  }
0x483: {  	s28 =	simm.s32 $0x10400  }
0x484: {  	p0 =	seq.s32 s25, $0x1;
	v5 =	vld [tilespmem:s28+$0x0]  }
.Ltmp51:
0x485: {  	_ = 	snop;
	(pc) =	sbr.rel @p0 .LBB2_71-.Ltmp51, $4  }
0x486: {  	_ = 	snop  }
0x487: {  	s26 =	simm.s32 $0x0  }
0x488: {  	v6 =	vor.u32 s26, v0  }
0x489: {  	s29 =	simm.s32 $0x10410;
	s28 =	sadd.s32 $0xFFFFFFFF, s25;
	vm0 =	vlt.s32 v6, v4;
	v5 =	vshrl.u32 v5, $0xA  }
.LBB2_70:
0x48a: {  	v6 =	vld [tilespmem:s29+$0x0];
	p0 =	seq.s32 s28, $0x1;
	s28 =	sadd.s32 $0xFFFFFFFF, s28;
	v7 =	vand.u32 $0x3FF, v5  }
.Ltmp52:
0x48b: {  	(pc) =	sbr.rel @!p0 .LBB2_70-.Ltmp52, $4  }
0x48c: {  	_ = 	snop  }
0x48d: {  	s26 =	sadd.s32 $0x10, s26  }
0x48e: {  	v8 =	vor.u32 s26, v0  }
0x48f: {  	s29 =	sadd.s32 $0x10, s29;
	v5 =	vshrl.u32 v6, $0xA;
	[tilespmem:v7+s16+$0x0] =	vst.idx.add.s32.msk vm0, v2;
	vm0 =	vlt.s32 v8, v4  }
.LBB2_71:
0x490: {  	v5 =	vand.u32 $0x3FF, v5;
	_ =	sdelay $0x4  }
0x491: {  	[tilespmem:v5+s16+$0x0] =	vst.idx.add.s32.msk vm0, v2  }
.LBB2_72:
0x492: {  	v5 =	vld [tilespmem:$0x103F0];
	_ =	sdelay $0x4  }
0x493: {  	(xrf0) =	vadd.scan.msk.s32 $0xffff, v5;
	_ =	sdelay $0x5  }
0x494: {  	v5, _, _ =	vpop (xrf0)  }
0x495: {  	(v2sf) =	vpush v5, $0xF;
	_ =	sdelay $0xd  }
0x496: {  	s0 =	ssub.s32 s24, s23  }
0x497: {  	s23 =	sadd.s32 s22, s0;
	s26 =	spop (v2sf)  }
0x498: {  	p0 =	slt.s32 s26, s23  }
.Ltmp53:
0x499: {  	_ = 	snop;
	(pc) =	sbr.rel @!p0 .LBB2_74-.Ltmp53, $2  }
0x49a: {  	_ =	sdelay $0x2  }
0x49b: {  	s24 =	simm.s32 $0x0;
	s28 =	simm.s32 $0x103E0;
	s22 =	simm.s32 $0x3F0  }
.LBB2_73:
0x49c: {  	v5 =	vld [tilespmem:s28+$0x0];
	_ =	sdelay $0x4  }
0x49d: {  	(xrf0) =	vadd.scan.msk.s32 $0xffff, v5;
	_ =	sdelay $0x5  }
0x49e: {  	v5, _, _ =	vpop (xrf0)  }
0x49f: {  	(v2sf) =	vpush v5, $0xF;
	_ =	sdelay $0xe  }
0x4a0: {  	s0 =	spop (v2sf)  }
0x4a1: {  	s24 =	smov.u32 s26;
	s26 =	sadd.s32 s26, s0  }
0x4a2: {  	p0 =	slt.s32 s26, s23  }
.Ltmp54:
0x4a3: {  	_ = 	snop;
	(pc) =	sbr.rel @p0 .LBB2_73-.Ltmp54, $2  }
0x4a4: {  	_ =	sdelay $0x2  }
0x4a5: {  	s22 =	sadd.s32 $0xFFFFFFF0, s22;
	s28 =	sadd.s32 $0xFFFFFFF0, s28  }
.LBB2_74:
0x4a6: {  	v5 =	vld [tilespmem:s22+$0x10000];
	_ =	sdelay $0x4  }
0x4a7: {  	v6 =	vperm.xlane v5, v3;
	_ =	sdelay $0x1  }
0x4a8: {  	(xrf0) =	vadd.scan.msk.s32 $0xffff, v6;
	_ =	sdelay $0x5  }
0x4a9: {  	v6, _, _ =	vpop (xrf0)  }
0x4aa: {  	v6 =	vperm.xlane v6, v3  }
0x4ab: {  	s24 =	ssub.s32 s23, s24  }
0x4ac: {  	vm0 =	vge.s32 v6, s24  }
0x4ad: {  	v7 =	vmpcnt.ones.xlane vm0;
	_ =	sdelay $0x1  }
0x4ae: {  	(v2sf) =	vpush v7, $0x0;
	_ =	sdelay $0xe  }
0x4af: {  	s0 =	spop (v2sf)  }
0x4b0: {  	s0 =	sadd.s32 $0xFFFFFFFF, s0  }
0x4b1: {  	v7 =	vmov s0  }
0x4b2: {  	vm15 =	veq.s32 v7, v0  }
0x4b3: {  	v6 =	vnsel vm15, $0x0, v6  }
0x4b4: {  	v5 =	vnsel vm15, $0x0, v5;
	(xrf0) =	vadd.scan.msk.s32 $0xffff, v6  }
0x4b5: {  	(xrf0) =	vadd.scan.msk.s32 $0xffff, v5;
	_ =	sdelay $0x4  }
0x4b6: {  	v5, _, _ =	vpop (xrf0)  }
0x4b7: {  	(v2sf) =	vpush v5, $0xF;
	v5, _, _ =	vpop (xrf0)  }
0x4b8: {  	(v2sf) =	vpush v5, $0xF;
	_ =	sdelay $0x9  }
0x4b9: {  	p0 =	sgt.s32 s25, $0x0  }
.Ltmp55:
0x4ba: {  	_ = 	snop;
	(pc) =	sbr.rel @!p0 .LBB2_75-.Ltmp55, $3  }
0x4bb: {  	_ =	sdelay $0x1  }
0x4bc: {  	s26 =	spop (v2sf)  }
0x4bd: {  	s22 =	sadd.s32 s22, s0;
	s23 =	spop (v2sf)  }
0x4be: {  	p1 =	seq.s32 s25, $0x1  }
.Ltmp56:
0x4bf: {  	_ = 	snop;
	(pc) =	sbr.rel @p1 .LBB2_128-.Ltmp56, $3  }
0x4c0: {  	_ =	sdelay $0x1  }
0x4c1: {  	s0 =	simm.s32 $0x10400  }
0x4c2: {  	v6 =	vmov s22;
	s28 =	simm.s32 $0x0;
	s25 =	sadd.s32 $0xFFFFFFFF, s25;
	p0 =	por $0x0, $0x0;
	v7 =	vld [tilespmem:s0+$0x0]  }
0x4c3: {  	_ =	sdelay $0x3  }
0x4c4: {  	v8 =	vshrl.u32 v7, $0xA  }
0x4c5: {  	v9 =	vor.u32 s28, v0;
	v8 =	vand.u32 $0x3FF, v8  }
0x4c6: {  	vm0 =	vlt.s32 v9, v4;
	vm1 =	veq.s32 v8, v6  }
0x4c7: {  	vm0 =	vmand vm0, vm1  }
0x4c8: {  	v8 =	vmpcnt.ones.xlane vm0;
	_ =	sdelay $0x1  }
0x4c9: {  	p1 =	seq.s32 s25, $0x1;
	(v2sf) =	vpush v8, $0x0  }
.Ltmp57:
0x4ca: {  	_ = 	snop;
	(pc) =	sbr.rel @p1 .LBB2_130-.Ltmp57, $3  }
0x4cb: {  	_ =	sdelay $0x1  }
0x4cc: {  	s30 =	simm.s32 $0x10410;
	s31 =	sadd.s32 $0xFFFFFFFF, s25;
	[tilespmem:s28+$0x10400] =	vst.msk vm0, v7  }
0x4cd: {  	p0 =	por $0x1, $0x1;
	s29 =	simm.s32 $0x0;
	s25 =	simm.s32 $0x0;
	v7 =	vld [tilespmem:s30+$0x0]  }
.LBB2_131:
0x4ce: {  	p1 =	seq.s32 s31, $0x1;
	_ =	sdelay $0x3  }
0x4cf: {  	s29 =	sadd.s32 $0x10, s29;
	v8 =	vshrl.u32 v7, $0xA  }
0x4d0: {  	v9 =	vor.u32 s29, v0;
	v8 =	vand.u32 $0x3FF, v8  }
0x4d1: {  	vm0 =	vlt.s32 v9, v4;
	vm1 =	veq.s32 v8, v6  }
0x4d2: {  	vm0 =	vmand vm0, vm1  }
0x4d3: {  	v8 =	vmpcnt.ones.xlane vm0  }
0x4d4: {  	s0 =	spop (v2sf)  }
0x4d5: {  	(v2sf) =	vpush v8, $0x0;
	s25 =	sadd.s32 s25, s0  }
.Ltmp58:
0x4d6: {  	[tilespmem:s25+$0x10400] =	vst.msk vm0, v7;
	(pc) =	sbr.rel @!p1 .LBB2_131-.Ltmp58, $3  }
0x4d7: {  	_ =	sdelay $0x1  }
0x4d8: {  	s30 =	sadd.s32 $0x10, s30  }
0x4d9: {  	s31 =	sadd.s32 $0xFFFFFFFF, s31;
	v7 =	vld [tilespmem:s30+$0x0]  }
.LBB2_132:
0x4da: {  	_ =	sdelay $0x2  }
0x4db: {  	s0 =	sadd.s32 @p0 $0x10, s29;
	s29 =	simm.s32 $0x0  }
0x4dc: {  	s29 =	smov.u32 @p0 s0;
	v8 =	vshrl.u32 v7, $0xA  }
0x4dd: {  	v9 =	vor.u32 s29, v0;
	v8 =	vand.u32 $0x3FF, v8  }
0x4de: {  	vm0 =	vlt.s32 v9, v4;
	vm1 =	veq.s32 v8, v6  }
0x4df: {  	vm0 =	vmand vm0, vm1  }
0x4e0: {  	v4 =	vmpcnt.ones.xlane vm0;
	_ =	sdelay $0x1  }
0x4e1: {  	(v2sf) =	vpush v4, $0x0;
	_ =	sdelay $0xb  }
0x4e2: {  	s0 =	spop @p0 (v2sf)  }
0x4e3: {  	s0 =	sadd.s32 @p0 s25, s0  }
0x4e4: {  	s28 =	smov.u32 @p0 s0  }
0x4e5: {  	[tilespmem:s28+$0x10400] =	vst.msk vm0, v7;
	s31 =	spop (v2sf)  }
.LBB2_75:
0x4e6: {  	s25 =	simm.s32 $0x10020  }
0x4e7: {  	[tilespmem:s25+$0xFFFFFFE0] =	vst v1  }
0x4e8: {  	s0 =	ssub.s32 s23, s26;
	[tilespmem:s25+$0x10] =	vst v1  }
0x4e9: {  	s26 =	simm.s32 $0x0;
	s24 =	sadd.s32 s24, s0;
	[tilespmem:s25+$0x0] =	vst v1  }
.LBB2_76:
0x4ea: {  	s26 =	sadd.s32 $0x4, s26  }
0x4eb: {  	[tilespmem:s25+$0xFFFFFFF0] =	vst v1;
	s25 =	sadd.s32 $0x40, s25;
	p0 =	slt.u32 s26, $0x3C  }
.Ltmp59:
0x4ec: {  	[tilespmem:s25+$0xFFFFFFE0] =	vst v1;
	(pc) =	sbr.rel @p0 .LBB2_76-.Ltmp59, $3  }
0x4ed: {  	_ =	sdelay $0x1  }
0x4ee: {  	[tilespmem:s25+$0x10] =	vst v1  }
0x4ef: {  	[tilespmem:s25+$0x0] =	vst v1  }
0x4f0: {  	s0 =	sadd.s32 $0xF, s23  }
0x4f1: {  	[tilespmem:s25+$0xFFFFFFF0] =	vst v1;
	s25 =	sshra.s32 s0, $0x4  }
0x4f2: {  	p0 =	slt.s32 s25, $0x1  }
.Ltmp60:
0x4f3: {  	_ = 	snop;
	(pc) =	sbr.rel @p0 .LBB2_81-.Ltmp60, $1  }
0x4f4: {  	_ =	sdelay $0x3  }
0x4f5: {  	s26 =	simm.s32 $0x10400  }
0x4f6: {  	v4 =	vbroadcast v5, $0xF;
	p0 =	seq.s32 s25, $0x1;
	v5 =	vld [tilespmem:s26+$0x0]  }
.Ltmp61:
0x4f7: {  	_ = 	snop;
	(pc) =	sbr.rel @p0 .LBB2_80-.Ltmp61, $4  }
0x4f8: {  	s23 =	simm.s32 $0x0  }
0x4f9: {  	v6 =	vor.u32 s23, v0  }
0x4fa: {  	vm0 =	vlt.s32 v6, v4  }
0x4fb: {  	s25 =	sadd.s32 $0xFFFFFFFF, s25;
	s26 =	simm.s32 $0x10410;
	v5 =	vand.u32 $0x3FF, v5  }
.LBB2_79:
0x4fc: {  	v6 =	vld [tilespmem:s26+$0x0];
	p0 =	seq.s32 s25, $0x1;
	s25 =	sadd.s32 $0xFFFFFFFF, s25  }
.Ltmp62:
0x4fd: {  	(pc) =	sbr.rel @!p0 .LBB2_79-.Ltmp62, $4  }
0x4fe: {  	s23 =	sadd.s32 $0x10, s23  }
0x4ff: {  	v7 =	vor.u32 s23, v0  }
0x500: {  	[tilespmem:v5+s16+$0x0] =	vst.idx.add.s32.msk vm0, v2;
	vm0 =	vlt.s32 v7, v4  }
0x501: {  	s26 =	sadd.s32 $0x10, s26;
	v5 =	vand.u32 $0x3FF, v6  }
.LBB2_80:
0x502: {  	_ =	sdelay $0x4  }
0x503: {  	[tilespmem:v5+s16+$0x0] =	vst.idx.add.s32.msk vm0, v2  }
.LBB2_81:
0x504: {  	v4 =	vld [tilespmem:$0x103F0];
	_ =	sdelay $0x4  }
0x505: {  	(xrf0) =	vadd.scan.msk.s32 $0xffff, v4;
	_ =	sdelay $0x5  }
0x506: {  	v4, _, _ =	vpop (xrf0)  }
0x507: {  	(v2sf) =	vpush v4, $0xF;
	_ =	sdelay $0xe  }
0x508: {  	s26 =	spop (v2sf)  }
0x509: {  	p0 =	slt.s32 s26, s24  }
.Ltmp63:
0x50a: {  	_ = 	snop;
	(pc) =	sbr.rel @!p0 .LBB2_83-.Ltmp63, $2  }
0x50b: {  	_ =	sdelay $0x2  }
0x50c: {  	s25 =	simm.s32 $0x0;
	s23 =	simm.s32 $0x3F0;
	s28 =	simm.s32 $0x103E0  }
.LBB2_82:
0x50d: {  	v4 =	vld [tilespmem:s28+$0x0];
	_ =	sdelay $0x4  }
0x50e: {  	(xrf0) =	vadd.scan.msk.s32 $0xffff, v4;
	_ =	sdelay $0x5  }
0x50f: {  	v4, _, _ =	vpop (xrf0)  }
0x510: {  	(v2sf) =	vpush v4, $0xF;
	_ =	sdelay $0xe  }
0x511: {  	s0 =	spop (v2sf)  }
0x512: {  	s25 =	smov.u32 s26;
	s26 =	sadd.s32 s26, s0  }
0x513: {  	p0 =	slt.s32 s26, s24  }
.Ltmp64:
0x514: {  	_ = 	snop;
	(pc) =	sbr.rel @p0 .LBB2_82-.Ltmp64, $2  }
0x515: {  	_ =	sdelay $0x2  }
0x516: {  	s23 =	sadd.s32 $0xFFFFFFF0, s23;
	s28 =	sadd.s32 $0xFFFFFFF0, s28  }
.LBB2_83:
0x517: {  	v4 =	vld [tilespmem:s23+$0x10000];
	_ =	sdelay $0x4  }
0x518: {  	v4 =	vperm.xlane v4, v3;
	_ =	sdelay $0x1  }
0x519: {  	(xrf0) =	vadd.scan.msk.s32 $0xffff, v4;
	_ =	sdelay $0x5  }
0x51a: {  	v4, _, _ =	vpop (xrf0)  }
0x51b: {  	v4 =	vperm.xlane v4, v3  }
0x51c: {  	s0 =	ssub.s32 s24, s25  }
0x51d: {  	vm0 =	vge.s32 v4, s0  }
0x51e: {  	v4 =	vmpcnt.ones.xlane vm0;
	_ =	sdelay $0x1  }
0x51f: {  	(v2sf) =	vpush v4, $0x0;
	_ =	sdelay $0xe  }
0x520: {  	s31 =	sshll.u32 s21, $0x14;
	s30 =	spop (v2sf)  }
0x521: {  	s22 =	sshll.u32 s22, $0xA;
	s21 =	simm.s32 $0x80;
	s0 =	sadd.s32 s30, s23  }
0x522: {  	s22 =	sor.u32 s31, s22;
	v5 =	vld [tilespmem:s21+$0x70];
	s0 =	sadd.s32 $0xFFFFFFFF, s0  }
0x523: {  	v6 =	vld [tilespmem:s21+$0xFFFFFF90];
	s0 =	sor.u32 s0, s22  }
0x524: {  	v7 =	vld [tilespmem:s21+$0xFFFFFFA0];
	v4 =	vmov s0  }
0x525: {  	v8 =	vld [tilespmem:s21+$0xFFFFFFB0];
	v4 =	vbroadcast v4, $0x0  }
0x526: {  	v9 =	vld [tilespmem:s21+$0xFFFFFFC0]  }
0x527: {  	v10 =	vld [tilespmem:s21+$0xFFFFFFD0];
	vm0 =	vge.f32 v5, v4  }
0x528: {  	v11 =	vld [tilespmem:s21+$0xFFFFFFE0];
	vm1 =	vge.f32 v6, v4;
	v5 =	vnsel vm0, $0x0, v5  }
0x529: {  	v12 =	vld [tilespmem:s21+$0xFFFFFFF0];
	v6 =	vnsel vm1, $0x0, v6;
	vm0 =	vge.f32 v7, v4;
	[tilespmem:s21+$0x70] =	vst v5  }
0x52a: {  	[tilespmem:s21+$0xFFFFFF90] =	vst v6;
	v5 =	vnsel vm0, $0x0, v7;
	vm0 =	vge.f32 v8, v4;
	v7 =	vld [tilespmem:s21+$0x0]  }
0x52b: {  	v13 =	vld [tilespmem:s21+$0x10];
	[tilespmem:s21+$0xFFFFFFA0] =	vst v5;
	v5 =	vnsel vm0, $0x0, v8;
	vm0 =	vge.f32 v9, v4  }
0x52c: {  	[tilespmem:s21+$0xFFFFFFB0] =	vst v5;
	v6 =	vnsel vm0, $0x0, v9;
	vm0 =	vge.f32 v10, v4;
	v5 =	vld [tilespmem:s21+$0x20]  }
0x52d: {  	[tilespmem:s21+$0xFFFFFFC0] =	vst v6;
	v8 =	vnsel vm0, $0x0, v10;
	vm0 =	vge.f32 v11, v4;
	v6 =	vld [tilespmem:s21+$0x30]  }
0x52e: {  	[tilespmem:s21+$0xFFFFFFD0] =	vst v8;
	v9 =	vnsel vm0, $0x0, v11;
	vm0 =	vge.f32 v12, v4;
	v8 =	vld [tilespmem:s21+$0x40]  }
0x52f: {  	v10 =	vld [tilespmem:s21+$0x50];
	[tilespmem:s21+$0xFFFFFFE0] =	vst v9;
	v9 =	vnsel vm0, $0x0, v12;
	vm0 =	vge.f32 v7, v4  }
0x530: {  	[tilespmem:s21+$0xFFFFFFF0] =	vst v9;
	v11 =	vnsel vm0, $0x0, v7;
	vm0 =	vge.f32 v13, v4;
	v9 =	vld [tilespmem:s21+$0x60]  }
0x531: {  	s23 =	simm.s32 $0x180;
	s22 =	simm.s32 $0x0;
	v7 =	vld [tilespmem:s21+$0xFFFFFF80];
	[tilespmem:s21+$0x0] =	vst v11;
	v11 =	vnsel vm0, $0x0, v13;
	vm0 =	vge.f32 v5, v4  }
.LBB2_84:
0x532: {  	v12 =	vld [tilespmem:s23+$0x70];
	s22 =	sadd.s32 $0x10, s22;
	[tilespmem:s21+$0x10] =	vst v11;
	v5 =	vnsel vm0, $0x0, v5;
	vm0 =	vge.f32 v6, v4  }
0x533: {  	v11 =	vld [tilespmem:s23+$0xFFFFFF90];
	p0 =	slt.u32 s22, $0x7F0;
	[tilespmem:s21+$0x20] =	vst v5;
	v5 =	vnsel vm0, $0x0, v6;
	vm0 =	vge.f32 v8, v4  }
0x534: {  	v6 =	vld [tilespmem:s23+$0xFFFFFFA0];
	[tilespmem:s21+$0x30] =	vst v5;
	v5 =	vnsel vm0, $0x0, v8;
	vm0 =	vge.f32 v10, v4  }
0x535: {  	v8 =	vld [tilespmem:s23+$0xFFFFFFB0];
	[tilespmem:s21+$0x40] =	vst v5;
	v5 =	vnsel vm0, $0x0, v10;
	vm0 =	vge.f32 v9, v4  }
0x536: {  	v10 =	vld [tilespmem:s23+$0xFFFFFFC0];
	vm1 =	vge.f32 v7, v4;
	[tilespmem:s21+$0x50] =	vst v5;
	v5 =	vnsel vm0, $0x0, v9  }
0x537: {  	v9 =	vld [tilespmem:s23+$0xFFFFFFD0];
	vm0 =	vge.f32 v12, v4;
	v7 =	vnsel vm1, $0x0, v7;
	[tilespmem:s21+$0x60] =	vst v5  }
0x538: {  	vm1 =	vge.f32 v11, v4;
	v13 =	vld [tilespmem:s23+$0xFFFFFFE0];
	v5 =	vnsel vm0, $0x0, v12;
	[tilespmem:s21+$0xFFFFFF80] =	vst v7;
	s21 =	smov.u32 s23  }
0x539: {  	v7 =	vnsel vm1, $0x0, v11;
	vm0 =	vge.f32 v6, v4;
	v11 =	vld [tilespmem:s23+$0xFFFFFFF0];
	[tilespmem:s23+$0x70] =	vst v5  }
0x53a: {  	[tilespmem:s23+$0xFFFFFF90] =	vst v7;
	v5 =	vnsel vm0, $0x0, v6;
	vm0 =	vge.f32 v8, v4;
	v7 =	vld [tilespmem:s23+$0x0]  }
0x53b: {  	[tilespmem:s23+$0xFFFFFFA0] =	vst v5;
	v5 =	vnsel vm0, $0x0, v8;
	vm0 =	vge.f32 v10, v4;
	v12 =	vld [tilespmem:s23+$0x10]  }
0x53c: {  	[tilespmem:s23+$0xFFFFFFB0] =	vst v5;
	v6 =	vnsel vm0, $0x0, v10;
	vm0 =	vge.f32 v9, v4;
	v5 =	vld [tilespmem:s23+$0x20]  }
.Ltmp65:
0x53d: {  	[tilespmem:s23+$0xFFFFFFC0] =	vst v6;
	v8 =	vnsel vm0, $0x0, v9;
	vm0 =	vge.f32 v13, v4;
	v6 =	vld [tilespmem:s23+$0x30];
	(pc) =	sbr.rel @p0 .LBB2_84-.Ltmp65, $4  }
0x53e: {  	[tilespmem:s23+$0xFFFFFFD0] =	vst v8;
	v9 =	vnsel vm0, $0x0, v13;
	vm0 =	vge.f32 v11, v4;
	v8 =	vld [tilespmem:s23+$0x40]  }
0x53f: {  	[tilespmem:s23+$0xFFFFFFE0] =	vst v9;
	v9 =	vnsel vm0, $0x0, v11;
	vm0 =	vge.f32 v7, v4;
	v10 =	vld [tilespmem:s23+$0x50]  }
0x540: {  	[tilespmem:s23+$0xFFFFFFF0] =	vst v9;
	v11 =	vnsel vm0, $0x0, v7;
	vm0 =	vge.f32 v12, v4;
	v9 =	vld [tilespmem:s23+$0x60]  }
0x541: {  	s23 =	sadd.s32 $0x100, s23;
	v7 =	vld [tilespmem:s21+$0xFFFFFF80];
	[tilespmem:s21+$0x0] =	vst v11;
	v11 =	vnsel vm0, $0x0, v12;
	vm0 =	vge.f32 v5, v4  }
0x542: {  	[tilespmem:s21+$0x10] =	vst v11;
	v5 =	vnsel vm0, $0x0, v5;
	vm12 =	vge.f32 v6, v4  }
0x543: {  	[tilespmem:s21+$0x20] =	vst v5;
	v5 =	vnsel vm12, $0x0, v6;
	vm13 =	vge.f32 v8, v4  }
0x544: {  	[tilespmem:s21+$0x30] =	vst v5;
	v5 =	vnsel vm13, $0x0, v8;
	vm14 =	vge.f32 v10, v4  }
0x545: {  	[tilespmem:s21+$0x40] =	vst v5;
	v5 =	vnsel vm14, $0x0, v10;
	vm15 =	vge.f32 v9, v4  }
0x546: {  	vm1 =	vge.f32 v7, v4;
	[tilespmem:s21+$0x50] =	vst v5;
	v4 =	vnsel vm15, $0x0, v9  }
0x547: {  	v5 =	vnsel vm1, $0x0, v7;
	[tilespmem:s21+$0x60] =	vst v4  }
0x548: {  	[tilespmem:s21+$0xFFFFFF80] =	vst v5  }
0x549: {  	[hbm4b:s9+s12] =	stream.strided.scatter [tilespmem:s2], [sflag:$0x3], $0x8000, s13, s12, $0x38;
	[tilespmem:$0x18480] =	vst v63  }
0x54a: {  	_ =	swait.ge [sflag:s17], $0x8000  }
0x54b: {  	[sflag:s17] =	ssyncset.done $0x0  }
0x54c: {  	s22 =	simm.s32 $0x10020;
	[sflag:s17] =	ssyncadd.s32 $0xFFFF8000  }
0x54d: {  	[tilespmem:s22+$0xFFFFFFE0] =	vst v1  }
0x54e: {  	[tilespmem:s22+$0x10] =	vst v1  }
0x54f: {  	s23 =	simm.s32 $0x0;
	[tilespmem:s22+$0x0] =	vst v1  }
.LBB2_86:
0x550: {  	s23 =	sadd.s32 $0x4, s23  }
0x551: {  	[tilespmem:s22+$0xFFFFFFF0] =	vst v1;
	s22 =	sadd.s32 $0x40, s22;
	p0 =	slt.u32 s23, $0x3C  }
.Ltmp66:
0x552: {  	[tilespmem:s22+$0xFFFFFFE0] =	vst v1;
	(pc) =	sbr.rel @p0 .LBB2_86-.Ltmp66, $3  }
0x553: {  	_ =	sdelay $0x1  }
0x554: {  	[tilespmem:s22+$0x10] =	vst v1  }
0x555: {  	s21 =	simm.s32 $0x8080;
	[tilespmem:s22+$0x0] =	vst v1  }
0x556: {  	[tilespmem:s22+$0xFFFFFFF0] =	vst v1  }
0x557: {  	v4 =	vld [tilespmem:s21+$0xFFFFFFA0]  }
0x558: {  	v5 =	vld [tilespmem:s21+$0xFFFFFFB0]  }
0x559: {  	v6 =	vld [tilespmem:s21+$0xFFFFFFC0]  }
0x55a: {  	v7 =	vld [tilespmem:s21+$0xFFFFFFD0]  }
0x55b: {  	v8 =	vld [tilespmem:s21+$0xFFFFFF80]  }
0x55c: {  	v9 =	vld [tilespmem:s21+$0x70]  }
0x55d: {  	v10 =	vld [tilespmem:s21+$0x60]  }
0x55e: {  	v11 =	vld [tilespmem:s21+$0x50]  }
0x55f: {  	v12 =	vld [tilespmem:s21+$0x40]  }
0x560: {  	v13 =	vld [tilespmem:s21+$0x30]  }
0x561: {  	v14 =	vld [tilespmem:s21+$0x20];
	v8 =	vshrl.u32 v8, $0x14  }
0x562: {  	v15 =	vld [tilespmem:s21+$0x10];
	v9 =	vshrl.u32 v9, $0x14;
	v8 =	vand.u32 $0x3FF, v8  }
0x563: {  	v18 =	vld [tilespmem:s21+$0xFFFFFFE0];
	v10 =	vshrl.u32 v10, $0x14;
	v9 =	vand.u32 $0x3FF, v9  }
0x564: {  	v16 =	vld [tilespmem:s21+$0x0];
	v11 =	vshrl.u32 v11, $0x14;
	v10 =	vand.u32 $0x3FF, v10  }
0x565: {  	v17 =	vld [tilespmem:s21+$0xFFFFFFF0];
	v13 =	vshrl.u32 v13, $0x14;
	v11 =	vand.u32 $0x3FF, v11  }
0x566: {  	v60 =	vld [tilespmem:s21+$0xFFFFFF90];
	v12 =	vshrl.u32 v12, $0x14;
	v56 =	vand.u32 $0x3FF, v13  }
0x567: {  	v57 =	vshrl.u32 v15, $0x14;
	v12 =	vand.u32 $0x3FF, v12;
	[tilespmem:v8+s16+$0x0] =	vst.idx.add.s32.msk $0xffff, v2  }
0x568: {  	v61 =	vshrl.u32 v18, $0x14;
	v13 =	vand.u32 $0x3FF, v57;
	[tilespmem:v9+s16+$0x0] =	vst.idx.add.s32.msk $0xffff, v2  }
0x569: {  	v59 =	vshrl.u32 v14, $0x14;
	v7 =	vshrl.u32 v7, $0x14;
	v14 =	vand.u32 $0x3FF, v61;
	[tilespmem:v10+s16+$0x0] =	vst.idx.add.s32.msk $0xffff, v2  }
0x56a: {  	v5 =	vshrl.u32 v5, $0x14;
	v7 =	vand.u32 $0x3FF, v7;
	[tilespmem:v11+s16+$0x0] =	vst.idx.add.s32.msk $0xffff, v2  }
0x56b: {  	v4 =	vshrl.u32 v4, $0x14;
	v5 =	vand.u32 $0x3FF, v5;
	[tilespmem:v56+s16+$0x0] =	vst.idx.add.s32.msk $0xffff, v2  }
0x56c: {  	v58 =	vshrl.u32 v16, $0x14;
	v63 =	vand.u32 $0x3FF, v4;
	[tilespmem:v12+s16+$0x0] =	vst.idx.add.s32.msk $0xffff, v2  }
0x56d: {  	v9 =	vand.u32 $0x3FF, v58;
	[tilespmem:v13+s16+$0x0] =	vst.idx.add.s32.msk $0xffff, v2  }
0x56e: {  	v62 =	vshrl.u32 v17, $0x14;
	v10 =	vand.u32 $0x3FF, v59;
	[tilespmem:v14+s16+$0x0] =	vst.idx.add.s32.msk $0xffff, v2  }
0x56f: {  	v4 =	vshrl.u32 v6, $0x14;
	v6 =	vshrl.u32 v60, $0x14;
	v8 =	vand.u32 $0x3FF, v62;
	[tilespmem:v7+s16+$0x0] =	vst.idx.add.s32.msk $0xffff, v2  }
0x570: {  	[tilespmem:v5+s16+$0x0] =	vst.idx.add.s32.msk $0xffff, v2;
	v5 =	vand.u32 $0x3FF, v6  }
0x571: {  	v4 =	vand.u32 $0x3FF, v4;
	[tilespmem:v63+s16+$0x0] =	vst.idx.add.s32.msk $0xffff, v2  }
0x572: {  	[tilespmem:v9+s16+$0x0] =	vst.idx.add.s32.msk $0xffff, v2  }
0x573: {  	[tilespmem:v10+s16+$0x0] =	vst.idx.add.s32.msk $0xffff, v2  }
0x574: {  	s22 =	simm.s32 $0x0;
	[tilespmem:v8+s16+$0x0] =	vst.idx.add.s32.msk $0xffff, v2  }
.LBB2_88:
0x575: {  	s22 =	sadd.s32 $0x10, s22;
	[tilespmem:v5+s16+$0x0] =	vst.idx.add.s32.msk $0xffff, v2;
	s21 =	sadd.s32 $0x100, s21  }
0x576: {  	p0 =	slt.u32 s22, $0x7F0;
	[tilespmem:v4+s16+$0x0] =	vst.idx.add.s32.msk $0xffff, v2  }
0x577: {  	v5 =	vld [tilespmem:s21+$0xFFFFFFA0]  }
0x578: {  	v4 =	vld [tilespmem:s21+$0xFFFFFFB0]  }
0x579: {  	v6 =	vld [tilespmem:s21+$0xFFFFFFC0]  }
0x57a: {  	v7 =	vld [tilespmem:s21+$0xFFFFFFD0]  }
0x57b: {  	v8 =	vld [tilespmem:s21+$0xFFFFFF80]  }
0x57c: {  	v9 =	vld [tilespmem:s21+$0x70]  }
0x57d: {  	v10 =	vld [tilespmem:s21+$0x60]  }
0x57e: {  	v11 =	vld [tilespmem:s21+$0x50]  }
0x57f: {  	v12 =	vld [tilespmem:s21+$0x40]  }
0x580: {  	v8 =	vshrl.u32 v8, $0x14;
	v13 =	vld [tilespmem:s21+$0x30]  }
0x581: {  	v8 =	vand.u32 $0x3FF, v8;
	v14 =	vld [tilespmem:s21+$0x20];
	v9 =	vshrl.u32 v9, $0x14  }
0x582: {  	v15 =	vld [tilespmem:s21+$0x10];
	v10 =	vshrl.u32 v10, $0x14;
	v9 =	vand.u32 $0x3FF, v9  }
0x583: {  	v16 =	vld [tilespmem:s21+$0x0];
	v11 =	vshrl.u32 v11, $0x14;
	v10 =	vand.u32 $0x3FF, v10  }
0x584: {  	v17 =	vld [tilespmem:s21+$0xFFFFFFF0];
	v12 =	vshrl.u32 v12, $0x14;
	v11 =	vand.u32 $0x3FF, v11  }
0x585: {  	v18 =	vld [tilespmem:s21+$0xFFFFFFE0];
	v13 =	vshrl.u32 v13, $0x14  }
0x586: {  	[tilespmem:v8+s16+$0x0] =	vst.idx.add.s32.msk $0xffff, v2;
	v8 =	vshrl.u32 v14, $0x14;
	v13 =	vand.u32 $0x3FF, v13  }
0x587: {  	v12 =	vand.u32 $0x3FF, v12;
	v14 =	vshrl.u32 v15, $0x14;
	v8 =	vand.u32 $0x3FF, v8;
	[tilespmem:v9+s16+$0x0] =	vst.idx.add.s32.msk $0xffff, v2  }
0x588: {  	v9 =	vshrl.u32 v16, $0x14;
	v14 =	vand.u32 $0x3FF, v14;
	[tilespmem:v10+s16+$0x0] =	vst.idx.add.s32.msk $0xffff, v2  }
0x589: {  	v10 =	vshrl.u32 v17, $0x14;
	v9 =	vand.u32 $0x3FF, v9;
	[tilespmem:v11+s16+$0x0] =	vst.idx.add.s32.msk $0xffff, v2  }
0x58a: {  	v11 =	vld [tilespmem:s21+$0xFFFFFF90];
	v15 =	vshrl.u32 v18, $0x14;
	v10 =	vand.u32 $0x3FF, v10  }
0x58b: {  	v7 =	vshrl.u32 v7, $0x14;
	v15 =	vand.u32 $0x3FF, v15;
	[tilespmem:v13+s16+$0x0] =	vst.idx.add.s32.msk $0xffff, v2  }
0x58c: {  	v6 =	vshrl.u32 v6, $0x14;
	v7 =	vand.u32 $0x3FF, v7;
	[tilespmem:v12+s16+$0x0] =	vst.idx.add.s32.msk $0xffff, v2  }
0x58d: {  	v12 =	vshrl.u32 v4, $0x14;
	v4 =	vand.u32 $0x3FF, v6;
	[tilespmem:v14+s16+$0x0] =	vst.idx.add.s32.msk $0xffff, v2  }
0x58e: {  	v5 =	vshrl.u32 v5, $0x14;
	v6 =	vand.u32 $0x3FF, v12;
	[tilespmem:v9+s16+$0x0] =	vst.idx.add.s32.msk $0xffff, v2  }
0x58f: {  	v9 =	vshrl.u32 v11, $0x14;
	v11 =	vand.u32 $0x3FF, v5;
	[tilespmem:v8+s16+$0x0] =	vst.idx.add.s32.msk $0xffff, v2  }
.Ltmp67:
0x590: {  	v5 =	vand.u32 $0x3FF, v9;
	[tilespmem:v15+s16+$0x0] =	vst.idx.add.s32.msk $0xffff, v2;
	(pc) =	sbr.rel @p0 .LBB2_88-.Ltmp67, $4  }
0x591: {  	[tilespmem:v7+s16+$0x0] =	vst.idx.add.s32.msk $0xffff, v2  }
0x592: {  	[tilespmem:v10+s16+$0x0] =	vst.idx.add.s32.msk $0xffff, v2  }
0x593: {  	[tilespmem:v6+s16+$0x0] =	vst.idx.add.s32.msk $0xffff, v2  }
0x594: {  	[tilespmem:v11+s16+$0x0] =	vst.idx.add.s32.msk $0xffff, v2  }
0x595: {  	_ =	sdelay $0x3  }
0x596: {  	[tilespmem:v5+s16+$0x0] =	vst.idx.add.s32.msk $0xffff, v2  }
0x597: {  	[tilespmem:v4+s16+$0x0] =	vst.idx.add.s32.msk $0xffff, v2  }
0x598: {  	v4 =	vld [tilespmem:$0x103F0];
	_ =	sdelay $0x4  }
0x599: {  	(xrf0) =	vadd.scan.msk.s32 $0xffff, v4;
	_ =	sdelay $0x5  }
0x59a: {  	v4, _, _ =	vpop (xrf0)  }
0x59b: {  	(v2sf) =	vpush v4, $0xF;
	_ =	sdelay $0xe  }
0x59c: {  	s23 =	spop (v2sf)  }
0x59d: {  	p0 =	sgt.s32 s23, $0xCCB  }
.Ltmp68:
0x59e: {  	_ = 	snop;
	(pc) =	sbr.rel @p0 .LBB2_92-.Ltmp68, $2  }
0x59f: {  	_ =	sdelay $0x2  }
0x5a0: {  	s22 =	simm.s32 $0xCCC;
	s21 =	simm.s32 $0x3F0;
	s24 =	simm.s32 $0x103E0  }
.LBB2_90:
0x5a1: {  	v4 =	vld [tilespmem:s24+$0x0];
	_ =	sdelay $0x4  }
0x5a2: {  	(xrf0) =	vadd.scan.msk.s32 $0xffff, v4;
	_ =	sdelay $0x5  }
0x5a3: {  	v4, _, _ =	vpop (xrf0)  }
0x5a4: {  	(v2sf) =	vpush v4, $0xF;
	_ =	sdelay $0xe  }
0x5a5: {  	s0 =	spop (v2sf)  }
0x5a6: {  	s22 =	smov.u32 s23;
	s23 =	sadd.s32 s23, s0  }
0x5a7: {  	p0 =	slt.s32 s23, $0xCCC  }
.Ltmp69:
0x5a8: {  	_ = 	snop;
	(pc) =	sbr.rel @p0 .LBB2_90-.Ltmp69, $2  }
0x5a9: {  	_ =	sdelay $0x2  }
0x5aa: {  	s21 =	sadd.s32 $0xFFFFFFF0, s21;
	s24 =	sadd.s32 $0xFFFFFFF0, s24  }
0x5ab: {  	s22 =	ssub.s32 $0xCCC, s22  }
.LBB2_92:
0x5ac: {  	v4 =	vld [tilespmem:s21+$0x10000];
	_ =	sdelay $0x4  }
0x5ad: {  	v5 =	vperm.xlane v4, v3;
	_ =	sdelay $0x1  }
0x5ae: {  	(xrf0) =	vadd.scan.msk.s32 $0xffff, v5;
	_ =	sdelay $0x5  }
0x5af: {  	v5, _, _ =	vpop (xrf0)  }
0x5b0: {  	v5 =	vperm.xlane v5, v3;
	_ =	sdelay $0x1  }
0x5b1: {  	vm0 =	vge.s32 v5, s22  }
0x5b2: {  	v6 =	vmpcnt.ones.xlane vm0;
	_ =	sdelay $0x1  }
0x5b3: {  	(v2sf) =	vpush v6, $0x0;
	_ =	sdelay $0x1  }
0x5b4: {  	s0 =	simm.s32 $0x8080  }
0x5b5: {  	v7 =	vld [tilespmem:s0+$0x70]  }
0x5b6: {  	v10 =	vld [tilespmem:s0+$0x50]  }
0x5b7: {  	v11 =	vld [tilespmem:s0+$0x40]  }
0x5b8: {  	v14 =	vld [tilespmem:s0+$0x30]  }
0x5b9: {  	v15 =	vld [tilespmem:s0+$0x20]  }
0x5ba: {  	v17 =	vld [tilespmem:s0+$0x10]  }
0x5bb: {  	v19 =	vld [tilespmem:s0+$0x0]  }
0x5bc: {  	v21 =	vld [tilespmem:s0+$0xFFFFFFF0]  }
0x5bd: {  	v40 =	vld [tilespmem:s0+$0xFFFFFFE0]  }
0x5be: {  	v42 =	vld [tilespmem:s0+$0xFFFFFFD0]  }
0x5bf: {  	v31 =	vld [tilespmem:s0+$0xFFFFFF80]  }
0x5c0: {  	v46 =	vld [tilespmem:s0+$0xFFFFFFC0]  }
0x5c1: {  	v43 =	vld [tilespmem:s0+$0xFFFFFF90];
	v27 =	vshra.s32 v7, $0x14;
	v24 =	vshra.s32 v10, $0x14;
	s23 =	spop (v2sf)  }
0x5c2: {  	v45 =	vld [tilespmem:s0+$0xFFFFFFA0];
	v22 =	vshra.s32 v15, $0x14;
	v28 =	vshra.s32 v14, $0x14;
	v29 =	vshra.s32 v11, $0x14;
	s23 =	sadd.s32 $0xFFFFFFFF, s23  }
0x5c3: {  	v47 =	vld [tilespmem:s0+$0xFFFFFFB0];
	v13 =	vshra.s32 v21, $0x14;
	v18 =	vshra.s32 v19, $0x14;
	v23 =	vshra.s32 v17, $0x14;
	s21 =	sadd.s32 s21, s23  }
0x5c4: {  	v16 =	vshra.s32 v42, $0x14;
	v6 =	vshra.s32 v31, $0x14;
	v12 =	vmov s21  }
0x5c5: {  	v20 =	vshra.s32 v40, $0x14;
	v8 =	vshra.s32 v46, $0x14;
	vm15 =	veq.s32 v6, v12  }
0x5c6: {  	v6 =	vshra.s32 v43, $0x14;
	vm10 =	veq.s32 v8, v12;
	vm11 =	veq.s32 v16, v12  }
0x5c7: {  	v26 =	vmpcnt.ones.xlane vm15;
	vm14 =	veq.s32 v6, v12;
	v6 =	vshra.s32 v45, $0x14  }
0x5c8: {  	v30 =	vmpcnt.ones.xlane vm14;
	vm12 =	veq.s32 v6, v12;
	v6 =	vshra.s32 v47, $0x14  }
0x5c9: {  	s24 =	simm.s32 $0x8180;
	v9 =	vld [tilespmem:s0+$0x60];
	v32 =	vmpcnt.ones.xlane vm12;
	vm9 =	veq.s32 v6, v12;
	(v2sf) =	vpush v26, $0x0  }
0x5ca: {  	v8 =	vld [tilespmem:s24+$0x60];
	vm13 =	veq.s32 v20, v12;
	v26 =	vmpcnt.ones.xlane vm9;
	(v2sf) =	vpush v30, $0x0  }
0x5cb: {  	v16 =	vld [tilespmem:s24+$0x50];
	vm8 =	veq.s32 v13, v12;
	v30 =	vmpcnt.ones.xlane vm10;
	(v2sf) =	vpush v32, $0x0  }
0x5cc: {  	v20 =	vld [tilespmem:s24+$0x40];
	vm7 =	veq.s32 v18, v12;
	v57 =	vmpcnt.ones.xlane vm11;
	(v2sf) =	vpush v26, $0x0  }
0x5cd: {  	v13 =	vld [tilespmem:s24+$0x30];
	vm6 =	veq.s32 v23, v12;
	v26 =	vmpcnt.ones.xlane vm13;
	(v2sf) =	vpush v30, $0x0  }
0x5ce: {  	v18 =	vld [tilespmem:s24+$0x20];
	vm5 =	veq.s32 v22, v12;
	v30 =	vmpcnt.ones.xlane vm8;
	(v2sf) =	vpush v57, $0x0  }
0x5cf: {  	v23 =	vld [tilespmem:s24+$0x10];
	vm4 =	veq.s32 v28, v12;
	v58 =	vmpcnt.ones.xlane vm7;
	(v2sf) =	vpush v26, $0x0  }
0x5d0: {  	vm3 =	veq.s32 v24, v12;
	v24 =	vld [tilespmem:s24+$0xFFFFFFD0];
	v33 =	vmpcnt.ones.xlane vm6;
	(v2sf) =	vpush v30, $0x0  }
0x5d1: {  	s31 =	simm.s32 $0x0;
	vm0 =	veq.s32 v27, v12;
	v27 =	vld [tilespmem:s24+$0xFFFFFF90];
	v30 =	vmpcnt.ones.xlane vm5;
	(v2sf) =	vpush v58, $0x0  }
0x5d2: {  	vm2 =	veq.s32 v29, v12;
	v28 =	vmpcnt.ones.xlane vm4;
	[tilespmem:s31+$0x10400] =	vst.msk vm15, v31;
	v31 =	vld [tilespmem:s24+$0xFFFFFFB0];
	(v2sf) =	vpush v33, $0x0  }
0x5d3: {  	v25 =	vshra.s32 v9, $0x14;
	v29 =	vmpcnt.ones.xlane vm2;
	v6 =	vld [tilespmem:s24+$0x70];
	(v2sf) =	vpush v30, $0x0  }
0x5d4: {  	vm1 =	veq.s32 v25, v12;
	v32 =	vld [tilespmem:s24+$0xFFFFFFF0];
	v30 =	vmpcnt.ones.xlane vm3;
	(v2sf) =	vpush v28, $0x0  }
0x5d5: {  	v59 =	vmpcnt.ones.xlane vm1;
	v26 =	vld [tilespmem:s24+$0x0];
	(v2sf) =	vpush v29, $0x0  }
0x5d6: {  	v35 =	vmpcnt.ones.xlane vm0;
	v28 =	vld [tilespmem:s24+$0xFFFFFF80];
	(v2sf) =	vpush v30, $0x0  }
0x5d7: {  	v22 =	vld [tilespmem:s24+$0xFFFFFFE0];
	v34 =	vshra.s32 v16, $0x14;
	(v2sf) =	vpush v59, $0x0  }
0x5d8: {  	v37 =	vshra.s32 v18, $0x14;
	v36 =	vshra.s32 v13, $0x14;
	v29 =	vld [tilespmem:s24+$0xFFFFFFA0];
	s25 =	spop (v2sf);
	(v2sf) =	vpush v35, $0x0  }
0x5d9: {  	v25 =	vld [tilespmem:s24+$0xFFFFFFC0];
	v38 =	vshra.s32 v23, $0x14;
	v44 =	vshra.s32 v24, $0x14;
	v60 =	vshra.s32 v27, $0x14;
	s24 =	sadd.s32 $0x0, s25;
	s25 =	spop (v2sf)  }
0x5da: {  	v63 =	vshra.s32 v31, $0x14;
	v41 =	vshra.s32 v32, $0x14;
	v33 =	vshra.s32 v8, $0x14;
	[tilespmem:s24+$0x10400] =	vst.msk vm14, v43;
	s0 =	sadd.s32 s24, s25;
	s26 =	spop (v2sf)  }
0x5db: {  	v39 =	vshra.s32 v26, $0x14;
	v30 =	vshra.s32 v6, $0x14;
	v48 =	vshra.s32 v28, $0x14;
	[tilespmem:s0+$0x10400] =	vst.msk vm12, v45;
	s0 =	sadd.s32 s0, s26;
	s29 =	spop (v2sf)  }
0x5dc: {  	v35 =	vshra.s32 v20, $0x14;
	v43 =	vshra.s32 v22, $0x14;
	vm12 =	veq.s32 v48, v12;
	[tilespmem:s0+$0x10400] =	vst.msk vm9, v47;
	s0 =	sadd.s32 s0, s29;
	s30 =	spop (v2sf)  }
0x5dd: {  	v62 =	vshra.s32 v29, $0x14;
	v61 =	vmpcnt.ones.xlane vm12;
	vm9 =	veq.s32 v60, v12;
	[tilespmem:s0+$0x10400] =	vst.msk vm10, v46;
	s0 =	sadd.s32 s0, s30;
	s31 =	spop (v2sf)  }
0x5de: {  	s24 =	simm.s32 $0x10;
	v45 =	vshra.s32 v25, $0x14;
	v46 =	vmpcnt.ones.xlane vm9;
	vm10 =	veq.s32 v62, v12;
	[tilespmem:s0+$0x10400] =	vst.msk vm11, v42;
	s0 =	sadd.s32 s0, s31;
	s26 =	spop (v2sf)  }
0x5df: {  	s25 =	simm.s32 $0x8280;
	v42 =	vmpcnt.ones.xlane vm10;
	vm11 =	veq.s32 v63, v12;
	(v2sf) =	vpush v61, $0x0;
	[tilespmem:s0+$0x10400] =	vst.msk vm13, v40;
	s26 =	sadd.s32 s0, s26;
	s28 =	spop (v2sf)  }
.LBB2_93:
0x5e0: {  	v40 =	vld [tilespmem:s25+$0x70];
	v47 =	vmpcnt.ones.xlane vm11;
	vm14 =	veq.s32 v45, v12;
	(v2sf) =	vpush v46, $0x0;
	[tilespmem:s26+$0x10400] =	vst.msk vm8, v21;
	s0 =	sadd.s32 s26, s28;
	s26 =	spop (v2sf);
	v21 =	vmovc v32  }
0x5e1: {  	vm15 =	veq.s32 v44, v12;
	v32 =	vld [tilespmem:s25+$0x60];
	v45 =	vmpcnt.ones.xlane vm14;
	(v2sf) =	vpush v42, $0x0;
	[tilespmem:s0+$0x10400] =	vst.msk vm7, v19;
	s0 =	sadd.s32 s0, s26;
	s26 =	spop (v2sf);
	v19 =	vmovc v26  }
0x5e2: {  	vm13 =	veq.s32 v43, v12;
	v26 =	vmpcnt.ones.xlane vm15;
	v42 =	vld [tilespmem:s25+$0x50];
	(v2sf) =	vpush v47, $0x0;
	[tilespmem:s0+$0x10400] =	vst.msk vm6, v17;
	s0 =	sadd.s32 s0, s26;
	s26 =	spop (v2sf);
	v17 =	vmovc v23  }
0x5e3: {  	vm8 =	veq.s32 v41, v12;
	v23 =	vmpcnt.ones.xlane vm13;
	v43 =	vld [tilespmem:s25+$0x40];
	(v2sf) =	vpush v45, $0x0;
	[tilespmem:s0+$0x10400] =	vst.msk vm5, v15;
	s0 =	sadd.s32 s0, s26;
	s26 =	spop (v2sf);
	v15 =	vmovc v18  }
0x5e4: {  	v41 =	vmpcnt.ones.xlane vm8;
	vm7 =	veq.s32 v39, v12;
	(v2sf) =	vpush v26, $0x0;
	[tilespmem:s0+$0x10400] =	vst.msk vm4, v14;
	s0 =	sadd.s32 s0, s26;
	s26 =	spop (v2sf);
	v14 =	vmovc v13;
	v13 =	vld [tilespmem:s25+$0x30]  }
0x5e5: {  	v39 =	vmpcnt.ones.xlane vm7;
	vm6 =	veq.s32 v38, v12;
	v18 =	vld [tilespmem:s25+$0x20];
	(v2sf) =	vpush v23, $0x0;
	[tilespmem:s0+$0x10400] =	vst.msk vm2, v11;
	s0 =	sadd.s32 s0, s26;
	s26 =	spop (v2sf);
	v11 =	vmovc v20  }
0x5e6: {  	v38 =	vmpcnt.ones.xlane vm6;
	vm5 =	veq.s32 v37, v12;
	v23 =	vld [tilespmem:s25+$0x10];
	(v2sf) =	vpush v41, $0x0;
	[tilespmem:s0+$0x10400] =	vst.msk vm3, v10;
	s0 =	sadd.s32 s0, s26;
	s26 =	spop (v2sf);
	v10 =	vmovc v16  }
0x5e7: {  	v37 =	vmpcnt.ones.xlane vm5;
	vm4 =	veq.s32 v36, v12;
	v26 =	vld [tilespmem:s25+$0x0];
	(v2sf) =	vpush v39, $0x0;
	[tilespmem:s0+$0x10400] =	vst.msk vm1, v9;
	s0 =	sadd.s32 s0, s26;
	s26 =	spop (v2sf);
	v9 =	vmovc v8;
	v8 =	vmovc v32  }
0x5e8: {  	v36 =	vmpcnt.ones.xlane vm4;
	vm2 =	veq.s32 v35, v12;
	v32 =	vld [tilespmem:s25+$0xFFFFFFF0];
	(v2sf) =	vpush v38, $0x0;
	[tilespmem:s0+$0x10400] =	vst.msk vm0, v7;
	s0 =	sadd.s32 s0, s26;
	v7 =	vmovc v6;
	v6 =	vmovc v40  }
0x5e9: {  	vm3 =	veq.s32 v34, v12;
	v16 =	vmovc v42;
	v20 =	vmovc v43;
	v40 =	vld [tilespmem:s25+$0xFFFFFFE0];
	[tilespmem:s0+$0x10400] =	vst.msk vm12, v28;
	v28 =	vmpcnt.ones.xlane vm2;
	(v2sf) =	vpush v37, $0x0  }
0x5ea: {  	v34 =	vmpcnt.ones.xlane vm3;
	vm1 =	veq.s32 v33, v12;
	v42 =	vld [tilespmem:s25+$0xFFFFFFD0];
	(v2sf) =	vpush v36, $0x0  }
0x5eb: {  	v33 =	vmpcnt.ones.xlane vm1;
	vm0 =	veq.s32 v30, v12;
	v46 =	vld [tilespmem:s25+$0xFFFFFFC0];
	(v2sf) =	vpush v28, $0x0  }
0x5ec: {  	s24 =	sadd.s32 $0x10, s24;
	v35 =	vmpcnt.ones.xlane vm0;
	v28 =	vld [tilespmem:s25+$0xFFFFFF80];
	(v2sf) =	vpush v34, $0x0  }
0x5ed: {  	p0 =	slt.u32 s24, $0x7F0;
	v30 =	vshra.s32 v6, $0x14;
	v47 =	vld [tilespmem:s25+$0xFFFFFF90];
	(v2sf) =	vpush v33, $0x0  }
0x5ee: {  	v34 =	vshra.s32 v16, $0x14;
	v33 =	vshra.s32 v8, $0x14;
	v48 =	vld [tilespmem:s25+$0xFFFFFFA0];
	s26 =	spop (v2sf);
	(v2sf) =	vpush v35, $0x0  }
0x5ef: {  	v37 =	vshra.s32 v18, $0x14;
	v36 =	vshra.s32 v13, $0x14;
	v35 =	vshra.s32 v20, $0x14;
	v49 =	vld [tilespmem:s25+$0xFFFFFFB0];
	s0 =	sadd.s32 s0, s26;
	s26 =	spop (v2sf)  }
0x5f0: {  	v38 =	vshra.s32 v23, $0x14;
	v39 =	vshra.s32 v26, $0x14;
	v41 =	vshra.s32 v32, $0x14;
	[tilespmem:s0+$0x10400] =	vst.msk vm9, v27;
	s0 =	sadd.s32 s0, s26;
	s26 =	spop (v2sf)  }
.Ltmp70:
0x5f1: {  	v43 =	vshra.s32 v40, $0x14;
	v44 =	vshra.s32 v42, $0x14;
	v50 =	vshra.s32 v28, $0x14;
	[tilespmem:s0+$0x10400] =	vst.msk vm10, v29;
	s0 =	sadd.s32 s0, s26;
	s26 =	spop (v2sf);
	(pc) =	sbr.rel @p0 .LBB2_93-.Ltmp70, $4  }
0x5f2: {  	v45 =	vshra.s32 v46, $0x14;
	vm12 =	veq.s32 v50, v12;
	v50 =	vshra.s32 v47, $0x14;
	[tilespmem:s0+$0x10400] =	vst.msk vm11, v31;
	s0 =	sadd.s32 s0, s26;
	s26 =	spop (v2sf);
	v27 =	vmovc v47  }
0x5f3: {  	v47 =	vmpcnt.ones.xlane vm12;
	vm9 =	veq.s32 v50, v12;
	v50 =	vshra.s32 v48, $0x14;
	[tilespmem:s0+$0x10400] =	vst.msk vm14, v25;
	s0 =	sadd.s32 s0, s26;
	s26 =	spop (v2sf);
	v25 =	vmovc v46;
	v29 =	vmovc v48  }
0x5f4: {  	v46 =	vmpcnt.ones.xlane vm9;
	vm10 =	veq.s32 v50, v12;
	v48 =	vshra.s32 v49, $0x14;
	[tilespmem:s0+$0x10400] =	vst.msk vm15, v24;
	s0 =	sadd.s32 s0, s26;
	s26 =	spop (v2sf);
	v24 =	vmovc v42;
	v31 =	vmovc v49  }
0x5f5: {  	s25 =	sadd.s32 $0x100, s25;
	v42 =	vmpcnt.ones.xlane vm10;
	vm11 =	veq.s32 v48, v12;
	(v2sf) =	vpush v47, $0x0;
	[tilespmem:s0+$0x10400] =	vst.msk vm13, v22;
	s26 =	sadd.s32 s0, s26;
	s28 =	spop (v2sf);
	v22 =	vmovc v40  }
0x5f6: {  	vm13 =	veq.s32 v45, v12;
	v51 =	vimm.s32 $0x0;
	(v2sf) =	vpush v46, $0x0  }
0x5f7: {  	v53 =	vimm.s32 $0x0;
	v55 =	vimm.s32 $0x0;
	(v2sf) =	vpush v42, $0x0  }
0x5f8: {  	v45 =	vsel vm13, $0xFFFFFFFF, v51;
	v52 =	vmpcnt.ones.xlane vm13;
	vm13 =	veq.s32 v44, v12  }
0x5f9: {  	[tilespmem:$0x1FF40] =	vst v45;
	v44 =	vsel vm13, $0xFFFFFFFF, v53;
	v54 =	vmpcnt.ones.xlane vm13;
	vm13 =	veq.s32 v43, v12  }
0x5fa: {  	[tilespmem:$0x1FF50] =	vst v44;
	v43 =	vsel vm13, $0xFFFFFFFF, v55  }
0x5fb: {  	[tilespmem:$0x1FF60] =	vst v43  }
0x5fc: {  	v40 =	vmpcnt.ones.xlane vm11;
	s0 =	sadd.s32 s26, s28;
	s24 =	spop (v2sf);
	[tilespmem:s26+$0x10400] =	vst.msk vm8, v21  }
0x5fd: {  	[tilespmem:s0+$0x10400] =	vst.msk vm7, v19;
	s0 =	sadd.s32 s0, s24;
	s26 =	spop (v2sf)  }
0x5fe: {  	(v2sf) =	vpush v40, $0x0;
	[tilespmem:s0+$0x10400] =	vst.msk vm6, v17;
	s0 =	sadd.s32 s0, s26;
	s28 =	spop (v2sf)  }
0x5ff: {  	[tilespmem:s0+$0x10400] =	vst.msk vm5, v15;
	s0 =	sadd.s32 s0, s28;
	s29 =	spop (v2sf)  }
0x600: {  	[tilespmem:s0+$0x10400] =	vst.msk vm4, v14;
	s0 =	sadd.s32 s0, s29;
	s30 =	spop (v2sf)  }
0x601: {  	[tilespmem:s0+$0x10400] =	vst.msk vm2, v11;
	s0 =	sadd.s32 s0, s30;
	s31 =	spop (v2sf)  }
0x602: {  	[tilespmem:s0+$0x10400] =	vst.msk vm3, v10;
	s0 =	sadd.s32 s0, s31;
	s25 =	spop (v2sf)  }
0x603: {  	[tilespmem:s0+$0x10400] =	vst.msk vm1, v9;
	s0 =	sadd.s32 s0, s25;
	s26 =	spop (v2sf)  }
0x604: {  	[tilespmem:s0+$0x10400] =	vst.msk vm0, v7;
	s0 =	sadd.s32 s0, s26;
	s28 =	spop (v2sf)  }
0x605: {  	(v2sf) =	vpush v52, $0x0;
	[tilespmem:s0+$0x10400] =	vst.msk vm12, v28;
	s0 =	sadd.s32 s0, s28;
	s29 =	spop (v2sf)  }
0x606: {  	[tilespmem:s0+$0x10400] =	vst.msk vm9, v27;
	s0 =	sadd.s32 s0, s29;
	s30 =	spop (v2sf)  }
0x607: {  	[tilespmem:s0+$0x10400] =	vst.msk vm10, v29;
	s0 =	sadd.s32 s0, s30  }
0x608: {  	[tilespmem:s0+$0x10400] =	vst.msk vm11, v31  }
0x609: {  	v7 =	vld [tilespmem:$0x1FF40];
	_ =	sdelay $0x1  }
0x60a: {  	vm14 =	veq.s32 v39, v12;
	v56 =	vmpcnt.ones.xlane vm13;
	vm13 =	veq.s32 v41, v12  }
0x60b: {  	vm15 =	veq.s32 v38, v12;
	v41 =	vmpcnt.ones.xlane vm13;
	(v2sf) =	vpush v54, $0x0  }
0x60c: {  	v39 =	vmpcnt.ones.xlane vm14;
	v57 =	vmpcnt.ones.xlane vm15;
	(v2sf) =	vpush v56, $0x0;
	s31 =	spop (v2sf)  }
0x60d: {  	vm8 =	veq.s32 v37, v12;
	(v2sf) =	vpush v41, $0x0;
	s0 =	sadd.s32 s0, s31;
	vm10 =	vnez.u8 v7  }
0x60e: {  	vm7 =	veq.s32 v36, v12;
	v58 =	vmpcnt.ones.xlane vm8;
	(v2sf) =	vpush v39, $0x0;
	[tilespmem:s0+$0x10400] =	vst.msk vm10, v25  }
0x60f: {  	v59 =	vmpcnt.ones.xlane vm7;
	vm6 =	veq.s32 v35, v12;
	(v2sf) =	vpush v57, $0x0;
	v7 =	vld [tilespmem:$0x1FF50]  }
0x610: {  	v60 =	vmpcnt.ones.xlane vm6;
	vm5 =	veq.s32 v34, v12;
	(v2sf) =	vpush v58, $0x0  }
0x611: {  	v61 =	vmpcnt.ones.xlane vm5;
	vm4 =	veq.s32 v33, v12;
	(v2sf) =	vpush v59, $0x0  }
0x612: {  	v62 =	vmpcnt.ones.xlane vm4;
	(v2sf) =	vpush v60, $0x0  }
0x613: {  	(v2sf) =	vpush v61, $0x0;
	s25 =	spop (v2sf)  }
0x614: {  	(v2sf) =	vpush v62, $0x0;
	s0 =	sadd.s32 s0, s25;
	vm11 =	vnez.u8 v7  }
0x615: {  	[tilespmem:s0+$0x10400] =	vst.msk vm11, v24  }
0x616: {  	vm2 =	veq.s32 v30, v12;
	v7 =	vld [tilespmem:$0x1FF60]  }
0x617: {  	v63 =	vmpcnt.ones.xlane vm2;
	_ =	sdelay $0x1  }
0x618: {  	(v2sf) =	vpush v63, $0x0  }
0x619: {  	s26 =	spop (v2sf)  }
0x61a: {  	s28 =	spop (v2sf);
	s0 =	sadd.s32 s0, s26;
	vm12 =	vnez.u8 v7  }
0x61b: {  	s29 =	spop (v2sf);
	[tilespmem:s0+$0x10400] =	vst.msk vm12, v22;
	s0 =	sadd.s32 s0, s28  }
0x61c: {  	s30 =	spop (v2sf);
	[tilespmem:s0+$0x10400] =	vst.msk vm13, v32;
	s0 =	sadd.s32 s0, s29  }
0x61d: {  	s31 =	spop (v2sf);
	[tilespmem:s0+$0x10400] =	vst.msk vm14, v26;
	s0 =	sadd.s32 s0, s30  }
0x61e: {  	s25 =	spop (v2sf);
	[tilespmem:s0+$0x10400] =	vst.msk vm15, v23;
	s0 =	sadd.s32 s0, s31  }
0x61f: {  	s26 =	spop (v2sf);
	[tilespmem:s0+$0x10400] =	vst.msk vm8, v18;
	s0 =	sadd.s32 s0, s25  }
0x620: {  	s28 =	spop (v2sf);
	[tilespmem:s0+$0x10400] =	vst.msk vm7, v13;
	s0 =	sadd.s32 s0, s26  }
0x621: {  	s29 =	spop (v2sf);
	[tilespmem:s0+$0x10400] =	vst.msk vm6, v20;
	s0 =	sadd.s32 s0, s28  }
0x622: {  	s30 =	spop (v2sf);
	[tilespmem:s0+$0x10400] =	vst.msk vm5, v16;
	s0 =	sadd.s32 s0, s29  }
0x623: {  	[tilespmem:s0+$0x10400] =	vst.msk vm4, v8;
	s0 =	sadd.s32 s0, s30  }
0x624: {  	s24 =	simm.s32 $0x10020;
	[tilespmem:s0+$0x10400] =	vst.msk vm2, v6  }
0x625: {  	[tilespmem:s24+$0xFFFFFFE0] =	vst v1  }
0x626: {  	[tilespmem:s24+$0x10] =	vst v1  }
0x627: {  	s31 =	spop (v2sf);
	s25 =	simm.s32 $0x0;
	[tilespmem:s24+$0x0] =	vst v1  }
.LBB2_95:
0x628: {  	s25 =	sadd.s32 $0x4, s25  }
0x629: {  	[tilespmem:s24+$0xFFFFFFF0] =	vst v1;
	s24 =	sadd.s32 $0x40, s24;
	p0 =	slt.u32 s25, $0x3C  }
.Ltmp71:
0x62a: {  	[tilespmem:s24+$0xFFFFFFE0] =	vst v1;
	(pc) =	sbr.rel @p0 .LBB2_95-.Ltmp71, $3  }
0x62b: {  	_ =	sdelay $0x1  }
0x62c: {  	[tilespmem:s24+$0x10] =	vst v1  }
0x62d: {  	[tilespmem:s24+$0x0] =	vst v1  }
0x62e: {  	v6 =	vmov s23  }
0x62f: {  	vm0 =	veq.s32 v6, v0  }
0x630: {  	v5 =	vnsel vm0, $0x0, v5  }
0x631: {  	v4 =	vnsel vm0, $0x0, v4;
	(xrf0) =	vadd.scan.msk.s32 $0xffff, v5  }
0x632: {  	(xrf0) =	vadd.scan.msk.s32 $0xffff, v4;
	_ =	sdelay $0x4  }
0x633: {  	v4, _, _ =	vpop (xrf0)  }
0x634: {  	(v2sf) =	vpush v4, $0xF;
	v4, _, _ =	vpop (xrf0)  }
0x635: {  	(v2sf) =	vpush v4, $0xF;
	_ =	sdelay $0xd  }
0x636: {  	s23 =	spop (v2sf)  }
0x637: {  	[tilespmem:s24+$0xFFFFFFF0] =	vst v1;
	s24 =	spop (v2sf)  }
0x638: {  	s0 =	sadd.s32 $0xF, s24  }
0x639: {  	s25 =	sshra.s32 s0, $0x4  }
0x63a: {  	p0 =	slt.s32 s25, $0x1  }
.Ltmp72:
0x63b: {  	_ = 	snop;
	(pc) =	sbr.rel @p0 .LBB2_100-.Ltmp72, $2  }
0x63c: {  	_ =	sdelay $0x2  }
0x63d: {  	v4 =	vbroadcast v4, $0xF  }
0x63e: {  	s28 =	simm.s32 $0x10400  }
0x63f: {  	p0 =	seq.s32 s25, $0x1;
	v5 =	vld [tilespmem:s28+$0x0]  }
.Ltmp73:
0x640: {  	_ = 	snop;
	(pc) =	sbr.rel @p0 .LBB2_99-.Ltmp73, $4  }
0x641: {  	_ = 	snop  }
0x642: {  	s26 =	simm.s32 $0x0  }
0x643: {  	v6 =	vor.u32 s26, v0  }
0x644: {  	s29 =	simm.s32 $0x10410;
	s28 =	sadd.s32 $0xFFFFFFFF, s25;
	vm0 =	vlt.s32 v6, v4;
	v5 =	vshrl.u32 v5, $0xA  }
.LBB2_98:
0x645: {  	v6 =	vld [tilespmem:s29+$0x0];
	p0 =	seq.s32 s28, $0x1;
	s28 =	sadd.s32 $0xFFFFFFFF, s28;
	v7 =	vand.u32 $0x3FF, v5  }
.Ltmp74:
0x646: {  	(pc) =	sbr.rel @!p0 .LBB2_98-.Ltmp74, $4  }
0x647: {  	_ = 	snop  }
0x648: {  	s26 =	sadd.s32 $0x10, s26  }
0x649: {  	v8 =	vor.u32 s26, v0  }
0x64a: {  	s29 =	sadd.s32 $0x10, s29;
	v5 =	vshrl.u32 v6, $0xA;
	[tilespmem:v7+s16+$0x0] =	vst.idx.add.s32.msk vm0, v2;
	vm0 =	vlt.s32 v8, v4  }
.LBB2_99:
0x64b: {  	v5 =	vand.u32 $0x3FF, v5;
	_ =	sdelay $0x4  }
0x64c: {  	[tilespmem:v5+s16+$0x0] =	vst.idx.add.s32.msk vm0, v2  }
.LBB2_100:
0x64d: {  	v5 =	vld [tilespmem:$0x103F0];
	_ =	sdelay $0x4  }
0x64e: {  	(xrf0) =	vadd.scan.msk.s32 $0xffff, v5;
	_ =	sdelay $0x5  }
0x64f: {  	v5, _, _ =	vpop (xrf0)  }
0x650: {  	(v2sf) =	vpush v5, $0xF;
	_ =	sdelay $0xd  }
0x651: {  	s0 =	ssub.s32 s24, s23  }
0x652: {  	s23 =	sadd.s32 s22, s0;
	s26 =	spop (v2sf)  }
0x653: {  	p0 =	slt.s32 s26, s23  }
.Ltmp75:
0x654: {  	_ = 	snop;
	(pc) =	sbr.rel @!p0 .LBB2_102-.Ltmp75, $2  }
0x655: {  	_ =	sdelay $0x2  }
0x656: {  	s24 =	simm.s32 $0x0;
	s28 =	simm.s32 $0x103E0;
	s22 =	simm.s32 $0x3F0  }
.LBB2_101:
0x657: {  	v5 =	vld [tilespmem:s28+$0x0];
	_ =	sdelay $0x4  }
0x658: {  	(xrf0) =	vadd.scan.msk.s32 $0xffff, v5;
	_ =	sdelay $0x5  }
0x659: {  	v5, _, _ =	vpop (xrf0)  }
0x65a: {  	(v2sf) =	vpush v5, $0xF;
	_ =	sdelay $0xe  }
0x65b: {  	s0 =	spop (v2sf)  }
0x65c: {  	s24 =	smov.u32 s26;
	s26 =	sadd.s32 s26, s0  }
0x65d: {  	p0 =	slt.s32 s26, s23  }
.Ltmp76:
0x65e: {  	_ = 	snop;
	(pc) =	sbr.rel @p0 .LBB2_101-.Ltmp76, $2  }
0x65f: {  	_ =	sdelay $0x2  }
0x660: {  	s22 =	sadd.s32 $0xFFFFFFF0, s22;
	s28 =	sadd.s32 $0xFFFFFFF0, s28  }
.LBB2_102:
0x661: {  	v5 =	vld [tilespmem:s22+$0x10000];
	_ =	sdelay $0x4  }
0x662: {  	v6 =	vperm.xlane v5, v3;
	_ =	sdelay $0x1  }
0x663: {  	(xrf0) =	vadd.scan.msk.s32 $0xffff, v6;
	_ =	sdelay $0x5  }
0x664: {  	v6, _, _ =	vpop (xrf0)  }
0x665: {  	v6 =	vperm.xlane v6, v3  }
0x666: {  	s24 =	ssub.s32 s23, s24  }
0x667: {  	vm0 =	vge.s32 v6, s24  }
0x668: {  	v7 =	vmpcnt.ones.xlane vm0;
	_ =	sdelay $0x1  }
0x669: {  	(v2sf) =	vpush v7, $0x0;
	_ =	sdelay $0xe  }
0x66a: {  	s0 =	spop (v2sf)  }
0x66b: {  	s0 =	sadd.s32 $0xFFFFFFFF, s0  }
0x66c: {  	v7 =	vmov s0  }
0x66d: {  	vm15 =	veq.s32 v7, v0  }
0x66e: {  	v6 =	vnsel vm15, $0x0, v6  }
0x66f: {  	v5 =	vnsel vm15, $0x0, v5;
	(xrf0) =	vadd.scan.msk.s32 $0xffff, v6  }
0x670: {  	(xrf0) =	vadd.scan.msk.s32 $0xffff, v5;
	_ =	sdelay $0x4  }
0x671: {  	v5, _, _ =	vpop (xrf0)  }
0x672: {  	(v2sf) =	vpush v5, $0xF;
	v5, _, _ =	vpop (xrf0)  }
0x673: {  	(v2sf) =	vpush v5, $0xF;
	_ =	sdelay $0x9  }
0x674: {  	p0 =	sgt.s32 s25, $0x0  }
.Ltmp77:
0x675: {  	_ = 	snop;
	(pc) =	sbr.rel @!p0 .LBB2_103-.Ltmp77, $3  }
0x676: {  	_ =	sdelay $0x1  }
0x677: {  	s26 =	spop (v2sf)  }
0x678: {  	s22 =	sadd.s32 s22, s0;
	s23 =	spop (v2sf)  }
0x679: {  	p1 =	seq.s32 s25, $0x1  }
.Ltmp78:
0x67a: {  	_ = 	snop;
	(pc) =	sbr.rel @p1 .LBB2_134-.Ltmp78, $3  }
0x67b: {  	_ =	sdelay $0x1  }
0x67c: {  	s0 =	simm.s32 $0x10400  }
0x67d: {  	v6 =	vmov s22;
	s28 =	simm.s32 $0x0;
	s25 =	sadd.s32 $0xFFFFFFFF, s25;
	p0 =	por $0x0, $0x0;
	v7 =	vld [tilespmem:s0+$0x0]  }
0x67e: {  	_ =	sdelay $0x3  }
0x67f: {  	v8 =	vshrl.u32 v7, $0xA  }
0x680: {  	v9 =	vor.u32 s28, v0;
	v8 =	vand.u32 $0x3FF, v8  }
0x681: {  	vm0 =	vlt.s32 v9, v4;
	vm1 =	veq.s32 v8, v6  }
0x682: {  	vm0 =	vmand vm0, vm1  }
0x683: {  	v8 =	vmpcnt.ones.xlane vm0;
	_ =	sdelay $0x1  }
0x684: {  	p1 =	seq.s32 s25, $0x1;
	(v2sf) =	vpush v8, $0x0  }
.Ltmp79:
0x685: {  	_ = 	snop;
	(pc) =	sbr.rel @p1 .LBB2_136-.Ltmp79, $3  }
0x686: {  	_ =	sdelay $0x1  }
0x687: {  	s30 =	simm.s32 $0x10410;
	s31 =	sadd.s32 $0xFFFFFFFF, s25;
	[tilespmem:s28+$0x10400] =	vst.msk vm0, v7  }
0x688: {  	p0 =	por $0x1, $0x1;
	s29 =	simm.s32 $0x0;
	s25 =	simm.s32 $0x0;
	v7 =	vld [tilespmem:s30+$0x0]  }
.LBB2_137:
0x689: {  	p1 =	seq.s32 s31, $0x1;
	_ =	sdelay $0x3  }
0x68a: {  	s29 =	sadd.s32 $0x10, s29;
	v8 =	vshrl.u32 v7, $0xA  }
0x68b: {  	v9 =	vor.u32 s29, v0;
	v8 =	vand.u32 $0x3FF, v8  }
0x68c: {  	vm0 =	vlt.s32 v9, v4;
	vm1 =	veq.s32 v8, v6  }
0x68d: {  	vm0 =	vmand vm0, vm1  }
0x68e: {  	v8 =	vmpcnt.ones.xlane vm0  }
0x68f: {  	s0 =	spop (v2sf)  }
0x690: {  	(v2sf) =	vpush v8, $0x0;
	s25 =	sadd.s32 s25, s0  }
.Ltmp80:
0x691: {  	[tilespmem:s25+$0x10400] =	vst.msk vm0, v7;
	(pc) =	sbr.rel @!p1 .LBB2_137-.Ltmp80, $3  }
0x692: {  	_ =	sdelay $0x1  }
0x693: {  	s30 =	sadd.s32 $0x10, s30  }
0x694: {  	s31 =	sadd.s32 $0xFFFFFFFF, s31;
	v7 =	vld [tilespmem:s30+$0x0]  }
.LBB2_138:
0x695: {  	_ =	sdelay $0x2  }
0x696: {  	s0 =	sadd.s32 @p0 $0x10, s29;
	s29 =	simm.s32 $0x0  }
0x697: {  	s29 =	smov.u32 @p0 s0;
	v8 =	vshrl.u32 v7, $0xA  }
0x698: {  	v9 =	vor.u32 s29, v0;
	v8 =	vand.u32 $0x3FF, v8  }
0x699: {  	vm0 =	vlt.s32 v9, v4;
	vm1 =	veq.s32 v8, v6  }
0x69a: {  	vm0 =	vmand vm0, vm1  }
0x69b: {  	v4 =	vmpcnt.ones.xlane vm0;
	_ =	sdelay $0x1  }
0x69c: {  	(v2sf) =	vpush v4, $0x0;
	_ =	sdelay $0xb  }
0x69d: {  	s0 =	spop @p0 (v2sf)  }
0x69e: {  	s0 =	sadd.s32 @p0 s25, s0  }
0x69f: {  	s28 =	smov.u32 @p0 s0  }
0x6a0: {  	[tilespmem:s28+$0x10400] =	vst.msk vm0, v7;
	s31 =	spop (v2sf)  }
.LBB2_103:
0x6a1: {  	s25 =	simm.s32 $0x10020  }
0x6a2: {  	[tilespmem:s25+$0xFFFFFFE0] =	vst v1  }
0x6a3: {  	s0 =	ssub.s32 s23, s26;
	[tilespmem:s25+$0x10] =	vst v1  }
0x6a4: {  	s26 =	simm.s32 $0x0;
	s24 =	sadd.s32 s24, s0;
	[tilespmem:s25+$0x0] =	vst v1  }
.LBB2_104:
0x6a5: {  	s26 =	sadd.s32 $0x4, s26  }
0x6a6: {  	[tilespmem:s25+$0xFFFFFFF0] =	vst v1;
	s25 =	sadd.s32 $0x40, s25;
	p0 =	slt.u32 s26, $0x3C  }
.Ltmp81:
0x6a7: {  	[tilespmem:s25+$0xFFFFFFE0] =	vst v1;
	(pc) =	sbr.rel @p0 .LBB2_104-.Ltmp81, $3  }
0x6a8: {  	_ =	sdelay $0x1  }
0x6a9: {  	[tilespmem:s25+$0x10] =	vst v1  }
0x6aa: {  	[tilespmem:s25+$0x0] =	vst v1  }
0x6ab: {  	s0 =	sadd.s32 $0xF, s23  }
0x6ac: {  	[tilespmem:s25+$0xFFFFFFF0] =	vst v1;
	s25 =	sshra.s32 s0, $0x4  }
0x6ad: {  	p0 =	slt.s32 s25, $0x1  }
.Ltmp82:
0x6ae: {  	_ = 	snop;
	(pc) =	sbr.rel @p0 .LBB2_109-.Ltmp82, $1  }
0x6af: {  	_ =	sdelay $0x3  }
0x6b0: {  	s26 =	simm.s32 $0x10400  }
0x6b1: {  	v4 =	vbroadcast v5, $0xF;
	p0 =	seq.s32 s25, $0x1;
	v5 =	vld [tilespmem:s26+$0x0]  }
.Ltmp83:
0x6b2: {  	_ = 	snop;
	(pc) =	sbr.rel @p0 .LBB2_108-.Ltmp83, $4  }
0x6b3: {  	s23 =	simm.s32 $0x0  }
0x6b4: {  	v6 =	vor.u32 s23, v0  }
0x6b5: {  	vm0 =	vlt.s32 v6, v4  }
0x6b6: {  	s25 =	sadd.s32 $0xFFFFFFFF, s25;
	s26 =	simm.s32 $0x10410;
	v5 =	vand.u32 $0x3FF, v5  }
.LBB2_107:
0x6b7: {  	v6 =	vld [tilespmem:s26+$0x0];
	p0 =	seq.s32 s25, $0x1;
	s25 =	sadd.s32 $0xFFFFFFFF, s25  }
.Ltmp84:
0x6b8: {  	(pc) =	sbr.rel @!p0 .LBB2_107-.Ltmp84, $4  }
0x6b9: {  	s23 =	sadd.s32 $0x10, s23  }
0x6ba: {  	v7 =	vor.u32 s23, v0  }
0x6bb: {  	[tilespmem:v5+s16+$0x0] =	vst.idx.add.s32.msk vm0, v2;
	vm0 =	vlt.s32 v7, v4  }
0x6bc: {  	s26 =	sadd.s32 $0x10, s26;
	v5 =	vand.u32 $0x3FF, v6  }
.LBB2_108:
0x6bd: {  	_ =	sdelay $0x4  }
0x6be: {  	[tilespmem:v5+s16+$0x0] =	vst.idx.add.s32.msk vm0, v2  }
.LBB2_109:
0x6bf: {  	v4 =	vld [tilespmem:$0x103F0];
	_ =	sdelay $0x4  }
0x6c0: {  	(xrf0) =	vadd.scan.msk.s32 $0xffff, v4;
	_ =	sdelay $0x5  }
0x6c1: {  	v4, _, _ =	vpop (xrf0)  }
0x6c2: {  	(v2sf) =	vpush v4, $0xF;
	_ =	sdelay $0xe  }
0x6c3: {  	s26 =	spop (v2sf)  }
0x6c4: {  	p0 =	slt.s32 s26, s24  }
.Ltmp85:
0x6c5: {  	_ = 	snop;
	(pc) =	sbr.rel @!p0 .LBB2_111-.Ltmp85, $2  }
0x6c6: {  	_ =	sdelay $0x2  }
0x6c7: {  	s25 =	simm.s32 $0x0;
	s23 =	simm.s32 $0x3F0;
	s28 =	simm.s32 $0x103E0  }
.LBB2_110:
0x6c8: {  	v4 =	vld [tilespmem:s28+$0x0];
	_ =	sdelay $0x4  }
0x6c9: {  	(xrf0) =	vadd.scan.msk.s32 $0xffff, v4;
	_ =	sdelay $0x5  }
0x6ca: {  	v4, _, _ =	vpop (xrf0)  }
0x6cb: {  	(v2sf) =	vpush v4, $0xF;
	_ =	sdelay $0xe  }
0x6cc: {  	s0 =	spop (v2sf)  }
0x6cd: {  	s25 =	smov.u32 s26;
	s26 =	sadd.s32 s26, s0  }
0x6ce: {  	p0 =	slt.s32 s26, s24  }
.Ltmp86:
0x6cf: {  	_ = 	snop;
	(pc) =	sbr.rel @p0 .LBB2_110-.Ltmp86, $2  }
0x6d0: {  	_ =	sdelay $0x2  }
0x6d1: {  	s23 =	sadd.s32 $0xFFFFFFF0, s23;
	s28 =	sadd.s32 $0xFFFFFFF0, s28  }
.LBB2_111:
0x6d2: {  	v4 =	vld [tilespmem:s23+$0x10000];
	_ =	sdelay $0x4  }
0x6d3: {  	v4 =	vperm.xlane v4, v3;
	_ =	sdelay $0x1  }
0x6d4: {  	(xrf0) =	vadd.scan.msk.s32 $0xffff, v4;
	_ =	sdelay $0x5  }
0x6d5: {  	v4, _, _ =	vpop (xrf0)  }
0x6d6: {  	v4 =	vperm.xlane v4, v3  }
0x6d7: {  	s0 =	ssub.s32 s24, s25  }
0x6d8: {  	vm0 =	vge.s32 v4, s0  }
0x6d9: {  	v4 =	vmpcnt.ones.xlane vm0;
	_ =	sdelay $0x1  }
0x6da: {  	(v2sf) =	vpush v4, $0x0;
	_ =	sdelay $0xe  }
0x6db: {  	s31 =	sshll.u32 s21, $0x14;
	s30 =	spop (v2sf)  }
0x6dc: {  	s22 =	sshll.u32 s22, $0xA;
	s21 =	simm.s32 $0x8080;
	s0 =	sadd.s32 s30, s23  }
0x6dd: {  	s22 =	sor.u32 s31, s22;
	v5 =	vld [tilespmem:s21+$0x70];
	s0 =	sadd.s32 $0xFFFFFFFF, s0  }
0x6de: {  	v6 =	vld [tilespmem:s21+$0xFFFFFF90];
	s0 =	sor.u32 s0, s22  }
0x6df: {  	v7 =	vld [tilespmem:s21+$0xFFFFFFA0];
	v4 =	vmov s0  }
0x6e0: {  	v8 =	vld [tilespmem:s21+$0xFFFFFFB0];
	v4 =	vbroadcast v4, $0x0  }
0x6e1: {  	v9 =	vld [tilespmem:s21+$0xFFFFFFC0]  }
0x6e2: {  	v10 =	vld [tilespmem:s21+$0xFFFFFFD0];
	vm0 =	vge.f32 v5, v4  }
0x6e3: {  	v11 =	vld [tilespmem:s21+$0xFFFFFFE0];
	vm1 =	vge.f32 v6, v4;
	v5 =	vnsel vm0, $0x0, v5  }
0x6e4: {  	v12 =	vld [tilespmem:s21+$0xFFFFFFF0];
	v6 =	vnsel vm1, $0x0, v6;
	vm0 =	vge.f32 v7, v4;
	[tilespmem:s21+$0x70] =	vst v5  }
0x6e5: {  	[tilespmem:s21+$0xFFFFFF90] =	vst v6;
	v5 =	vnsel vm0, $0x0, v7;
	vm0 =	vge.f32 v8, v4;
	v7 =	vld [tilespmem:s21+$0x0]  }
0x6e6: {  	v13 =	vld [tilespmem:s21+$0x10];
	[tilespmem:s21+$0xFFFFFFA0] =	vst v5;
	v5 =	vnsel vm0, $0x0, v8;
	vm0 =	vge.f32 v9, v4  }
0x6e7: {  	[tilespmem:s21+$0xFFFFFFB0] =	vst v5;
	v6 =	vnsel vm0, $0x0, v9;
	vm0 =	vge.f32 v10, v4;
	v5 =	vld [tilespmem:s21+$0x20]  }
0x6e8: {  	[tilespmem:s21+$0xFFFFFFC0] =	vst v6;
	v8 =	vnsel vm0, $0x0, v10;
	vm0 =	vge.f32 v11, v4;
	v6 =	vld [tilespmem:s21+$0x30]  }
0x6e9: {  	[tilespmem:s21+$0xFFFFFFD0] =	vst v8;
	v9 =	vnsel vm0, $0x0, v11;
	vm0 =	vge.f32 v12, v4;
	v8 =	vld [tilespmem:s21+$0x40]  }
0x6ea: {  	v10 =	vld [tilespmem:s21+$0x50];
	[tilespmem:s21+$0xFFFFFFE0] =	vst v9;
	v9 =	vnsel vm0, $0x0, v12;
	vm0 =	vge.f32 v7, v4  }
0x6eb: {  	[tilespmem:s21+$0xFFFFFFF0] =	vst v9;
	v11 =	vnsel vm0, $0x0, v7;
	vm0 =	vge.f32 v13, v4;
	v9 =	vld [tilespmem:s21+$0x60]  }
0x6ec: {  	s23 =	simm.s32 $0x8180;
	s22 =	simm.s32 $0x0;
	v7 =	vld [tilespmem:s21+$0xFFFFFF80];
	[tilespmem:s21+$0x0] =	vst v11;
	v11 =	vnsel vm0, $0x0, v13;
	vm0 =	vge.f32 v5, v4  }
.LBB2_112:
0x6ed: {  	v12 =	vld [tilespmem:s23+$0x70];
	s22 =	sadd.s32 $0x10, s22;
	[tilespmem:s21+$0x10] =	vst v11;
	v5 =	vnsel vm0, $0x0, v5;
	vm0 =	vge.f32 v6, v4  }
0x6ee: {  	v11 =	vld [tilespmem:s23+$0xFFFFFF90];
	p0 =	slt.u32 s22, $0x7F0;
	[tilespmem:s21+$0x20] =	vst v5;
	v5 =	vnsel vm0, $0x0, v6;
	vm0 =	vge.f32 v8, v4  }
0x6ef: {  	v6 =	vld [tilespmem:s23+$0xFFFFFFA0];
	[tilespmem:s21+$0x30] =	vst v5;
	v5 =	vnsel vm0, $0x0, v8;
	vm0 =	vge.f32 v10, v4  }
0x6f0: {  	v8 =	vld [tilespmem:s23+$0xFFFFFFB0];
	[tilespmem:s21+$0x40] =	vst v5;
	v5 =	vnsel vm0, $0x0, v10;
	vm0 =	vge.f32 v9, v4  }
0x6f1: {  	v10 =	vld [tilespmem:s23+$0xFFFFFFC0];
	vm1 =	vge.f32 v7, v4;
	[tilespmem:s21+$0x50] =	vst v5;
	v5 =	vnsel vm0, $0x0, v9  }
0x6f2: {  	v9 =	vld [tilespmem:s23+$0xFFFFFFD0];
	vm0 =	vge.f32 v12, v4;
	v7 =	vnsel vm1, $0x0, v7;
	[tilespmem:s21+$0x60] =	vst v5  }
0x6f3: {  	vm1 =	vge.f32 v11, v4;
	v13 =	vld [tilespmem:s23+$0xFFFFFFE0];
	v5 =	vnsel vm0, $0x0, v12;
	[tilespmem:s21+$0xFFFFFF80] =	vst v7;
	s21 =	smov.u32 s23  }
0x6f4: {  	v7 =	vnsel vm1, $0x0, v11;
	vm0 =	vge.f32 v6, v4;
	v11 =	vld [tilespmem:s23+$0xFFFFFFF0];
	[tilespmem:s23+$0x70] =	vst v5  }
0x6f5: {  	[tilespmem:s23+$0xFFFFFF90] =	vst v7;
	v5 =	vnsel vm0, $0x0, v6;
	vm0 =	vge.f32 v8, v4;
	v7 =	vld [tilespmem:s23+$0x0]  }
0x6f6: {  	[tilespmem:s23+$0xFFFFFFA0] =	vst v5;
	v5 =	vnsel vm0, $0x0, v8;
	vm0 =	vge.f32 v10, v4;
	v12 =	vld [tilespmem:s23+$0x10]  }
0x6f7: {  	[tilespmem:s23+$0xFFFFFFB0] =	vst v5;
	v6 =	vnsel vm0, $0x0, v10;
	vm0 =	vge.f32 v9, v4;
	v5 =	vld [tilespmem:s23+$0x20]  }
.Ltmp87:
0x6f8: {  	[tilespmem:s23+$0xFFFFFFC0] =	vst v6;
	v8 =	vnsel vm0, $0x0, v9;
	vm0 =	vge.f32 v13, v4;
	v6 =	vld [tilespmem:s23+$0x30];
	(pc) =	sbr.rel @p0 .LBB2_112-.Ltmp87, $4  }
0x6f9: {  	[tilespmem:s23+$0xFFFFFFD0] =	vst v8;
	v9 =	vnsel vm0, $0x0, v13;
	vm0 =	vge.f32 v11, v4;
	v8 =	vld [tilespmem:s23+$0x40]  }
0x6fa: {  	[tilespmem:s23+$0xFFFFFFE0] =	vst v9;
	v9 =	vnsel vm0, $0x0, v11;
	vm0 =	vge.f32 v7, v4;
	v10 =	vld [tilespmem:s23+$0x50]  }
0x6fb: {  	[tilespmem:s23+$0xFFFFFFF0] =	vst v9;
	v11 =	vnsel vm0, $0x0, v7;
	vm0 =	vge.f32 v12, v4;
	v9 =	vld [tilespmem:s23+$0x60]  }
0x6fc: {  	s23 =	sadd.s32 $0x100, s23;
	v7 =	vld [tilespmem:s21+$0xFFFFFF80];
	[tilespmem:s21+$0x0] =	vst v11;
	v11 =	vnsel vm0, $0x0, v12;
	vm0 =	vge.f32 v5, v4  }
0x6fd: {  	[tilespmem:s21+$0x10] =	vst v11;
	v5 =	vnsel vm0, $0x0, v5;
	vm12 =	vge.f32 v6, v4  }
0x6fe: {  	[tilespmem:s21+$0x20] =	vst v5;
	v5 =	vnsel vm12, $0x0, v6;
	vm13 =	vge.f32 v8, v4  }
0x6ff: {  	[tilespmem:s21+$0x30] =	vst v5;
	v5 =	vnsel vm13, $0x0, v8;
	vm14 =	vge.f32 v10, v4  }
0x700: {  	[tilespmem:s21+$0x40] =	vst v5;
	v5 =	vnsel vm14, $0x0, v10;
	vm15 =	vge.f32 v9, v4  }
0x701: {  	vm1 =	vge.f32 v7, v4;
	[tilespmem:s21+$0x50] =	vst v5;
	v4 =	vnsel vm15, $0x0, v9  }
0x702: {  	v5 =	vnsel vm1, $0x0, v7;
	[tilespmem:s21+$0x60] =	vst v4  }
0x703: {  	s20 =	sadd.s32 $0x1, s20;
	[tilespmem:s21+$0xFFFFFF80] =	vst v5  }
0x704: {  	[hbm4b:s10+s12] =	stream.strided.scatter [tilespmem:s15], [sflag:$0x4], $0x8000, s13, s12, $0x38;
	[tilespmem:$0x18480] =	vst v63  }
0x705: {  	p0 =	sne.s32 s20, s11;
	_ =	swait.ge [sflag:s18], $0x8000  }
.Ltmp88:
0x706: {  	[sflag:s18] =	ssyncset.done $0x0;
	(pc) =	sbr.rel @p0 .LBB2_1-.Ltmp88, $4  }
.Ltmp89:
0x707: {  	[sflag:s18] =	ssyncadd.s32 $0xFFFF8000;
	(pc) =	sbr.rel @!p0 .LBB2_114-.Ltmp89, $4  }
0x708: {  	_ =	swait.ge [sflag:s19], $0x8000  }
0x709: {  	[sflag:s19] =	ssyncset.done $0x0  }
0x70a: {  	[sflag:s19] =	ssyncadd.s32 $0xFFFF8000  }
0x70b: {  	_ = 	snop  }
.LBB2_116:
.Ltmp90:
0x70c: {  	(pc) =	sbr.rel .LBB2_120-.Ltmp90, $2  }
0x70d: {  	_ =	sdelay $0x2  }
0x70e: {  	s29 =	simm.s32 $0x0;
	s25 =	simm.s32 $0x0  }
.LBB2_122:
.Ltmp91:
0x70f: {  	(pc) =	sbr.rel .LBB2_126-.Ltmp91, $2  }
0x710: {  	_ =	sdelay $0x2  }
0x711: {  	s29 =	simm.s32 $0x0;
	s25 =	simm.s32 $0x0  }
.LBB2_128:
.Ltmp92:
0x712: {  	(pc) =	sbr.rel .LBB2_132-.Ltmp92, $2  }
0x713: {  	_ =	sdelay $0x2  }
0x714: {  	s29 =	simm.s32 $0x0;
	s25 =	simm.s32 $0x0  }
.LBB2_134:
.Ltmp93:
0x715: {  	(pc) =	sbr.rel .LBB2_138-.Ltmp93, $2  }
0x716: {  	_ =	sdelay $0x2  }
0x717: {  	s29 =	simm.s32 $0x0;
	s25 =	simm.s32 $0x0  }
.LBB2_118:
.Ltmp94:
0x718: {  	(pc) =	sbr.rel .LBB2_120-.Ltmp94, $2  }
0x719: {  	_ =	sdelay $0x2  }
0x71a: {  	s29 =	simm.s32 $0x0;
	s25 =	simm.s32 $0x0  }
.LBB2_124:
.Ltmp95:
0x71b: {  	(pc) =	sbr.rel .LBB2_126-.Ltmp95, $2  }
0x71c: {  	_ =	sdelay $0x2  }
0x71d: {  	s29 =	simm.s32 $0x0;
	s25 =	simm.s32 $0x0  }
.LBB2_130:
.Ltmp96:
0x71e: {  	(pc) =	sbr.rel .LBB2_132-.Ltmp96, $2  }
0x71f: {  	_ =	sdelay $0x2  }
0x720: {  	s29 =	simm.s32 $0x0;
	s25 =	simm.s32 $0x0  }
.LBB2_136:
.Ltmp97:
0x721: {  	(pc) =	sbr.rel .LBB2_138-.Ltmp97, $2  }
0x722: {  	_ =	sdelay $0x2  }
0x723: {  	s29 =	simm.s32 $0x0;
	s25 =	simm.s32 $0x0  }
.LBB2_114:
0x724: {  	_ =	sfence.sel $0x180000  }
0x725: {  	[bflag:$0x0] =	sbarrier.arrive $0xFFFF  }
0x726: {  	_ =	strace $0x90000047  }
0x727: {  	[bflag:$0x2] =	sbarrier.arrive $0xFFFF  }
0x728: {  	p0 =	sne.s32 s1, $0x0;
	s0 =	rddreg [dreg:$0x2]  }
0x729: {  	s0 =	sadd.s32 @!p0 $0x100000, s0  }
0x72a: {  	[sflag:s0] =	ssyncadd.tile.s32 @!p0 $0x1;
	_ =	shalt  }
.Lfunc_end2:
_tile_overlayer_lowered:
.L_overlay_start_2:
0x72b: {  	(tag) =	ssettag $0x2  }
0x72c: {  	s0 =	rddreg [dreg:$0x0];
	s2 =	stileid.u32  }
0x72d: {  	s1 =	rddreg [dreg:$0x1];
	p0 =	sne.s32 s2, $0x0  }
0x72e: {  	s3 =	rddreg [dreg:$0x2];
	[bflag:$0x3] =	sbarrier.arrive $0xFFFF;
	s2 =	simm.s32 @!p0 $0x1C05  }
0x72f: {  	[timem:s3], [sflag:s2] =	dma.local @!p0 [hbm:s0], s1  }
0x730: {  	s0 =	simm.s32 @!p0 $0x5  }
0x731: {  	_ =	swait.ge @!p0 [sflag:s0], s1  }
0x732: {  	s1 =	ssub.s32 @!p0 $0x0, s1;
	[sflag:s0] =	ssyncset.done @!p0 $0x0  }
0x733: {  	[sflag:s0] =	ssyncadd.s32 @!p0 s1  }
0x734: {  	[bflag:$0x3] =	sbarrier.arrive $0xFFFF  }
0x735: {  	_ =	shalt  }

</sc_bundles>
